<compile_context>
chip_gen: v7x
topology: tpu7x:2x2x1
jax: 0.10.2.dev20260603
libtpu: 0.0.44.dev20260713+nightly
codegen_flags: <defaults>
</compile_context>

<pallas_src>
import functools

import jax
import jax.numpy as jnp
from jax import lax
from jax.experimental import pallas as pl
from jax.experimental.pallas import tpu as pltpu
from jax.experimental.pallas import tpu_sc as plsc

P = 3200000
NETS = 500000
N = 100000
NM = 90000
NW = 32
PPW = P // NW
CH = 10000
NCH = PPW // CH
NPWK = N // NW
NGR = 196
OUTW = 3136
SPAD = 100096
SBUF = 3144

_mesh = plsc.VectorSubcoreMesh(core_axis_name="c", subcore_axis_name="s")


@functools.partial(
    pl.kernel,
    mesh=_mesh,
    compiler_params=pltpu.CompilerParams(needs_layout_passes=False),
    out_type=[
        jax.ShapeDtypeStruct((P,), jnp.float32),
        jax.ShapeDtypeStruct((NW, 16), jnp.float32),
    ],
    scratch_types=[
        pltpu.VMEM((CH,), jnp.int32),
        pltpu.VMEM((CH,), jnp.int32),
        pltpu.VMEM((CH,), jnp.int32),
        pltpu.VMEM((CH,), jnp.int32),
        pltpu.VMEM((CH,), jnp.float32),
        pltpu.VMEM((CH,), jnp.float32),
        pltpu.VMEM((CH,), jnp.float32),
        pltpu.VMEM((CH,), jnp.float32),
        pltpu.VMEM((16,), jnp.float32),
        pltpu.VMEM_SHARED((512000,), jnp.float32),
        pltpu.SemaphoreType.DMA,
        pltpu.SemaphoreType.DMA,
        pltpu.SemaphoreType.DMA,
        pltpu.SemaphoreType.DMA,
        pltpu.SemaphoreType.DMA,
        pltpu.SemaphoreType.DMA,
        pltpu.SemaphoreType.DMA,
        pltpu.SemaphoreType.DMA,
    ],
)
def _phase_b(q_hbm, p2n_hbm, w_hbm, n2p_hbm, lsg_hbm, wt_hbm,
             q0_v, q1_v, n0_v, n1_v, c0_v, c1_v, ls0_v, ls1_v, wt_v, vs_sh,
             sq0, sq1, s1a, s1b, s2a, s2b, sw0, sw1):
    wid = lax.axis_index("s") * 2 + lax.axis_index("c")
    e0 = wid * PPW
    sid = lax.axis_index("s")

    def prefix(c_v, ls_v, carry):
        U = 5

        def row(r, cr):
            xs = [c_v[pl.ds((r * U + u) * 16, 16)] for u in range(U)]
            incls = [plsc.cumsum(x) for x in xs]
            for u in range(U):
                ls_v[pl.ds((r * U + u) * 16, 16)] = incls[u] - xs[u] + cr
                cr = cr + incls[u][15]
            return cr

        return lax.fori_loop(0, CH // 16 // U, row, carry)

    npair = NCH // 2
    pltpu.async_copy(q_hbm.at[pl.ds(e0, CH)], q0_v, sq0)
    pltpu.async_copy(q_hbm.at[pl.ds(e0 + CH, CH)], q1_v, sq1)
    pltpu.make_async_copy(q_hbm.at[pl.ds(0, CH)], q0_v, sq0).wait()
    pltpu.async_copy(p2n_hbm.at[q0_v], n0_v, s1a)

    for j in range(4):
        nb = sid * 32000 + j * 8000
        pltpu.sync_copy(n2p_hbm.at[pl.ds(nb, 8016)], n1_v.at[pl.ds(0, 8016)])
        pltpu.sync_copy(w_hbm.at[pl.ds(nb, 8000)], c1_v.at[pl.ds(0, 8000)])

        def vrow(r, _):
            for u in range(4):
                o = (r * 4 + u) * 16
                x_lo = n1_v[pl.ds(o, 16)]
                x_hi = n1_v[pl.ds(o + 1, 16)]
                d = x_hi - x_lo
                den = jnp.maximum(d - 1, 1).astype(jnp.float32)
                wv = c1_v[pl.ds(o, 16)]
                ls1_v[pl.ds(o, 16)] = jnp.where(
                    d > 1, jnp.maximum(wv, 1.0) / den, 0.0)
            return 0

        lax.fori_loop(0, 125, vrow, 0)
        pltpu.sync_copy(ls1_v.at[pl.ds(0, 8000)], vs_sh.at[pl.ds(nb, 8000)])
    plsc.subcore_barrier()

    def pair(ip, carry):
        base0 = e0 + (2 * ip) * CH
        base1 = base0 + CH
        pltpu.make_async_copy(p2n_hbm.at[q0_v], n0_v, s1a).wait()
        pltpu.async_copy(vs_sh.at[n0_v], c0_v, s2a)
        pltpu.make_async_copy(q_hbm.at[pl.ds(0, CH)], q1_v, sq1).wait()
        pltpu.async_copy(p2n_hbm.at[q1_v], n1_v, s1b)

        @pl.when(ip < npair - 1)
        def _():
            pltpu.async_copy(q_hbm.at[pl.ds(base0 + 2 * CH, CH)], q0_v, sq0)

        pltpu.make_async_copy(vs_sh.at[n0_v], c0_v, s2a).wait()

        @pl.when(ip >= 1)
        def _():
            pltpu.make_async_copy(ls0_v, lsg_hbm.at[pl.ds(0, CH)], sw0).wait()

        carry = prefix(c0_v, ls0_v, carry)
        pltpu.async_copy(ls0_v, lsg_hbm.at[pl.ds(base0, CH)], sw0)

        pltpu.make_async_copy(p2n_hbm.at[q1_v], n1_v, s1b).wait()
        pltpu.async_copy(vs_sh.at[n1_v], c1_v, s2b)

        @pl.when(ip < npair - 1)
        def _():
            pltpu.async_copy(q_hbm.at[pl.ds(base1 + 2 * CH, CH)], q1_v, sq1)

        @pl.when(ip < npair - 1)
        def _():
            pltpu.make_async_copy(q_hbm.at[pl.ds(0, CH)], q0_v, sq0).wait()
            pltpu.async_copy(p2n_hbm.at[q0_v], n0_v, s1a)

        pltpu.make_async_copy(vs_sh.at[n1_v], c1_v, s2b).wait()

        @pl.when(ip >= 1)
        def _():
            pltpu.make_async_copy(ls1_v, lsg_hbm.at[pl.ds(0, CH)], sw1).wait()

        carry = prefix(c1_v, ls1_v, carry)
        pltpu.async_copy(ls1_v, lsg_hbm.at[pl.ds(base1, CH)], sw1)
        return carry

    tot = lax.fori_loop(0, npair, pair, jnp.float32(0.0))
    pltpu.make_async_copy(ls0_v, lsg_hbm.at[pl.ds(0, CH)], sw0).wait()
    pltpu.make_async_copy(ls1_v, lsg_hbm.at[pl.ds(0, CH)], sw1).wait()
    wt_v[...] = jnp.zeros((16,), jnp.float32) + tot
    pltpu.sync_copy(wt_v, wt_hbm.at[wid])


@functools.partial(
    pl.kernel,
    mesh=_mesh,
    compiler_params=pltpu.CompilerParams(needs_layout_passes=False),
    out_type=jax.ShapeDtypeStruct((NW, OUTW), jnp.float32),
    scratch_types=[
        pltpu.VMEM((SBUF,), jnp.int32),
        pltpu.VMEM((SBUF,), jnp.float32),
        pltpu.VMEM((NW, 16), jnp.float32),
        pltpu.VMEM((32,), jnp.float32),
        pltpu.VMEM((OUTW,), jnp.float32),
        pltpu.SemaphoreType.DMA,
    ],
)
def _phase_c(s_hbm, lsg_hbm, wt_hbm, out_hbm,
             s_v, g_v, wt_v, pt_v, o_v, sem):
    wid = lax.axis_index("s") * 2 + lax.axis_index("c")
    node0 = wid * NPWK
    base_al = (node0 // 8) * 8
    off = node0 - base_al

    pltpu.sync_copy(s_hbm.at[pl.ds(base_al, SBUF)], s_v)
    pltpu.async_copy(lsg_hbm.at[s_v], g_v, sem).wait()
    pltpu.sync_copy(wt_hbm, wt_v)

    iota = lax.iota(jnp.int32, 16)
    zero = jnp.zeros((16,), jnp.int32)
    t0 = plsc.load_gather(wt_v, [iota, zero])
    t1 = plsc.load_gather(wt_v, [iota + 16, zero])
    pt_v[pl.ds(0, 16)] = plsc.cumsum(t0) - t0
    pt_v[pl.ds(16, 16)] = plsc.cumsum(t1) - t1 + jnp.sum(t0)

    def grp(g4, _):
        for u in range(4):
            g = g4 * 4 + u
            k = off + g * 16 + iota
            b = plsc.load_gather(s_v, [k])
            gb = plsc.load_gather(g_v, [k])
            e = plsc.load_gather(s_v, [k + 1])
            ge = plsc.load_gather(g_v, [k + 1])
            pb = plsc.load_gather(pt_v, [b // PPW])
            pe = plsc.load_gather(pt_v, [e // PPW])
            lcl = g * 16 + iota
            mask = (lcl < NPWK) & (node0 + lcl < NM)
            o_v[pl.ds(g * 16, 16)] = jnp.where(mask, (ge - gb) + (pe - pb), 0.0)
        return 0

    lax.fori_loop(0, NGR // 4, grp, 0)
    pltpu.sync_copy(o_v, out_hbm.at[wid])


def kernel(net_weights, flat_node2pin_start, flat_node2pin, pin2net_map, flat_net2pin):
    w_pad = jnp.pad(net_weights, (0, 512000 - NETS))
    n2p_pad = jnp.pad(flat_net2pin, (0, 512024 - (NETS + 1)))
    lsg, wt = _phase_b(flat_node2pin, pin2net_map, w_pad, n2p_pad)

    s_pad = jnp.pad(flat_node2pin_start, (0, SPAD - (N + 1)))
    out2d = _phase_c(s_pad, lsg, wt)
    return out2d[:, :NPWK].reshape(N)

# --- scband reference (transcript-rebuilt; emitter-appended) ---
"""Pipeline reference for scband-precond-wl-24764781429524 (READ-ONLY COPY).

The authoritative reference and input builder live on the scoring server;
editing this copy changes nothing except your own understanding.
"""

import jax, jax.numpy as jnp
import numpy as np

NUM_NODES = 100000
NUM_MOVABLE = 90000
NUM_PINS = 3200000
NUM_NETS = 500000

def setup_inputs(seed: int = 0) -> dict:
    key = jax.random.key(seed)
    k1, k2, k3, k4, k5 = jax.random.split(key, 5)
    net_weights = jax.random.uniform(k1, (NUM_NETS,), dtype=jnp.float32) * 2.0
    flat_node2pin_start = jnp.sort(jax.random.randint(k2, (NUM_NODES + 1,), 0, NUM_PINS, dtype=jnp.int32))
    flat_node2pin = jax.random.randint(k3, (NUM_PINS,), 0, NUM_PINS, dtype=jnp.int32)
    pin2net_map = jax.random.randint(k4, (NUM_PINS,), 0, NUM_NETS, dtype=jnp.int32)
    flat_net2pin = jnp.sort(jax.random.randint(k5, (NUM_NETS + 1,), 0, NUM_PINS, dtype=jnp.int32))
    return {
        "net_weights": net_weights,
        "flat_node2pin_start": flat_node2pin_start,
        "flat_node2pin": flat_node2pin,
        "pin2net_map": pin2net_map,
        "flat_net2pin": flat_net2pin,
    }


def reference(net_weights, flat_node2pin_start, flat_node2pin, pin2net_map, flat_net2pin):
    # out = zeros(num_nodes); net_weights clamped to min=1.0
    w = jnp.clip(net_weights, 1.0)
    P = flat_node2pin.shape[0]
    slots = jnp.arange(P, dtype=jnp.int32)
    # segment id for each pin slot j: the node i with start[i] <= j < start[i+1]
    seg = jnp.searchsorted(flat_node2pin_start, slots, side='right').astype(jnp.int32) - 1
    # only movable nodes are accumulated (kernel loops i in [0, num_movable_nodes))
    valid = (seg >= 0) & (seg < NUM_MOVABLE)
    net_id = jnp.take(pin2net_map, flat_node2pin)
    degree = jnp.take(flat_net2pin, net_id + 1) - jnp.take(flat_net2pin, net_id)
    denom = jnp.maximum(degree - 1, 1).astype(jnp.float32)
    contrib = jnp.where(valid & (degree > 1), jnp.take(w, net_id) / denom, 0.0)
    seg_c = jnp.clip(seg, 0, NUM_NODES - 1)
    out = jax.ops.segment_sum(contrib, seg_c, num_segments=NUM_NODES)
    return out

if __name__ == "__main__":
    import jax
    _d = setup_inputs()
    print(jax.jit(kernel)(*tuple(_d.values())))

</pallas_src>

<mosaic_0001>
#map = affine_map<(d0, d1) -> (0)>
#map1 = affine_map<(d0, d1) -> (0, 0)>
module attributes {stable_mosaic.version = 14 : i64} {
  func.func @_phase_c(%arg0: i32, %arg1: i32, %arg2: memref<100096xi32, #tpu.memory_space<hbm>>, %arg3: memref<3200000xf32, #tpu.memory_space<hbm>>, %arg4: memref<32x16xf32, #tpu.memory_space<hbm>>, %arg5: memref<32x3136xf32, #tpu.memory_space<hbm>>, %arg6: memref<3144xi32, #tpu.memory_space<vmem>>, %arg7: memref<3144xf32, #tpu.memory_space<vmem>>, %arg8: memref<32x16xf32, #tpu.memory_space<vmem>>, %arg9: memref<32xf32, #tpu.memory_space<vmem>>, %arg10: memref<3136xf32, #tpu.memory_space<vmem>>, %arg11: memref<!tpu.dma_semaphore, #tpu.memory_space<semaphore_mem>>) attributes {dimension_semantics = [#tpu.dimension_semantics<core_parallel>, #tpu.dimension_semantics<subcore_parallel>], iteration_bounds = array<i64: 2, 16>, scalar_prefetch = 0 : i64, scratch_operands = 6 : i64, tpu.core_type = #tpu.core_type<sc_vector_subcore>, window_params = [{transform_indices = #map}, {transform_indices = #map}, {transform_indices = #map1}, {transform_indices = #map1}]} {
    %mul3A = arith.constant 2 : i32
    %mul3A_0 = arith.muli %arg1, %mul3A : i32
    %add3A = arith.addi %mul3A_0, %arg0 : i32
    %mul3A_1 = arith.constant 3125 : i32
    %mul3A_2 = arith.muli %add3A, %mul3A_1 : i32
    %jit3A = arith.constant 8 : i32
    %div3A = arith.divsi %mul3A_2, %jit3A : i32
    %sign3A = arith.constant 0 : i32
    %sign3A_3 = arith.cmpi sgt, %mul3A_2, %sign3A : i32
    %sign3A_4 = arith.extui %sign3A_3 : i1 to i32
    %sign3A_5 = arith.constant 0 : i32
    %sign3A_6 = arith.cmpi slt, %mul3A_2, %sign3A_5 : i32
    %sign3A_7 = arith.extui %sign3A_6 : i1 to i32
    %sign3A_8 = arith.subi %sign3A_4, %sign3A_7 : i32
    %sign3A_9 = arith.constant 0 : i32
    %sign3A_10 = arith.cmpi sgt, %jit3A, %sign3A_9 : i32
    %sign3A_11 = arith.extui %sign3A_10 : i1 to i32
    %sign3A_12 = arith.constant 0 : i32
    %sign3A_13 = arith.cmpi slt, %jit3A, %sign3A_12 : i32
    %sign3A_14 = arith.extui %sign3A_13 : i1 to i32
    %sign3A_15 = arith.subi %sign3A_11, %sign3A_14 : i32
    %ne3A = arith.cmpi ne, %sign3A_8, %sign3A_15 : i32
    %rem3A = arith.remsi %mul3A_2, %jit3A : i32
    %ne3A_16 = arith.constant 0 : i32
    %ne3A_17 = arith.cmpi ne, %rem3A, %ne3A_16 : i32
    %and3A = arith.andi %ne3A, %ne3A_17 : i1
    %sub3A = arith.constant 1 : i32
    %sub3A_18 = arith.subi %div3A, %sub3A : i32
    %select_n3A = arith.select %and3A, %sub3A_18, %div3A : i32
    %mul3A_19 = arith.constant 8 : i32
    %mul3A_20 = arith.muli %select_n3A, %mul3A_19 : i32
    %sub3A_21 = arith.subi %mul3A_2, %mul3A_20 : i32
    "tpu.region"() ({
      %run_scoped3A = tpu.sem_alloc : memref<!tpu.dma_semaphore, #tpu.memory_space<semaphore_mem>>
      %dma_start3A_50 = tpu.memref_slice %arg2[%mul3A_20] : memref<100096xi32, #tpu.memory_space<hbm>> -> memref<3144xi32, #tpu.memory_space<hbm>>
      %dma_start3A_51 = tpu.memref_slice %arg2[%mul3A_20] : memref<100096xi32, #tpu.memory_space<hbm>> -> memref<3144xi32, #tpu.memory_space<hbm>>
      tpu.enqueue_dma source(%dma_start3A_51 : memref<3144xi32, #tpu.memory_space<hbm>>) target(%arg6 : memref<3144xi32, #tpu.memory_space<vmem>>) target_semaphore(%run_scoped3A : memref<!tpu.dma_semaphore, #tpu.memory_space<semaphore_mem>>)
      %dma_wait3A_52 = tpu.memref_slice %arg2[%mul3A_20] : memref<100096xi32, #tpu.memory_space<hbm>> -> memref<3144xi32, #tpu.memory_space<hbm>>
      %dma_wait3A_53 = tpu.memref_slice %arg2[%mul3A_20] : memref<100096xi32, #tpu.memory_space<hbm>> -> memref<3144xi32, #tpu.memory_space<hbm>>
      tpu.wait_dma2 semaphore(%run_scoped3A : memref<!tpu.dma_semaphore, #tpu.memory_space<semaphore_mem>>) src(%dma_wait3A_53 : memref<3144xi32, #tpu.memory_space<hbm>>) dst(%arg6 : memref<3144xi32, #tpu.memory_space<vmem>>)
      tpu.yield
    }) : () -> ()
    %dma_start3A = arith.constant 0 : i32
    %dma_start3A_22 = tpu.memref_slice %arg3[%dma_start3A] : memref<3200000xf32, #tpu.memory_space<hbm>> -> memref<3200000xf32, #tpu.memory_space<hbm>>
    tpu.enqueue_indirect_dma source(%dma_start3A_22 : memref<3200000xf32, #tpu.memory_space<hbm>>) target(%arg7 : memref<3144xf32, #tpu.memory_space<vmem>>) offsets(%arg6 : memref<3144xi32, #tpu.memory_space<vmem>>) semaphore(%arg11 : memref<!tpu.dma_semaphore, #tpu.memory_space<semaphore_mem>>)
    %dma_wait3A = arith.constant 0 : i32
    %dma_wait3A_23 = tpu.memref_slice %arg3[%dma_wait3A] : memref<3200000xf32, #tpu.memory_space<hbm>> -> memref<3200000xf32, #tpu.memory_space<hbm>>
    tpu.wait_indirect_dma semaphore(%arg11 : memref<!tpu.dma_semaphore, #tpu.memory_space<semaphore_mem>>) src(%dma_wait3A_23 : memref<3200000xf32, #tpu.memory_space<hbm>>) dst(%arg7 : memref<3144xf32, #tpu.memory_space<vmem>>)
    "tpu.region"() ({
      %run_scoped3A = tpu.sem_alloc : memref<!tpu.dma_semaphore, #tpu.memory_space<semaphore_mem>>
      tpu.enqueue_dma source(%arg4 : memref<32x16xf32, #tpu.memory_space<hbm>>) target(%arg8 : memref<32x16xf32, #tpu.memory_space<vmem>>) target_semaphore(%run_scoped3A : memref<!tpu.dma_semaphore, #tpu.memory_space<semaphore_mem>>)
      tpu.wait_dma2 semaphore(%run_scoped3A : memref<!tpu.dma_semaphore, #tpu.memory_space<semaphore_mem>>) src(%arg4 : memref<32x16xf32, #tpu.memory_space<hbm>>) dst(%arg8 : memref<32x16xf32, #tpu.memory_space<vmem>>)
      tpu.yield
    }) : () -> ()
    %iota3A = tpu.iota {dimensions = array<i32: 0>} : vector<16xi32>
    %broadcast_in_dim3A = arith.constant 0 : i32
    %broadcast_in_dim3A_24 = vector.broadcast %broadcast_in_dim3A : i32 to vector<16xi32>
    %gather3A = tpu.vector_load_idx %arg8[%iota3A, %broadcast_in_dim3A_24] : memref<32x16xf32, #tpu.memory_space<vmem>>[vector<16xi32>, vector<16xi32>], vector<16xf32>,
    %add3A_25 = arith.constant 16 : i32
    %add3A_26 = vector.broadcast %add3A_25 : i32 to vector<16xi32>
    %add3A_27 = arith.addi %iota3A, %add3A_26 : vector<16xi32>
    %gather3A_28 = tpu.vector_load_idx %arg8[%add3A_27, %broadcast_in_dim3A_24] : memref<32x16xf32, #tpu.memory_space<vmem>>[vector<16xi32>, vector<16xi32>], vector<16xf32>,
    %broadcast_in_dim3A_29 = arith.constant true
    %broadcast_in_dim3A_30 = vector.broadcast %broadcast_in_dim3A_29 : i1 to vector<16xi1>
    %masked_cumsum3A = tpu.scan <sum>, %gather3A masked %broadcast_in_dim3A_30 : vector<16xf32>, vector<16xi1> -> vector<16xf32>
    %sub3A_31 = arith.subf %masked_cumsum3A, %gather3A : vector<16xf32>
    %swap3A = arith.constant 0 : index
    %swap3A_32 = tpu.vector_load %arg9[%swap3A] {strides = array<i32>} : memref<32xf32, #tpu.memory_space<vmem>>, vector<16xf32>,
    tpu.vector_store %arg9[%swap3A], %sub3A_31 {strides = array<i32>} : memref<32xf32, #tpu.memory_space<vmem>>, vector<16xf32>,
    %broadcast_in_dim3A_33 = arith.constant true
    %broadcast_in_dim3A_34 = vector.broadcast %broadcast_in_dim3A_33 : i1 to vector<16xi1>
    %masked_cumsum3A_35 = tpu.scan <sum>, %gather3A_28 masked %broadcast_in_dim3A_34 : vector<16xf32>, vector<16xi1> -> vector<16xf32>
    %sub3A_36 = arith.subf %masked_cumsum3A_35, %gather3A_28 : vector<16xf32>
    %reduce_sum3A = arith.constant true
    %reduce_sum3A_37 = vector.broadcast %reduce_sum3A : i1 to vector<16xi1>
    %reduce_sum3A_38 = tpu.scan <sum>, %gather3A masked %reduce_sum3A_37 : vector<16xf32>, vector<16xi1> -> vector<16xf32>
    %reduce_sum3A_39 = vector.extract %reduce_sum3A_38[15] : f32 from vector<16xf32>
    %add3A_40 = vector.broadcast %reduce_sum3A_39 : f32 to vector<16xf32>
    %add3A_41 = arith.addf %sub3A_36, %add3A_40 : vector<16xf32>
    %swap3A_42 = arith.constant 16 : index
    %swap3A_43 = tpu.vector_load %arg9[%swap3A_42] {strides = array<i32>} : memref<32xf32, #tpu.memory_space<vmem>>, vector<16xf32>,
    tpu.vector_store %arg9[%swap3A_42], %add3A_41 {strides = array<i32>} : memref<32xf32, #tpu.memory_space<vmem>>, vector<16xf32>,
    %scan3A = arith.constant 0 : i32
    %scan3A_44 = arith.constant 0 : i32
    %scan3A_45 = arith.constant 49 : i32
    %scan3A_46 = arith.addi %scan3A_44, %scan3A_45 : i32
    %scan3A_47 = arith.constant 1 : i32
    %scan3A_48 = scf.for %scan3A_50 = %scan3A_44 to %scan3A_46 step %scan3A_47 iter_args(%scan3A_51 = %scan3A) -> (i32)  : i32 {
      %mul3A_52 = arith.constant 4 : i32
      %mul3A_53 = arith.muli %scan3A_50, %mul3A_52 : i32
      %add3A_54 = arith.constant 0 : i32
      %add3A_55 = arith.addi %mul3A_53, %add3A_54 : i32
      %mul3A_56 = arith.constant 16 : i32
      %mul3A_57 = arith.muli %add3A_55, %mul3A_56 : i32
      %add3A_58 = arith.addi %sub3A_21, %mul3A_57 : i32
      %add3A_59 = vector.broadcast %add3A_58 : i32 to vector<16xi32>
      %add3A_60 = arith.addi %add3A_59, %iota3A : vector<16xi32>
      %gather3A_61 = tpu.vector_load_idx %arg6[%add3A_60] : memref<3144xi32, #tpu.memory_space<vmem>>[vector<16xi32>], vector<16xi32>,
      %gather3A_62 = tpu.vector_load_idx %arg7[%add3A_60] : memref<3144xf32, #tpu.memory_space<vmem>>[vector<16xi32>], vector<16xf32>,
      %add3A_63 = arith.constant 1 : i32
      %add3A_64 = vector.broadcast %add3A_63 : i32 to vector<16xi32>
      %add3A_65 = arith.addi %add3A_60, %add3A_64 : vector<16xi32>
      %gather3A_66 = tpu.vector_load_idx %arg6[%add3A_65] : memref<3144xi32, #tpu.memory_space<vmem>>[vector<16xi32>], vector<16xi32>,
      %add3A_67 = arith.constant 1 : i32
      %add3A_68 = vector.broadcast %add3A_67 : i32 to vector<16xi32>
      %add3A_69 = arith.addi %add3A_60, %add3A_68 : vector<16xi32>
      %gather3A_70 = tpu.vector_load_idx %arg7[%add3A_69] : memref<3144xf32, #tpu.memory_space<vmem>>[vector<16xi32>], vector<16xf32>,
      %jit3A_71 = arith.constant 100000 : i32
      %div3A_72 = vector.broadcast %jit3A_71 : i32 to vector<16xi32>
      %div3A_73 = arith.divsi %gather3A_61, %div3A_72 : vector<16xi32>
      %sign3A_74 = arith.constant 0 : i32
      %sign3A_75 = vector.broadcast %sign3A_74 : i32 to vector<16xi32>
      %sign3A_76 = arith.cmpi sgt, %gather3A_61, %sign3A_75 : vector<16xi32>
      %sign3A_77 = arith.extui %sign3A_76 : vector<16xi1> to vector<16xi32>
      %sign3A_78 = arith.constant 0 : i32
      %sign3A_79 = vector.broadcast %sign3A_78 : i32 to vector<16xi32>
      %sign3A_80 = arith.cmpi slt, %gather3A_61, %sign3A_79 : vector<16xi32>
      %sign3A_81 = arith.extui %sign3A_80 : vector<16xi1> to vector<16xi32>
      %sign3A_82 = arith.subi %sign3A_77, %sign3A_81 : vector<16xi32>
      %sign3A_83 = arith.constant 0 : i32
      %sign3A_84 = arith.cmpi sgt, %jit3A_71, %sign3A_83 : i32
      %sign3A_85 = arith.extui %sign3A_84 : i1 to i32
      %sign3A_86 = arith.constant 0 : i32
      %sign3A_87 = arith.cmpi slt, %jit3A_71, %sign3A_86 : i32
      %sign3A_88 = arith.extui %sign3A_87 : i1 to i32
      %sign3A_89 = arith.subi %sign3A_85, %sign3A_88 : i32
      %ne3A_90 = vector.broadcast %sign3A_89 : i32 to vector<16xi32>
      %ne3A_91 = arith.cmpi ne, %sign3A_82, %ne3A_90 : vector<16xi32>
      %rem3A_92 = vector.broadcast %jit3A_71 : i32 to vector<16xi32>
      %rem3A_93 = arith.remsi %gather3A_61, %rem3A_92 : vector<16xi32>
      %ne3A_94 = arith.constant 0 : i32
      %ne3A_95 = vector.broadcast %ne3A_94 : i32 to vector<16xi32>
      %ne3A_96 = arith.cmpi ne, %rem3A_93, %ne3A_95 : vector<16xi32>
      %and3A_97 = arith.andi %ne3A_91, %ne3A_96 : vector<16xi1>
      %sub3A_98 = arith.constant 1 : i32
      %sub3A_99 = vector.broadcast %sub3A_98 : i32 to vector<16xi32>
      %sub3A_100 = arith.subi %div3A_73, %sub3A_99 : vector<16xi32>
      %select_n3A_101 = arith.select %and3A_97, %sub3A_100, %div3A_73 : vector<16xi1>, vector<16xi32>
      %gather3A_102 = tpu.vector_load_idx %arg9[%select_n3A_101] : memref<32xf32, #tpu.memory_space<vmem>>[vector<16xi32>], vector<16xf32>,
      %jit3A_103 = arith.constant 100000 : i32
      %div3A_104 = vector.broadcast %jit3A_103 : i32 to vector<16xi32>
      %div3A_105 = arith.divsi %gather3A_66, %div3A_104 : vector<16xi32>
      %sign3A_106 = arith.constant 0 : i32
      %sign3A_107 = vector.broadcast %sign3A_106 : i32 to vector<16xi32>
      %sign3A_108 = arith.cmpi sgt, %gather3A_66, %sign3A_107 : vector<16xi32>
      %sign3A_109 = arith.extui %sign3A_108 : vector<16xi1> to vector<16xi32>
      %sign3A_110 = arith.constant 0 : i32
      %sign3A_111 = vector.broadcast %sign3A_110 : i32 to vector<16xi32>
      %sign3A_112 = arith.cmpi slt, %gather3A_66, %sign3A_111 : vector<16xi32>
      %sign3A_113 = arith.extui %sign3A_112 : vector<16xi1> to vector<16xi32>
      %sign3A_114 = arith.subi %sign3A_109, %sign3A_113 : vector<16xi32>
      %sign3A_115 = arith.constant 0 : i32
      %sign3A_116 = arith.cmpi sgt, %jit3A_103, %sign3A_115 : i32
      %sign3A_117 = arith.extui %sign3A_116 : i1 to i32
      %sign3A_118 = arith.constant 0 : i32
      %sign3A_119 = arith.cmpi slt, %jit3A_103, %sign3A_118 : i32
      %sign3A_120 = arith.extui %sign3A_119 : i1 to i32
      %sign3A_121 = arith.subi %sign3A_117, %sign3A_120 : i32
      %ne3A_122 = vector.broadcast %sign3A_121 : i32 to vector<16xi32>
      %ne3A_123 = arith.cmpi ne, %sign3A_114, %ne3A_122 : vector<16xi32>
      %rem3A_124 = vector.broadcast %jit3A_103 : i32 to vector<16xi32>
      %rem3A_125 = arith.remsi %gather3A_66, %rem3A_124 : vector<16xi32>
      %ne3A_126 = arith.constant 0 : i32
      %ne3A_127 = vector.broadcast %ne3A_126 : i32 to vector<16xi32>
      %ne3A_128 = arith.cmpi ne, %rem3A_125, %ne3A_127 : vector<16xi32>
      %and3A_129 = arith.andi %ne3A_123, %ne3A_128 : vector<16xi1>
      %sub3A_130 = arith.constant 1 : i32
      %sub3A_131 = vector.broadcast %sub3A_130 : i32 to vector<16xi32>
      %sub3A_132 = arith.subi %div3A_105, %sub3A_131 : vector<16xi32>
      %select_n3A_133 = arith.select %and3A_129, %sub3A_132, %div3A_105 : vector<16xi1>, vector<16xi32>
      %gather3A_134 = tpu.vector_load_idx %arg9[%select_n3A_133] : memref<32xf32, #tpu.memory_space<vmem>>[vector<16xi32>], vector<16xf32>,
      %mul3A_135 = arith.constant 16 : i32
      %mul3A_136 = arith.muli %add3A_55, %mul3A_135 : i32
      %add3A_137 = vector.broadcast %mul3A_136 : i32 to vector<16xi32>
      %add3A_138 = arith.addi %add3A_137, %iota3A : vector<16xi32>
      %lt3A = arith.constant 3125 : i32
      %lt3A_139 = vector.broadcast %lt3A : i32 to vector<16xi32>
      %lt3A_140 = arith.cmpi slt, %add3A_138, %lt3A_139 : vector<16xi32>
      %add3A_141 = vector.broadcast %mul3A_2 : i32 to vector<16xi32>
      %add3A_142 = arith.addi %add3A_141, %add3A_138 : vector<16xi32>
      %lt3A_143 = arith.constant 90000 : i32
      %lt3A_144 = vector.broadcast %lt3A_143 : i32 to vector<16xi32>
      %lt3A_145 = arith.cmpi slt, %add3A_142, %lt3A_144 : vector<16xi32>
      %and3A_146 = arith.andi %lt3A_140, %lt3A_145 : vector<16xi1>
      %sub3A_147 = arith.subf %gather3A_70, %gather3A_62 : vector<16xf32>
      %sub3A_148 = arith.subf %gather3A_134, %gather3A_102 : vector<16xf32>
      %add3A_149 = arith.addf %sub3A_147, %sub3A_148 : vector<16xf32>
      %jit3A_150 = arith.constant 0.000000e+00 : f32
      %broadcast_in_dim3A_151 = vector.broadcast %jit3A_150 : f32 to vector<16xf32>
      %select_n3A_152 = arith.select %and3A_146, %add3A_149, %broadcast_in_dim3A_151 : vector<16xi1>, vector<16xf32>
      %mul3A_153 = arith.constant 16 : i32
      %mul3A_154 = arith.muli %add3A_55, %mul3A_153 : i32
      %swap3A_155 = arith.index_cast %mul3A_154 : i32 to index
      %swap3A_156 = tpu.vector_load %arg10[%swap3A_155] {strides = array<i32>} : memref<3136xf32, #tpu.memory_space<vmem>>, vector<16xf32>,
      tpu.vector_store %arg10[%swap3A_155], %select_n3A_152 {strides = array<i32>} : memref<3136xf32, #tpu.memory_space<vmem>>, vector<16xf32>,
      %mul3A_157 = arith.constant 4 : i32
      %mul3A_158 = arith.muli %scan3A_50, %mul3A_157 : i32
      %add3A_159 = arith.constant 1 : i32
      %add3A_160 = arith.addi %mul3A_158, %add3A_159 : i32
      %mul3A_161 = arith.constant 16 : i32
      %mul3A_162 = arith.muli %add3A_160, %mul3A_161 : i32
      %add3A_163 = arith.addi %sub3A_21, %mul3A_162 : i32
      %add3A_164 = vector.broadcast %add3A_163 : i32 to vector<16xi32>
      %add3A_165 = arith.addi %add3A_164, %iota3A : vector<16xi32>
      %gather3A_166 = tpu.vector_load_idx %arg6[%add3A_165] : memref<3144xi32, #tpu.memory_space<vmem>>[vector<16xi32>], vector<16xi32>,
      %gather3A_167 = tpu.vector_load_idx %arg7[%add3A_165] : memref<3144xf32, #tpu.memory_space<vmem>>[vector<16xi32>], vector<16xf32>,
      %add3A_168 = arith.constant 1 : i32
      %add3A_169 = vector.broadcast %add3A_168 : i32 to vector<16xi32>
      %add3A_170 = arith.addi %add3A_165, %add3A_169 : vector<16xi32>
      %gather3A_171 = tpu.vector_load_idx %arg6[%add3A_170] : memref<3144xi32, #tpu.memory_space<vmem>>[vector<16xi32>], vector<16xi32>,
      %add3A_172 = arith.constant 1 : i32
      %add3A_173 = vector.broadcast %add3A_172 : i32 to vector<16xi32>
      %add3A_174 = arith.addi %add3A_165, %add3A_173 : vector<16xi32>
      %gather3A_175 = tpu.vector_load_idx %arg7[%add3A_174] : memref<3144xf32, #tpu.memory_space<vmem>>[vector<16xi32>], vector<16xf32>,
      %jit3A_176 = arith.constant 100000 : i32
      %div3A_177 = vector.broadcast %jit3A_176 : i32 to vector<16xi32>
      %div3A_178 = arith.divsi %gather3A_166, %div3A_177 : vector<16xi32>
      %sign3A_179 = arith.constant 0 : i32
      %sign3A_180 = vector.broadcast %sign3A_179 : i32 to vector<16xi32>
      %sign3A_181 = arith.cmpi sgt, %gather3A_166, %sign3A_180 : vector<16xi32>
      %sign3A_182 = arith.extui %sign3A_181 : vector<16xi1> to vector<16xi32>
      %sign3A_183 = arith.constant 0 : i32
      %sign3A_184 = vector.broadcast %sign3A_183 : i32 to vector<16xi32>
      %sign3A_185 = arith.cmpi slt, %gather3A_166, %sign3A_184 : vector<16xi32>
      %sign3A_186 = arith.extui %sign3A_185 : vector<16xi1> to vector<16xi32>
      %sign3A_187 = arith.subi %sign3A_182, %sign3A_186 : vector<16xi32>
      %sign3A_188 = arith.constant 0 : i32
      %sign3A_189 = arith.cmpi sgt, %jit3A_176, %sign3A_188 : i32
      %sign3A_190 = arith.extui %sign3A_189 : i1 to i32
      %sign3A_191 = arith.constant 0 : i32
      %sign3A_192 = arith.cmpi slt, %jit3A_176, %sign3A_191 : i32
      %sign3A_193 = arith.extui %sign3A_192 : i1 to i32
      %sign3A_194 = arith.subi %sign3A_190, %sign3A_193 : i32
      %ne3A_195 = vector.broadcast %sign3A_194 : i32 to vector<16xi32>
      %ne3A_196 = arith.cmpi ne, %sign3A_187, %ne3A_195 : vector<16xi32>
      %rem3A_197 = vector.broadcast %jit3A_176 : i32 to vector<16xi32>
      %rem3A_198 = arith.remsi %gather3A_166, %rem3A_197 : vector<16xi32>
      %ne3A_199 = arith.constant 0 : i32
      %ne3A_200 = vector.broadcast %ne3A_199 : i32 to vector<16xi32>
      %ne3A_201 = arith.cmpi ne, %rem3A_198, %ne3A_200 : vector<16xi32>
      %and3A_202 = arith.andi %ne3A_196, %ne3A_201 : vector<16xi1>
      %sub3A_203 = arith.constant 1 : i32
      %sub3A_204 = vector.broadcast %sub3A_203 : i32 to vector<16xi32>
      %sub3A_205 = arith.subi %div3A_178, %sub3A_204 : vector<16xi32>
      %select_n3A_206 = arith.select %and3A_202, %sub3A_205, %div3A_178 : vector<16xi1>, vector<16xi32>
      %gather3A_207 = tpu.vector_load_idx %arg9[%select_n3A_206] : memref<32xf32, #tpu.memory_space<vmem>>[vector<16xi32>], vector<16xf32>,
      %jit3A_208 = arith.constant 100000 : i32
      %div3A_209 = vector.broadcast %jit3A_208 : i32 to vector<16xi32>
      %div3A_210 = arith.divsi %gather3A_171, %div3A_209 : vector<16xi32>
      %sign3A_211 = arith.constant 0 : i32
      %sign3A_212 = vector.broadcast %sign3A_211 : i32 to vector<16xi32>
      %sign3A_213 = arith.cmpi sgt, %gather3A_171, %sign3A_212 : vector<16xi32>
      %sign3A_214 = arith.extui %sign3A_213 : vector<16xi1> to vector<16xi32>
      %sign3A_215 = arith.constant 0 : i32
      %sign3A_216 = vector.broadcast %sign3A_215 : i32 to vector<16xi32>
      %sign3A_217 = arith.cmpi slt, %gather3A_171, %sign3A_216 : vector<16xi32>
      %sign3A_218 = arith.extui %sign3A_217 : vector<16xi1> to vector<16xi32>
      %sign3A_219 = arith.subi %sign3A_214, %sign3A_218 : vector<16xi32>
      %sign3A_220 = arith.constant 0 : i32
      %sign3A_221 = arith.cmpi sgt, %jit3A_208, %sign3A_220 : i32
      %sign3A_222 = arith.extui %sign3A_221 : i1 to i32
      %sign3A_223 = arith.constant 0 : i32
      %sign3A_224 = arith.cmpi slt, %jit3A_208, %sign3A_223 : i32
      %sign3A_225 = arith.extui %sign3A_224 : i1 to i32
      %sign3A_226 = arith.subi %sign3A_222, %sign3A_225 : i32
      %ne3A_227 = vector.broadcast %sign3A_226 : i32 to vector<16xi32>
      %ne3A_228 = arith.cmpi ne, %sign3A_219, %ne3A_227 : vector<16xi32>
      %rem3A_229 = vector.broadcast %jit3A_208 : i32 to vector<16xi32>
      %rem3A_230 = arith.remsi %gather3A_171, %rem3A_229 : vector<16xi32>
      %ne3A_231 = arith.constant 0 : i32
      %ne3A_232 = vector.broadcast %ne3A_231 : i32 to vector<16xi32>
      %ne3A_233 = arith.cmpi ne, %rem3A_230, %ne3A_232 : vector<16xi32>
      %and3A_234 = arith.andi %ne3A_228, %ne3A_233 : vector<16xi1>
      %sub3A_235 = arith.constant 1 : i32
      %sub3A_236 = vector.broadcast %sub3A_235 : i32 to vector<16xi32>
      %sub3A_237 = arith.subi %div3A_210, %sub3A_236 : vector<16xi32>
      %select_n3A_238 = arith.select %and3A_234, %sub3A_237, %div3A_210 : vector<16xi1>, vector<16xi32>
      %gather3A_239 = tpu.vector_load_idx %arg9[%select_n3A_238] : memref<32xf32, #tpu.memory_space<vmem>>[vector<16xi32>], vector<16xf32>,
      %mul3A_240 = arith.constant 16 : i32
      %mul3A_241 = arith.muli %add3A_160, %mul3A_240 : i32
      %add3A_242 = vector.broadcast %mul3A_241 : i32 to vector<16xi32>
      %add3A_243 = arith.addi %add3A_242, %iota3A : vector<16xi32>
      %lt3A_244 = arith.constant 3125 : i32
      %lt3A_245 = vector.broadcast %lt3A_244 : i32 to vector<16xi32>
      %lt3A_246 = arith.cmpi slt, %add3A_243, %lt3A_245 : vector<16xi32>
      %add3A_247 = vector.broadcast %mul3A_2 : i32 to vector<16xi32>
      %add3A_248 = arith.addi %add3A_247, %add3A_243 : vector<16xi32>
      %lt3A_249 = arith.constant 90000 : i32
      %lt3A_250 = vector.broadcast %lt3A_249 : i32 to vector<16xi32>
      %lt3A_251 = arith.cmpi slt, %add3A_248, %lt3A_250 : vector<16xi32>
      %and3A_252 = arith.andi %lt3A_246, %lt3A_251 : vector<16xi1>
      %sub3A_253 = arith.subf %gather3A_175, %gather3A_167 : vector<16xf32>
      %sub3A_254 = arith.subf %gather3A_239, %gather3A_207 : vector<16xf32>
      %add3A_255 = arith.addf %sub3A_253, %sub3A_254 : vector<16xf32>
      %jit3A_256 = arith.constant 0.000000e+00 : f32
      %broadcast_in_dim3A_257 = vector.broadcast %jit3A_256 : f32 to vector<16xf32>
      %select_n3A_258 = arith.select %and3A_252, %add3A_255, %broadcast_in_dim3A_257 : vector<16xi1>, vector<16xf32>
      %mul3A_259 = arith.constant 16 : i32
      %mul3A_260 = arith.muli %add3A_160, %mul3A_259 : i32
      %swap3A_261 = arith.index_cast %mul3A_260 : i32 to index
      %swap3A_262 = tpu.vector_load %arg10[%swap3A_261] {strides = array<i32>} : memref<3136xf32, #tpu.memory_space<vmem>>, vector<16xf32>,
      tpu.vector_store %arg10[%swap3A_261], %select_n3A_258 {strides = array<i32>} : memref<3136xf32, #tpu.memory_space<vmem>>, vector<16xf32>,
      %mul3A_263 = arith.constant 4 : i32
      %mul3A_264 = arith.muli %scan3A_50, %mul3A_263 : i32
      %add3A_265 = arith.constant 2 : i32
      %add3A_266 = arith.addi %mul3A_264, %add3A_265 : i32
      %mul3A_267 = arith.constant 16 : i32
      %mul3A_268 = arith.muli %add3A_266, %mul3A_267 : i32
      %add3A_269 = arith.addi %sub3A_21, %mul3A_268 : i32
      %add3A_270 = vector.broadcast %add3A_269 : i32 to vector<16xi32>
      %add3A_271 = arith.addi %add3A_270, %iota3A : vector<16xi32>
      %gather3A_272 = tpu.vector_load_idx %arg6[%add3A_271] : memref<3144xi32, #tpu.memory_space<vmem>>[vector<16xi32>], vector<16xi32>,
      %gather3A_273 = tpu.vector_load_idx %arg7[%add3A_271] : memref<3144xf32, #tpu.memory_space<vmem>>[vector<16xi32>], vector<16xf32>,
      %add3A_274 = arith.constant 1 : i32
      %add3A_275 = vector.broadcast %add3A_274 : i32 to vector<16xi32>
      %add3A_276 = arith.addi %add3A_271, %add3A_275 : vector<16xi32>
      %gather3A_277 = tpu.vector_load_idx %arg6[%add3A_276] : memref<3144xi32, #tpu.memory_space<vmem>>[vector<16xi32>], vector<16xi32>,
      %add3A_278 = arith.constant 1 : i32
      %add3A_279 = vector.broadcast %add3A_278 : i32 to vector<16xi32>
      %add3A_280 = arith.addi %add3A_271, %add3A_279 : vector<16xi32>
      %gather3A_281 = tpu.vector_load_idx %arg7[%add3A_280] : memref<3144xf32, #tpu.memory_space<vmem>>[vector<16xi32>], vector<16xf32>,
      %jit3A_282 = arith.constant 100000 : i32
      %div3A_283 = vector.broadcast %jit3A_282 : i32 to vector<16xi32>
      %div3A_284 = arith.divsi %gather3A_272, %div3A_283 : vector<16xi32>
      %sign3A_285 = arith.constant 0 : i32
      %sign3A_286 = vector.broadcast %sign3A_285 : i32 to vector<16xi32>
      %sign3A_287 = arith.cmpi sgt, %gather3A_272, %sign3A_286 : vector<16xi32>
      %sign3A_288 = arith.extui %sign3A_287 : vector<16xi1> to vector<16xi32>
      %sign3A_289 = arith.constant 0 : i32
      %sign3A_290 = vector.broadcast %sign3A_289 : i32 to vector<16xi32>
      %sign3A_291 = arith.cmpi slt, %gather3A_272, %sign3A_290 : vector<16xi32>
      %sign3A_292 = arith.extui %sign3A_291 : vector<16xi1> to vector<16xi32>
      %sign3A_293 = arith.subi %sign3A_288, %sign3A_292 : vector<16xi32>
      %sign3A_294 = arith.constant 0 : i32
      %sign3A_295 = arith.cmpi sgt, %jit3A_282, %sign3A_294 : i32
      %sign3A_296 = arith.extui %sign3A_295 : i1 to i32
      %sign3A_297 = arith.constant 0 : i32
      %sign3A_298 = arith.cmpi slt, %jit3A_282, %sign3A_297 : i32
      %sign3A_299 = arith.extui %sign3A_298 : i1 to i32
      %sign3A_300 = arith.subi %sign3A_296, %sign3A_299 : i32
      %ne3A_301 = vector.broadcast %sign3A_300 : i32 to vector<16xi32>
      %ne3A_302 = arith.cmpi ne, %sign3A_293, %ne3A_301 : vector<16xi32>
      %rem3A_303 = vector.broadcast %jit3A_282 : i32 to vector<16xi32>
      %rem3A_304 = arith.remsi %gather3A_272, %rem3A_303 : vector<16xi32>
      %ne3A_305 = arith.constant 0 : i32
      %ne3A_306 = vector.broadcast %ne3A_305 : i32 to vector<16xi32>
      %ne3A_307 = arith.cmpi ne, %rem3A_304, %ne3A_306 : vector<16xi32>
      %and3A_308 = arith.andi %ne3A_302, %ne3A_307 : vector<16xi1>
      %sub3A_309 = arith.constant 1 : i32
      %sub3A_310 = vector.broadcast %sub3A_309 : i32 to vector<16xi32>
      %sub3A_311 = arith.subi %div3A_284, %sub3A_310 : vector<16xi32>
      %select_n3A_312 = arith.select %and3A_308, %sub3A_311, %div3A_284 : vector<16xi1>, vector<16xi32>
      %gather3A_313 = tpu.vector_load_idx %arg9[%select_n3A_312] : memref<32xf32, #tpu.memory_space<vmem>>[vector<16xi32>], vector<16xf32>,
      %jit3A_314 = arith.constant 100000 : i32
      %div3A_315 = vector.broadcast %jit3A_314 : i32 to vector<16xi32>
      %div3A_316 = arith.divsi %gather3A_277, %div3A_315 : vector<16xi32>
      %sign3A_317 = arith.constant 0 : i32
      %sign3A_318 = vector.broadcast %sign3A_317 : i32 to vector<16xi32>
      %sign3A_319 = arith.cmpi sgt, %gather3A_277, %sign3A_318 : vector<16xi32>
      %sign3A_320 = arith.extui %sign3A_319 : vector<16xi1> to vector<16xi32>
      %sign3A_321 = arith.constant 0 : i32
      %sign3A_322 = vector.broadcast %sign3A_321 : i32 to vector<16xi32>
      %sign3A_323 = arith.cmpi slt, %gather3A_277, %sign3A_322 : vector<16xi32>
      %sign3A_324 = arith.extui %sign3A_323 : vector<16xi1> to vector<16xi32>
      %sign3A_325 = arith.subi %sign3A_320, %sign3A_324 : vector<16xi32>
      %sign3A_326 = arith.constant 0 : i32
      %sign3A_327 = arith.cmpi sgt, %jit3A_314, %sign3A_326 : i32
      %sign3A_328 = arith.extui %sign3A_327 : i1 to i32
      %sign3A_329 = arith.constant 0 : i32
      %sign3A_330 = arith.cmpi slt, %jit3A_314, %sign3A_329 : i32
      %sign3A_331 = arith.extui %sign3A_330 : i1 to i32
      %sign3A_332 = arith.subi %sign3A_328, %sign3A_331 : i32
      %ne3A_333 = vector.broadcast %sign3A_332 : i32 to vector<16xi32>
      %ne3A_334 = arith.cmpi ne, %sign3A_325, %ne3A_333 : vector<16xi32>
      %rem3A_335 = vector.broadcast %jit3A_314 : i32 to vector<16xi32>
      %rem3A_336 = arith.remsi %gather3A_277, %rem3A_335 : vector<16xi32>
      %ne3A_337 = arith.constant 0 : i32
      %ne3A_338 = vector.broadcast %ne3A_337 : i32 to vector<16xi32>
      %ne3A_339 = arith.cmpi ne, %rem3A_336, %ne3A_338 : vector<16xi32>
      %and3A_340 = arith.andi %ne3A_334, %ne3A_339 : vector<16xi1>
      %sub3A_341 = arith.constant 1 : i32
      %sub3A_342 = vector.broadcast %sub3A_341 : i32 to vector<16xi32>
      %sub3A_343 = arith.subi %div3A_316, %sub3A_342 : vector<16xi32>
      %select_n3A_344 = arith.select %and3A_340, %sub3A_343, %div3A_316 : vector<16xi1>, vector<16xi32>
      %gather3A_345 = tpu.vector_load_idx %arg9[%select_n3A_344] : memref<32xf32, #tpu.memory_space<vmem>>[vector<16xi32>], vector<16xf32>,
      %mul3A_346 = arith.constant 16 : i32
      %mul3A_347 = arith.muli %add3A_266, %mul3A_346 : i32
      %add3A_348 = vector.broadcast %mul3A_347 : i32 to vector<16xi32>
      %add3A_349 = arith.addi %add3A_348, %iota3A : vector<16xi32>
      %lt3A_350 = arith.constant 3125 : i32
      %lt3A_351 = vector.broadcast %lt3A_350 : i32 to vector<16xi32>
      %lt3A_352 = arith.cmpi slt, %add3A_349, %lt3A_351 : vector<16xi32>
      %add3A_353 = vector.broadcast %mul3A_2 : i32 to vector<16xi32>
      %add3A_354 = arith.addi %add3A_353, %add3A_349 : vector<16xi32>
      %lt3A_355 = arith.constant 90000 : i32
      %lt3A_356 = vector.broadcast %lt3A_355 : i32 to vector<16xi32>
      %lt3A_357 = arith.cmpi slt, %add3A_354, %lt3A_356 : vector<16xi32>
      %and3A_358 = arith.andi %lt3A_352, %lt3A_357 : vector<16xi1>
      %sub3A_359 = arith.subf %gather3A_281, %gather3A_273 : vector<16xf32>
      %sub3A_360 = arith.subf %gather3A_345, %gather3A_313 : vector<16xf32>
      %add3A_361 = arith.addf %sub3A_359, %sub3A_360 : vector<16xf32>
      %jit3A_362 = arith.constant 0.000000e+00 : f32
      %broadcast_in_dim3A_363 = vector.broadcast %jit3A_362 : f32 to vector<16xf32>
      %select_n3A_364 = arith.select %and3A_358, %add3A_361, %broadcast_in_dim3A_363 : vector<16xi1>, vector<16xf32>
      %mul3A_365 = arith.constant 16 : i32
      %mul3A_366 = arith.muli %add3A_266, %mul3A_365 : i32
      %swap3A_367 = arith.index_cast %mul3A_366 : i32 to index
      %swap3A_368 = tpu.vector_load %arg10[%swap3A_367] {strides = array<i32>} : memref<3136xf32, #tpu.memory_space<vmem>>, vector<16xf32>,
      tpu.vector_store %arg10[%swap3A_367], %select_n3A_364 {strides = array<i32>} : memref<3136xf32, #tpu.memory_space<vmem>>, vector<16xf32>,
      %mul3A_369 = arith.constant 4 : i32
      %mul3A_370 = arith.muli %scan3A_50, %mul3A_369 : i32
      %add3A_371 = arith.constant 3 : i32
      %add3A_372 = arith.addi %mul3A_370, %add3A_371 : i32
      %mul3A_373 = arith.constant 16 : i32
      %mul3A_374 = arith.muli %add3A_372, %mul3A_373 : i32
      %add3A_375 = arith.addi %sub3A_21, %mul3A_374 : i32
      %add3A_376 = vector.broadcast %add3A_375 : i32 to vector<16xi32>
      %add3A_377 = arith.addi %add3A_376, %iota3A : vector<16xi32>
      %gather3A_378 = tpu.vector_load_idx %arg6[%add3A_377] : memref<3144xi32, #tpu.memory_space<vmem>>[vector<16xi32>], vector<16xi32>,
      %gather3A_379 = tpu.vector_load_idx %arg7[%add3A_377] : memref<3144xf32, #tpu.memory_space<vmem>>[vector<16xi32>], vector<16xf32>,
      %add3A_380 = arith.constant 1 : i32
      %add3A_381 = vector.broadcast %add3A_380 : i32 to vector<16xi32>
      %add3A_382 = arith.addi %add3A_377, %add3A_381 : vector<16xi32>
      %gather3A_383 = tpu.vector_load_idx %arg6[%add3A_382] : memref<3144xi32, #tpu.memory_space<vmem>>[vector<16xi32>], vector<16xi32>,
      %add3A_384 = arith.constant 1 : i32
      %add3A_385 = vector.broadcast %add3A_384 : i32 to vector<16xi32>
      %add3A_386 = arith.addi %add3A_377, %add3A_385 : vector<16xi32>
      %gather3A_387 = tpu.vector_load_idx %arg7[%add3A_386] : memref<3144xf32, #tpu.memory_space<vmem>>[vector<16xi32>], vector<16xf32>,
      %jit3A_388 = arith.constant 100000 : i32
      %div3A_389 = vector.broadcast %jit3A_388 : i32 to vector<16xi32>
      %div3A_390 = arith.divsi %gather3A_378, %div3A_389 : vector<16xi32>
      %sign3A_391 = arith.constant 0 : i32
      %sign3A_392 = vector.broadcast %sign3A_391 : i32 to vector<16xi32>
      %sign3A_393 = arith.cmpi sgt, %gather3A_378, %sign3A_392 : vector<16xi32>
      %sign3A_394 = arith.extui %sign3A_393 : vector<16xi1> to vector<16xi32>
      %sign3A_395 = arith.constant 0 : i32
      %sign3A_396 = vector.broadcast %sign3A_395 : i32 to vector<16xi32>
      %sign3A_397 = arith.cmpi slt, %gather3A_378, %sign3A_396 : vector<16xi32>
      %sign3A_398 = arith.extui %sign3A_397 : vector<16xi1> to vector<16xi32>
      %sign3A_399 = arith.subi %sign3A_394, %sign3A_398 : vector<16xi32>
      %sign3A_400 = arith.constant 0 : i32
      %sign3A_401 = arith.cmpi sgt, %jit3A_388, %sign3A_400 : i32
      %sign3A_402 = arith.extui %sign3A_401 : i1 to i32
      %sign3A_403 = arith.constant 0 : i32
      %sign3A_404 = arith.cmpi slt, %jit3A_388, %sign3A_403 : i32
      %sign3A_405 = arith.extui %sign3A_404 : i1 to i32
      %sign3A_406 = arith.subi %sign3A_402, %sign3A_405 : i32
      %ne3A_407 = vector.broadcast %sign3A_406 : i32 to vector<16xi32>
      %ne3A_408 = arith.cmpi ne, %sign3A_399, %ne3A_407 : vector<16xi32>
      %rem3A_409 = vector.broadcast %jit3A_388 : i32 to vector<16xi32>
      %rem3A_410 = arith.remsi %gather3A_378, %rem3A_409 : vector<16xi32>
      %ne3A_411 = arith.constant 0 : i32
      %ne3A_412 = vector.broadcast %ne3A_411 : i32 to vector<16xi32>
      %ne3A_413 = arith.cmpi ne, %rem3A_410, %ne3A_412 : vector<16xi32>
      %and3A_414 = arith.andi %ne3A_408, %ne3A_413 : vector<16xi1>
      %sub3A_415 = arith.constant 1 : i32
      %sub3A_416 = vector.broadcast %sub3A_415 : i32 to vector<16xi32>
      %sub3A_417 = arith.subi %div3A_390, %sub3A_416 : vector<16xi32>
      %select_n3A_418 = arith.select %and3A_414, %sub3A_417, %div3A_390 : vector<16xi1>, vector<16xi32>
      %gather3A_419 = tpu.vector_load_idx %arg9[%select_n3A_418] : memref<32xf32, #tpu.memory_space<vmem>>[vector<16xi32>], vector<16xf32>,
      %jit3A_420 = arith.constant 100000 : i32
      %div3A_421 = vector.broadcast %jit3A_420 : i32 to vector<16xi32>
      %div3A_422 = arith.divsi %gather3A_383, %div3A_421 : vector<16xi32>
      %sign3A_423 = arith.constant 0 : i32
      %sign3A_424 = vector.broadcast %sign3A_423 : i32 to vector<16xi32>
      %sign3A_425 = arith.cmpi sgt, %gather3A_383, %sign3A_424 : vector<16xi32>
      %sign3A_426 = arith.extui %sign3A_425 : vector<16xi1> to vector<16xi32>
      %sign3A_427 = arith.constant 0 : i32
      %sign3A_428 = vector.broadcast %sign3A_427 : i32 to vector<16xi32>
      %sign3A_429 = arith.cmpi slt, %gather3A_383, %sign3A_428 : vector<16xi32>
      %sign3A_430 = arith.extui %sign3A_429 : vector<16xi1> to vector<16xi32>
      %sign3A_431 = arith.subi %sign3A_426, %sign3A_430 : vector<16xi32>
      %sign3A_432 = arith.constant 0 : i32
      %sign3A_433 = arith.cmpi sgt, %jit3A_420, %sign3A_432 : i32
      %sign3A_434 = arith.extui %sign3A_433 : i1 to i32
      %sign3A_435 = arith.constant 0 : i32
      %sign3A_436 = arith.cmpi slt, %jit3A_420, %sign3A_435 : i32
      %sign3A_437 = arith.extui %sign3A_436 : i1 to i32
      %sign3A_438 = arith.subi %sign3A_434, %sign3A_437 : i32
      %ne3A_439 = vector.broadcast %sign3A_438 : i32 to vector<16xi32>
      %ne3A_440 = arith.cmpi ne, %sign3A_431, %ne3A_439 : vector<16xi32>
      %rem3A_441 = vector.broadcast %jit3A_420 : i32 to vector<16xi32>
      %rem3A_442 = arith.remsi %gather3A_383, %rem3A_441 : vector<16xi32>
      %ne3A_443 = arith.constant 0 : i32
      %ne3A_444 = vector.broadcast %ne3A_443 : i32 to vector<16xi32>
      %ne3A_445 = arith.cmpi ne, %rem3A_442, %ne3A_444 : vector<16xi32>
      %and3A_446 = arith.andi %ne3A_440, %ne3A_445 : vector<16xi1>
      %sub3A_447 = arith.constant 1 : i32
      %sub3A_448 = vector.broadcast %sub3A_447 : i32 to vector<16xi32>
      %sub3A_449 = arith.subi %div3A_422, %sub3A_448 : vector<16xi32>
      %select_n3A_450 = arith.select %and3A_446, %sub3A_449, %div3A_422 : vector<16xi1>, vector<16xi32>
      %gather3A_451 = tpu.vector_load_idx %arg9[%select_n3A_450] : memref<32xf32, #tpu.memory_space<vmem>>[vector<16xi32>], vector<16xf32>,
      %mul3A_452 = arith.constant 16 : i32
      %mul3A_453 = arith.muli %add3A_372, %mul3A_452 : i32
      %add3A_454 = vector.broadcast %mul3A_453 : i32 to vector<16xi32>
      %add3A_455 = arith.addi %add3A_454, %iota3A : vector<16xi32>
      %lt3A_456 = arith.constant 3125 : i32
      %lt3A_457 = vector.broadcast %lt3A_456 : i32 to vector<16xi32>
      %lt3A_458 = arith.cmpi slt, %add3A_455, %lt3A_457 : vector<16xi32>
      %add3A_459 = vector.broadcast %mul3A_2 : i32 to vector<16xi32>
      %add3A_460 = arith.addi %add3A_459, %add3A_455 : vector<16xi32>
      %lt3A_461 = arith.constant 90000 : i32
      %lt3A_462 = vector.broadcast %lt3A_461 : i32 to vector<16xi32>
      %lt3A_463 = arith.cmpi slt, %add3A_460, %lt3A_462 : vector<16xi32>
      %and3A_464 = arith.andi %lt3A_458, %lt3A_463 : vector<16xi1>
      %sub3A_465 = arith.subf %gather3A_387, %gather3A_379 : vector<16xf32>
      %sub3A_466 = arith.subf %gather3A_451, %gather3A_419 : vector<16xf32>
      %add3A_467 = arith.addf %sub3A_465, %sub3A_466 : vector<16xf32>
      %jit3A_468 = arith.constant 0.000000e+00 : f32
      %broadcast_in_dim3A_469 = vector.broadcast %jit3A_468 : f32 to vector<16xf32>
      %select_n3A_470 = arith.select %and3A_464, %add3A_467, %broadcast_in_dim3A_469 : vector<16xi1>, vector<16xf32>
      %mul3A_471 = arith.constant 16 : i32
      %mul3A_472 = arith.muli %add3A_372, %mul3A_471 : i32
      %swap3A_473 = arith.index_cast %mul3A_472 : i32 to index
      %swap3A_474 = tpu.vector_load %arg10[%swap3A_473] {strides = array<i32>} : memref<3136xf32, #tpu.memory_space<vmem>>, vector<16xf32>,
      tpu.vector_store %arg10[%swap3A_473], %select_n3A_470 {strides = array<i32>} : memref<3136xf32, #tpu.memory_space<vmem>>, vector<16xf32>,
      %scan3A_475 = arith.constant 0 : i32
      scf.yield %scan3A_475 : i32
    }
    %scan3A_49 = arith.constant 49 : i32
    "tpu.region"() ({
      %run_scoped3A = tpu.sem_alloc : memref<!tpu.dma_semaphore, #tpu.memory_space<semaphore_mem>>
      %dma_start3A_50 = arith.constant 0 : i32
      %dma_start3A_51 = tpu.memref_slice %arg5[%add3A, %dma_start3A_50] : memref<32x3136xf32, #tpu.memory_space<hbm>> -> memref<1x3136xf32, #tpu.memory_space<hbm>>
      %dma_start3A_52 = tpu.memref_squeeze %dma_start3A_51 : memref<1x3136xf32, #tpu.memory_space<hbm>> -> memref<3136xf32, #tpu.memory_space<hbm>>
      %dma_start3A_53 = arith.constant 0 : i32
      %dma_start3A_54 = tpu.memref_slice %arg5[%add3A, %dma_start3A_53] : memref<32x3136xf32, #tpu.memory_space<hbm>> -> memref<1x3136xf32, #tpu.memory_space<hbm>>
      %dma_start3A_55 = tpu.memref_squeeze %dma_start3A_54 : memref<1x3136xf32, #tpu.memory_space<hbm>> -> memref<3136xf32, #tpu.memory_space<hbm>>
      tpu.enqueue_dma source(%arg10 : memref<3136xf32, #tpu.memory_space<vmem>>) target(%dma_start3A_55 : memref<3136xf32, #tpu.memory_space<hbm>>) target_semaphore(%run_scoped3A : memref<!tpu.dma_semaphore, #tpu.memory_space<semaphore_mem>>)
      %dma_wait3A_56 = arith.constant 0 : i32
      %dma_wait3A_57 = tpu.memref_slice %arg5[%add3A, %dma_wait3A_56] : memref<32x3136xf32, #tpu.memory_space<hbm>> -> memref<1x3136xf32, #tpu.memory_space<hbm>>
      %dma_wait3A_58 = tpu.memref_squeeze %dma_wait3A_57 : memref<1x3136xf32, #tpu.memory_space<hbm>> -> memref<3136xf32, #tpu.memory_space<hbm>>
      %dma_wait3A_59 = arith.constant 0 : i32
      %dma_wait3A_60 = tpu.memref_slice %arg5[%add3A, %dma_wait3A_59] : memref<32x3136xf32, #tpu.memory_space<hbm>> -> memref<1x3136xf32, #tpu.memory_space<hbm>>
      %dma_wait3A_61 = tpu.memref_squeeze %dma_wait3A_60 : memref<1x3136xf32, #tpu.memory_space<hbm>> -> memref<3136xf32, #tpu.memory_space<hbm>>
      tpu.wait_dma2 semaphore(%run_scoped3A : memref<!tpu.dma_semaphore, #tpu.memory_space<semaphore_mem>>) src(%arg10 : memref<3136xf32, #tpu.memory_space<vmem>>) dst(%dma_wait3A_61 : memref<3136xf32, #tpu.memory_space<hbm>>)
      tpu.yield
    }) : () -> ()
    return
  }
}

#map = affine_map<(d0, d1) -> (0)>
#map1 = affine_map<(d0, d1) -> (0, 0)>
module attributes {stable_mosaic.version = 14 : i64} {
  func.func @_phase_b(%arg0: i32, %arg1: i32, %arg2: memref<3200000xi32, #tpu.memory_space<hbm>>, %arg3: memref<3200000xi32, #tpu.memory_space<hbm>>, %arg4: memref<512000xf32, #tpu.memory_space<hbm>>, %arg5: memref<512024xi32, #tpu.memory_space<hbm>>, %arg6: memref<3200000xf32, #tpu.memory_space<hbm>>, %arg7: memref<32x16xf32, #tpu.memory_space<hbm>>, %arg8: memref<10000xi32, #tpu.memory_space<vmem>>, %arg9: memref<10000xi32, #tpu.memory_space<vmem>>, %arg10: memref<10000xi32, #tpu.memory_space<vmem>>, %arg11: memref<10000xi32, #tpu.memory_space<vmem>>, %arg12: memref<10000xf32, #tpu.memory_space<vmem>>, %arg13: memref<10000xf32, #tpu.memory_space<vmem>>, %arg14: memref<10000xf32, #tpu.memory_space<vmem>>, %arg15: memref<10000xf32, #tpu.memory_space<vmem>>, %arg16: memref<16xf32, #tpu.memory_space<vmem>>, %arg17: memref<512000xf32, #tpu.memory_space<vmem_shared>>, %arg18: memref<!tpu.dma_semaphore, #tpu.memory_space<semaphore_mem>>, %arg19: memref<!tpu.dma_semaphore, #tpu.memory_space<semaphore_mem>>, %arg20: memref<!tpu.dma_semaphore, #tpu.memory_space<semaphore_mem>>, %arg21: memref<!tpu.dma_semaphore, #tpu.memory_space<semaphore_mem>>, %arg22: memref<!tpu.dma_semaphore, #tpu.memory_space<semaphore_mem>>, %arg23: memref<!tpu.dma_semaphore, #tpu.memory_space<semaphore_mem>>, %arg24: memref<!tpu.dma_semaphore, #tpu.memory_space<semaphore_mem>>, %arg25: memref<!tpu.dma_semaphore, #tpu.memory_space<semaphore_mem>>) attributes {dimension_semantics = [#tpu.dimension_semantics<core_parallel>, #tpu.dimension_semantics<subcore_parallel>], iteration_bounds = array<i64: 2, 16>, scalar_prefetch = 0 : i64, scratch_operands = 18 : i64, tpu.core_type = #tpu.core_type<sc_vector_subcore>, window_params = [{transform_indices = #map}, {transform_indices = #map}, {transform_indices = #map}, {transform_indices = #map}, {transform_indices = #map}, {transform_indices = #map1}]} {
    %mul3A = arith.constant 2 : i32
    %mul3A_0 = arith.muli %arg1, %mul3A : i32
    %add3A = arith.addi %mul3A_0, %arg0 : i32
    %mul3A_1 = arith.constant 100000 : i32
    %mul3A_2 = arith.muli %add3A, %mul3A_1 : i32
    %dma_start3A = tpu.memref_slice %arg2[%mul3A_2] : memref<3200000xi32, #tpu.memory_space<hbm>> -> memref<10000xi32, #tpu.memory_space<hbm>>
    %dma_start3A_3 = tpu.memref_slice %arg2[%mul3A_2] : memref<3200000xi32, #tpu.memory_space<hbm>> -> memref<10000xi32, #tpu.memory_space<hbm>>
    tpu.enqueue_dma source(%dma_start3A_3 : memref<10000xi32, #tpu.memory_space<hbm>>) target(%arg8 : memref<10000xi32, #tpu.memory_space<vmem>>) target_semaphore(%arg18 : memref<!tpu.dma_semaphore, #tpu.memory_space<semaphore_mem>>)
    %add3A_4 = arith.constant 10000 : i32
    %add3A_5 = arith.addi %mul3A_2, %add3A_4 : i32
    %dma_start3A_6 = tpu.memref_slice %arg2[%add3A_5] : memref<3200000xi32, #tpu.memory_space<hbm>> -> memref<10000xi32, #tpu.memory_space<hbm>>
    %dma_start3A_7 = tpu.memref_slice %arg2[%add3A_5] : memref<3200000xi32, #tpu.memory_space<hbm>> -> memref<10000xi32, #tpu.memory_space<hbm>>
    tpu.enqueue_dma source(%dma_start3A_7 : memref<10000xi32, #tpu.memory_space<hbm>>) target(%arg9 : memref<10000xi32, #tpu.memory_space<vmem>>) target_semaphore(%arg19 : memref<!tpu.dma_semaphore, #tpu.memory_space<semaphore_mem>>)
    %dma_wait3A = arith.constant 0 : i32
    %dma_wait3A_8 = tpu.memref_slice %arg2[%dma_wait3A] : memref<3200000xi32, #tpu.memory_space<hbm>> -> memref<10000xi32, #tpu.memory_space<hbm>>
    %dma_wait3A_9 = arith.constant 0 : i32
    %dma_wait3A_10 = tpu.memref_slice %arg2[%dma_wait3A_9] : memref<3200000xi32, #tpu.memory_space<hbm>> -> memref<10000xi32, #tpu.memory_space<hbm>>
    tpu.wait_dma2 semaphore(%arg18 : memref<!tpu.dma_semaphore, #tpu.memory_space<semaphore_mem>>) src(%dma_wait3A_10 : memref<10000xi32, #tpu.memory_space<hbm>>) dst(%arg8 : memref<10000xi32, #tpu.memory_space<vmem>>)
    %dma_start3A_11 = arith.constant 0 : i32
    %dma_start3A_12 = tpu.memref_slice %arg3[%dma_start3A_11] : memref<3200000xi32, #tpu.memory_space<hbm>> -> memref<3200000xi32, #tpu.memory_space<hbm>>
    tpu.enqueue_indirect_dma source(%dma_start3A_12 : memref<3200000xi32, #tpu.memory_space<hbm>>) target(%arg10 : memref<10000xi32, #tpu.memory_space<vmem>>) offsets(%arg8 : memref<10000xi32, #tpu.memory_space<vmem>>) semaphore(%arg20 : memref<!tpu.dma_semaphore, #tpu.memory_space<semaphore_mem>>)
    %mul3A_13 = arith.constant 32000 : i32
    %mul3A_14 = arith.muli %arg1, %mul3A_13 : i32
    %add3A_15 = arith.constant 0 : i32
    %add3A_16 = arith.addi %mul3A_14, %add3A_15 : i32
    "tpu.region"() ({
      %run_scoped3A = tpu.sem_alloc : memref<!tpu.dma_semaphore, #tpu.memory_space<semaphore_mem>>
      %dma_start3A_75 = arith.constant 0 : i32
      %dma_start3A_76 = tpu.memref_slice %arg11[%dma_start3A_75] : memref<10000xi32, #tpu.memory_space<vmem>> -> memref<8016xi32, #tpu.memory_space<vmem>>
      %dma_start3A_77 = tpu.memref_slice %arg5[%add3A_16] : memref<512024xi32, #tpu.memory_space<hbm>> -> memref<8016xi32, #tpu.memory_space<hbm>>
      %dma_start3A_78 = arith.constant 0 : i32
      %dma_start3A_79 = tpu.memref_slice %arg11[%dma_start3A_78] : memref<10000xi32, #tpu.memory_space<vmem>> -> memref<8016xi32, #tpu.memory_space<vmem>>
      %dma_start3A_80 = tpu.memref_slice %arg5[%add3A_16] : memref<512024xi32, #tpu.memory_space<hbm>> -> memref<8016xi32, #tpu.memory_space<hbm>>
      tpu.enqueue_dma source(%dma_start3A_80 : memref<8016xi32, #tpu.memory_space<hbm>>) target(%dma_start3A_79 : memref<8016xi32, #tpu.memory_space<vmem>>) target_semaphore(%run_scoped3A : memref<!tpu.dma_semaphore, #tpu.memory_space<semaphore_mem>>)
      %dma_wait3A_81 = arith.constant 0 : i32
      %dma_wait3A_82 = tpu.memref_slice %arg11[%dma_wait3A_81] : memref<10000xi32, #tpu.memory_space<vmem>> -> memref<8016xi32, #tpu.memory_space<vmem>>
      %dma_wait3A_83 = tpu.memref_slice %arg5[%add3A_16] : memref<512024xi32, #tpu.memory_space<hbm>> -> memref<8016xi32, #tpu.memory_space<hbm>>
      %dma_wait3A_84 = arith.constant 0 : i32
      %dma_wait3A_85 = tpu.memref_slice %arg11[%dma_wait3A_84] : memref<10000xi32, #tpu.memory_space<vmem>> -> memref<8016xi32, #tpu.memory_space<vmem>>
      %dma_wait3A_86 = tpu.memref_slice %arg5[%add3A_16] : memref<512024xi32, #tpu.memory_space<hbm>> -> memref<8016xi32, #tpu.memory_space<hbm>>
      tpu.wait_dma2 semaphore(%run_scoped3A : memref<!tpu.dma_semaphore, #tpu.memory_space<semaphore_mem>>) src(%dma_wait3A_86 : memref<8016xi32, #tpu.memory_space<hbm>>) dst(%dma_wait3A_85 : memref<8016xi32, #tpu.memory_space<vmem>>)
      tpu.yield
    }) : () -> ()
    "tpu.region"() ({
      %run_scoped3A = tpu.sem_alloc : memref<!tpu.dma_semaphore, #tpu.memory_space<semaphore_mem>>
      %dma_start3A_75 = arith.constant 0 : i32
      %dma_start3A_76 = tpu.memref_slice %arg13[%dma_start3A_75] : memref<10000xf32, #tpu.memory_space<vmem>> -> memref<8000xf32, #tpu.memory_space<vmem>>
      %dma_start3A_77 = tpu.memref_slice %arg4[%add3A_16] : memref<512000xf32, #tpu.memory_space<hbm>> -> memref<8000xf32, #tpu.memory_space<hbm>>
      %dma_start3A_78 = arith.constant 0 : i32
      %dma_start3A_79 = tpu.memref_slice %arg13[%dma_start3A_78] : memref<10000xf32, #tpu.memory_space<vmem>> -> memref<8000xf32, #tpu.memory_space<vmem>>
      %dma_start3A_80 = tpu.memref_slice %arg4[%add3A_16] : memref<512000xf32, #tpu.memory_space<hbm>> -> memref<8000xf32, #tpu.memory_space<hbm>>
      tpu.enqueue_dma source(%dma_start3A_80 : memref<8000xf32, #tpu.memory_space<hbm>>) target(%dma_start3A_79 : memref<8000xf32, #tpu.memory_space<vmem>>) target_semaphore(%run_scoped3A : memref<!tpu.dma_semaphore, #tpu.memory_space<semaphore_mem>>)
      %dma_wait3A_81 = arith.constant 0 : i32
      %dma_wait3A_82 = tpu.memref_slice %arg13[%dma_wait3A_81] : memref<10000xf32, #tpu.memory_space<vmem>> -> memref<8000xf32, #tpu.memory_space<vmem>>
      %dma_wait3A_83 = tpu.memref_slice %arg4[%add3A_16] : memref<512000xf32, #tpu.memory_space<hbm>> -> memref<8000xf32, #tpu.memory_space<hbm>>
      %dma_wait3A_84 = arith.constant 0 : i32
      %dma_wait3A_85 = tpu.memref_slice %arg13[%dma_wait3A_84] : memref<10000xf32, #tpu.memory_space<vmem>> -> memref<8000xf32, #tpu.memory_space<vmem>>
      %dma_wait3A_86 = tpu.memref_slice %arg4[%add3A_16] : memref<512000xf32, #tpu.memory_space<hbm>> -> memref<8000xf32, #tpu.memory_space<hbm>>
      tpu.wait_dma2 semaphore(%run_scoped3A : memref<!tpu.dma_semaphore, #tpu.memory_space<semaphore_mem>>) src(%dma_wait3A_86 : memref<8000xf32, #tpu.memory_space<hbm>>) dst(%dma_wait3A_85 : memref<8000xf32, #tpu.memory_space<vmem>>)
      tpu.yield
    }) : () -> ()
    %scan3A = arith.constant 0 : i32
    %scan3A_17 = arith.constant 0 : i32
    %scan3A_18 = arith.constant 125 : i32
    %scan3A_19 = arith.addi %scan3A_17, %scan3A_18 : i32
    %scan3A_20 = arith.constant 1 : i32
    %scan3A_21 = scf.for %scan3A_75 = %scan3A_17 to %scan3A_19 step %scan3A_20 iter_args(%scan3A_76 = %scan3A) -> (i32)  : i32 {
      %mul3A_77 = arith.constant 4 : i32
      %mul3A_78 = arith.muli %scan3A_75, %mul3A_77 : i32
      %add3A_79 = arith.constant 0 : i32
      %add3A_80 = arith.addi %mul3A_78, %add3A_79 : i32
      %mul3A_81 = arith.constant 16 : i32
      %mul3A_82 = arith.muli %add3A_80, %mul3A_81 : i32
      %get3A = arith.index_cast %mul3A_82 : i32 to index
      %get3A_83 = tpu.vector_load %arg11[%get3A] {strides = array<i32>} : memref<10000xi32, #tpu.memory_space<vmem>>, vector<16xi32>,
      %add3A_84 = arith.constant 1 : i32
      %add3A_85 = arith.addi %mul3A_82, %add3A_84 : i32
      %get3A_86 = arith.index_cast %add3A_85 : i32 to index
      %get3A_87 = tpu.vector_load %arg11[%get3A_86] {strides = array<i32>} : memref<10000xi32, #tpu.memory_space<vmem>>, vector<16xi32>,
      %sub3A = arith.subi %get3A_87, %get3A_83 : vector<16xi32>
      %sub3A_88 = arith.constant 1 : i32
      %sub3A_89 = vector.broadcast %sub3A_88 : i32 to vector<16xi32>
      %sub3A_90 = arith.subi %sub3A, %sub3A_89 : vector<16xi32>
      %max3A = arith.constant 1 : i32
      %max3A_91 = vector.broadcast %max3A : i32 to vector<16xi32>
      %max3A_92 = arith.maxsi %sub3A_90, %max3A_91 : vector<16xi32>
      %convert_element_type3A = arith.sitofp %max3A_92 : vector<16xi32> to vector<16xf32>
      %get3A_93 = arith.index_cast %mul3A_82 : i32 to index
      %get3A_94 = tpu.vector_load %arg13[%get3A_93] {strides = array<i32>} : memref<10000xf32, #tpu.memory_space<vmem>>, vector<16xf32>,
      %gt3A = arith.constant 1 : i32
      %gt3A_95 = vector.broadcast %gt3A : i32 to vector<16xi32>
      %gt3A_96 = arith.cmpi sgt, %sub3A, %gt3A_95 : vector<16xi32>
      %max3A_97 = arith.constant 1.000000e+00 : f32
      %max3A_98 = vector.broadcast %max3A_97 : f32 to vector<16xf32>
      %max3A_99 = arith.maximumf %get3A_94, %max3A_98 : vector<16xf32>
      %div3A = arith.divf %max3A_99, %convert_element_type3A : vector<16xf32>
      %jit3A = arith.constant 0.000000e+00 : f32
      %broadcast_in_dim3A_100 = vector.broadcast %jit3A : f32 to vector<16xf32>
      %select_n3A = arith.select %gt3A_96, %div3A, %broadcast_in_dim3A_100 : vector<16xi1>, vector<16xf32>
      %swap3A_101 = arith.index_cast %mul3A_82 : i32 to index
      %swap3A_102 = tpu.vector_load %arg15[%swap3A_101] {strides = array<i32>} : memref<10000xf32, #tpu.memory_space<vmem>>, vector<16xf32>,
      tpu.vector_store %arg15[%swap3A_101], %select_n3A {strides = array<i32>} : memref<10000xf32, #tpu.memory_space<vmem>>, vector<16xf32>,
      %mul3A_103 = arith.constant 4 : i32
      %mul3A_104 = arith.muli %scan3A_75, %mul3A_103 : i32
      %add3A_105 = arith.constant 1 : i32
      %add3A_106 = arith.addi %mul3A_104, %add3A_105 : i32
      %mul3A_107 = arith.constant 16 : i32
      %mul3A_108 = arith.muli %add3A_106, %mul3A_107 : i32
      %get3A_109 = arith.index_cast %mul3A_108 : i32 to index
      %get3A_110 = tpu.vector_load %arg11[%get3A_109] {strides = array<i32>} : memref<10000xi32, #tpu.memory_space<vmem>>, vector<16xi32>,
      %add3A_111 = arith.constant 1 : i32
      %add3A_112 = arith.addi %mul3A_108, %add3A_111 : i32
      %get3A_113 = arith.index_cast %add3A_112 : i32 to index
      %get3A_114 = tpu.vector_load %arg11[%get3A_113] {strides = array<i32>} : memref<10000xi32, #tpu.memory_space<vmem>>, vector<16xi32>,
      %sub3A_115 = arith.subi %get3A_114, %get3A_110 : vector<16xi32>
      %sub3A_116 = arith.constant 1 : i32
      %sub3A_117 = vector.broadcast %sub3A_116 : i32 to vector<16xi32>
      %sub3A_118 = arith.subi %sub3A_115, %sub3A_117 : vector<16xi32>
      %max3A_119 = arith.constant 1 : i32
      %max3A_120 = vector.broadcast %max3A_119 : i32 to vector<16xi32>
      %max3A_121 = arith.maxsi %sub3A_118, %max3A_120 : vector<16xi32>
      %convert_element_type3A_122 = arith.sitofp %max3A_121 : vector<16xi32> to vector<16xf32>
      %get3A_123 = arith.index_cast %mul3A_108 : i32 to index
      %get3A_124 = tpu.vector_load %arg13[%get3A_123] {strides = array<i32>} : memref<10000xf32, #tpu.memory_space<vmem>>, vector<16xf32>,
      %gt3A_125 = arith.constant 1 : i32
      %gt3A_126 = vector.broadcast %gt3A_125 : i32 to vector<16xi32>
      %gt3A_127 = arith.cmpi sgt, %sub3A_115, %gt3A_126 : vector<16xi32>
      %max3A_128 = arith.constant 1.000000e+00 : f32
      %max3A_129 = vector.broadcast %max3A_128 : f32 to vector<16xf32>
      %max3A_130 = arith.maximumf %get3A_124, %max3A_129 : vector<16xf32>
      %div3A_131 = arith.divf %max3A_130, %convert_element_type3A_122 : vector<16xf32>
      %jit3A_132 = arith.constant 0.000000e+00 : f32
      %broadcast_in_dim3A_133 = vector.broadcast %jit3A_132 : f32 to vector<16xf32>
      %select_n3A_134 = arith.select %gt3A_127, %div3A_131, %broadcast_in_dim3A_133 : vector<16xi1>, vector<16xf32>
      %swap3A_135 = arith.index_cast %mul3A_108 : i32 to index
      %swap3A_136 = tpu.vector_load %arg15[%swap3A_135] {strides = array<i32>} : memref<10000xf32, #tpu.memory_space<vmem>>, vector<16xf32>,
      tpu.vector_store %arg15[%swap3A_135], %select_n3A_134 {strides = array<i32>} : memref<10000xf32, #tpu.memory_space<vmem>>, vector<16xf32>,
      %mul3A_137 = arith.constant 4 : i32
      %mul3A_138 = arith.muli %scan3A_75, %mul3A_137 : i32
      %add3A_139 = arith.constant 2 : i32
      %add3A_140 = arith.addi %mul3A_138, %add3A_139 : i32
      %mul3A_141 = arith.constant 16 : i32
      %mul3A_142 = arith.muli %add3A_140, %mul3A_141 : i32
      %get3A_143 = arith.index_cast %mul3A_142 : i32 to index
      %get3A_144 = tpu.vector_load %arg11[%get3A_143] {strides = array<i32>} : memref<10000xi32, #tpu.memory_space<vmem>>, vector<16xi32>,
      %add3A_145 = arith.constant 1 : i32
      %add3A_146 = arith.addi %mul3A_142, %add3A_145 : i32
      %get3A_147 = arith.index_cast %add3A_146 : i32 to index
      %get3A_148 = tpu.vector_load %arg11[%get3A_147] {strides = array<i32>} : memref<10000xi32, #tpu.memory_space<vmem>>, vector<16xi32>,
      %sub3A_149 = arith.subi %get3A_148, %get3A_144 : vector<16xi32>
      %sub3A_150 = arith.constant 1 : i32
      %sub3A_151 = vector.broadcast %sub3A_150 : i32 to vector<16xi32>
      %sub3A_152 = arith.subi %sub3A_149, %sub3A_151 : vector<16xi32>
      %max3A_153 = arith.constant 1 : i32
      %max3A_154 = vector.broadcast %max3A_153 : i32 to vector<16xi32>
      %max3A_155 = arith.maxsi %sub3A_152, %max3A_154 : vector<16xi32>
      %convert_element_type3A_156 = arith.sitofp %max3A_155 : vector<16xi32> to vector<16xf32>
      %get3A_157 = arith.index_cast %mul3A_142 : i32 to index
      %get3A_158 = tpu.vector_load %arg13[%get3A_157] {strides = array<i32>} : memref<10000xf32, #tpu.memory_space<vmem>>, vector<16xf32>,
      %gt3A_159 = arith.constant 1 : i32
      %gt3A_160 = vector.broadcast %gt3A_159 : i32 to vector<16xi32>
      %gt3A_161 = arith.cmpi sgt, %sub3A_149, %gt3A_160 : vector<16xi32>
      %max3A_162 = arith.constant 1.000000e+00 : f32
      %max3A_163 = vector.broadcast %max3A_162 : f32 to vector<16xf32>
      %max3A_164 = arith.maximumf %get3A_158, %max3A_163 : vector<16xf32>
      %div3A_165 = arith.divf %max3A_164, %convert_element_type3A_156 : vector<16xf32>
      %jit3A_166 = arith.constant 0.000000e+00 : f32
      %broadcast_in_dim3A_167 = vector.broadcast %jit3A_166 : f32 to vector<16xf32>
      %select_n3A_168 = arith.select %gt3A_161, %div3A_165, %broadcast_in_dim3A_167 : vector<16xi1>, vector<16xf32>
      %swap3A_169 = arith.index_cast %mul3A_142 : i32 to index
      %swap3A_170 = tpu.vector_load %arg15[%swap3A_169] {strides = array<i32>} : memref<10000xf32, #tpu.memory_space<vmem>>, vector<16xf32>,
      tpu.vector_store %arg15[%swap3A_169], %select_n3A_168 {strides = array<i32>} : memref<10000xf32, #tpu.memory_space<vmem>>, vector<16xf32>,
      %mul3A_171 = arith.constant 4 : i32
      %mul3A_172 = arith.muli %scan3A_75, %mul3A_171 : i32
      %add3A_173 = arith.constant 3 : i32
      %add3A_174 = arith.addi %mul3A_172, %add3A_173 : i32
      %mul3A_175 = arith.constant 16 : i32
      %mul3A_176 = arith.muli %add3A_174, %mul3A_175 : i32
      %get3A_177 = arith.index_cast %mul3A_176 : i32 to index
      %get3A_178 = tpu.vector_load %arg11[%get3A_177] {strides = array<i32>} : memref<10000xi32, #tpu.memory_space<vmem>>, vector<16xi32>,
      %add3A_179 = arith.constant 1 : i32
      %add3A_180 = arith.addi %mul3A_176, %add3A_179 : i32
      %get3A_181 = arith.index_cast %add3A_180 : i32 to index
      %get3A_182 = tpu.vector_load %arg11[%get3A_181] {strides = array<i32>} : memref<10000xi32, #tpu.memory_space<vmem>>, vector<16xi32>,
      %sub3A_183 = arith.subi %get3A_182, %get3A_178 : vector<16xi32>
      %sub3A_184 = arith.constant 1 : i32
      %sub3A_185 = vector.broadcast %sub3A_184 : i32 to vector<16xi32>
      %sub3A_186 = arith.subi %sub3A_183, %sub3A_185 : vector<16xi32>
      %max3A_187 = arith.constant 1 : i32
      %max3A_188 = vector.broadcast %max3A_187 : i32 to vector<16xi32>
      %max3A_189 = arith.maxsi %sub3A_186, %max3A_188 : vector<16xi32>
      %convert_element_type3A_190 = arith.sitofp %max3A_189 : vector<16xi32> to vector<16xf32>
      %get3A_191 = arith.index_cast %mul3A_176 : i32 to index
      %get3A_192 = tpu.vector_load %arg13[%get3A_191] {strides = array<i32>} : memref<10000xf32, #tpu.memory_space<vmem>>, vector<16xf32>,
      %gt3A_193 = arith.constant 1 : i32
      %gt3A_194 = vector.broadcast %gt3A_193 : i32 to vector<16xi32>
      %gt3A_195 = arith.cmpi sgt, %sub3A_183, %gt3A_194 : vector<16xi32>
      %max3A_196 = arith.constant 1.000000e+00 : f32
      %max3A_197 = vector.broadcast %max3A_196 : f32 to vector<16xf32>
      %max3A_198 = arith.maximumf %get3A_192, %max3A_197 : vector<16xf32>
      %div3A_199 = arith.divf %max3A_198, %convert_element_type3A_190 : vector<16xf32>
      %jit3A_200 = arith.constant 0.000000e+00 : f32
      %broadcast_in_dim3A_201 = vector.broadcast %jit3A_200 : f32 to vector<16xf32>
      %select_n3A_202 = arith.select %gt3A_195, %div3A_199, %broadcast_in_dim3A_201 : vector<16xi1>, vector<16xf32>
      %swap3A_203 = arith.index_cast %mul3A_176 : i32 to index
      %swap3A_204 = tpu.vector_load %arg15[%swap3A_203] {strides = array<i32>} : memref<10000xf32, #tpu.memory_space<vmem>>, vector<16xf32>,
      tpu.vector_store %arg15[%swap3A_203], %select_n3A_202 {strides = array<i32>} : memref<10000xf32, #tpu.memory_space<vmem>>, vector<16xf32>,
      %scan3A_205 = arith.constant 0 : i32
      scf.yield %scan3A_205 : i32
    }
    %scan3A_22 = arith.constant 125 : i32
    "tpu.region"() ({
      %run_scoped3A = tpu.sem_alloc : memref<!tpu.dma_semaphore, #tpu.memory_space<semaphore_mem>>
      %dma_start3A_75 = arith.constant 0 : i32
      %dma_start3A_76 = tpu.memref_slice %arg15[%dma_start3A_75] : memref<10000xf32, #tpu.memory_space<vmem>> -> memref<8000xf32, #tpu.memory_space<vmem>>
      %dma_start3A_77 = tpu.memref_slice %arg17[%add3A_16] : memref<512000xf32, #tpu.memory_space<vmem_shared>> -> memref<8000xf32, #tpu.memory_space<vmem_shared>>
      %dma_start3A_78 = tpu.memref_slice %arg17[%add3A_16] : memref<512000xf32, #tpu.memory_space<vmem_shared>> -> memref<8000xf32, #tpu.memory_space<vmem_shared>>
      %dma_start3A_79 = arith.constant 0 : i32
      %dma_start3A_80 = tpu.memref_slice %arg15[%dma_start3A_79] : memref<10000xf32, #tpu.memory_space<vmem>> -> memref<8000xf32, #tpu.memory_space<vmem>>
      tpu.enqueue_dma source(%dma_start3A_80 : memref<8000xf32, #tpu.memory_space<vmem>>) target(%dma_start3A_78 : memref<8000xf32, #tpu.memory_space<vmem_shared>>) target_semaphore(%run_scoped3A : memref<!tpu.dma_semaphore, #tpu.memory_space<semaphore_mem>>)
      %dma_wait3A_81 = arith.constant 0 : i32
      %dma_wait3A_82 = tpu.memref_slice %arg15[%dma_wait3A_81] : memref<10000xf32, #tpu.memory_space<vmem>> -> memref<8000xf32, #tpu.memory_space<vmem>>
      %dma_wait3A_83 = tpu.memref_slice %arg17[%add3A_16] : memref<512000xf32, #tpu.memory_space<vmem_shared>> -> memref<8000xf32, #tpu.memory_space<vmem_shared>>
      %dma_wait3A_84 = tpu.memref_slice %arg17[%add3A_16] : memref<512000xf32, #tpu.memory_space<vmem_shared>> -> memref<8000xf32, #tpu.memory_space<vmem_shared>>
      %dma_wait3A_85 = arith.constant 0 : i32
      %dma_wait3A_86 = tpu.memref_slice %arg15[%dma_wait3A_85] : memref<10000xf32, #tpu.memory_space<vmem>> -> memref<8000xf32, #tpu.memory_space<vmem>>
      tpu.wait_dma2 semaphore(%run_scoped3A : memref<!tpu.dma_semaphore, #tpu.memory_space<semaphore_mem>>) src(%dma_wait3A_86 : memref<8000xf32, #tpu.memory_space<vmem>>) dst(%dma_wait3A_84 : memref<8000xf32, #tpu.memory_space<vmem_shared>>)
      tpu.yield
    }) : () -> ()
    %mul3A_23 = arith.constant 32000 : i32
    %mul3A_24 = arith.muli %arg1, %mul3A_23 : i32
    %add3A_25 = arith.constant 8000 : i32
    %add3A_26 = arith.addi %mul3A_24, %add3A_25 : i32
    "tpu.region"() ({
      %run_scoped3A = tpu.sem_alloc : memref<!tpu.dma_semaphore, #tpu.memory_space<semaphore_mem>>
      %dma_start3A_75 = arith.constant 0 : i32
      %dma_start3A_76 = tpu.memref_slice %arg11[%dma_start3A_75] : memref<10000xi32, #tpu.memory_space<vmem>> -> memref<8016xi32, #tpu.memory_space<vmem>>
      %dma_start3A_77 = tpu.memref_slice %arg5[%add3A_26] : memref<512024xi32, #tpu.memory_space<hbm>> -> memref<8016xi32, #tpu.memory_space<hbm>>
      %dma_start3A_78 = arith.constant 0 : i32
      %dma_start3A_79 = tpu.memref_slice %arg11[%dma_start3A_78] : memref<10000xi32, #tpu.memory_space<vmem>> -> memref<8016xi32, #tpu.memory_space<vmem>>
      %dma_start3A_80 = tpu.memref_slice %arg5[%add3A_26] : memref<512024xi32, #tpu.memory_space<hbm>> -> memref<8016xi32, #tpu.memory_space<hbm>>
      tpu.enqueue_dma source(%dma_start3A_80 : memref<8016xi32, #tpu.memory_space<hbm>>) target(%dma_start3A_79 : memref<8016xi32, #tpu.memory_space<vmem>>) target_semaphore(%run_scoped3A : memref<!tpu.dma_semaphore, #tpu.memory_space<semaphore_mem>>)
      %dma_wait3A_81 = arith.constant 0 : i32
      %dma_wait3A_82 = tpu.memref_slice %arg11[%dma_wait3A_81] : memref<10000xi32, #tpu.memory_space<vmem>> -> memref<8016xi32, #tpu.memory_space<vmem>>
      %dma_wait3A_83 = tpu.memref_slice %arg5[%add3A_26] : memref<512024xi32, #tpu.memory_space<hbm>> -> memref<8016xi32, #tpu.memory_space<hbm>>
      %dma_wait3A_84 = arith.constant 0 : i32
      %dma_wait3A_85 = tpu.memref_slice %arg11[%dma_wait3A_84] : memref<10000xi32, #tpu.memory_space<vmem>> -> memref<8016xi32, #tpu.memory_space<vmem>>
      %dma_wait3A_86 = tpu.memref_slice %arg5[%add3A_26] : memref<512024xi32, #tpu.memory_space<hbm>> -> memref<8016xi32, #tpu.memory_space<hbm>>
      tpu.wait_dma2 semaphore(%run_scoped3A : memref<!tpu.dma_semaphore, #tpu.memory_space<semaphore_mem>>) src(%dma_wait3A_86 : memref<8016xi32, #tpu.memory_space<hbm>>) dst(%dma_wait3A_85 : memref<8016xi32, #tpu.memory_space<vmem>>)
      tpu.yield
    }) : () -> ()
    "tpu.region"() ({
      %run_scoped3A = tpu.sem_alloc : memref<!tpu.dma_semaphore, #tpu.memory_space<semaphore_mem>>
      %dma_start3A_75 = arith.constant 0 : i32
      %dma_start3A_76 = tpu.memref_slice %arg13[%dma_start3A_75] : memref<10000xf32, #tpu.memory_space<vmem>> -> memref<8000xf32, #tpu.memory_space<vmem>>
      %dma_start3A_77 = tpu.memref_slice %arg4[%add3A_26] : memref<512000xf32, #tpu.memory_space<hbm>> -> memref<8000xf32, #tpu.memory_space<hbm>>
      %dma_start3A_78 = arith.constant 0 : i32
      %dma_start3A_79 = tpu.memref_slice %arg13[%dma_start3A_78] : memref<10000xf32, #tpu.memory_space<vmem>> -> memref<8000xf32, #tpu.memory_space<vmem>>
      %dma_start3A_80 = tpu.memref_slice %arg4[%add3A_26] : memref<512000xf32, #tpu.memory_space<hbm>> -> memref<8000xf32, #tpu.memory_space<hbm>>
      tpu.enqueue_dma source(%dma_start3A_80 : memref<8000xf32, #tpu.memory_space<hbm>>) target(%dma_start3A_79 : memref<8000xf32, #tpu.memory_space<vmem>>) target_semaphore(%run_scoped3A : memref<!tpu.dma_semaphore, #tpu.memory_space<semaphore_mem>>)
      %dma_wait3A_81 = arith.constant 0 : i32
      %dma_wait3A_82 = tpu.memref_slice %arg13[%dma_wait3A_81] : memref<10000xf32, #tpu.memory_space<vmem>> -> memref<8000xf32, #tpu.memory_space<vmem>>
      %dma_wait3A_83 = tpu.memref_slice %arg4[%add3A_26] : memref<512000xf32, #tpu.memory_space<hbm>> -> memref<8000xf32, #tpu.memory_space<hbm>>
      %dma_wait3A_84 = arith.constant 0 : i32
      %dma_wait3A_85 = tpu.memref_slice %arg13[%dma_wait3A_84] : memref<10000xf32, #tpu.memory_space<vmem>> -> memref<8000xf32, #tpu.memory_space<vmem>>
      %dma_wait3A_86 = tpu.memref_slice %arg4[%add3A_26] : memref<512000xf32, #tpu.memory_space<hbm>> -> memref<8000xf32, #tpu.memory_space<hbm>>
      tpu.wait_dma2 semaphore(%run_scoped3A : memref<!tpu.dma_semaphore, #tpu.memory_space<semaphore_mem>>) src(%dma_wait3A_86 : memref<8000xf32, #tpu.memory_space<hbm>>) dst(%dma_wait3A_85 : memref<8000xf32, #tpu.memory_space<vmem>>)
      tpu.yield
    }) : () -> ()
    %scan3A_27 = arith.constant 0 : i32
    %scan3A_28 = arith.constant 0 : i32
    %scan3A_29 = arith.constant 125 : i32
    %scan3A_30 = arith.addi %scan3A_28, %scan3A_29 : i32
    %scan3A_31 = arith.constant 1 : i32
    %scan3A_32 = scf.for %scan3A_75 = %scan3A_28 to %scan3A_30 step %scan3A_31 iter_args(%scan3A_76 = %scan3A_27) -> (i32)  : i32 {
      %mul3A_77 = arith.constant 4 : i32
      %mul3A_78 = arith.muli %scan3A_75, %mul3A_77 : i32
      %add3A_79 = arith.constant 0 : i32
      %add3A_80 = arith.addi %mul3A_78, %add3A_79 : i32
      %mul3A_81 = arith.constant 16 : i32
      %mul3A_82 = arith.muli %add3A_80, %mul3A_81 : i32
      %get3A = arith.index_cast %mul3A_82 : i32 to index
      %get3A_83 = tpu.vector_load %arg11[%get3A] {strides = array<i32>} : memref<10000xi32, #tpu.memory_space<vmem>>, vector<16xi32>,
      %add3A_84 = arith.constant 1 : i32
      %add3A_85 = arith.addi %mul3A_82, %add3A_84 : i32
      %get3A_86 = arith.index_cast %add3A_85 : i32 to index
      %get3A_87 = tpu.vector_load %arg11[%get3A_86] {strides = array<i32>} : memref<10000xi32, #tpu.memory_space<vmem>>, vector<16xi32>,
      %sub3A = arith.subi %get3A_87, %get3A_83 : vector<16xi32>
      %sub3A_88 = arith.constant 1 : i32
      %sub3A_89 = vector.broadcast %sub3A_88 : i32 to vector<16xi32>
      %sub3A_90 = arith.subi %sub3A, %sub3A_89 : vector<16xi32>
      %max3A = arith.constant 1 : i32
      %max3A_91 = vector.broadcast %max3A : i32 to vector<16xi32>
      %max3A_92 = arith.maxsi %sub3A_90, %max3A_91 : vector<16xi32>
      %convert_element_type3A = arith.sitofp %max3A_92 : vector<16xi32> to vector<16xf32>
      %get3A_93 = arith.index_cast %mul3A_82 : i32 to index
      %get3A_94 = tpu.vector_load %arg13[%get3A_93] {strides = array<i32>} : memref<10000xf32, #tpu.memory_space<vmem>>, vector<16xf32>,
      %gt3A = arith.constant 1 : i32
      %gt3A_95 = vector.broadcast %gt3A : i32 to vector<16xi32>
      %gt3A_96 = arith.cmpi sgt, %sub3A, %gt3A_95 : vector<16xi32>
      %max3A_97 = arith.constant 1.000000e+00 : f32
      %max3A_98 = vector.broadcast %max3A_97 : f32 to vector<16xf32>
      %max3A_99 = arith.maximumf %get3A_94, %max3A_98 : vector<16xf32>
      %div3A = arith.divf %max3A_99, %convert_element_type3A : vector<16xf32>
      %jit3A = arith.constant 0.000000e+00 : f32
      %broadcast_in_dim3A_100 = vector.broadcast %jit3A : f32 to vector<16xf32>
      %select_n3A = arith.select %gt3A_96, %div3A, %broadcast_in_dim3A_100 : vector<16xi1>, vector<16xf32>
      %swap3A_101 = arith.index_cast %mul3A_82 : i32 to index
      %swap3A_102 = tpu.vector_load %arg15[%swap3A_101] {strides = array<i32>} : memref<10000xf32, #tpu.memory_space<vmem>>, vector<16xf32>,
      tpu.vector_store %arg15[%swap3A_101], %select_n3A {strides = array<i32>} : memref<10000xf32, #tpu.memory_space<vmem>>, vector<16xf32>,
      %mul3A_103 = arith.constant 4 : i32
      %mul3A_104 = arith.muli %scan3A_75, %mul3A_103 : i32
      %add3A_105 = arith.constant 1 : i32
      %add3A_106 = arith.addi %mul3A_104, %add3A_105 : i32
      %mul3A_107 = arith.constant 16 : i32
      %mul3A_108 = arith.muli %add3A_106, %mul3A_107 : i32
      %get3A_109 = arith.index_cast %mul3A_108 : i32 to index
      %get3A_110 = tpu.vector_load %arg11[%get3A_109] {strides = array<i32>} : memref<10000xi32, #tpu.memory_space<vmem>>, vector<16xi32>,
      %add3A_111 = arith.constant 1 : i32
      %add3A_112 = arith.addi %mul3A_108, %add3A_111 : i32
      %get3A_113 = arith.index_cast %add3A_112 : i32 to index
      %get3A_114 = tpu.vector_load %arg11[%get3A_113] {strides = array<i32>} : memref<10000xi32, #tpu.memory_space<vmem>>, vector<16xi32>,
      %sub3A_115 = arith.subi %get3A_114, %get3A_110 : vector<16xi32>
      %sub3A_116 = arith.constant 1 : i32
      %sub3A_117 = vector.broadcast %sub3A_116 : i32 to vector<16xi32>
      %sub3A_118 = arith.subi %sub3A_115, %sub3A_117 : vector<16xi32>
      %max3A_119 = arith.constant 1 : i32
      %max3A_120 = vector.broadcast %max3A_119 : i32 to vector<16xi32>
      %max3A_121 = arith.maxsi %sub3A_118, %max3A_120 : vector<16xi32>
      %convert_element_type3A_122 = arith.sitofp %max3A_121 : vector<16xi32> to vector<16xf32>
      %get3A_123 = arith.index_cast %mul3A_108 : i32 to index
      %get3A_124 = tpu.vector_load %arg13[%get3A_123] {strides = array<i32>} : memref<10000xf32, #tpu.memory_space<vmem>>, vector<16xf32>,
      %gt3A_125 = arith.constant 1 : i32
      %gt3A_126 = vector.broadcast %gt3A_125 : i32 to vector<16xi32>
      %gt3A_127 = arith.cmpi sgt, %sub3A_115, %gt3A_126 : vector<16xi32>
      %max3A_128 = arith.constant 1.000000e+00 : f32
      %max3A_129 = vector.broadcast %max3A_128 : f32 to vector<16xf32>
      %max3A_130 = arith.maximumf %get3A_124, %max3A_129 : vector<16xf32>
      %div3A_131 = arith.divf %max3A_130, %convert_element_type3A_122 : vector<16xf32>
      %jit3A_132 = arith.constant 0.000000e+00 : f32
      %broadcast_in_dim3A_133 = vector.broadcast %jit3A_132 : f32 to vector<16xf32>
      %select_n3A_134 = arith.select %gt3A_127, %div3A_131, %broadcast_in_dim3A_133 : vector<16xi1>, vector<16xf32>
      %swap3A_135 = arith.index_cast %mul3A_108 : i32 to index
      %swap3A_136 = tpu.vector_load %arg15[%swap3A_135] {strides = array<i32>} : memref<10000xf32, #tpu.memory_space<vmem>>, vector<16xf32>,
      tpu.vector_store %arg15[%swap3A_135], %select_n3A_134 {strides = array<i32>} : memref<10000xf32, #tpu.memory_space<vmem>>, vector<16xf32>,
      %mul3A_137 = arith.constant 4 : i32
      %mul3A_138 = arith.muli %scan3A_75, %mul3A_137 : i32
      %add3A_139 = arith.constant 2 : i32
      %add3A_140 = arith.addi %mul3A_138, %add3A_139 : i32
      %mul3A_141 = arith.constant 16 : i32
      %mul3A_142 = arith.muli %add3A_140, %mul3A_141 : i32
      %get3A_143 = arith.index_cast %mul3A_142 : i32 to index
      %get3A_144 = tpu.vector_load %arg11[%get3A_143] {strides = array<i32>} : memref<10000xi32, #tpu.memory_space<vmem>>, vector<16xi32>,
      %add3A_145 = arith.constant 1 : i32
      %add3A_146 = arith.addi %mul3A_142, %add3A_145 : i32
      %get3A_147 = arith.index_cast %add3A_146 : i32 to index
      %get3A_148 = tpu.vector_load %arg11[%get3A_147] {strides = array<i32>} : memref<10000xi32, #tpu.memory_space<vmem>>, vector<16xi32>,
      %sub3A_149 = arith.subi %get3A_148, %get3A_144 : vector<16xi32>
      %sub3A_150 = arith.constant 1 : i32
      %sub3A_151 = vector.broadcast %sub3A_150 : i32 to vector<16xi32>
      %sub3A_152 = arith.subi %sub3A_149, %sub3A_151 : vector<16xi32>
      %max3A_153 = arith.constant 1 : i32
      %max3A_154 = vector.broadcast %max3A_153 : i32 to vector<16xi32>
      %max3A_155 = arith.maxsi %sub3A_152, %max3A_154 : vector<16xi32>
      %convert_element_type3A_156 = arith.sitofp %max3A_155 : vector<16xi32> to vector<16xf32>
      %get3A_157 = arith.index_cast %mul3A_142 : i32 to index
      %get3A_158 = tpu.vector_load %arg13[%get3A_157] {strides = array<i32>} : memref<10000xf32, #tpu.memory_space<vmem>>, vector<16xf32>,
      %gt3A_159 = arith.constant 1 : i32
      %gt3A_160 = vector.broadcast %gt3A_159 : i32 to vector<16xi32>
      %gt3A_161 = arith.cmpi sgt, %sub3A_149, %gt3A_160 : vector<16xi32>
      %max3A_162 = arith.constant 1.000000e+00 : f32
      %max3A_163 = vector.broadcast %max3A_162 : f32 to vector<16xf32>
      %max3A_164 = arith.maximumf %get3A_158, %max3A_163 : vector<16xf32>
      %div3A_165 = arith.divf %max3A_164, %convert_element_type3A_156 : vector<16xf32>
      %jit3A_166 = arith.constant 0.000000e+00 : f32
      %broadcast_in_dim3A_167 = vector.broadcast %jit3A_166 : f32 to vector<16xf32>
      %select_n3A_168 = arith.select %gt3A_161, %div3A_165, %broadcast_in_dim3A_167 : vector<16xi1>, vector<16xf32>
      %swap3A_169 = arith.index_cast %mul3A_142 : i32 to index
      %swap3A_170 = tpu.vector_load %arg15[%swap3A_169] {strides = array<i32>} : memref<10000xf32, #tpu.memory_space<vmem>>, vector<16xf32>,
      tpu.vector_store %arg15[%swap3A_169], %select_n3A_168 {strides = array<i32>} : memref<10000xf32, #tpu.memory_space<vmem>>, vector<16xf32>,
      %mul3A_171 = arith.constant 4 : i32
      %mul3A_172 = arith.muli %scan3A_75, %mul3A_171 : i32
      %add3A_173 = arith.constant 3 : i32
      %add3A_174 = arith.addi %mul3A_172, %add3A_173 : i32
      %mul3A_175 = arith.constant 16 : i32
      %mul3A_176 = arith.muli %add3A_174, %mul3A_175 : i32
      %get3A_177 = arith.index_cast %mul3A_176 : i32 to index
      %get3A_178 = tpu.vector_load %arg11[%get3A_177] {strides = array<i32>} : memref<10000xi32, #tpu.memory_space<vmem>>, vector<16xi32>,
      %add3A_179 = arith.constant 1 : i32
      %add3A_180 = arith.addi %mul3A_176, %add3A_179 : i32
      %get3A_181 = arith.index_cast %add3A_180 : i32 to index
      %get3A_182 = tpu.vector_load %arg11[%get3A_181] {strides = array<i32>} : memref<10000xi32, #tpu.memory_space<vmem>>, vector<16xi32>,
      %sub3A_183 = arith.subi %get3A_182, %get3A_178 : vector<16xi32>
      %sub3A_184 = arith.constant 1 : i32
      %sub3A_185 = vector.broadcast %sub3A_184 : i32 to vector<16xi32>
      %sub3A_186 = arith.subi %sub3A_183, %sub3A_185 : vector<16xi32>
      %max3A_187 = arith.constant 1 : i32
      %max3A_188 = vector.broadcast %max3A_187 : i32 to vector<16xi32>
      %max3A_189 = arith.maxsi %sub3A_186, %max3A_188 : vector<16xi32>
      %convert_element_type3A_190 = arith.sitofp %max3A_189 : vector<16xi32> to vector<16xf32>
      %get3A_191 = arith.index_cast %mul3A_176 : i32 to index
      %get3A_192 = tpu.vector_load %arg13[%get3A_191] {strides = array<i32>} : memref<10000xf32, #tpu.memory_space<vmem>>, vector<16xf32>,
      %gt3A_193 = arith.constant 1 : i32
      %gt3A_194 = vector.broadcast %gt3A_193 : i32 to vector<16xi32>
      %gt3A_195 = arith.cmpi sgt, %sub3A_183, %gt3A_194 : vector<16xi32>
      %max3A_196 = arith.constant 1.000000e+00 : f32
      %max3A_197 = vector.broadcast %max3A_196 : f32 to vector<16xf32>
      %max3A_198 = arith.maximumf %get3A_192, %max3A_197 : vector<16xf32>
      %div3A_199 = arith.divf %max3A_198, %convert_element_type3A_190 : vector<16xf32>
      %jit3A_200 = arith.constant 0.000000e+00 : f32
      %broadcast_in_dim3A_201 = vector.broadcast %jit3A_200 : f32 to vector<16xf32>
      %select_n3A_202 = arith.select %gt3A_195, %div3A_199, %broadcast_in_dim3A_201 : vector<16xi1>, vector<16xf32>
      %swap3A_203 = arith.index_cast %mul3A_176 : i32 to index
      %swap3A_204 = tpu.vector_load %arg15[%swap3A_203] {strides = array<i32>} : memref<10000xf32, #tpu.memory_space<vmem>>, vector<16xf32>,
      tpu.vector_store %arg15[%swap3A_203], %select_n3A_202 {strides = array<i32>} : memref<10000xf32, #tpu.memory_space<vmem>>, vector<16xf32>,
      %scan3A_205 = arith.constant 0 : i32
      scf.yield %scan3A_205 : i32
    }
    %scan3A_33 = arith.constant 125 : i32
    "tpu.region"() ({
      %run_scoped3A = tpu.sem_alloc : memref<!tpu.dma_semaphore, #tpu.memory_space<semaphore_mem>>
      %dma_start3A_75 = arith.constant 0 : i32
      %dma_start3A_76 = tpu.memref_slice %arg15[%dma_start3A_75] : memref<10000xf32, #tpu.memory_space<vmem>> -> memref<8000xf32, #tpu.memory_space<vmem>>
      %dma_start3A_77 = tpu.memref_slice %arg17[%add3A_26] : memref<512000xf32, #tpu.memory_space<vmem_shared>> -> memref<8000xf32, #tpu.memory_space<vmem_shared>>
      %dma_start3A_78 = tpu.memref_slice %arg17[%add3A_26] : memref<512000xf32, #tpu.memory_space<vmem_shared>> -> memref<8000xf32, #tpu.memory_space<vmem_shared>>
      %dma_start3A_79 = arith.constant 0 : i32
      %dma_start3A_80 = tpu.memref_slice %arg15[%dma_start3A_79] : memref<10000xf32, #tpu.memory_space<vmem>> -> memref<8000xf32, #tpu.memory_space<vmem>>
      tpu.enqueue_dma source(%dma_start3A_80 : memref<8000xf32, #tpu.memory_space<vmem>>) target(%dma_start3A_78 : memref<8000xf32, #tpu.memory_space<vmem_shared>>) target_semaphore(%run_scoped3A : memref<!tpu.dma_semaphore, #tpu.memory_space<semaphore_mem>>)
      %dma_wait3A_81 = arith.constant 0 : i32
      %dma_wait3A_82 = tpu.memref_slice %arg15[%dma_wait3A_81] : memref<10000xf32, #tpu.memory_space<vmem>> -> memref<8000xf32, #tpu.memory_space<vmem>>
      %dma_wait3A_83 = tpu.memref_slice %arg17[%add3A_26] : memref<512000xf32, #tpu.memory_space<vmem_shared>> -> memref<8000xf32, #tpu.memory_space<vmem_shared>>
      %dma_wait3A_84 = tpu.memref_slice %arg17[%add3A_26] : memref<512000xf32, #tpu.memory_space<vmem_shared>> -> memref<8000xf32, #tpu.memory_space<vmem_shared>>
      %dma_wait3A_85 = arith.constant 0 : i32
      %dma_wait3A_86 = tpu.memref_slice %arg15[%dma_wait3A_85] : memref<10000xf32, #tpu.memory_space<vmem>> -> memref<8000xf32, #tpu.memory_space<vmem>>
      tpu.wait_dma2 semaphore(%run_scoped3A : memref<!tpu.dma_semaphore, #tpu.memory_space<semaphore_mem>>) src(%dma_wait3A_86 : memref<8000xf32, #tpu.memory_space<vmem>>) dst(%dma_wait3A_84 : memref<8000xf32, #tpu.memory_space<vmem_shared>>)
      tpu.yield
    }) : () -> ()
    %mul3A_34 = arith.constant 32000 : i32
    %mul3A_35 = arith.muli %arg1, %mul3A_34 : i32
    %add3A_36 = arith.constant 16000 : i32
    %add3A_37 = arith.addi %mul3A_35, %add3A_36 : i32
    "tpu.region"() ({
      %run_scoped3A = tpu.sem_alloc : memref<!tpu.dma_semaphore, #tpu.memory_space<semaphore_mem>>
      %dma_start3A_75 = arith.constant 0 : i32
      %dma_start3A_76 = tpu.memref_slice %arg11[%dma_start3A_75] : memref<10000xi32, #tpu.memory_space<vmem>> -> memref<8016xi32, #tpu.memory_space<vmem>>
      %dma_start3A_77 = tpu.memref_slice %arg5[%add3A_37] : memref<512024xi32, #tpu.memory_space<hbm>> -> memref<8016xi32, #tpu.memory_space<hbm>>
      %dma_start3A_78 = arith.constant 0 : i32
      %dma_start3A_79 = tpu.memref_slice %arg11[%dma_start3A_78] : memref<10000xi32, #tpu.memory_space<vmem>> -> memref<8016xi32, #tpu.memory_space<vmem>>
      %dma_start3A_80 = tpu.memref_slice %arg5[%add3A_37] : memref<512024xi32, #tpu.memory_space<hbm>> -> memref<8016xi32, #tpu.memory_space<hbm>>
      tpu.enqueue_dma source(%dma_start3A_80 : memref<8016xi32, #tpu.memory_space<hbm>>) target(%dma_start3A_79 : memref<8016xi32, #tpu.memory_space<vmem>>) target_semaphore(%run_scoped3A : memref<!tpu.dma_semaphore, #tpu.memory_space<semaphore_mem>>)
      %dma_wait3A_81 = arith.constant 0 : i32
      %dma_wait3A_82 = tpu.memref_slice %arg11[%dma_wait3A_81] : memref<10000xi32, #tpu.memory_space<vmem>> -> memref<8016xi32, #tpu.memory_space<vmem>>
      %dma_wait3A_83 = tpu.memref_slice %arg5[%add3A_37] : memref<512024xi32, #tpu.memory_space<hbm>> -> memref<8016xi32, #tpu.memory_space<hbm>>
      %dma_wait3A_84 = arith.constant 0 : i32
      %dma_wait3A_85 = tpu.memref_slice %arg11[%dma_wait3A_84] : memref<10000xi32, #tpu.memory_space<vmem>> -> memref<8016xi32, #tpu.memory_space<vmem>>
      %dma_wait3A_86 = tpu.memref_slice %arg5[%add3A_37] : memref<512024xi32, #tpu.memory_space<hbm>> -> memref<8016xi32, #tpu.memory_space<hbm>>
      tpu.wait_dma2 semaphore(%run_scoped3A : memref<!tpu.dma_semaphore, #tpu.memory_space<semaphore_mem>>) src(%dma_wait3A_86 : memref<8016xi32, #tpu.memory_space<hbm>>) dst(%dma_wait3A_85 : memref<8016xi32, #tpu.memory_space<vmem>>)
      tpu.yield
    }) : () -> ()
    "tpu.region"() ({
      %run_scoped3A = tpu.sem_alloc : memref<!tpu.dma_semaphore, #tpu.memory_space<semaphore_mem>>
      %dma_start3A_75 = arith.constant 0 : i32
      %dma_start3A_76 = tpu.memref_slice %arg13[%dma_start3A_75] : memref<10000xf32, #tpu.memory_space<vmem>> -> memref<8000xf32, #tpu.memory_space<vmem>>
      %dma_start3A_77 = tpu.memref_slice %arg4[%add3A_37] : memref<512000xf32, #tpu.memory_space<hbm>> -> memref<8000xf32, #tpu.memory_space<hbm>>
      %dma_start3A_78 = arith.constant 0 : i32
      %dma_start3A_79 = tpu.memref_slice %arg13[%dma_start3A_78] : memref<10000xf32, #tpu.memory_space<vmem>> -> memref<8000xf32, #tpu.memory_space<vmem>>
      %dma_start3A_80 = tpu.memref_slice %arg4[%add3A_37] : memref<512000xf32, #tpu.memory_space<hbm>> -> memref<8000xf32, #tpu.memory_space<hbm>>
      tpu.enqueue_dma source(%dma_start3A_80 : memref<8000xf32, #tpu.memory_space<hbm>>) target(%dma_start3A_79 : memref<8000xf32, #tpu.memory_space<vmem>>) target_semaphore(%run_scoped3A : memref<!tpu.dma_semaphore, #tpu.memory_space<semaphore_mem>>)
      %dma_wait3A_81 = arith.constant 0 : i32
      %dma_wait3A_82 = tpu.memref_slice %arg13[%dma_wait3A_81] : memref<10000xf32, #tpu.memory_space<vmem>> -> memref<8000xf32, #tpu.memory_space<vmem>>
      %dma_wait3A_83 = tpu.memref_slice %arg4[%add3A_37] : memref<512000xf32, #tpu.memory_space<hbm>> -> memref<8000xf32, #tpu.memory_space<hbm>>
      %dma_wait3A_84 = arith.constant 0 : i32
      %dma_wait3A_85 = tpu.memref_slice %arg13[%dma_wait3A_84] : memref<10000xf32, #tpu.memory_space<vmem>> -> memref<8000xf32, #tpu.memory_space<vmem>>
      %dma_wait3A_86 = tpu.memref_slice %arg4[%add3A_37] : memref<512000xf32, #tpu.memory_space<hbm>> -> memref<8000xf32, #tpu.memory_space<hbm>>
      tpu.wait_dma2 semaphore(%run_scoped3A : memref<!tpu.dma_semaphore, #tpu.memory_space<semaphore_mem>>) src(%dma_wait3A_86 : memref<8000xf32, #tpu.memory_space<hbm>>) dst(%dma_wait3A_85 : memref<8000xf32, #tpu.memory_space<vmem>>)
      tpu.yield
    }) : () -> ()
    %scan3A_38 = arith.constant 0 : i32
    %scan3A_39 = arith.constant 0 : i32
    %scan3A_40 = arith.constant 125 : i32
    %scan3A_41 = arith.addi %scan3A_39, %scan3A_40 : i32
    %scan3A_42 = arith.constant 1 : i32
    %scan3A_43 = scf.for %scan3A_75 = %scan3A_39 to %scan3A_41 step %scan3A_42 iter_args(%scan3A_76 = %scan3A_38) -> (i32)  : i32 {
      %mul3A_77 = arith.constant 4 : i32
      %mul3A_78 = arith.muli %scan3A_75, %mul3A_77 : i32
      %add3A_79 = arith.constant 0 : i32
      %add3A_80 = arith.addi %mul3A_78, %add3A_79 : i32
      %mul3A_81 = arith.constant 16 : i32
      %mul3A_82 = arith.muli %add3A_80, %mul3A_81 : i32
      %get3A = arith.index_cast %mul3A_82 : i32 to index
      %get3A_83 = tpu.vector_load %arg11[%get3A] {strides = array<i32>} : memref<10000xi32, #tpu.memory_space<vmem>>, vector<16xi32>,
      %add3A_84 = arith.constant 1 : i32
      %add3A_85 = arith.addi %mul3A_82, %add3A_84 : i32
      %get3A_86 = arith.index_cast %add3A_85 : i32 to index
      %get3A_87 = tpu.vector_load %arg11[%get3A_86] {strides = array<i32>} : memref<10000xi32, #tpu.memory_space<vmem>>, vector<16xi32>,
      %sub3A = arith.subi %get3A_87, %get3A_83 : vector<16xi32>
      %sub3A_88 = arith.constant 1 : i32
      %sub3A_89 = vector.broadcast %sub3A_88 : i32 to vector<16xi32>
      %sub3A_90 = arith.subi %sub3A, %sub3A_89 : vector<16xi32>
      %max3A = arith.constant 1 : i32
      %max3A_91 = vector.broadcast %max3A : i32 to vector<16xi32>
      %max3A_92 = arith.maxsi %sub3A_90, %max3A_91 : vector<16xi32>
      %convert_element_type3A = arith.sitofp %max3A_92 : vector<16xi32> to vector<16xf32>
      %get3A_93 = arith.index_cast %mul3A_82 : i32 to index
      %get3A_94 = tpu.vector_load %arg13[%get3A_93] {strides = array<i32>} : memref<10000xf32, #tpu.memory_space<vmem>>, vector<16xf32>,
      %gt3A = arith.constant 1 : i32
      %gt3A_95 = vector.broadcast %gt3A : i32 to vector<16xi32>
      %gt3A_96 = arith.cmpi sgt, %sub3A, %gt3A_95 : vector<16xi32>
      %max3A_97 = arith.constant 1.000000e+00 : f32
      %max3A_98 = vector.broadcast %max3A_97 : f32 to vector<16xf32>
      %max3A_99 = arith.maximumf %get3A_94, %max3A_98 : vector<16xf32>
      %div3A = arith.divf %max3A_99, %convert_element_type3A : vector<16xf32>
      %jit3A = arith.constant 0.000000e+00 : f32
      %broadcast_in_dim3A_100 = vector.broadcast %jit3A : f32 to vector<16xf32>
      %select_n3A = arith.select %gt3A_96, %div3A, %broadcast_in_dim3A_100 : vector<16xi1>, vector<16xf32>
      %swap3A_101 = arith.index_cast %mul3A_82 : i32 to index
      %swap3A_102 = tpu.vector_load %arg15[%swap3A_101] {strides = array<i32>} : memref<10000xf32, #tpu.memory_space<vmem>>, vector<16xf32>,
      tpu.vector_store %arg15[%swap3A_101], %select_n3A {strides = array<i32>} : memref<10000xf32, #tpu.memory_space<vmem>>, vector<16xf32>,
      %mul3A_103 = arith.constant 4 : i32
      %mul3A_104 = arith.muli %scan3A_75, %mul3A_103 : i32
      %add3A_105 = arith.constant 1 : i32
      %add3A_106 = arith.addi %mul3A_104, %add3A_105 : i32
      %mul3A_107 = arith.constant 16 : i32
      %mul3A_108 = arith.muli %add3A_106, %mul3A_107 : i32
      %get3A_109 = arith.index_cast %mul3A_108 : i32 to index
      %get3A_110 = tpu.vector_load %arg11[%get3A_109] {strides = array<i32>} : memref<10000xi32, #tpu.memory_space<vmem>>, vector<16xi32>,
      %add3A_111 = arith.constant 1 : i32
      %add3A_112 = arith.addi %mul3A_108, %add3A_111 : i32
      %get3A_113 = arith.index_cast %add3A_112 : i32 to index
      %get3A_114 = tpu.vector_load %arg11[%get3A_113] {strides = array<i32>} : memref<10000xi32, #tpu.memory_space<vmem>>, vector<16xi32>,
      %sub3A_115 = arith.subi %get3A_114, %get3A_110 : vector<16xi32>
      %sub3A_116 = arith.constant 1 : i32
      %sub3A_117 = vector.broadcast %sub3A_116 : i32 to vector<16xi32>
      %sub3A_118 = arith.subi %sub3A_115, %sub3A_117 : vector<16xi32>
      %max3A_119 = arith.constant 1 : i32
      %max3A_120 = vector.broadcast %max3A_119 : i32 to vector<16xi32>
      %max3A_121 = arith.maxsi %sub3A_118, %max3A_120 : vector<16xi32>
      %convert_element_type3A_122 = arith.sitofp %max3A_121 : vector<16xi32> to vector<16xf32>
      %get3A_123 = arith.index_cast %mul3A_108 : i32 to index
      %get3A_124 = tpu.vector_load %arg13[%get3A_123] {strides = array<i32>} : memref<10000xf32, #tpu.memory_space<vmem>>, vector<16xf32>,
      %gt3A_125 = arith.constant 1 : i32
      %gt3A_126 = vector.broadcast %gt3A_125 : i32 to vector<16xi32>
      %gt3A_127 = arith.cmpi sgt, %sub3A_115, %gt3A_126 : vector<16xi32>
      %max3A_128 = arith.constant 1.000000e+00 : f32
      %max3A_129 = vector.broadcast %max3A_128 : f32 to vector<16xf32>
      %max3A_130 = arith.maximumf %get3A_124, %max3A_129 : vector<16xf32>
      %div3A_131 = arith.divf %max3A_130, %convert_element_type3A_122 : vector<16xf32>
      %jit3A_132 = arith.constant 0.000000e+00 : f32
      %broadcast_in_dim3A_133 = vector.broadcast %jit3A_132 : f32 to vector<16xf32>
      %select_n3A_134 = arith.select %gt3A_127, %div3A_131, %broadcast_in_dim3A_133 : vector<16xi1>, vector<16xf32>
      %swap3A_135 = arith.index_cast %mul3A_108 : i32 to index
      %swap3A_136 = tpu.vector_load %arg15[%swap3A_135] {strides = array<i32>} : memref<10000xf32, #tpu.memory_space<vmem>>, vector<16xf32>,
      tpu.vector_store %arg15[%swap3A_135], %select_n3A_134 {strides = array<i32>} : memref<10000xf32, #tpu.memory_space<vmem>>, vector<16xf32>,
      %mul3A_137 = arith.constant 4 : i32
      %mul3A_138 = arith.muli %scan3A_75, %mul3A_137 : i32
      %add3A_139 = arith.constant 2 : i32
      %add3A_140 = arith.addi %mul3A_138, %add3A_139 : i32
      %mul3A_141 = arith.constant 16 : i32
      %mul3A_142 = arith.muli %add3A_140, %mul3A_141 : i32
      %get3A_143 = arith.index_cast %mul3A_142 : i32 to index
      %get3A_144 = tpu.vector_load %arg11[%get3A_143] {strides = array<i32>} : memref<10000xi32, #tpu.memory_space<vmem>>, vector<16xi32>,
      %add3A_145 = arith.constant 1 : i32
      %add3A_146 = arith.addi %mul3A_142, %add3A_145 : i32
      %get3A_147 = arith.index_cast %add3A_146 : i32 to index
      %get3A_148 = tpu.vector_load %arg11[%get3A_147] {strides = array<i32>} : memref<10000xi32, #tpu.memory_space<vmem>>, vector<16xi32>,
      %sub3A_149 = arith.subi %get3A_148, %get3A_144 : vector<16xi32>
      %sub3A_150 = arith.constant 1 : i32
      %sub3A_151 = vector.broadcast %sub3A_150 : i32 to vector<16xi32>
      %sub3A_152 = arith.subi %sub3A_149, %sub3A_151 : vector<16xi32>
      %max3A_153 = arith.constant 1 : i32
      %max3A_154 = vector.broadcast %max3A_153 : i32 to vector<16xi32>
      %max3A_155 = arith.maxsi %sub3A_152, %max3A_154 : vector<16xi32>
      %convert_element_type3A_156 = arith.sitofp %max3A_155 : vector<16xi32> to vector<16xf32>
      %get3A_157 = arith.index_cast %mul3A_142 : i32 to index
      %get3A_158 = tpu.vector_load %arg13[%get3A_157] {strides = array<i32>} : memref<10000xf32, #tpu.memory_space<vmem>>, vector<16xf32>,
      %gt3A_159 = arith.constant 1 : i32
      %gt3A_160 = vector.broadcast %gt3A_159 : i32 to vector<16xi32>
      %gt3A_161 = arith.cmpi sgt, %sub3A_149, %gt3A_160 : vector<16xi32>
      %max3A_162 = arith.constant 1.000000e+00 : f32
      %max3A_163 = vector.broadcast %max3A_162 : f32 to vector<16xf32>
      %max3A_164 = arith.maximumf %get3A_158, %max3A_163 : vector<16xf32>
      %div3A_165 = arith.divf %max3A_164, %convert_element_type3A_156 : vector<16xf32>
      %jit3A_166 = arith.constant 0.000000e+00 : f32
      %broadcast_in_dim3A_167 = vector.broadcast %jit3A_166 : f32 to vector<16xf32>
      %select_n3A_168 = arith.select %gt3A_161, %div3A_165, %broadcast_in_dim3A_167 : vector<16xi1>, vector<16xf32>
      %swap3A_169 = arith.index_cast %mul3A_142 : i32 to index
      %swap3A_170 = tpu.vector_load %arg15[%swap3A_169] {strides = array<i32>} : memref<10000xf32, #tpu.memory_space<vmem>>, vector<16xf32>,
      tpu.vector_store %arg15[%swap3A_169], %select_n3A_168 {strides = array<i32>} : memref<10000xf32, #tpu.memory_space<vmem>>, vector<16xf32>,
      %mul3A_171 = arith.constant 4 : i32
      %mul3A_172 = arith.muli %scan3A_75, %mul3A_171 : i32
      %add3A_173 = arith.constant 3 : i32
      %add3A_174 = arith.addi %mul3A_172, %add3A_173 : i32
      %mul3A_175 = arith.constant 16 : i32
      %mul3A_176 = arith.muli %add3A_174, %mul3A_175 : i32
      %get3A_177 = arith.index_cast %mul3A_176 : i32 to index
      %get3A_178 = tpu.vector_load %arg11[%get3A_177] {strides = array<i32>} : memref<10000xi32, #tpu.memory_space<vmem>>, vector<16xi32>,
      %add3A_179 = arith.constant 1 : i32
      %add3A_180 = arith.addi %mul3A_176, %add3A_179 : i32
      %get3A_181 = arith.index_cast %add3A_180 : i32 to index
      %get3A_182 = tpu.vector_load %arg11[%get3A_181] {strides = array<i32>} : memref<10000xi32, #tpu.memory_space<vmem>>, vector<16xi32>,
      %sub3A_183 = arith.subi %get3A_182, %get3A_178 : vector<16xi32>
      %sub3A_184 = arith.constant 1 : i32
      %sub3A_185 = vector.broadcast %sub3A_184 : i32 to vector<16xi32>
      %sub3A_186 = arith.subi %sub3A_183, %sub3A_185 : vector<16xi32>
      %max3A_187 = arith.constant 1 : i32
      %max3A_188 = vector.broadcast %max3A_187 : i32 to vector<16xi32>
      %max3A_189 = arith.maxsi %sub3A_186, %max3A_188 : vector<16xi32>
      %convert_element_type3A_190 = arith.sitofp %max3A_189 : vector<16xi32> to vector<16xf32>
      %get3A_191 = arith.index_cast %mul3A_176 : i32 to index
      %get3A_192 = tpu.vector_load %arg13[%get3A_191] {strides = array<i32>} : memref<10000xf32, #tpu.memory_space<vmem>>, vector<16xf32>,
      %gt3A_193 = arith.constant 1 : i32
      %gt3A_194 = vector.broadcast %gt3A_193 : i32 to vector<16xi32>
      %gt3A_195 = arith.cmpi sgt, %sub3A_183, %gt3A_194 : vector<16xi32>
      %max3A_196 = arith.constant 1.000000e+00 : f32
      %max3A_197 = vector.broadcast %max3A_196 : f32 to vector<16xf32>
      %max3A_198 = arith.maximumf %get3A_192, %max3A_197 : vector<16xf32>
      %div3A_199 = arith.divf %max3A_198, %convert_element_type3A_190 : vector<16xf32>
      %jit3A_200 = arith.constant 0.000000e+00 : f32
      %broadcast_in_dim3A_201 = vector.broadcast %jit3A_200 : f32 to vector<16xf32>
      %select_n3A_202 = arith.select %gt3A_195, %div3A_199, %broadcast_in_dim3A_201 : vector<16xi1>, vector<16xf32>
      %swap3A_203 = arith.index_cast %mul3A_176 : i32 to index
      %swap3A_204 = tpu.vector_load %arg15[%swap3A_203] {strides = array<i32>} : memref<10000xf32, #tpu.memory_space<vmem>>, vector<16xf32>,
      tpu.vector_store %arg15[%swap3A_203], %select_n3A_202 {strides = array<i32>} : memref<10000xf32, #tpu.memory_space<vmem>>, vector<16xf32>,
      %scan3A_205 = arith.constant 0 : i32
      scf.yield %scan3A_205 : i32
    }
    %scan3A_44 = arith.constant 125 : i32
    "tpu.region"() ({
      %run_scoped3A = tpu.sem_alloc : memref<!tpu.dma_semaphore, #tpu.memory_space<semaphore_mem>>
      %dma_start3A_75 = arith.constant 0 : i32
      %dma_start3A_76 = tpu.memref_slice %arg15[%dma_start3A_75] : memref<10000xf32, #tpu.memory_space<vmem>> -> memref<8000xf32, #tpu.memory_space<vmem>>
      %dma_start3A_77 = tpu.memref_slice %arg17[%add3A_37] : memref<512000xf32, #tpu.memory_space<vmem_shared>> -> memref<8000xf32, #tpu.memory_space<vmem_shared>>
      %dma_start3A_78 = tpu.memref_slice %arg17[%add3A_37] : memref<512000xf32, #tpu.memory_space<vmem_shared>> -> memref<8000xf32, #tpu.memory_space<vmem_shared>>
      %dma_start3A_79 = arith.constant 0 : i32
      %dma_start3A_80 = tpu.memref_slice %arg15[%dma_start3A_79] : memref<10000xf32, #tpu.memory_space<vmem>> -> memref<8000xf32, #tpu.memory_space<vmem>>
      tpu.enqueue_dma source(%dma_start3A_80 : memref<8000xf32, #tpu.memory_space<vmem>>) target(%dma_start3A_78 : memref<8000xf32, #tpu.memory_space<vmem_shared>>) target_semaphore(%run_scoped3A : memref<!tpu.dma_semaphore, #tpu.memory_space<semaphore_mem>>)
      %dma_wait3A_81 = arith.constant 0 : i32
      %dma_wait3A_82 = tpu.memref_slice %arg15[%dma_wait3A_81] : memref<10000xf32, #tpu.memory_space<vmem>> -> memref<8000xf32, #tpu.memory_space<vmem>>
      %dma_wait3A_83 = tpu.memref_slice %arg17[%add3A_37] : memref<512000xf32, #tpu.memory_space<vmem_shared>> -> memref<8000xf32, #tpu.memory_space<vmem_shared>>
      %dma_wait3A_84 = tpu.memref_slice %arg17[%add3A_37] : memref<512000xf32, #tpu.memory_space<vmem_shared>> -> memref<8000xf32, #tpu.memory_space<vmem_shared>>
      %dma_wait3A_85 = arith.constant 0 : i32
      %dma_wait3A_86 = tpu.memref_slice %arg15[%dma_wait3A_85] : memref<10000xf32, #tpu.memory_space<vmem>> -> memref<8000xf32, #tpu.memory_space<vmem>>
      tpu.wait_dma2 semaphore(%run_scoped3A : memref<!tpu.dma_semaphore, #tpu.memory_space<semaphore_mem>>) src(%dma_wait3A_86 : memref<8000xf32, #tpu.memory_space<vmem>>) dst(%dma_wait3A_84 : memref<8000xf32, #tpu.memory_space<vmem_shared>>)
      tpu.yield
    }) : () -> ()
    %mul3A_45 = arith.constant 32000 : i32
    %mul3A_46 = arith.muli %arg1, %mul3A_45 : i32
    %add3A_47 = arith.constant 24000 : i32
    %add3A_48 = arith.addi %mul3A_46, %add3A_47 : i32
    "tpu.region"() ({
      %run_scoped3A = tpu.sem_alloc : memref<!tpu.dma_semaphore, #tpu.memory_space<semaphore_mem>>
      %dma_start3A_75 = arith.constant 0 : i32
      %dma_start3A_76 = tpu.memref_slice %arg11[%dma_start3A_75] : memref<10000xi32, #tpu.memory_space<vmem>> -> memref<8016xi32, #tpu.memory_space<vmem>>
      %dma_start3A_77 = tpu.memref_slice %arg5[%add3A_48] : memref<512024xi32, #tpu.memory_space<hbm>> -> memref<8016xi32, #tpu.memory_space<hbm>>
      %dma_start3A_78 = arith.constant 0 : i32
      %dma_start3A_79 = tpu.memref_slice %arg11[%dma_start3A_78] : memref<10000xi32, #tpu.memory_space<vmem>> -> memref<8016xi32, #tpu.memory_space<vmem>>
      %dma_start3A_80 = tpu.memref_slice %arg5[%add3A_48] : memref<512024xi32, #tpu.memory_space<hbm>> -> memref<8016xi32, #tpu.memory_space<hbm>>
      tpu.enqueue_dma source(%dma_start3A_80 : memref<8016xi32, #tpu.memory_space<hbm>>) target(%dma_start3A_79 : memref<8016xi32, #tpu.memory_space<vmem>>) target_semaphore(%run_scoped3A : memref<!tpu.dma_semaphore, #tpu.memory_space<semaphore_mem>>)
      %dma_wait3A_81 = arith.constant 0 : i32
      %dma_wait3A_82 = tpu.memref_slice %arg11[%dma_wait3A_81] : memref<10000xi32, #tpu.memory_space<vmem>> -> memref<8016xi32, #tpu.memory_space<vmem>>
      %dma_wait3A_83 = tpu.memref_slice %arg5[%add3A_48] : memref<512024xi32, #tpu.memory_space<hbm>> -> memref<8016xi32, #tpu.memory_space<hbm>>
      %dma_wait3A_84 = arith.constant 0 : i32
      %dma_wait3A_85 = tpu.memref_slice %arg11[%dma_wait3A_84] : memref<10000xi32, #tpu.memory_space<vmem>> -> memref<8016xi32, #tpu.memory_space<vmem>>
      %dma_wait3A_86 = tpu.memref_slice %arg5[%add3A_48] : memref<512024xi32, #tpu.memory_space<hbm>> -> memref<8016xi32, #tpu.memory_space<hbm>>
      tpu.wait_dma2 semaphore(%run_scoped3A : memref<!tpu.dma_semaphore, #tpu.memory_space<semaphore_mem>>) src(%dma_wait3A_86 : memref<8016xi32, #tpu.memory_space<hbm>>) dst(%dma_wait3A_85 : memref<8016xi32, #tpu.memory_space<vmem>>)
      tpu.yield
    }) : () -> ()
    "tpu.region"() ({
      %run_scoped3A = tpu.sem_alloc : memref<!tpu.dma_semaphore, #tpu.memory_space<semaphore_mem>>
      %dma_start3A_75 = arith.constant 0 : i32
      %dma_start3A_76 = tpu.memref_slice %arg13[%dma_start3A_75] : memref<10000xf32, #tpu.memory_space<vmem>> -> memref<8000xf32, #tpu.memory_space<vmem>>
      %dma_start3A_77 = tpu.memref_slice %arg4[%add3A_48] : memref<512000xf32, #tpu.memory_space<hbm>> -> memref<8000xf32, #tpu.memory_space<hbm>>
      %dma_start3A_78 = arith.constant 0 : i32
      %dma_start3A_79 = tpu.memref_slice %arg13[%dma_start3A_78] : memref<10000xf32, #tpu.memory_space<vmem>> -> memref<8000xf32, #tpu.memory_space<vmem>>
      %dma_start3A_80 = tpu.memref_slice %arg4[%add3A_48] : memref<512000xf32, #tpu.memory_space<hbm>> -> memref<8000xf32, #tpu.memory_space<hbm>>
      tpu.enqueue_dma source(%dma_start3A_80 : memref<8000xf32, #tpu.memory_space<hbm>>) target(%dma_start3A_79 : memref<8000xf32, #tpu.memory_space<vmem>>) target_semaphore(%run_scoped3A : memref<!tpu.dma_semaphore, #tpu.memory_space<semaphore_mem>>)
      %dma_wait3A_81 = arith.constant 0 : i32
      %dma_wait3A_82 = tpu.memref_slice %arg13[%dma_wait3A_81] : memref<10000xf32, #tpu.memory_space<vmem>> -> memref<8000xf32, #tpu.memory_space<vmem>>
      %dma_wait3A_83 = tpu.memref_slice %arg4[%add3A_48] : memref<512000xf32, #tpu.memory_space<hbm>> -> memref<8000xf32, #tpu.memory_space<hbm>>
      %dma_wait3A_84 = arith.constant 0 : i32
      %dma_wait3A_85 = tpu.memref_slice %arg13[%dma_wait3A_84] : memref<10000xf32, #tpu.memory_space<vmem>> -> memref<8000xf32, #tpu.memory_space<vmem>>
      %dma_wait3A_86 = tpu.memref_slice %arg4[%add3A_48] : memref<512000xf32, #tpu.memory_space<hbm>> -> memref<8000xf32, #tpu.memory_space<hbm>>
      tpu.wait_dma2 semaphore(%run_scoped3A : memref<!tpu.dma_semaphore, #tpu.memory_space<semaphore_mem>>) src(%dma_wait3A_86 : memref<8000xf32, #tpu.memory_space<hbm>>) dst(%dma_wait3A_85 : memref<8000xf32, #tpu.memory_space<vmem>>)
      tpu.yield
    }) : () -> ()
    %scan3A_49 = arith.constant 0 : i32
    %scan3A_50 = arith.constant 0 : i32
    %scan3A_51 = arith.constant 125 : i32
    %scan3A_52 = arith.addi %scan3A_50, %scan3A_51 : i32
    %scan3A_53 = arith.constant 1 : i32
    %scan3A_54 = scf.for %scan3A_75 = %scan3A_50 to %scan3A_52 step %scan3A_53 iter_args(%scan3A_76 = %scan3A_49) -> (i32)  : i32 {
      %mul3A_77 = arith.constant 4 : i32
      %mul3A_78 = arith.muli %scan3A_75, %mul3A_77 : i32
      %add3A_79 = arith.constant 0 : i32
      %add3A_80 = arith.addi %mul3A_78, %add3A_79 : i32
      %mul3A_81 = arith.constant 16 : i32
      %mul3A_82 = arith.muli %add3A_80, %mul3A_81 : i32
      %get3A = arith.index_cast %mul3A_82 : i32 to index
      %get3A_83 = tpu.vector_load %arg11[%get3A] {strides = array<i32>} : memref<10000xi32, #tpu.memory_space<vmem>>, vector<16xi32>,
      %add3A_84 = arith.constant 1 : i32
      %add3A_85 = arith.addi %mul3A_82, %add3A_84 : i32
      %get3A_86 = arith.index_cast %add3A_85 : i32 to index
      %get3A_87 = tpu.vector_load %arg11[%get3A_86] {strides = array<i32>} : memref<10000xi32, #tpu.memory_space<vmem>>, vector<16xi32>,
      %sub3A = arith.subi %get3A_87, %get3A_83 : vector<16xi32>
      %sub3A_88 = arith.constant 1 : i32
      %sub3A_89 = vector.broadcast %sub3A_88 : i32 to vector<16xi32>
      %sub3A_90 = arith.subi %sub3A, %sub3A_89 : vector<16xi32>
      %max3A = arith.constant 1 : i32
      %max3A_91 = vector.broadcast %max3A : i32 to vector<16xi32>
      %max3A_92 = arith.maxsi %sub3A_90, %max3A_91 : vector<16xi32>
      %convert_element_type3A = arith.sitofp %max3A_92 : vector<16xi32> to vector<16xf32>
      %get3A_93 = arith.index_cast %mul3A_82 : i32 to index
      %get3A_94 = tpu.vector_load %arg13[%get3A_93] {strides = array<i32>} : memref<10000xf32, #tpu.memory_space<vmem>>, vector<16xf32>,
      %gt3A = arith.constant 1 : i32
      %gt3A_95 = vector.broadcast %gt3A : i32 to vector<16xi32>
      %gt3A_96 = arith.cmpi sgt, %sub3A, %gt3A_95 : vector<16xi32>
      %max3A_97 = arith.constant 1.000000e+00 : f32
      %max3A_98 = vector.broadcast %max3A_97 : f32 to vector<16xf32>
      %max3A_99 = arith.maximumf %get3A_94, %max3A_98 : vector<16xf32>
      %div3A = arith.divf %max3A_99, %convert_element_type3A : vector<16xf32>
      %jit3A = arith.constant 0.000000e+00 : f32
      %broadcast_in_dim3A_100 = vector.broadcast %jit3A : f32 to vector<16xf32>
      %select_n3A = arith.select %gt3A_96, %div3A, %broadcast_in_dim3A_100 : vector<16xi1>, vector<16xf32>
      %swap3A_101 = arith.index_cast %mul3A_82 : i32 to index
      %swap3A_102 = tpu.vector_load %arg15[%swap3A_101] {strides = array<i32>} : memref<10000xf32, #tpu.memory_space<vmem>>, vector<16xf32>,
      tpu.vector_store %arg15[%swap3A_101], %select_n3A {strides = array<i32>} : memref<10000xf32, #tpu.memory_space<vmem>>, vector<16xf32>,
      %mul3A_103 = arith.constant 4 : i32
      %mul3A_104 = arith.muli %scan3A_75, %mul3A_103 : i32
      %add3A_105 = arith.constant 1 : i32
      %add3A_106 = arith.addi %mul3A_104, %add3A_105 : i32
      %mul3A_107 = arith.constant 16 : i32
      %mul3A_108 = arith.muli %add3A_106, %mul3A_107 : i32
      %get3A_109 = arith.index_cast %mul3A_108 : i32 to index
      %get3A_110 = tpu.vector_load %arg11[%get3A_109] {strides = array<i32>} : memref<10000xi32, #tpu.memory_space<vmem>>, vector<16xi32>,
      %add3A_111 = arith.constant 1 : i32
      %add3A_112 = arith.addi %mul3A_108, %add3A_111 : i32
      %get3A_113 = arith.index_cast %add3A_112 : i32 to index
      %get3A_114 = tpu.vector_load %arg11[%get3A_113] {strides = array<i32>} : memref<10000xi32, #tpu.memory_space<vmem>>, vector<16xi32>,
      %sub3A_115 = arith.subi %get3A_114, %get3A_110 : vector<16xi32>
      %sub3A_116 = arith.constant 1 : i32
      %sub3A_117 = vector.broadcast %sub3A_116 : i32 to vector<16xi32>
      %sub3A_118 = arith.subi %sub3A_115, %sub3A_117 : vector<16xi32>
      %max3A_119 = arith.constant 1 : i32
      %max3A_120 = vector.broadcast %max3A_119 : i32 to vector<16xi32>
      %max3A_121 = arith.maxsi %sub3A_118, %max3A_120 : vector<16xi32>
      %convert_element_type3A_122 = arith.sitofp %max3A_121 : vector<16xi32> to vector<16xf32>
      %get3A_123 = arith.index_cast %mul3A_108 : i32 to index
      %get3A_124 = tpu.vector_load %arg13[%get3A_123] {strides = array<i32>} : memref<10000xf32, #tpu.memory_space<vmem>>, vector<16xf32>,
      %gt3A_125 = arith.constant 1 : i32
      %gt3A_126 = vector.broadcast %gt3A_125 : i32 to vector<16xi32>
      %gt3A_127 = arith.cmpi sgt, %sub3A_115, %gt3A_126 : vector<16xi32>
      %max3A_128 = arith.constant 1.000000e+00 : f32
      %max3A_129 = vector.broadcast %max3A_128 : f32 to vector<16xf32>
      %max3A_130 = arith.maximumf %get3A_124, %max3A_129 : vector<16xf32>
      %div3A_131 = arith.divf %max3A_130, %convert_element_type3A_122 : vector<16xf32>
      %jit3A_132 = arith.constant 0.000000e+00 : f32
      %broadcast_in_dim3A_133 = vector.broadcast %jit3A_132 : f32 to vector<16xf32>
      %select_n3A_134 = arith.select %gt3A_127, %div3A_131, %broadcast_in_dim3A_133 : vector<16xi1>, vector<16xf32>
      %swap3A_135 = arith.index_cast %mul3A_108 : i32 to index
      %swap3A_136 = tpu.vector_load %arg15[%swap3A_135] {strides = array<i32>} : memref<10000xf32, #tpu.memory_space<vmem>>, vector<16xf32>,
      tpu.vector_store %arg15[%swap3A_135], %select_n3A_134 {strides = array<i32>} : memref<10000xf32, #tpu.memory_space<vmem>>, vector<16xf32>,
      %mul3A_137 = arith.constant 4 : i32
      %mul3A_138 = arith.muli %scan3A_75, %mul3A_137 : i32
      %add3A_139 = arith.constant 2 : i32
      %add3A_140 = arith.addi %mul3A_138, %add3A_139 : i32
      %mul3A_141 = arith.constant 16 : i32
      %mul3A_142 = arith.muli %add3A_140, %mul3A_141 : i32
      %get3A_143 = arith.index_cast %mul3A_142 : i32 to index
      %get3A_144 = tpu.vector_load %arg11[%get3A_143] {strides = array<i32>} : memref<10000xi32, #tpu.memory_space<vmem>>, vector<16xi32>,
      %add3A_145 = arith.constant 1 : i32
      %add3A_146 = arith.addi %mul3A_142, %add3A_145 : i32
      %get3A_147 = arith.index_cast %add3A_146 : i32 to index
      %get3A_148 = tpu.vector_load %arg11[%get3A_147] {strides = array<i32>} : memref<10000xi32, #tpu.memory_space<vmem>>, vector<16xi32>,
      %sub3A_149 = arith.subi %get3A_148, %get3A_144 : vector<16xi32>
      %sub3A_150 = arith.constant 1 : i32
      %sub3A_151 = vector.broadcast %sub3A_150 : i32 to vector<16xi32>
      %sub3A_152 = arith.subi %sub3A_149, %sub3A_151 : vector<16xi32>
      %max3A_153 = arith.constant 1 : i32
      %max3A_154 = vector.broadcast %max3A_153 : i32 to vector<16xi32>
      %max3A_155 = arith.maxsi %sub3A_152, %max3A_154 : vector<16xi32>
      %convert_element_type3A_156 = arith.sitofp %max3A_155 : vector<16xi32> to vector<16xf32>
      %get3A_157 = arith.index_cast %mul3A_142 : i32 to index
      %get3A_158 = tpu.vector_load %arg13[%get3A_157] {strides = array<i32>} : memref<10000xf32, #tpu.memory_space<vmem>>, vector<16xf32>,
      %gt3A_159 = arith.constant 1 : i32
      %gt3A_160 = vector.broadcast %gt3A_159 : i32 to vector<16xi32>
      %gt3A_161 = arith.cmpi sgt, %sub3A_149, %gt3A_160 : vector<16xi32>
      %max3A_162 = arith.constant 1.000000e+00 : f32
      %max3A_163 = vector.broadcast %max3A_162 : f32 to vector<16xf32>
      %max3A_164 = arith.maximumf %get3A_158, %max3A_163 : vector<16xf32>
      %div3A_165 = arith.divf %max3A_164, %convert_element_type3A_156 : vector<16xf32>
      %jit3A_166 = arith.constant 0.000000e+00 : f32
      %broadcast_in_dim3A_167 = vector.broadcast %jit3A_166 : f32 to vector<16xf32>
      %select_n3A_168 = arith.select %gt3A_161, %div3A_165, %broadcast_in_dim3A_167 : vector<16xi1>, vector<16xf32>
      %swap3A_169 = arith.index_cast %mul3A_142 : i32 to index
      %swap3A_170 = tpu.vector_load %arg15[%swap3A_169] {strides = array<i32>} : memref<10000xf32, #tpu.memory_space<vmem>>, vector<16xf32>,
      tpu.vector_store %arg15[%swap3A_169], %select_n3A_168 {strides = array<i32>} : memref<10000xf32, #tpu.memory_space<vmem>>, vector<16xf32>,
      %mul3A_171 = arith.constant 4 : i32
      %mul3A_172 = arith.muli %scan3A_75, %mul3A_171 : i32
      %add3A_173 = arith.constant 3 : i32
      %add3A_174 = arith.addi %mul3A_172, %add3A_173 : i32
      %mul3A_175 = arith.constant 16 : i32
      %mul3A_176 = arith.muli %add3A_174, %mul3A_175 : i32
      %get3A_177 = arith.index_cast %mul3A_176 : i32 to index
      %get3A_178 = tpu.vector_load %arg11[%get3A_177] {strides = array<i32>} : memref<10000xi32, #tpu.memory_space<vmem>>, vector<16xi32>,
      %add3A_179 = arith.constant 1 : i32
      %add3A_180 = arith.addi %mul3A_176, %add3A_179 : i32
      %get3A_181 = arith.index_cast %add3A_180 : i32 to index
      %get3A_182 = tpu.vector_load %arg11[%get3A_181] {strides = array<i32>} : memref<10000xi32, #tpu.memory_space<vmem>>, vector<16xi32>,
      %sub3A_183 = arith.subi %get3A_182, %get3A_178 : vector<16xi32>
      %sub3A_184 = arith.constant 1 : i32
      %sub3A_185 = vector.broadcast %sub3A_184 : i32 to vector<16xi32>
      %sub3A_186 = arith.subi %sub3A_183, %sub3A_185 : vector<16xi32>
      %max3A_187 = arith.constant 1 : i32
      %max3A_188 = vector.broadcast %max3A_187 : i32 to vector<16xi32>
      %max3A_189 = arith.maxsi %sub3A_186, %max3A_188 : vector<16xi32>
      %convert_element_type3A_190 = arith.sitofp %max3A_189 : vector<16xi32> to vector<16xf32>
      %get3A_191 = arith.index_cast %mul3A_176 : i32 to index
      %get3A_192 = tpu.vector_load %arg13[%get3A_191] {strides = array<i32>} : memref<10000xf32, #tpu.memory_space<vmem>>, vector<16xf32>,
      %gt3A_193 = arith.constant 1 : i32
      %gt3A_194 = vector.broadcast %gt3A_193 : i32 to vector<16xi32>
      %gt3A_195 = arith.cmpi sgt, %sub3A_183, %gt3A_194 : vector<16xi32>
      %max3A_196 = arith.constant 1.000000e+00 : f32
      %max3A_197 = vector.broadcast %max3A_196 : f32 to vector<16xf32>
      %max3A_198 = arith.maximumf %get3A_192, %max3A_197 : vector<16xf32>
      %div3A_199 = arith.divf %max3A_198, %convert_element_type3A_190 : vector<16xf32>
      %jit3A_200 = arith.constant 0.000000e+00 : f32
      %broadcast_in_dim3A_201 = vector.broadcast %jit3A_200 : f32 to vector<16xf32>
      %select_n3A_202 = arith.select %gt3A_195, %div3A_199, %broadcast_in_dim3A_201 : vector<16xi1>, vector<16xf32>
      %swap3A_203 = arith.index_cast %mul3A_176 : i32 to index
      %swap3A_204 = tpu.vector_load %arg15[%swap3A_203] {strides = array<i32>} : memref<10000xf32, #tpu.memory_space<vmem>>, vector<16xf32>,
      tpu.vector_store %arg15[%swap3A_203], %select_n3A_202 {strides = array<i32>} : memref<10000xf32, #tpu.memory_space<vmem>>, vector<16xf32>,
      %scan3A_205 = arith.constant 0 : i32
      scf.yield %scan3A_205 : i32
    }
    %scan3A_55 = arith.constant 125 : i32
    "tpu.region"() ({
      %run_scoped3A = tpu.sem_alloc : memref<!tpu.dma_semaphore, #tpu.memory_space<semaphore_mem>>
      %dma_start3A_75 = arith.constant 0 : i32
      %dma_start3A_76 = tpu.memref_slice %arg15[%dma_start3A_75] : memref<10000xf32, #tpu.memory_space<vmem>> -> memref<8000xf32, #tpu.memory_space<vmem>>
      %dma_start3A_77 = tpu.memref_slice %arg17[%add3A_48] : memref<512000xf32, #tpu.memory_space<vmem_shared>> -> memref<8000xf32, #tpu.memory_space<vmem_shared>>
      %dma_start3A_78 = tpu.memref_slice %arg17[%add3A_48] : memref<512000xf32, #tpu.memory_space<vmem_shared>> -> memref<8000xf32, #tpu.memory_space<vmem_shared>>
      %dma_start3A_79 = arith.constant 0 : i32
      %dma_start3A_80 = tpu.memref_slice %arg15[%dma_start3A_79] : memref<10000xf32, #tpu.memory_space<vmem>> -> memref<8000xf32, #tpu.memory_space<vmem>>
      tpu.enqueue_dma source(%dma_start3A_80 : memref<8000xf32, #tpu.memory_space<vmem>>) target(%dma_start3A_78 : memref<8000xf32, #tpu.memory_space<vmem_shared>>) target_semaphore(%run_scoped3A : memref<!tpu.dma_semaphore, #tpu.memory_space<semaphore_mem>>)
      %dma_wait3A_81 = arith.constant 0 : i32
      %dma_wait3A_82 = tpu.memref_slice %arg15[%dma_wait3A_81] : memref<10000xf32, #tpu.memory_space<vmem>> -> memref<8000xf32, #tpu.memory_space<vmem>>
      %dma_wait3A_83 = tpu.memref_slice %arg17[%add3A_48] : memref<512000xf32, #tpu.memory_space<vmem_shared>> -> memref<8000xf32, #tpu.memory_space<vmem_shared>>
      %dma_wait3A_84 = tpu.memref_slice %arg17[%add3A_48] : memref<512000xf32, #tpu.memory_space<vmem_shared>> -> memref<8000xf32, #tpu.memory_space<vmem_shared>>
      %dma_wait3A_85 = arith.constant 0 : i32
      %dma_wait3A_86 = tpu.memref_slice %arg15[%dma_wait3A_85] : memref<10000xf32, #tpu.memory_space<vmem>> -> memref<8000xf32, #tpu.memory_space<vmem>>
      tpu.wait_dma2 semaphore(%run_scoped3A : memref<!tpu.dma_semaphore, #tpu.memory_space<semaphore_mem>>) src(%dma_wait3A_86 : memref<8000xf32, #tpu.memory_space<vmem>>) dst(%dma_wait3A_84 : memref<8000xf32, #tpu.memory_space<vmem_shared>>)
      tpu.yield
    }) : () -> ()
    %barrier3A = arith.constant 0 : index
    tpu.barrier barrier_id(%barrier3A)
    %scan3A_56 = arith.constant 0.000000e+00 : f32
    %scan3A_57 = arith.constant 0 : i32
    %scan3A_58 = arith.constant 5 : i32
    %scan3A_59 = arith.addi %scan3A_57, %scan3A_58 : i32
    %scan3A_60 = arith.constant 1 : i32
    %scan3A_61 = scf.for %scan3A_75 = %scan3A_57 to %scan3A_59 step %scan3A_60 iter_args(%scan3A_76 = %scan3A_56) -> (f32)  : i32 {
      %mul3A_77 = arith.constant 2 : i32
      %mul3A_78 = arith.muli %mul3A_77, %scan3A_75 : i32
      %mul3A_79 = arith.constant 10000 : i32
      %mul3A_80 = arith.muli %mul3A_78, %mul3A_79 : i32
      %add3A_81 = arith.addi %mul3A_2, %mul3A_80 : i32
      %add3A_82 = arith.constant 10000 : i32
      %add3A_83 = arith.addi %add3A_81, %add3A_82 : i32
      %dma_wait3A_84 = arith.constant 0 : i32
      %dma_wait3A_85 = tpu.memref_slice %arg3[%dma_wait3A_84] : memref<3200000xi32, #tpu.memory_space<hbm>> -> memref<3200000xi32, #tpu.memory_space<hbm>>
      tpu.wait_indirect_dma semaphore(%arg20 : memref<!tpu.dma_semaphore, #tpu.memory_space<semaphore_mem>>) src(%dma_wait3A_85 : memref<3200000xi32, #tpu.memory_space<hbm>>) dst(%arg10 : memref<10000xi32, #tpu.memory_space<vmem>>)
      %dma_start3A_86 = arith.constant 0 : i32
      %dma_start3A_87 = tpu.memref_slice %arg17[%dma_start3A_86] : memref<512000xf32, #tpu.memory_space<vmem_shared>> -> memref<512000xf32, #tpu.memory_space<vmem_shared>>
      tpu.enqueue_indirect_dma source(%dma_start3A_87 : memref<512000xf32, #tpu.memory_space<vmem_shared>>) target(%arg12 : memref<10000xf32, #tpu.memory_space<vmem>>) offsets(%arg10 : memref<10000xi32, #tpu.memory_space<vmem>>) semaphore(%arg22 : memref<!tpu.dma_semaphore, #tpu.memory_space<semaphore_mem>>)
      %dma_wait3A_88 = arith.constant 0 : i32
      %dma_wait3A_89 = tpu.memref_slice %arg2[%dma_wait3A_88] : memref<3200000xi32, #tpu.memory_space<hbm>> -> memref<10000xi32, #tpu.memory_space<hbm>>
      %dma_wait3A_90 = arith.constant 0 : i32
      %dma_wait3A_91 = tpu.memref_slice %arg2[%dma_wait3A_90] : memref<3200000xi32, #tpu.memory_space<hbm>> -> memref<10000xi32, #tpu.memory_space<hbm>>
      tpu.wait_dma2 semaphore(%arg19 : memref<!tpu.dma_semaphore, #tpu.memory_space<semaphore_mem>>) src(%dma_wait3A_91 : memref<10000xi32, #tpu.memory_space<hbm>>) dst(%arg9 : memref<10000xi32, #tpu.memory_space<vmem>>)
      %dma_start3A_92 = arith.constant 0 : i32
      %dma_start3A_93 = tpu.memref_slice %arg3[%dma_start3A_92] : memref<3200000xi32, #tpu.memory_space<hbm>> -> memref<3200000xi32, #tpu.memory_space<hbm>>
      tpu.enqueue_indirect_dma source(%dma_start3A_93 : memref<3200000xi32, #tpu.memory_space<hbm>>) target(%arg11 : memref<10000xi32, #tpu.memory_space<vmem>>) offsets(%arg9 : memref<10000xi32, #tpu.memory_space<vmem>>) semaphore(%arg21 : memref<!tpu.dma_semaphore, #tpu.memory_space<semaphore_mem>>)
      %lt3A = arith.constant 4 : i32
      %lt3A_94 = arith.cmpi slt, %scan3A_75, %lt3A : i32
      %convert_element_type3A = arith.extui %lt3A_94 : i1 to i32
      %cond3A = arith.constant 0 : i32
      %cond3A_95 = arith.cmpi ne, %convert_element_type3A, %cond3A : i32
      scf.if %cond3A_95 {
        %add3A_139 = arith.constant 20000 : i32
        %add3A_140 = arith.addi %add3A_81, %add3A_139 : i32
        %dma_start3A_141 = tpu.memref_slice %arg2[%add3A_140] : memref<3200000xi32, #tpu.memory_space<hbm>> -> memref<10000xi32, #tpu.memory_space<hbm>>
        %dma_start3A_142 = tpu.memref_slice %arg2[%add3A_140] : memref<3200000xi32, #tpu.memory_space<hbm>> -> memref<10000xi32, #tpu.memory_space<hbm>>
        tpu.enqueue_dma source(%dma_start3A_142 : memref<10000xi32, #tpu.memory_space<hbm>>) target(%arg8 : memref<10000xi32, #tpu.memory_space<vmem>>) target_semaphore(%arg18 : memref<!tpu.dma_semaphore, #tpu.memory_space<semaphore_mem>>)
      } else {
      }
      %dma_wait3A_96 = arith.constant 0 : i32
      %dma_wait3A_97 = tpu.memref_slice %arg17[%dma_wait3A_96] : memref<512000xf32, #tpu.memory_space<vmem_shared>> -> memref<512000xf32, #tpu.memory_space<vmem_shared>>
      tpu.wait_indirect_dma semaphore(%arg22 : memref<!tpu.dma_semaphore, #tpu.memory_space<semaphore_mem>>) src(%dma_wait3A_97 : memref<512000xf32, #tpu.memory_space<vmem_shared>>) dst(%arg12 : memref<10000xf32, #tpu.memory_space<vmem>>)
      %ge3A = arith.constant 1 : i32
      %ge3A_98 = arith.cmpi sge, %scan3A_75, %ge3A : i32
      %convert_element_type3A_99 = arith.extui %ge3A_98 : i1 to i32
      %cond3A_100 = arith.constant 0 : i32
      %cond3A_101 = arith.cmpi ne, %convert_element_type3A_99, %cond3A_100 : i32
      scf.if %cond3A_101 {
        %dma_wait3A_139 = arith.constant 0 : i32
        %dma_wait3A_140 = tpu.memref_slice %arg6[%dma_wait3A_139] : memref<3200000xf32, #tpu.memory_space<hbm>> -> memref<10000xf32, #tpu.memory_space<hbm>>
        %dma_wait3A_141 = arith.constant 0 : i32
        %dma_wait3A_142 = tpu.memref_slice %arg6[%dma_wait3A_141] : memref<3200000xf32, #tpu.memory_space<hbm>> -> memref<10000xf32, #tpu.memory_space<hbm>>
        tpu.wait_dma2 semaphore(%arg24 : memref<!tpu.dma_semaphore, #tpu.memory_space<semaphore_mem>>) src(%arg14 : memref<10000xf32, #tpu.memory_space<vmem>>) dst(%dma_wait3A_142 : memref<10000xf32, #tpu.memory_space<hbm>>)
      } else {
      }
      %scan3A_102 = arith.constant 0 : i32
      %scan3A_103 = arith.constant 125 : i32
      %scan3A_104 = arith.addi %scan3A_102, %scan3A_103 : i32
      %scan3A_105 = arith.constant 1 : i32
      %scan3A_106 = scf.for %scan3A_139 = %scan3A_102 to %scan3A_104 step %scan3A_105 iter_args(%scan3A_140 = %scan3A_76) -> (f32)  : i32 {
        %mul3A_141 = arith.constant 5 : i32
        %mul3A_142 = arith.muli %scan3A_139, %mul3A_141 : i32
        %add3A_143 = arith.constant 0 : i32
        %add3A_144 = arith.addi %mul3A_142, %add3A_143 : i32
        %mul3A_145 = arith.constant 16 : i32
        %mul3A_146 = arith.muli %add3A_144, %mul3A_145 : i32
        %get3A = arith.index_cast %mul3A_146 : i32 to index
        %get3A_147 = tpu.vector_load %arg12[%get3A] {strides = array<i32>} : memref<10000xf32, #tpu.memory_space<vmem>>, vector<16xf32>,
        %mul3A_148 = arith.constant 5 : i32
        %mul3A_149 = arith.muli %scan3A_139, %mul3A_148 : i32
        %add3A_150 = arith.constant 1 : i32
        %add3A_151 = arith.addi %mul3A_149, %add3A_150 : i32
        %mul3A_152 = arith.constant 16 : i32
        %mul3A_153 = arith.muli %add3A_151, %mul3A_152 : i32
        %get3A_154 = arith.index_cast %mul3A_153 : i32 to index
        %get3A_155 = tpu.vector_load %arg12[%get3A_154] {strides = array<i32>} : memref<10000xf32, #tpu.memory_space<vmem>>, vector<16xf32>,
        %mul3A_156 = arith.constant 5 : i32
        %mul3A_157 = arith.muli %scan3A_139, %mul3A_156 : i32
        %add3A_158 = arith.constant 2 : i32
        %add3A_159 = arith.addi %mul3A_157, %add3A_158 : i32
        %mul3A_160 = arith.constant 16 : i32
        %mul3A_161 = arith.muli %add3A_159, %mul3A_160 : i32
        %get3A_162 = arith.index_cast %mul3A_161 : i32 to index
        %get3A_163 = tpu.vector_load %arg12[%get3A_162] {strides = array<i32>} : memref<10000xf32, #tpu.memory_space<vmem>>, vector<16xf32>,
        %mul3A_164 = arith.constant 5 : i32
        %mul3A_165 = arith.muli %scan3A_139, %mul3A_164 : i32
        %add3A_166 = arith.constant 3 : i32
        %add3A_167 = arith.addi %mul3A_165, %add3A_166 : i32
        %mul3A_168 = arith.constant 16 : i32
        %mul3A_169 = arith.muli %add3A_167, %mul3A_168 : i32
        %get3A_170 = arith.index_cast %mul3A_169 : i32 to index
        %get3A_171 = tpu.vector_load %arg12[%get3A_170] {strides = array<i32>} : memref<10000xf32, #tpu.memory_space<vmem>>, vector<16xf32>,
        %mul3A_172 = arith.constant 5 : i32
        %mul3A_173 = arith.muli %scan3A_139, %mul3A_172 : i32
        %add3A_174 = arith.constant 4 : i32
        %add3A_175 = arith.addi %mul3A_173, %add3A_174 : i32
        %mul3A_176 = arith.constant 16 : i32
        %mul3A_177 = arith.muli %add3A_175, %mul3A_176 : i32
        %get3A_178 = arith.index_cast %mul3A_177 : i32 to index
        %get3A_179 = tpu.vector_load %arg12[%get3A_178] {strides = array<i32>} : memref<10000xf32, #tpu.memory_space<vmem>>, vector<16xf32>,
        %broadcast_in_dim3A_180 = arith.constant true
        %broadcast_in_dim3A_181 = vector.broadcast %broadcast_in_dim3A_180 : i1 to vector<16xi1>
        %masked_cumsum3A = tpu.scan <sum>, %get3A_147 masked %broadcast_in_dim3A_181 : vector<16xf32>, vector<16xi1> -> vector<16xf32>
        %broadcast_in_dim3A_182 = arith.constant true
        %broadcast_in_dim3A_183 = vector.broadcast %broadcast_in_dim3A_182 : i1 to vector<16xi1>
        %masked_cumsum3A_184 = tpu.scan <sum>, %get3A_155 masked %broadcast_in_dim3A_183 : vector<16xf32>, vector<16xi1> -> vector<16xf32>
        %broadcast_in_dim3A_185 = arith.constant true
        %broadcast_in_dim3A_186 = vector.broadcast %broadcast_in_dim3A_185 : i1 to vector<16xi1>
        %masked_cumsum3A_187 = tpu.scan <sum>, %get3A_163 masked %broadcast_in_dim3A_186 : vector<16xf32>, vector<16xi1> -> vector<16xf32>
        %broadcast_in_dim3A_188 = arith.constant true
        %broadcast_in_dim3A_189 = vector.broadcast %broadcast_in_dim3A_188 : i1 to vector<16xi1>
        %masked_cumsum3A_190 = tpu.scan <sum>, %get3A_171 masked %broadcast_in_dim3A_189 : vector<16xf32>, vector<16xi1> -> vector<16xf32>
        %broadcast_in_dim3A_191 = arith.constant true
        %broadcast_in_dim3A_192 = vector.broadcast %broadcast_in_dim3A_191 : i1 to vector<16xi1>
        %masked_cumsum3A_193 = tpu.scan <sum>, %get3A_179 masked %broadcast_in_dim3A_192 : vector<16xf32>, vector<16xi1> -> vector<16xf32>
        %sub3A = arith.subf %masked_cumsum3A, %get3A_147 : vector<16xf32>
        %add3A_194 = vector.broadcast %scan3A_140 : f32 to vector<16xf32>
        %add3A_195 = arith.addf %sub3A, %add3A_194 : vector<16xf32>
        %mul3A_196 = arith.constant 5 : i32
        %mul3A_197 = arith.muli %scan3A_139, %mul3A_196 : i32
        %add3A_198 = arith.constant 0 : i32
        %add3A_199 = arith.addi %mul3A_197, %add3A_198 : i32
        %mul3A_200 = arith.constant 16 : i32
        %mul3A_201 = arith.muli %add3A_199, %mul3A_200 : i32
        %swap3A_202 = arith.index_cast %mul3A_201 : i32 to index
        %swap3A_203 = tpu.vector_load %arg14[%swap3A_202] {strides = array<i32>} : memref<10000xf32, #tpu.memory_space<vmem>>, vector<16xf32>,
        tpu.vector_store %arg14[%swap3A_202], %add3A_195 {strides = array<i32>} : memref<10000xf32, #tpu.memory_space<vmem>>, vector<16xf32>,
        %slice3A = vector.extract_strided_slice %masked_cumsum3A {offsets = [15], sizes = [1], strides = [1]} : vector<16xf32> to vector<1xf32>
        %squeeze3A = vector.extract %slice3A[0] : f32 from vector<1xf32>
        %add3A_204 = arith.addf %scan3A_140, %squeeze3A : f32
        %sub3A_205 = arith.subf %masked_cumsum3A_184, %get3A_155 : vector<16xf32>
        %add3A_206 = vector.broadcast %add3A_204 : f32 to vector<16xf32>
        %add3A_207 = arith.addf %sub3A_205, %add3A_206 : vector<16xf32>
        %mul3A_208 = arith.constant 5 : i32
        %mul3A_209 = arith.muli %scan3A_139, %mul3A_208 : i32
        %add3A_210 = arith.constant 1 : i32
        %add3A_211 = arith.addi %mul3A_209, %add3A_210 : i32
        %mul3A_212 = arith.constant 16 : i32
        %mul3A_213 = arith.muli %add3A_211, %mul3A_212 : i32
        %swap3A_214 = arith.index_cast %mul3A_213 : i32 to index
        %swap3A_215 = tpu.vector_load %arg14[%swap3A_214] {strides = array<i32>} : memref<10000xf32, #tpu.memory_space<vmem>>, vector<16xf32>,
        tpu.vector_store %arg14[%swap3A_214], %add3A_207 {strides = array<i32>} : memref<10000xf32, #tpu.memory_space<vmem>>, vector<16xf32>,
        %slice3A_216 = vector.extract_strided_slice %masked_cumsum3A_184 {offsets = [15], sizes = [1], strides = [1]} : vector<16xf32> to vector<1xf32>
        %squeeze3A_217 = vector.extract %slice3A_216[0] : f32 from vector<1xf32>
        %add3A_218 = arith.addf %add3A_204, %squeeze3A_217 : f32
        %sub3A_219 = arith.subf %masked_cumsum3A_187, %get3A_163 : vector<16xf32>
        %add3A_220 = vector.broadcast %add3A_218 : f32 to vector<16xf32>
        %add3A_221 = arith.addf %sub3A_219, %add3A_220 : vector<16xf32>
        %mul3A_222 = arith.constant 5 : i32
        %mul3A_223 = arith.muli %scan3A_139, %mul3A_222 : i32
        %add3A_224 = arith.constant 2 : i32
        %add3A_225 = arith.addi %mul3A_223, %add3A_224 : i32
        %mul3A_226 = arith.constant 16 : i32
        %mul3A_227 = arith.muli %add3A_225, %mul3A_226 : i32
        %swap3A_228 = arith.index_cast %mul3A_227 : i32 to index
        %swap3A_229 = tpu.vector_load %arg14[%swap3A_228] {strides = array<i32>} : memref<10000xf32, #tpu.memory_space<vmem>>, vector<16xf32>,
        tpu.vector_store %arg14[%swap3A_228], %add3A_221 {strides = array<i32>} : memref<10000xf32, #tpu.memory_space<vmem>>, vector<16xf32>,
        %slice3A_230 = vector.extract_strided_slice %masked_cumsum3A_187 {offsets = [15], sizes = [1], strides = [1]} : vector<16xf32> to vector<1xf32>
        %squeeze3A_231 = vector.extract %slice3A_230[0] : f32 from vector<1xf32>
        %add3A_232 = arith.addf %add3A_218, %squeeze3A_231 : f32
        %sub3A_233 = arith.subf %masked_cumsum3A_190, %get3A_171 : vector<16xf32>
        %add3A_234 = vector.broadcast %add3A_232 : f32 to vector<16xf32>
        %add3A_235 = arith.addf %sub3A_233, %add3A_234 : vector<16xf32>
        %mul3A_236 = arith.constant 5 : i32
        %mul3A_237 = arith.muli %scan3A_139, %mul3A_236 : i32
        %add3A_238 = arith.constant 3 : i32
        %add3A_239 = arith.addi %mul3A_237, %add3A_238 : i32
        %mul3A_240 = arith.constant 16 : i32
        %mul3A_241 = arith.muli %add3A_239, %mul3A_240 : i32
        %swap3A_242 = arith.index_cast %mul3A_241 : i32 to index
        %swap3A_243 = tpu.vector_load %arg14[%swap3A_242] {strides = array<i32>} : memref<10000xf32, #tpu.memory_space<vmem>>, vector<16xf32>,
        tpu.vector_store %arg14[%swap3A_242], %add3A_235 {strides = array<i32>} : memref<10000xf32, #tpu.memory_space<vmem>>, vector<16xf32>,
        %slice3A_244 = vector.extract_strided_slice %masked_cumsum3A_190 {offsets = [15], sizes = [1], strides = [1]} : vector<16xf32> to vector<1xf32>
        %squeeze3A_245 = vector.extract %slice3A_244[0] : f32 from vector<1xf32>
        %add3A_246 = arith.addf %add3A_232, %squeeze3A_245 : f32
        %sub3A_247 = arith.subf %masked_cumsum3A_193, %get3A_179 : vector<16xf32>
        %add3A_248 = vector.broadcast %add3A_246 : f32 to vector<16xf32>
        %add3A_249 = arith.addf %sub3A_247, %add3A_248 : vector<16xf32>
        %mul3A_250 = arith.constant 5 : i32
        %mul3A_251 = arith.muli %scan3A_139, %mul3A_250 : i32
        %add3A_252 = arith.constant 4 : i32
        %add3A_253 = arith.addi %mul3A_251, %add3A_252 : i32
        %mul3A_254 = arith.constant 16 : i32
        %mul3A_255 = arith.muli %add3A_253, %mul3A_254 : i32
        %swap3A_256 = arith.index_cast %mul3A_255 : i32 to index
        %swap3A_257 = tpu.vector_load %arg14[%swap3A_256] {strides = array<i32>} : memref<10000xf32, #tpu.memory_space<vmem>>, vector<16xf32>,
        tpu.vector_store %arg14[%swap3A_256], %add3A_249 {strides = array<i32>} : memref<10000xf32, #tpu.memory_space<vmem>>, vector<16xf32>,
        %slice3A_258 = vector.extract_strided_slice %masked_cumsum3A_193 {offsets = [15], sizes = [1], strides = [1]} : vector<16xf32> to vector<1xf32>
        %squeeze3A_259 = vector.extract %slice3A_258[0] : f32 from vector<1xf32>
        %add3A_260 = arith.addf %add3A_246, %squeeze3A_259 : f32
        scf.yield %add3A_260 : f32
      }
      %scan3A_107 = arith.constant 125 : i32
      %dma_start3A_108 = tpu.memref_slice %arg6[%add3A_81] : memref<3200000xf32, #tpu.memory_space<hbm>> -> memref<10000xf32, #tpu.memory_space<hbm>>
      %dma_start3A_109 = tpu.memref_slice %arg6[%add3A_81] : memref<3200000xf32, #tpu.memory_space<hbm>> -> memref<10000xf32, #tpu.memory_space<hbm>>
      tpu.enqueue_dma source(%arg14 : memref<10000xf32, #tpu.memory_space<vmem>>) target(%dma_start3A_109 : memref<10000xf32, #tpu.memory_space<hbm>>) target_semaphore(%arg24 : memref<!tpu.dma_semaphore, #tpu.memory_space<semaphore_mem>>)
      %dma_wait3A_110 = arith.constant 0 : i32
      %dma_wait3A_111 = tpu.memref_slice %arg3[%dma_wait3A_110] : memref<3200000xi32, #tpu.memory_space<hbm>> -> memref<3200000xi32, #tpu.memory_space<hbm>>
      tpu.wait_indirect_dma semaphore(%arg21 : memref<!tpu.dma_semaphore, #tpu.memory_space<semaphore_mem>>) src(%dma_wait3A_111 : memref<3200000xi32, #tpu.memory_space<hbm>>) dst(%arg11 : memref<10000xi32, #tpu.memory_space<vmem>>)
      %dma_start3A_112 = arith.constant 0 : i32
      %dma_start3A_113 = tpu.memref_slice %arg17[%dma_start3A_112] : memref<512000xf32, #tpu.memory_space<vmem_shared>> -> memref<512000xf32, #tpu.memory_space<vmem_shared>>
      tpu.enqueue_indirect_dma source(%dma_start3A_113 : memref<512000xf32, #tpu.memory_space<vmem_shared>>) target(%arg13 : memref<10000xf32, #tpu.memory_space<vmem>>) offsets(%arg11 : memref<10000xi32, #tpu.memory_space<vmem>>) semaphore(%arg23 : memref<!tpu.dma_semaphore, #tpu.memory_space<semaphore_mem>>)
      %lt3A_114 = arith.constant 4 : i32
      %lt3A_115 = arith.cmpi slt, %scan3A_75, %lt3A_114 : i32
      %convert_element_type3A_116 = arith.extui %lt3A_115 : i1 to i32
      %cond3A_117 = arith.constant 0 : i32
      %cond3A_118 = arith.cmpi ne, %convert_element_type3A_116, %cond3A_117 : i32
      scf.if %cond3A_118 {
        %add3A_139 = arith.constant 20000 : i32
        %add3A_140 = arith.addi %add3A_83, %add3A_139 : i32
        %dma_start3A_141 = tpu.memref_slice %arg2[%add3A_140] : memref<3200000xi32, #tpu.memory_space<hbm>> -> memref<10000xi32, #tpu.memory_space<hbm>>
        %dma_start3A_142 = tpu.memref_slice %arg2[%add3A_140] : memref<3200000xi32, #tpu.memory_space<hbm>> -> memref<10000xi32, #tpu.memory_space<hbm>>
        tpu.enqueue_dma source(%dma_start3A_142 : memref<10000xi32, #tpu.memory_space<hbm>>) target(%arg9 : memref<10000xi32, #tpu.memory_space<vmem>>) target_semaphore(%arg19 : memref<!tpu.dma_semaphore, #tpu.memory_space<semaphore_mem>>)
      } else {
      }
      %lt3A_119 = arith.constant 4 : i32
      %lt3A_120 = arith.cmpi slt, %scan3A_75, %lt3A_119 : i32
      %convert_element_type3A_121 = arith.extui %lt3A_120 : i1 to i32
      %cond3A_122 = arith.constant 0 : i32
      %cond3A_123 = arith.cmpi ne, %convert_element_type3A_121, %cond3A_122 : i32
      scf.if %cond3A_123 {
        %dma_wait3A_139 = arith.constant 0 : i32
        %dma_wait3A_140 = tpu.memref_slice %arg2[%dma_wait3A_139] : memref<3200000xi32, #tpu.memory_space<hbm>> -> memref<10000xi32, #tpu.memory_space<hbm>>
        %dma_wait3A_141 = arith.constant 0 : i32
        %dma_wait3A_142 = tpu.memref_slice %arg2[%dma_wait3A_141] : memref<3200000xi32, #tpu.memory_space<hbm>> -> memref<10000xi32, #tpu.memory_space<hbm>>
        tpu.wait_dma2 semaphore(%arg18 : memref<!tpu.dma_semaphore, #tpu.memory_space<semaphore_mem>>) src(%dma_wait3A_142 : memref<10000xi32, #tpu.memory_space<hbm>>) dst(%arg8 : memref<10000xi32, #tpu.memory_space<vmem>>)
        %dma_start3A_143 = arith.constant 0 : i32
        %dma_start3A_144 = tpu.memref_slice %arg3[%dma_start3A_143] : memref<3200000xi32, #tpu.memory_space<hbm>> -> memref<3200000xi32, #tpu.memory_space<hbm>>
        tpu.enqueue_indirect_dma source(%dma_start3A_144 : memref<3200000xi32, #tpu.memory_space<hbm>>) target(%arg10 : memref<10000xi32, #tpu.memory_space<vmem>>) offsets(%arg8 : memref<10000xi32, #tpu.memory_space<vmem>>) semaphore(%arg20 : memref<!tpu.dma_semaphore, #tpu.memory_space<semaphore_mem>>)
      } else {
      }
      %dma_wait3A_124 = arith.constant 0 : i32
      %dma_wait3A_125 = tpu.memref_slice %arg17[%dma_wait3A_124] : memref<512000xf32, #tpu.memory_space<vmem_shared>> -> memref<512000xf32, #tpu.memory_space<vmem_shared>>
      tpu.wait_indirect_dma semaphore(%arg23 : memref<!tpu.dma_semaphore, #tpu.memory_space<semaphore_mem>>) src(%dma_wait3A_125 : memref<512000xf32, #tpu.memory_space<vmem_shared>>) dst(%arg13 : memref<10000xf32, #tpu.memory_space<vmem>>)
      %ge3A_126 = arith.constant 1 : i32
      %ge3A_127 = arith.cmpi sge, %scan3A_75, %ge3A_126 : i32
      %convert_element_type3A_128 = arith.extui %ge3A_127 : i1 to i32
      %cond3A_129 = arith.constant 0 : i32
      %cond3A_130 = arith.cmpi ne, %convert_element_type3A_128, %cond3A_129 : i32
      scf.if %cond3A_130 {
        %dma_wait3A_139 = arith.constant 0 : i32
        %dma_wait3A_140 = tpu.memref_slice %arg6[%dma_wait3A_139] : memref<3200000xf32, #tpu.memory_space<hbm>> -> memref<10000xf32, #tpu.memory_space<hbm>>
        %dma_wait3A_141 = arith.constant 0 : i32
        %dma_wait3A_142 = tpu.memref_slice %arg6[%dma_wait3A_141] : memref<3200000xf32, #tpu.memory_space<hbm>> -> memref<10000xf32, #tpu.memory_space<hbm>>
        tpu.wait_dma2 semaphore(%arg25 : memref<!tpu.dma_semaphore, #tpu.memory_space<semaphore_mem>>) src(%arg15 : memref<10000xf32, #tpu.memory_space<vmem>>) dst(%dma_wait3A_142 : memref<10000xf32, #tpu.memory_space<hbm>>)
      } else {
      }
      %scan3A_131 = arith.constant 0 : i32
      %scan3A_132 = arith.constant 125 : i32
      %scan3A_133 = arith.addi %scan3A_131, %scan3A_132 : i32
      %scan3A_134 = arith.constant 1 : i32
      %scan3A_135 = scf.for %scan3A_139 = %scan3A_131 to %scan3A_133 step %scan3A_134 iter_args(%scan3A_140 = %scan3A_106) -> (f32)  : i32 {
        %mul3A_141 = arith.constant 5 : i32
        %mul3A_142 = arith.muli %scan3A_139, %mul3A_141 : i32
        %add3A_143 = arith.constant 0 : i32
        %add3A_144 = arith.addi %mul3A_142, %add3A_143 : i32
        %mul3A_145 = arith.constant 16 : i32
        %mul3A_146 = arith.muli %add3A_144, %mul3A_145 : i32
        %get3A = arith.index_cast %mul3A_146 : i32 to index
        %get3A_147 = tpu.vector_load %arg13[%get3A] {strides = array<i32>} : memref<10000xf32, #tpu.memory_space<vmem>>, vector<16xf32>,
        %mul3A_148 = arith.constant 5 : i32
        %mul3A_149 = arith.muli %scan3A_139, %mul3A_148 : i32
        %add3A_150 = arith.constant 1 : i32
        %add3A_151 = arith.addi %mul3A_149, %add3A_150 : i32
        %mul3A_152 = arith.constant 16 : i32
        %mul3A_153 = arith.muli %add3A_151, %mul3A_152 : i32
        %get3A_154 = arith.index_cast %mul3A_153 : i32 to index
        %get3A_155 = tpu.vector_load %arg13[%get3A_154] {strides = array<i32>} : memref<10000xf32, #tpu.memory_space<vmem>>, vector<16xf32>,
        %mul3A_156 = arith.constant 5 : i32
        %mul3A_157 = arith.muli %scan3A_139, %mul3A_156 : i32
        %add3A_158 = arith.constant 2 : i32
        %add3A_159 = arith.addi %mul3A_157, %add3A_158 : i32
        %mul3A_160 = arith.constant 16 : i32
        %mul3A_161 = arith.muli %add3A_159, %mul3A_160 : i32
        %get3A_162 = arith.index_cast %mul3A_161 : i32 to index
        %get3A_163 = tpu.vector_load %arg13[%get3A_162] {strides = array<i32>} : memref<10000xf32, #tpu.memory_space<vmem>>, vector<16xf32>,
        %mul3A_164 = arith.constant 5 : i32
        %mul3A_165 = arith.muli %scan3A_139, %mul3A_164 : i32
        %add3A_166 = arith.constant 3 : i32
        %add3A_167 = arith.addi %mul3A_165, %add3A_166 : i32
        %mul3A_168 = arith.constant 16 : i32
        %mul3A_169 = arith.muli %add3A_167, %mul3A_168 : i32
        %get3A_170 = arith.index_cast %mul3A_169 : i32 to index
        %get3A_171 = tpu.vector_load %arg13[%get3A_170] {strides = array<i32>} : memref<10000xf32, #tpu.memory_space<vmem>>, vector<16xf32>,
        %mul3A_172 = arith.constant 5 : i32
        %mul3A_173 = arith.muli %scan3A_139, %mul3A_172 : i32
        %add3A_174 = arith.constant 4 : i32
        %add3A_175 = arith.addi %mul3A_173, %add3A_174 : i32
        %mul3A_176 = arith.constant 16 : i32
        %mul3A_177 = arith.muli %add3A_175, %mul3A_176 : i32
        %get3A_178 = arith.index_cast %mul3A_177 : i32 to index
        %get3A_179 = tpu.vector_load %arg13[%get3A_178] {strides = array<i32>} : memref<10000xf32, #tpu.memory_space<vmem>>, vector<16xf32>,
        %broadcast_in_dim3A_180 = arith.constant true
        %broadcast_in_dim3A_181 = vector.broadcast %broadcast_in_dim3A_180 : i1 to vector<16xi1>
        %masked_cumsum3A = tpu.scan <sum>, %get3A_147 masked %broadcast_in_dim3A_181 : vector<16xf32>, vector<16xi1> -> vector<16xf32>
        %broadcast_in_dim3A_182 = arith.constant true
        %broadcast_in_dim3A_183 = vector.broadcast %broadcast_in_dim3A_182 : i1 to vector<16xi1>
        %masked_cumsum3A_184 = tpu.scan <sum>, %get3A_155 masked %broadcast_in_dim3A_183 : vector<16xf32>, vector<16xi1> -> vector<16xf32>
        %broadcast_in_dim3A_185 = arith.constant true
        %broadcast_in_dim3A_186 = vector.broadcast %broadcast_in_dim3A_185 : i1 to vector<16xi1>
        %masked_cumsum3A_187 = tpu.scan <sum>, %get3A_163 masked %broadcast_in_dim3A_186 : vector<16xf32>, vector<16xi1> -> vector<16xf32>
        %broadcast_in_dim3A_188 = arith.constant true
        %broadcast_in_dim3A_189 = vector.broadcast %broadcast_in_dim3A_188 : i1 to vector<16xi1>
        %masked_cumsum3A_190 = tpu.scan <sum>, %get3A_171 masked %broadcast_in_dim3A_189 : vector<16xf32>, vector<16xi1> -> vector<16xf32>
        %broadcast_in_dim3A_191 = arith.constant true
        %broadcast_in_dim3A_192 = vector.broadcast %broadcast_in_dim3A_191 : i1 to vector<16xi1>
        %masked_cumsum3A_193 = tpu.scan <sum>, %get3A_179 masked %broadcast_in_dim3A_192 : vector<16xf32>, vector<16xi1> -> vector<16xf32>
        %sub3A = arith.subf %masked_cumsum3A, %get3A_147 : vector<16xf32>
        %add3A_194 = vector.broadcast %scan3A_140 : f32 to vector<16xf32>
        %add3A_195 = arith.addf %sub3A, %add3A_194 : vector<16xf32>
        %mul3A_196 = arith.constant 5 : i32
        %mul3A_197 = arith.muli %scan3A_139, %mul3A_196 : i32
        %add3A_198 = arith.constant 0 : i32
        %add3A_199 = arith.addi %mul3A_197, %add3A_198 : i32
        %mul3A_200 = arith.constant 16 : i32
        %mul3A_201 = arith.muli %add3A_199, %mul3A_200 : i32
        %swap3A_202 = arith.index_cast %mul3A_201 : i32 to index
        %swap3A_203 = tpu.vector_load %arg15[%swap3A_202] {strides = array<i32>} : memref<10000xf32, #tpu.memory_space<vmem>>, vector<16xf32>,
        tpu.vector_store %arg15[%swap3A_202], %add3A_195 {strides = array<i32>} : memref<10000xf32, #tpu.memory_space<vmem>>, vector<16xf32>,
        %slice3A = vector.extract_strided_slice %masked_cumsum3A {offsets = [15], sizes = [1], strides = [1]} : vector<16xf32> to vector<1xf32>
        %squeeze3A = vector.extract %slice3A[0] : f32 from vector<1xf32>
        %add3A_204 = arith.addf %scan3A_140, %squeeze3A : f32
        %sub3A_205 = arith.subf %masked_cumsum3A_184, %get3A_155 : vector<16xf32>
        %add3A_206 = vector.broadcast %add3A_204 : f32 to vector<16xf32>
        %add3A_207 = arith.addf %sub3A_205, %add3A_206 : vector<16xf32>
        %mul3A_208 = arith.constant 5 : i32
        %mul3A_209 = arith.muli %scan3A_139, %mul3A_208 : i32
        %add3A_210 = arith.constant 1 : i32
        %add3A_211 = arith.addi %mul3A_209, %add3A_210 : i32
        %mul3A_212 = arith.constant 16 : i32
        %mul3A_213 = arith.muli %add3A_211, %mul3A_212 : i32
        %swap3A_214 = arith.index_cast %mul3A_213 : i32 to index
        %swap3A_215 = tpu.vector_load %arg15[%swap3A_214] {strides = array<i32>} : memref<10000xf32, #tpu.memory_space<vmem>>, vector<16xf32>,
        tpu.vector_store %arg15[%swap3A_214], %add3A_207 {strides = array<i32>} : memref<10000xf32, #tpu.memory_space<vmem>>, vector<16xf32>,
        %slice3A_216 = vector.extract_strided_slice %masked_cumsum3A_184 {offsets = [15], sizes = [1], strides = [1]} : vector<16xf32> to vector<1xf32>
        %squeeze3A_217 = vector.extract %slice3A_216[0] : f32 from vector<1xf32>
        %add3A_218 = arith.addf %add3A_204, %squeeze3A_217 : f32
        %sub3A_219 = arith.subf %masked_cumsum3A_187, %get3A_163 : vector<16xf32>
        %add3A_220 = vector.broadcast %add3A_218 : f32 to vector<16xf32>
        %add3A_221 = arith.addf %sub3A_219, %add3A_220 : vector<16xf32>
        %mul3A_222 = arith.constant 5 : i32
        %mul3A_223 = arith.muli %scan3A_139, %mul3A_222 : i32
        %add3A_224 = arith.constant 2 : i32
        %add3A_225 = arith.addi %mul3A_223, %add3A_224 : i32
        %mul3A_226 = arith.constant 16 : i32
        %mul3A_227 = arith.muli %add3A_225, %mul3A_226 : i32
        %swap3A_228 = arith.index_cast %mul3A_227 : i32 to index
        %swap3A_229 = tpu.vector_load %arg15[%swap3A_228] {strides = array<i32>} : memref<10000xf32, #tpu.memory_space<vmem>>, vector<16xf32>,
        tpu.vector_store %arg15[%swap3A_228], %add3A_221 {strides = array<i32>} : memref<10000xf32, #tpu.memory_space<vmem>>, vector<16xf32>,
        %slice3A_230 = vector.extract_strided_slice %masked_cumsum3A_187 {offsets = [15], sizes = [1], strides = [1]} : vector<16xf32> to vector<1xf32>
        %squeeze3A_231 = vector.extract %slice3A_230[0] : f32 from vector<1xf32>
        %add3A_232 = arith.addf %add3A_218, %squeeze3A_231 : f32
        %sub3A_233 = arith.subf %masked_cumsum3A_190, %get3A_171 : vector<16xf32>
        %add3A_234 = vector.broadcast %add3A_232 : f32 to vector<16xf32>
        %add3A_235 = arith.addf %sub3A_233, %add3A_234 : vector<16xf32>
        %mul3A_236 = arith.constant 5 : i32
        %mul3A_237 = arith.muli %scan3A_139, %mul3A_236 : i32
        %add3A_238 = arith.constant 3 : i32
        %add3A_239 = arith.addi %mul3A_237, %add3A_238 : i32
        %mul3A_240 = arith.constant 16 : i32
        %mul3A_241 = arith.muli %add3A_239, %mul3A_240 : i32
        %swap3A_242 = arith.index_cast %mul3A_241 : i32 to index
        %swap3A_243 = tpu.vector_load %arg15[%swap3A_242] {strides = array<i32>} : memref<10000xf32, #tpu.memory_space<vmem>>, vector<16xf32>,
        tpu.vector_store %arg15[%swap3A_242], %add3A_235 {strides = array<i32>} : memref<10000xf32, #tpu.memory_space<vmem>>, vector<16xf32>,
        %slice3A_244 = vector.extract_strided_slice %masked_cumsum3A_190 {offsets = [15], sizes = [1], strides = [1]} : vector<16xf32> to vector<1xf32>
        %squeeze3A_245 = vector.extract %slice3A_244[0] : f32 from vector<1xf32>
        %add3A_246 = arith.addf %add3A_232, %squeeze3A_245 : f32
        %sub3A_247 = arith.subf %masked_cumsum3A_193, %get3A_179 : vector<16xf32>
        %add3A_248 = vector.broadcast %add3A_246 : f32 to vector<16xf32>
        %add3A_249 = arith.addf %sub3A_247, %add3A_248 : vector<16xf32>
        %mul3A_250 = arith.constant 5 : i32
        %mul3A_251 = arith.muli %scan3A_139, %mul3A_250 : i32
        %add3A_252 = arith.constant 4 : i32
        %add3A_253 = arith.addi %mul3A_251, %add3A_252 : i32
        %mul3A_254 = arith.constant 16 : i32
        %mul3A_255 = arith.muli %add3A_253, %mul3A_254 : i32
        %swap3A_256 = arith.index_cast %mul3A_255 : i32 to index
        %swap3A_257 = tpu.vector_load %arg15[%swap3A_256] {strides = array<i32>} : memref<10000xf32, #tpu.memory_space<vmem>>, vector<16xf32>,
        tpu.vector_store %arg15[%swap3A_256], %add3A_249 {strides = array<i32>} : memref<10000xf32, #tpu.memory_space<vmem>>, vector<16xf32>,
        %slice3A_258 = vector.extract_strided_slice %masked_cumsum3A_193 {offsets = [15], sizes = [1], strides = [1]} : vector<16xf32> to vector<1xf32>
        %squeeze3A_259 = vector.extract %slice3A_258[0] : f32 from vector<1xf32>
        %add3A_260 = arith.addf %add3A_246, %squeeze3A_259 : f32
        scf.yield %add3A_260 : f32
      }
      %scan3A_136 = arith.constant 125 : i32
      %dma_start3A_137 = tpu.memref_slice %arg6[%add3A_83] : memref<3200000xf32, #tpu.memory_space<hbm>> -> memref<10000xf32, #tpu.memory_space<hbm>>
      %dma_start3A_138 = tpu.memref_slice %arg6[%add3A_83] : memref<3200000xf32, #tpu.memory_space<hbm>> -> memref<10000xf32, #tpu.memory_space<hbm>>
      tpu.enqueue_dma source(%arg15 : memref<10000xf32, #tpu.memory_space<vmem>>) target(%dma_start3A_138 : memref<10000xf32, #tpu.memory_space<hbm>>) target_semaphore(%arg25 : memref<!tpu.dma_semaphore, #tpu.memory_space<semaphore_mem>>)
      scf.yield %scan3A_135 : f32
    }
    %scan3A_62 = arith.constant 5 : i32
    %dma_wait3A_63 = arith.constant 0 : i32
    %dma_wait3A_64 = tpu.memref_slice %arg6[%dma_wait3A_63] : memref<3200000xf32, #tpu.memory_space<hbm>> -> memref<10000xf32, #tpu.memory_space<hbm>>
    %dma_wait3A_65 = arith.constant 0 : i32
    %dma_wait3A_66 = tpu.memref_slice %arg6[%dma_wait3A_65] : memref<3200000xf32, #tpu.memory_space<hbm>> -> memref<10000xf32, #tpu.memory_space<hbm>>
    tpu.wait_dma2 semaphore(%arg24 : memref<!tpu.dma_semaphore, #tpu.memory_space<semaphore_mem>>) src(%arg14 : memref<10000xf32, #tpu.memory_space<vmem>>) dst(%dma_wait3A_66 : memref<10000xf32, #tpu.memory_space<hbm>>)
    %dma_wait3A_67 = arith.constant 0 : i32
    %dma_wait3A_68 = tpu.memref_slice %arg6[%dma_wait3A_67] : memref<3200000xf32, #tpu.memory_space<hbm>> -> memref<10000xf32, #tpu.memory_space<hbm>>
    %dma_wait3A_69 = arith.constant 0 : i32
    %dma_wait3A_70 = tpu.memref_slice %arg6[%dma_wait3A_69] : memref<3200000xf32, #tpu.memory_space<hbm>> -> memref<10000xf32, #tpu.memory_space<hbm>>
    tpu.wait_dma2 semaphore(%arg25 : memref<!tpu.dma_semaphore, #tpu.memory_space<semaphore_mem>>) src(%arg15 : memref<10000xf32, #tpu.memory_space<vmem>>) dst(%dma_wait3A_70 : memref<10000xf32, #tpu.memory_space<hbm>>)
    %broadcast_in_dim3A = arith.constant 0.000000e+00 : f32
    %broadcast_in_dim3A_71 = vector.broadcast %broadcast_in_dim3A : f32 to vector<16xf32>
    %add3A_72 = vector.broadcast %scan3A_61 : f32 to vector<16xf32>
    %add3A_73 = arith.addf %broadcast_in_dim3A_71, %add3A_72 : vector<16xf32>
    %swap3A = arith.constant 0 : index
    %swap3A_74 = tpu.vector_load %arg16[%swap3A] {strides = array<i32>} : memref<16xf32, #tpu.memory_space<vmem>>, vector<16xf32>,
    tpu.vector_store %arg16[%swap3A], %add3A_73 {strides = array<i32>} : memref<16xf32, #tpu.memory_space<vmem>>, vector<16xf32>,
    "tpu.region"() ({
      %run_scoped3A = tpu.sem_alloc : memref<!tpu.dma_semaphore, #tpu.memory_space<semaphore_mem>>
      %dma_start3A_75 = arith.constant 0 : i32
      %dma_start3A_76 = tpu.memref_slice %arg7[%add3A, %dma_start3A_75] : memref<32x16xf32, #tpu.memory_space<hbm>> -> memref<1x16xf32, #tpu.memory_space<hbm>>
      %dma_start3A_77 = tpu.memref_squeeze %dma_start3A_76 : memref<1x16xf32, #tpu.memory_space<hbm>> -> memref<16xf32, #tpu.memory_space<hbm>>
      %dma_start3A_78 = arith.constant 0 : i32
      %dma_start3A_79 = tpu.memref_slice %arg7[%add3A, %dma_start3A_78] : memref<32x16xf32, #tpu.memory_space<hbm>> -> memref<1x16xf32, #tpu.memory_space<hbm>>
      %dma_start3A_80 = tpu.memref_squeeze %dma_start3A_79 : memref<1x16xf32, #tpu.memory_space<hbm>> -> memref<16xf32, #tpu.memory_space<hbm>>
      tpu.enqueue_dma source(%arg16 : memref<16xf32, #tpu.memory_space<vmem>>) target(%dma_start3A_80 : memref<16xf32, #tpu.memory_space<hbm>>) target_semaphore(%run_scoped3A : memref<!tpu.dma_semaphore, #tpu.memory_space<semaphore_mem>>)
      %dma_wait3A_81 = arith.constant 0 : i32
      %dma_wait3A_82 = tpu.memref_slice %arg7[%add3A, %dma_wait3A_81] : memref<32x16xf32, #tpu.memory_space<hbm>> -> memref<1x16xf32, #tpu.memory_space<hbm>>
      %dma_wait3A_83 = tpu.memref_squeeze %dma_wait3A_82 : memref<1x16xf32, #tpu.memory_space<hbm>> -> memref<16xf32, #tpu.memory_space<hbm>>
      %dma_wait3A_84 = arith.constant 0 : i32
      %dma_wait3A_85 = tpu.memref_slice %arg7[%add3A, %dma_wait3A_84] : memref<32x16xf32, #tpu.memory_space<hbm>> -> memref<1x16xf32, #tpu.memory_space<hbm>>
      %dma_wait3A_86 = tpu.memref_squeeze %dma_wait3A_85 : memref<1x16xf32, #tpu.memory_space<hbm>> -> memref<16xf32, #tpu.memory_space<hbm>>
      tpu.wait_dma2 semaphore(%run_scoped3A : memref<!tpu.dma_semaphore, #tpu.memory_space<semaphore_mem>>) src(%arg16 : memref<16xf32, #tpu.memory_space<vmem>>) dst(%dma_wait3A_86 : memref<16xf32, #tpu.memory_space<hbm>>)
      tpu.yield
    }) : () -> ()
    return
  }
}

</mosaic_0001>

<sc_bundles>
// kernel: kernel.4.cloned.1.call-start
scs
__scs_entry_jumppad:
0x0: {  	(pc) =	sbr.rel $0x88, $3  }
0x1: {  	(tag) =	ssettag $0x0;
	lr =	simm.s32 $0x1  }
0x2: {  	[smem:$0x3F9C] =	sst lr;
	_ =	strace $0xD0000000  }
0x3: {  	_ = 	snop  }
0x4: {  	_ = 	snop  }
0x5: {  	_ = 	snop  }
0x6: {  	_ = 	snop  }
0x7: {  	_ = 	snop  }
__scs_overlays_trampoline_lowered:
0x8: {  	[smem:$0x3FAB] =	sst s0  }
0x9: {  	[smem:$0x3FAC] =	sst s1  }
0xa: {  	[smem:$0x3FAD] =	sst s2  }
0xb: {  	[smem:$0x3FAE] =	sst s3  }
0xc: {  	[smem:$0x3FAF] =	sst s4  }
0xd: {  	[smem:$0x3FB0] =	sst s5  }
0xe: {  	[smem:$0x3FB1] =	sst s6  }
0xf: {  	[smem:$0x3FB2] =	sst s7  }
0x10: {  	[smem:$0x3FB3] =	sst s8  }
0x11: {  	[smem:$0x3FB4] =	sst s9;
	s0 =	simm.s32 @!p0 $0x0  }
0x12: {  	s1 =	sld [smem:$0x3F9A];
	s0 =	simm.s32 @p0 $0x1  }
0x13: {  	[smem:$0x3FB5] =	sst s0;
	s0 =	simm.s32 @!p1 $0x0  }
0x14: {  	s2 =	sld [smem:$0x3F99];
	s0 =	simm.s32 @p1 $0x1  }
0x15: {  	[smem:$0x3FB6] =	sst s0;
	s0 =	simm.s32 @!p2 $0x0  }
0x16: {  	s3 =	sld [smem:$0x3FDB];
	s0 =	simm.s32 @p2 $0x1  }
0x17: {  	s4 =	simm.s32 $0x1BF5;
	[smem:$0x3FB8] =	sst s0  }
0x18: {  	s0 =	sld [smem:$0x3F9B];
	_ =	swait.ge [sflag:s4], $0x0  }
0x19: {  	s7 =	sld [smem:$0x3F9C]  }
0x1a: {  	s8 =	sadd.s32 $0xFFFFE003, lr  }
0x1b: {  	s9 =	sadd.s32 $0xFFFFFEF7, lr;
	s5 =	simm.s32 $0xFFFFFFFF;
	p2 =	slt.u32 s8, $0xFFFFF086  }
0x1c: {  	p1 =	slt.u32 s9, $0xF7A;
	s5 =	simm.s32 @!p2 $0x0  }
0x1d: {  	s5 =	simm.s32 @p1 $0x1;
	p0 =	seq.s32 s7, s2  }
0x1e: {  	s7 =	smul.u32 @!p0 $0xF7A, s2;
	p2 =	seq.s32 @!p0 s5, $0x0  }
0x1f: {  	s9 =	smul.u32 $0xF7A, s1;
	s8 =	simm.s32 @!p0 $0x1BF5;
	p2 =	por !p2, p0  }
0x20: {  	[sflag:s8] =	ssyncset.s32 @!p0 $0xFFFFF086;
	s6 =	sadd.s32 @!p0 s3, s7;
	s7 =	simm.s32 @!p0 $0x108  }
0x21: {  	s3 =	sadd.s32 s3, s9;
	s6 =	sadd.s32 @!p0 $0x88, s6;
	s7 =	simm.s32 @p2 $0x1082  }
0x22: {  	[simem:s7], [sflag:s8] =	dma.local @!p0 [hbm:s6], $0xF7A  }
0x23: {  	s9 =	sor.u32 $0xD0000000, s2;
	s6 =	simm.s32 $0x108;
	_ =	swait.ge @!p0 [sflag:s8], $0x0  }
0x24: {  	s3 =	sadd.s32 $0x88, s3;
	s6 =	simm.s32 @!p1 $0x1082;
	[sflag:s4] =	ssyncset.s32 $0xFFFFF086  }
0x25: {  	[simem:s6], [sflag:s4] =	dma.local [hbm:s3], $0xF7A  }
0x26: {  	[smem:$0x3F9C] =	sst s1;
	(tag) =	ssettag s2;
	_ =	strace s9  }
0x27: {  	s1 =	sld [smem:$0x3FAC]  }
0x28: {  	s2 =	sld [smem:$0x3FAD]  }
0x29: {  	s4 =	sld [smem:$0x3FAF]  }
0x2a: {  	p0 =	seq.s32 s5, $0x0;
	s5 =	sld [smem:$0x3FB0]  }
0x2b: {  	s6 =	sld [smem:$0x3FB1]  }
0x2c: {  	s7 =	sld [smem:$0x3FB2]  }
0x2d: {  	s3 =	simm.s32 $0x108;
	s8 =	sld [smem:$0x3FB3]  }
0x2e: {  	s3 =	simm.s32 @!p0 $0x1082;
	s9 =	sld [smem:$0x3FB4]  }
0x2f: {  	lr =	sadd.s32 s0, s3;
	s0 =	sld [smem:$0x3FAB]  }
0x30: {  	s3 =	sld [smem:$0x3FAE]  }
0x31: {  	[smem:$0x3FB7] =	sst s10  }
0x32: {  	s10 =	sld [smem:$0x3FB5];
	_ =	sdelay $0x3  }
0x33: {  	p0 =	seq.s32 s10, $0x1;
	s10 =	sld [smem:$0x3FB7];
	_ =	sdelay $0x3  }
0x34: {  	[smem:$0x3FB7] =	sst s10  }
0x35: {  	s10 =	sld [smem:$0x3FB6];
	_ =	sdelay $0x3  }
0x36: {  	p1 =	seq.s32 s10, $0x1;
	s10 =	sld [smem:$0x3FB7];
	_ =	sdelay $0x3  }
0x37: {  	[smem:$0x3FB7] =	sst s10  }
0x38: {  	s10 =	sld [smem:$0x3FB8]  }
0x39: {  	_ = 	snop;
	(pc) =	sbr.ind lr, $3  }
0x3a: {  	_ = 	snop  }
0x3b: {  	_ = 	snop  }
0x3c: {  	p2 =	seq.s32 s10, $0x1;
	s10 =	sld [smem:$0x3FB7]  }
0x3d: {  	_ =	shalt  }
0x3e: {  	_ =	shalt  }
0x3f: {  	_ =	shalt  }
0x40: {  	_ =	shalt  }
0x41: {  	_ =	shalt  }
0x42: {  	_ =	shalt  }
0x43: {  	_ =	shalt  }
0x44: {  	_ =	shalt  }
0x45: {  	_ =	shalt  }
0x46: {  	_ =	shalt  }
0x47: {  	_ =	shalt  }
0x48: {  	_ =	shalt  }
0x49: {  	_ =	shalt  }
0x4a: {  	_ =	shalt  }
0x4b: {  	_ =	shalt  }
0x4c: {  	_ =	shalt  }
0x4d: {  	_ =	shalt  }
0x4e: {  	_ =	shalt  }
0x4f: {  	_ =	shalt  }
0x50: {  	_ =	shalt  }
0x51: {  	_ =	shalt  }
0x52: {  	_ =	shalt  }
0x53: {  	_ =	shalt  }
0x54: {  	_ =	shalt  }
0x55: {  	_ =	shalt  }
0x56: {  	_ =	shalt  }
0x57: {  	_ =	shalt  }
0x58: {  	_ =	shalt  }
0x59: {  	_ =	shalt  }
0x5a: {  	_ =	shalt  }
0x5b: {  	_ =	shalt  }
0x5c: {  	_ =	shalt  }
0x5d: {  	_ =	shalt  }
0x5e: {  	_ =	shalt  }
0x5f: {  	_ =	shalt  }
0x60: {  	_ =	shalt  }
0x61: {  	_ =	shalt  }
0x62: {  	_ =	shalt  }
0x63: {  	_ =	shalt  }
0x64: {  	_ =	shalt  }
0x65: {  	_ =	shalt  }
0x66: {  	_ =	shalt  }
0x67: {  	_ =	shalt  }
0x68: {  	_ =	shalt  }
0x69: {  	_ =	shalt  }
0x6a: {  	_ =	shalt  }
0x6b: {  	_ =	shalt  }
0x6c: {  	_ =	shalt  }
0x6d: {  	_ =	shalt  }
0x6e: {  	_ =	shalt  }
0x6f: {  	_ =	shalt  }
0x70: {  	_ =	shalt  }
0x71: {  	_ =	shalt  }
0x72: {  	_ =	shalt  }
0x73: {  	_ =	shalt  }
0x74: {  	_ =	shalt  }
0x75: {  	_ =	shalt  }
0x76: {  	_ =	shalt  }
0x77: {  	_ =	shalt  }
0x78: {  	_ =	shalt  }
0x79: {  	_ =	shalt  }
0x7a: {  	_ =	shalt  }
0x7b: {  	_ =	shalt  }
0x7c: {  	_ =	shalt  }
0x7d: {  	_ =	shalt  }
0x7e: {  	_ =	shalt  }
0x7f: {  	_ =	shalt  }
0x80: {  	_ =	shalt  }
0x81: {  	_ =	shalt  }
0x82: {  	_ =	shalt  }
0x83: {  	_ =	shalt  }
0x84: {  	_ =	shalt  }
0x85: {  	_ =	shalt  }
0x86: {  	_ =	shalt  }
0x87: {  	_ =	shalt  }
.Lfunc_end0:
.L_simem_size_0:
called_computation_lowered:
.L_overlay_start_0:
0x88: {  	s2 =	sld [smem:$0x3FD9]  }
0x89: {  	s3 =	sld [smem:$0x3FFE];
	_ =	sdelay $0x1  }
0x8a: {  	s1 =	srdreg.scid  }
0x8b: {  	s0 =	sand.u32 $0x1, s1  }
0x8c: {  	s17 =	sshll.u32 s0, $0xA;
	s2 =	sadd.s32 s3, s2  }
0x8d: {  	s2 =	sadd.s32 s2, s17  }
0x8e: {  	[smem:$0x3FC3] =	sst s2  }
0x8f: {  	_ = 	snop  }
0x90: {  	s2 =	sld [smem:$0x3FC7]  }
0x91: {  	s18 =	sld [smem:$0x3FC6];
	(tm) =	ssettm $0x1  }
0x92: {  	s4 =	sld [smem:$0x3FFB];
	_ =	sdelay $0x3  }
0x93: {  	_ =	strace s4  }
0x94: {  	s4 =	sld [smem:$0x3FFC];
	_ =	sdelay $0x3  }
0x95: {  	_ =	strace s4  }
0x96: {  	s4 =	sld [smem:$0x3FFD];
	_ =	sdelay $0x3  }
0x97: {  	_ =	strace s4  }
0x98: {  	_ =	strace $0x8FFFFFFF  }
0x99: {  	s19 =	sld [smem:$0x3FDB];
	_ =	sdelay $0x1  }
0x9a: {  	s5 =	simm.s32 $_scs_section_size  }
0x9b: {  	s6 =	simm.s32 $_size__tile_overlayer_lowered;
	s7 =	simm.s32 $_tile_overlayer_lowered  }
0x9c: {  	s22 =	simm.s32 $0x1BFF;
	s21 =	sshll.u32 s7, $0x1;
	s4 =	sadd.s32 s5, s19  }
0x9d: {  	s8 =	simm.s32 $0x0;
	s20 =	sshll.u32 s6, $0x1;
	s6 =	sadd.s32 s21, s4  }
0x9e: {  	[timem:s8], [sflag:s22] =	dma.local [hbm:s6], s20  }
0x9f: {  	_ =	swait.ge [sflag:s22], s20  }
0xa0: {  	s5 =	ssub.s32 $0x0, s20;
	[sflag:s22] =	ssyncset.done $0x0  }
0xa1: {  	[sflag:s22] =	ssyncadd.s32 s5;
	_ =	sdelay $0x1  }
0xa2: {  	s23 =	simm.s32 $0x1B8B  }
0xa3: {  	_ =	swait.ge [sflag:s23], $0x1  }
0xa4: {  	[sflag:s23] =	ssyncset.done $0x0  }
0xa5: {  	s25 =	simm.s32 $0x1B8E;
	s24 =	sld [smem:$0x3FFE];
	[sflag:s23] =	ssyncadd.s32 $0xFFFFFFFF  }
0xa6: {  	s26 =	simm.s32 $execute0_lowered;
	[smem:$0x3FD2] =	sst s25  }
0xa7: {  	s6 =	sshll.u32 s26, $0x1;
	_ =	strace $0x80000046;
	[dreg:$0x1] =	wrdreg $0xFFFFFFFF  }
0xa8: {  	s28 =	simm.s32 $_size_execute0_lowered;
	s4 =	sadd.s32 s4, s6;
	[dreg:$0x0] =	wrdreg $0x0  }
0xa9: {  	s6 =	sshll.u32 s28, $0x1;
	[dreg:$0x2] =	wrdreg s4  }
0xaa: {  	[dreg:$0x3] =	wrdreg s6  }
0xab: {  	[dreg:$0x4] =	wrdreg $0xC0  }
0xac: {  	_ =	task [dreg:s8], $0x5FFFF  }
0xad: {  	[dreg:$0x1] =	wrdreg $0xFFFFFFFF  }
0xae: {  	[dreg:$0x0] =	wrdreg $0x60  }
0xaf: {  	[dreg:$0x2] =	wrdreg s2  }
0xb0: {  	[dreg:$0x3] =	wrdreg s18  }
0xb1: {  	[dreg:$0x4] =	wrdreg s24  }
0xb2: {  	[dreg:$0x5] =	wrdreg $0x13C800  }
0xb3: {  	[dreg:$0x6] =	wrdreg $0x9  }
0xb4: {  	_ =	task.clear_ibuf [dreg:s8], $0x7FFFF;
	_ =	strace $0x90000046  }
0xb5: {  	s29 =	simm.s32 $0x9;
	_ =	strace $0x80000048  }
0xb6: {  	_ =	swait.ge [sflag:s29], $0x1  }
0xb7: {  	[sflag:s29] =	ssyncadd.s32 $0xFFFFFFFF  }
0xb8: {  	_ =	strace $0x90000048  }
0xb9: {  	_ =	sfence  }
0xba: {  	s30 =	sld [smem:$0x0];
	_ =	sdelay $0x2  }
0xbb: {  	s31 =	sshll.u32 s1, $0xD;
	s1 =	sshrl.u32 s1, $0x2  }
0xbc: {  	s3 =	sand.u32 $0x4000, s31;
	s1 =	sadd.s32 s1, s30  }
0xbd: {  	s0 =	sor.u32 s3, s0;
	s1 =	sshll.u32 s1, $0x11  }
0xbe: {  	s0 =	sor.u32 s1, s0  }
0xbf: {  	s0 =	sadd.s32 $0x8F2B, s0  }
0xc0: {  	[sflag:s0] =	ssyncadd.remote.s32 $0x1  }
0xc1: {  	_ =	sfence.sel $0xFFFF  }
0xc2: {  	[dreg:$0x0] =	wrdreg $0xFFFFFFFF;
	(pc) =	sbr.abs _section_cstart, $3  }
0xc3: {  	[dreg:$0x1] =	wrdreg $0xFFFFFFFF  }
0xc4: {  	_ =	task.clear_ibuf [dreg:s8], $0x2FFFF;
	_ =	strace $0x9FFFFFFF  }
0xc5: {  	(tm) =	ssettm $0x7FFFFFFF  }
tec
execute0_lowered:
.L_overlay_start_1:
0x0: {  	(tag) =	ssettag $0x1  }
0x1: {  	s1 =	rddreg [dreg:$0x0]  }
0x2: {  	s2 =	rddreg [dreg:$0x1]  }
0x3: {  	s0 =	rddreg [dreg:$0x2]  }
0x4: {  	s4 =	rddreg [dreg:$0x3]  }
0x5: {  	s3 =	srdreg.scid;
	s12 =	stileid.u32  }
0x6: {  	s5 =	simm.s32 $0x0;
	s28 =	simm.s32 $0x4F00;
	s29 =	simm.s32 $0x7680  }
0x7: {  	s30 =	simm.s32 $0x9;
	s3 =	sand.u32 $0x1, s3;
	s6 =	sshll.u32 s12, $0x1  }
0x8: {  	[smem:$0x7FF] =	sst s5;
	s9 =	sadd.s32 $0x10C00, s0;
	s10 =	sadd.s32 $0x1000, s0  }
0x9: {  	s7 =	sadd.s32 $0x20600, s0;
	s12 =	smul.u32 $0x7D00, s12;
	s8 =	sor.u32 s3, s6  }
0xa: {  	_ =	strace $0x80000047;
	s3 =	ssub.s32 $0x2, s3;
	s6 =	smul.u32 $0x186A0, s8  }
0xb: {  	s8 =	sshll.u32 s8, $0x4;
	s15 =	sshrl.u32 s3, $0x1;
	s17 =	sshrl.u32 s12, $0x3  }
0xc: {  	s19 =	sadd.s32 $0x1F40, s12;
	s20 =	sadd.s32 s12, s4;
	s13 =	sadd.s32 $0x3E80, s12  }
0xd: {  	s24 =	sadd.s32 $0x5DC0, s12;
	s18 =	sadd.s32 s10, s17;
	[dreg:$0x9] =	wrdreg s20  }
0xe: {  	s0 =	sadd.s32 s8, s0;
	s8 =	sadd.s32 s9, s17;
	[dreg:$0x7] =	wrdreg s18  }
0xf: {  	s21 =	sshrl.u32 s19, $0x3;
	s25 =	sadd.s32 s13, s4;
	[dreg:$0x8] =	wrdreg s8  }
0x10: {  	s3 =	ssub.s32 s3, s15;
	s14 =	sadd.s32 s10, s21;
	[dreg:$0xf] =	wrdreg s25  }
0x11: {  	s22 =	sshrl.u32 s13, $0x3;
	s8 =	sadd.s32 s19, s4;
	[dreg:$0xa] =	wrdreg s14  }
0x12: {  	s26 =	sshrl.u32 s24, $0x3;
	s23 =	sadd.s32 s10, s22;
	[dreg:$0xc] =	wrdreg s8  }
0x13: {  	s13 =	simm.s32 $0x4;
	s10 =	sadd.s32 s10, s26;
	[dreg:$0xd] =	wrdreg s23  }
0x14: {  	s15 =	simm.s32 $0x8;
	s0 =	sadd.s32 $0x82200, s0;
	[dreg:$0x10] =	wrdreg s10  }
0x15: {  	s11 =	sshrl.u32 s6, $0x3;
	s31 =	smax.u32 s3, $0x1;
	[dreg:$0x13] =	wrdreg s0  }
0x16: {  	s25 =	simm.s32 $0x1;
	s11 =	sadd.s32 s1, s11;
	[dreg:$0x14] =	wrdreg s31  }
0x17: {  	s3 =	simm.s32 $0x3;
	s8 =	sadd.s32 s24, s4;
	[dreg:$0x5] =	wrdreg s11  }
0x18: {  	s24 =	simm.s32 $0x2780;
	s16 =	sadd.s32 $0x4E2, s11;
	[dreg:$0x12] =	wrdreg s8  }
0x19: {  	s10 =	simm.s32 $0x2;
	s11 =	sadd.s32 s9, s21;
	[dreg:$0x6] =	wrdreg s16  }
0x1a: {  	s14 =	simm.s32 $0x6;
	[dreg:$0xb] =	wrdreg s11;
	s11 =	sadd.s32 s9, s22  }
0x1b: {  	s8 =	simm.s32 $0x0;
	s9 =	sadd.s32 s9, s26;
	[dreg:$0xe] =	wrdreg s11  }
0x1c: {  	s26 =	simm.s32 $0x2710;
	[dreg:$0x11] =	wrdreg s9;
	s11 =	simm.s32 $0x5  }
.LBB2_1:
0x1d: {  	[dreg:$0x15] =	wrdreg s8  }
0x1e: {  	s0 =	rddreg [dreg:$0x5]  }
0x1f: {  	[tilespmem:s5], [sflag:$0x1] =	stream.linear.gather [hbm4b:s0+s5], $0x2710, $0x38;
	[tilespmem:$0x1B980] =	vst v63  }
0x20: {  	s21 =	rddreg [dreg:$0x6]  }
0x21: {  	[tilespmem:s24], [sflag:$0x2] =	stream.linear.gather [hbm4b:s21+s5], $0x2710, $0x38;
	[tilespmem:$0x1B980] =	vst v63  }
0x22: {  	_ =	swait.ge [sflag:s25], $0x2710  }
0x23: {  	[sflag:s25] =	ssyncset.done $0x0  }
0x24: {  	[sflag:s25] =	ssyncadd.s32 $0xFFFFD8F0  }
0x25: {  	[tilespmem:s28], [sflag:$0x3] =	stream.indirect.gather [hbm4b:s2+s26], $0x1, s5, s26, $0xb8;
	[tilespmem:$0x1B980] =	vst v63  }
0x26: {  	s22 =	rddreg [dreg:$0x7]  }
0x27: {  	[tilespmem:s29], [sflag:$0x9] =	stream.linear.gather [hbm4b:s22+s5], $0x1F50, $0x38;
	[tilespmem:$0x1B980] =	vst v63  }
0x28: {  	_ =	swait.ge [sflag:s30], $0x1F50  }
0x29: {  	[sflag:s30] =	ssyncset.done $0x0  }
0x2a: {  	s31 =	simm.s32 $0xC580;
	s23 =	rddreg [dreg:$0x8];
	[sflag:s30] =	ssyncadd.s32 $0xFFFFE0B0  }
0x2b: {  	[tilespmem:s31], [sflag:$0x9] =	stream.linear.gather [hbm4b:s23+s5], $0x1F40, $0x38;
	[tilespmem:$0x1B980] =	vst v63  }
0x2c: {  	_ =	swait.ge [sflag:s30], $0x1F40  }
0x2d: {  	[sflag:s30] =	ssyncset.done $0x0  }
0x2e: {  	s19 =	simm.s32 $0x0;
	[sflag:s30] =	ssyncadd.s32 $0xFFFFE0C0  }
0x2f: {  	v0 =	vld [tilespmem:s19+$0x76B0]  }
0x30: {  	v1 =	vld [tilespmem:s19+$0x76B1]  }
0x31: {  	v2 =	vld [tilespmem:s19+$0x7680]  }
0x32: {  	v3 =	vld [tilespmem:s19+$0x7681]  }
0x33: {  	v4 =	vld [tilespmem:s19+$0x7690]  }
0x34: {  	v5 =	vld [tilespmem:s19+$0x7691]  }
0x35: {  	v7 =	vld [tilespmem:s19+$0x76A1];
	v6 =	vsub.s32 v1, v0  }
0x36: {  	v0 =	vld [tilespmem:s19+$0x76A0];
	v1 =	vadd.s32 $0xFFFFFFFF, v6  }
0x37: {  	v8 =	vld [tilespmem:s19+$0xC580];
	v2 =	vsub.s32 v3, v2;
	vm0 =	vgt.s32 v1, $0x1  }
0x38: {  	s18 =	simm.s32 $0x40;
	v9 =	vld [tilespmem:s19+$0xC590];
	v3 =	vadd.s32 $0xFFFFFFFF, v2;
	v1 =	vnsel vm0, $0x1, v1  }
0x39: {  	v11 =	vld [tilespmem:s18+$0x76B1];
	v4 =	vsub.s32 v5, v4;
	vm0 =	vgt.s32 v3, $0x1;
	v1 =	vcvt.s32.f32 v1  }
0x3a: {  	v12 =	vld [tilespmem:s18+$0x7680];
	v5 =	vadd.s32 $0xFFFFFFFF, v4;
	v3 =	vnsel vm0, $0x1, v3  }
0x3b: {  	v14 =	vld [tilespmem:s18+$0x76A0];
	v3 =	vcvt.s32.f32 v3;
	v0 =	vsub.s32 v7, v0;
	(erf) = vrcp.f32 v1  }
0x3c: {  	vm1 =	vgt.s32 v2, $0x1;
	v2 =	vld [tilespmem:s18+$0x7690];
	vm0 =	vgt.s32 v5, $0x1;
	v10 =	vadd.s32 $0xFFFFFFFF, v0  }
0x3d: {  	v7 =	vld [tilespmem:s18+$0x76B0];
	v5 =	vnsel vm0, $0x1, v5;
	vm0 =	vgt.s32 v10, $0x1;
	(erf) = vrcp.f32 v3  }
0x3e: {  	v1 =	vld [tilespmem:s19+$0xC5A0];
	v5 =	vcvt.s32.f32 v5;
	v3 =	vnsel vm0, $0x1, v10  }
0x3f: {  	v10 =	vld [tilespmem:s19+$0xC5B0];
	v13 =	vcvt.s32.f32 v3  }
0x40: {  	v8 =	vmax.f32 v8, $1.000000000e+00;
	(erf) = vrcp.f32 v5;
	v5 =	vld [tilespmem:s18+$0x7681]  }
0x41: {  	vm3 =	vgt.s32 v4, $0x1;
	v3 =	vmax.f32 v9, $1.000000000e+00;
	v9 =	vld [tilespmem:s18+$0x7691];
	(erf) = vrcp.f32 v13  }
0x42: {  	v15 =	vld [tilespmem:s18+$0x76A1];
	vm2 =	vmmov vm1;
	vm0 =	vgt.s32 v0, $0x1;
	v0 =	vsub.s32 v11, v7  }
0x43: {  	vm1 =	vmmov vm3;
	vm3 =	vgt.s32 v6, $0x1;
	v7 =	vadd.s32 $0xFFFFFFFF, v0  }
0x44: {  	v1 =	vmax.f32 v1, $1.000000000e+00;
	vm4 =	vgt.s32 v7, $0x1;
	v4 =	vmax.f32 v10, $1.000000000e+00;
	v10 =	vpop (erf)  }
0x45: {  	v10 =	vmul.f32 v10, v4;
	v4 =	vsub.s32 v5, v12;
	v12 =	vld [tilespmem:s18+$0xC580];
	v5 =	vnsel vm4, $0x1, v7  }
0x46: {  	v7 =	vpop (erf);
	v11 =	vadd.s32 $0xFFFFFFFF, v4;
	v13 =	vcvt.s32.f32 v5;
	v5 =	vsub.s32 v9, v2  }
0x47: {  	v6 =	vld [tilespmem:s18+$0xC590];
	v9 =	vmul.f32 v7, v8;
	v8 =	vsub.s32 v15, v14;
	v10 =	vnsel vm3, $0x0, v10  }
0x48: {  	v7 =	vld [tilespmem:s18+$0xC5A0];
	vm3 =	vgt.s32 v11, $0x1;
	v16 =	vadd.s32 $0xFFFFFFFF, v5;
	v14 =	vadd.s32 $0xFFFFFFFF, v8  }
0x49: {  	s20 =	simm.s32 $0x80;
	v2 =	vnsel vm3, $0x1, v11;
	(erf) = vrcp.f32 v13;
	[tilespmem:s19+$0x114B0] =	vst v10;
	vm3 =	vgt.s32 v16, $0x1;
	v11 =	vpop (erf)  }
0x4a: {  	s21 =	simm.s32 $0x300;
	v13 =	vcvt.s32.f32 v2;
	v10 =	vld [tilespmem:s20+$0x76B0];
	v15 =	vnsel vm3, $0x1, v16;
	v2 =	vmax.f32 v12, $1.000000000e+00;
	v12 =	vpop (erf)  }
.LBB2_2:
0x4b: {  	v15 =	vcvt.s32.f32 v15  }
0x4c: {  	p0 =	sne.s32 s21, $0x7C00;
	v16 =	vld [tilespmem:s20+$0x76B1];
	vm3 =	vgt.s32 v14, $0x1;
	(erf) = vrcp.f32 v13;
	vm4 =	vmmov vm0  }
0x4d: {  	v6 =	vmax.f32 v6, $1.000000000e+00;
	v13 =	vnsel vm3, $0x1, v14;
	v7 =	vmax.f32 v7, $1.000000000e+00;
	v14 =	vld [tilespmem:s18+$0xC5B0]  }
0x4e: {  	vm3 =	vgt.s32 v4, $0x1;
	v17 =	vld [tilespmem:s20+$0x7680];
	v4 =	vcvt.s32.f32 v13;
	(erf) = vrcp.f32 v15  }
0x4f: {  	vm5 =	vgt.s32 v5, $0x1;
	v5 =	vmul.f32 v11, v3;
	v11 =	vmul.f32 v12, v1;
	v3 =	vmovc v6;
	v1 =	vmovc v7;
	v13 =	vld [tilespmem:s20+$0x7681]  }
0x50: {  	vm0 =	vgt.s32 v8, $0x1;
	v7 =	vld [tilespmem:s20+$0x7690];
	(erf) = vrcp.f32 v4;
	v4 =	vnsel vm2, $0x0, v9  }
0x51: {  	v8 =	vld [tilespmem:s20+$0x7691];
	v6 =	vsub.s32 v16, v10;
	[tilespmem:s19+$0x11480] =	vst v4;
	v4 =	vnsel vm1, $0x0, v5;
	v5 =	vnsel vm4, $0x0, v11  }
0x52: {  	vm2 =	vmmov vm3;
	v10 =	vld [tilespmem:s20+$0x76A0];
	v9 =	vadd.s32 $0xFFFFFFFF, v6;
	v11 =	vmax.f32 v14, $1.000000000e+00;
	v12 =	vpop (erf);
	[tilespmem:s19+$0x11490] =	vst v4  }
0x53: {  	vm1 =	vmmov vm5;
	v14 =	vld [tilespmem:s20+$0x76A1];
	vm3 =	vgt.s32 v9, $0x1;
	v11 =	vmul.f32 v12, v11;
	[tilespmem:s19+$0x114A0] =	vst v5;
	s19 =	smov.u32 s18;
	s18 =	smov.u32 s20  }
0x54: {  	v4 =	vsub.s32 v13, v17;
	v12 =	vld [tilespmem:s18+$0xC580];
	v5 =	vnsel vm3, $0x1, v9;
	vm3 =	vgt.s32 v0, $0x1;
	v0 =	vmovc v6  }
.Ltmp0:
0x55: {  	v13 =	vadd.s32 $0xFFFFFFFF, v4;
	v6 =	vld [tilespmem:s18+$0xC590];
	v15 =	vcvt.s32.f32 v5;
	v17 =	vnsel vm3, $0x0, v11;
	v9 =	vpop (erf);
	(pc) =	sbr.rel @p0 .LBB2_2-.Ltmp0, $4  }
0x56: {  	vm3 =	vgt.s32 v13, $0x1;
	v5 =	vsub.s32 v8, v7;
	v7 =	vld [tilespmem:s18+$0xC5A0];
	v9 =	vmul.f32 v9, v2;
	[tilespmem:s19+$0x114B0] =	vst v17  }
0x57: {  	v2 =	vnsel vm3, $0x1, v13;
	v16 =	vadd.s32 $0xFFFFFFFF, v5;
	(erf) = vrcp.f32 v15;
	v11 =	vpop (erf)  }
0x58: {  	s20 =	sshra.s32 s21, $0x2;
	v13 =	vcvt.s32.f32 v2;
	vm3 =	vgt.s32 v16, $0x1;
	v8 =	vsub.s32 v14, v10  }
0x59: {  	s21 =	sadd.s32 $0x100, s21;
	v10 =	vld [tilespmem:s20+$0x76B0];
	v2 =	vmax.f32 v12, $1.000000000e+00;
	v15 =	vnsel vm3, $0x1, v16;
	v14 =	vadd.s32 $0xFFFFFFFF, v8;
	v12 =	vpop (erf)  }
0x5a: {  	v16 =	vld [tilespmem:s20+$0x76B1]  }
0x5b: {  	v17 =	vld [tilespmem:s18+$0xC5B0]  }
0x5c: {  	v18 =	vld [tilespmem:s20+$0x7680]  }
0x5d: {  	v19 =	vld [tilespmem:s20+$0x7681];
	v3 =	vmul.f32 v11, v3  }
0x5e: {  	v20 =	vld [tilespmem:s20+$0x7690];
	v9 =	vnsel vm2, $0x0, v9;
	vm2 =	vgt.s32 v14, $0x1;
	(erf) = vrcp.f32 v13  }
0x5f: {  	v11 =	vld [tilespmem:s20+$0x7691];
	[tilespmem:s19+$0x11480] =	vst v9;
	v9 =	vnsel vm2, $0x1, v14;
	v14 =	vcvt.s32.f32 v15;
	v3 =	vnsel vm1, $0x0, v3  }
0x60: {  	v1 =	vmul.f32 v12, v1;
	v15 =	vld [tilespmem:s20+$0x76A0];
	[tilespmem:s19+$0x11490] =	vst v3;
	v3 =	vcvt.s32.f32 v9  }
0x61: {  	vm0 =	vmmov vm0;
	(erf) = vrcp.f32 v14;
	v9 =	vsub.s32 v16, v10;
	v10 =	vld [tilespmem:s20+$0x76A1]  }
0x62: {  	v1 =	vnsel vm0, $0x0, v1;
	(erf) = vrcp.f32 v3;
	v12 =	vmax.f32 v17, $1.000000000e+00;
	v13 =	vpop (erf)  }
0x63: {  	v3 =	vadd.s32 $0xFFFFFFFF, v9;
	v12 =	vmul.f32 v13, v12;
	v13 =	vsub.s32 v19, v18  }
0x64: {  	v11 =	vsub.s32 v11, v20;
	vm0 =	vgt.s32 v3, $0x1;
	v14 =	vadd.s32 $0xFFFFFFFF, v13  }
0x65: {  	v16 =	vadd.s32 $0xFFFFFFFF, v11;
	v3 =	vnsel vm0, $0x1, v3;
	vm0 =	vgt.s32 v14, $0x1  }
0x66: {  	v3 =	vcvt.s32.f32 v3;
	v10 =	vsub.s32 v10, v15;
	v14 =	vnsel vm0, $0x1, v14  }
0x67: {  	[tilespmem:s19+$0x114A0] =	vst v1;
	vm0 =	vgt.s32 v16, $0x1;
	v15 =	vadd.s32 $0xFFFFFFFF, v10;
	v1 =	vcvt.s32.f32 v14  }
0x68: {  	v14 =	vnsel vm0, $0x1, v16;
	(erf) = vrcp.f32 v3;
	vm0 =	vgt.s32 v15, $0x1  }
0x69: {  	v16 =	vld [tilespmem:s20+$0xC580];
	v3 =	vcvt.s32.f32 v14;
	v14 =	vnsel vm0, $0x1, v15;
	vm0 =	vgt.s32 v0, $0x1  }
0x6a: {  	v0 =	vld [tilespmem:s20+$0xC590];
	v12 =	vnsel vm0, $0x0, v12  }
0x6b: {  	(erf) = vrcp.f32 v1;
	v1 =	vcvt.s32.f32 v14;
	v14 =	vld [tilespmem:s20+$0xC5A0];
	[tilespmem:s18+$0x114B0] =	vst v12  }
0x6c: {  	(erf) = vrcp.f32 v3;
	vm0 =	vgt.s32 v4, $0x1;
	v4 =	vld [tilespmem:s20+$0xC5B0]  }
0x6d: {  	(erf) = vrcp.f32 v1  }
0x6e: {  	vm2 =	vgt.s32 v8, $0x1;
	v1 =	vmax.f32 v6, $1.000000000e+00;
	v6 =	vpop (erf)  }
0x6f: {  	vm1 =	vgt.s32 v5, $0x1;
	vm2 =	vmmov vm2;
	v2 =	vmul.f32 v6, v2;
	v6 =	vpop (erf)  }
0x70: {  	vm1 =	vmmov vm1;
	vm4 =	vgt.s32 v11, $0x1;
	v3 =	vmax.f32 v7, $1.000000000e+00;
	v8 =	vpop (erf)  }
0x71: {  	vm3 =	vgt.s32 v13, $0x1;
	v3 =	vmul.f32 v8, v3;
	v4 =	vmax.f32 v4, $1.000000000e+00  }
0x72: {  	vm0 =	vmmov vm0;
	v5 =	vmax.f32 v16, $1.000000000e+00;
	v1 =	vmul.f32 v6, v1  }
0x73: {  	v0 =	vmax.f32 v0, $1.000000000e+00;
	v2 =	vnsel vm0, $0x0, v2;
	v6 =	vpop (erf);
	v3 =	vnsel vm2, $0x0, v3  }
0x74: {  	v7 =	vmax.f32 v14, $1.000000000e+00;
	[tilespmem:s18+$0x11480] =	vst v2;
	v1 =	vnsel vm1, $0x0, v1;
	v2 =	vmul.f32 v6, v4;
	v4 =	vpop (erf)  }
0x75: {  	vm0 =	vgt.s32 v10, $0x1;
	vm1 =	vgt.s32 v9, $0x1;
	[tilespmem:s18+$0x11490] =	vst v1;
	v1 =	vmul.f32 v4, v5;
	v4 =	vpop (erf)  }
0x76: {  	vm2 =	vmmov vm3;
	[tilespmem:s18+$0x114A0] =	vst v3;
	v2 =	vnsel vm1, $0x0, v2;
	v3 =	vpop (erf);
	v0 =	vmul.f32 v4, v0  }
0x77: {  	vm1 =	vmmov vm4;
	[tilespmem:s20+$0x114B0] =	vst v2;
	v2 =	vmul.f32 v3, v7;
	v1 =	vnsel vm2, $0x0, v1  }
0x78: {  	vm0 =	vmmov vm0;
	[tilespmem:s20+$0x11480] =	vst v1;
	v0 =	vnsel vm1, $0x0, v0  }
0x79: {  	v1 =	vnsel vm0, $0x0, v2;
	[tilespmem:s20+$0x11490] =	vst v0  }
0x7a: {  	s0 =	rddreg [dreg:$0x9];
	s8 =	simm.s32 $0x11480;
	[tilespmem:s20+$0x114A0] =	vst v1  }
0x7b: {  	[spmem:s0] =	stream.linear.scatter [tilespmem:s8], [sflag:$0x9], $0x1F40, $0x38;
	[tilespmem:$0x1B980] =	vst v63  }
0x7c: {  	_ =	swait.ge [sflag:s30], $0x1F40  }
0x7d: {  	[sflag:s30] =	ssyncset.done $0x0  }
0x7e: {  	s22 =	simm.s32 $0x0;
	s23 =	rddreg [dreg:$0xa];
	[sflag:s30] =	ssyncadd.s32 $0xFFFFE0C0  }
0x7f: {  	[tilespmem:s29], [sflag:$0x9] =	stream.linear.gather [hbm4b:s23+s22], $0x1F50, $0x38;
	[tilespmem:$0x1B980] =	vst v63  }
0x80: {  	_ =	swait.ge [sflag:s30], $0x1F50  }
0x81: {  	[sflag:s30] =	ssyncset.done $0x0  }
0x82: {  	s9 =	simm.s32 $0xC580;
	s31 =	rddreg [dreg:$0xb];
	[sflag:s30] =	ssyncadd.s32 $0xFFFFE0B0  }
0x83: {  	[tilespmem:s9], [sflag:$0x9] =	stream.linear.gather [hbm4b:s31+s22], $0x1F40, $0x38;
	[tilespmem:$0x1B980] =	vst v63  }
0x84: {  	_ =	swait.ge [sflag:s30], $0x1F40  }
0x85: {  	[sflag:s30] =	ssyncset.done $0x0  }
0x86: {  	s19 =	simm.s32 $0x0;
	[sflag:s30] =	ssyncadd.s32 $0xFFFFE0C0  }
0x87: {  	v0 =	vld [tilespmem:s19+$0x76B0]  }
0x88: {  	v1 =	vld [tilespmem:s19+$0x76B1]  }
0x89: {  	v2 =	vld [tilespmem:s19+$0x7680]  }
0x8a: {  	v3 =	vld [tilespmem:s19+$0x7681]  }
0x8b: {  	v4 =	vld [tilespmem:s19+$0x7690]  }
0x8c: {  	v5 =	vld [tilespmem:s19+$0x7691]  }
0x8d: {  	v7 =	vld [tilespmem:s19+$0x76A1];
	v6 =	vsub.s32 v1, v0  }
0x8e: {  	v0 =	vld [tilespmem:s19+$0x76A0];
	v1 =	vadd.s32 $0xFFFFFFFF, v6  }
0x8f: {  	v8 =	vld [tilespmem:s19+$0xC580];
	v2 =	vsub.s32 v3, v2;
	vm0 =	vgt.s32 v1, $0x1  }
0x90: {  	s18 =	simm.s32 $0x40;
	v9 =	vld [tilespmem:s19+$0xC590];
	v3 =	vadd.s32 $0xFFFFFFFF, v2;
	v1 =	vnsel vm0, $0x1, v1  }
0x91: {  	v11 =	vld [tilespmem:s18+$0x76B1];
	v4 =	vsub.s32 v5, v4;
	vm0 =	vgt.s32 v3, $0x1;
	v1 =	vcvt.s32.f32 v1  }
0x92: {  	v12 =	vld [tilespmem:s18+$0x7680];
	v5 =	vadd.s32 $0xFFFFFFFF, v4;
	v3 =	vnsel vm0, $0x1, v3  }
0x93: {  	v14 =	vld [tilespmem:s18+$0x76A0];
	v3 =	vcvt.s32.f32 v3;
	v0 =	vsub.s32 v7, v0;
	(erf) = vrcp.f32 v1  }
0x94: {  	vm1 =	vgt.s32 v2, $0x1;
	v2 =	vld [tilespmem:s18+$0x7690];
	vm0 =	vgt.s32 v5, $0x1;
	v10 =	vadd.s32 $0xFFFFFFFF, v0  }
0x95: {  	v7 =	vld [tilespmem:s18+$0x76B0];
	v5 =	vnsel vm0, $0x1, v5;
	vm0 =	vgt.s32 v10, $0x1;
	(erf) = vrcp.f32 v3  }
0x96: {  	v1 =	vld [tilespmem:s19+$0xC5A0];
	v5 =	vcvt.s32.f32 v5;
	v3 =	vnsel vm0, $0x1, v10  }
0x97: {  	v10 =	vld [tilespmem:s19+$0xC5B0];
	v13 =	vcvt.s32.f32 v3  }
0x98: {  	v8 =	vmax.f32 v8, $1.000000000e+00;
	(erf) = vrcp.f32 v5;
	v5 =	vld [tilespmem:s18+$0x7681]  }
0x99: {  	vm3 =	vgt.s32 v4, $0x1;
	v3 =	vmax.f32 v9, $1.000000000e+00;
	v9 =	vld [tilespmem:s18+$0x7691];
	(erf) = vrcp.f32 v13  }
0x9a: {  	v15 =	vld [tilespmem:s18+$0x76A1];
	vm2 =	vmmov vm1;
	vm0 =	vgt.s32 v0, $0x1;
	v0 =	vsub.s32 v11, v7  }
0x9b: {  	vm1 =	vmmov vm3;
	vm3 =	vgt.s32 v6, $0x1;
	v7 =	vadd.s32 $0xFFFFFFFF, v0  }
0x9c: {  	v1 =	vmax.f32 v1, $1.000000000e+00;
	vm15 =	vgt.s32 v7, $0x1;
	v4 =	vmax.f32 v10, $1.000000000e+00;
	v10 =	vpop (erf)  }
0x9d: {  	v10 =	vmul.f32 v10, v4;
	v4 =	vsub.s32 v5, v12;
	v12 =	vld [tilespmem:s18+$0xC580];
	v5 =	vnsel vm15, $0x1, v7  }
0x9e: {  	v7 =	vpop (erf);
	v11 =	vadd.s32 $0xFFFFFFFF, v4;
	v13 =	vcvt.s32.f32 v5;
	v5 =	vsub.s32 v9, v2  }
0x9f: {  	v6 =	vld [tilespmem:s18+$0xC590];
	v9 =	vmul.f32 v7, v8;
	v8 =	vsub.s32 v15, v14;
	v10 =	vnsel vm3, $0x0, v10  }
0xa0: {  	v7 =	vld [tilespmem:s18+$0xC5A0];
	vm3 =	vgt.s32 v11, $0x1;
	v16 =	vadd.s32 $0xFFFFFFFF, v5;
	v14 =	vadd.s32 $0xFFFFFFFF, v8  }
0xa1: {  	s20 =	simm.s32 $0x80;
	v2 =	vnsel vm3, $0x1, v11;
	(erf) = vrcp.f32 v13;
	[tilespmem:s19+$0x114B0] =	vst v10;
	vm3 =	vgt.s32 v16, $0x1;
	v11 =	vpop (erf)  }
0xa2: {  	s21 =	simm.s32 $0x300;
	v13 =	vcvt.s32.f32 v2;
	v10 =	vld [tilespmem:s20+$0x76B0];
	v15 =	vnsel vm3, $0x1, v16;
	v2 =	vmax.f32 v12, $1.000000000e+00;
	v12 =	vpop (erf)  }
.LBB2_4:
0xa3: {  	v15 =	vcvt.s32.f32 v15  }
0xa4: {  	p0 =	sne.s32 s21, $0x7C00;
	v16 =	vld [tilespmem:s20+$0x76B1];
	vm3 =	vgt.s32 v14, $0x1;
	(erf) = vrcp.f32 v13;
	vm4 =	vmmov vm0  }
0xa5: {  	v6 =	vmax.f32 v6, $1.000000000e+00;
	v13 =	vnsel vm3, $0x1, v14;
	v7 =	vmax.f32 v7, $1.000000000e+00;
	v14 =	vld [tilespmem:s18+$0xC5B0]  }
0xa6: {  	vm3 =	vgt.s32 v4, $0x1;
	v17 =	vld [tilespmem:s20+$0x7680];
	v4 =	vcvt.s32.f32 v13;
	(erf) = vrcp.f32 v15  }
0xa7: {  	vm5 =	vgt.s32 v5, $0x1;
	v5 =	vmul.f32 v11, v3;
	v11 =	vmul.f32 v12, v1;
	v3 =	vmovc v6;
	v1 =	vmovc v7;
	v13 =	vld [tilespmem:s20+$0x7681]  }
0xa8: {  	vm0 =	vgt.s32 v8, $0x1;
	v7 =	vld [tilespmem:s20+$0x7690];
	(erf) = vrcp.f32 v4;
	v4 =	vnsel vm2, $0x0, v9  }
0xa9: {  	v8 =	vld [tilespmem:s20+$0x7691];
	v6 =	vsub.s32 v16, v10;
	[tilespmem:s19+$0x11480] =	vst v4;
	v4 =	vnsel vm1, $0x0, v5;
	v5 =	vnsel vm4, $0x0, v11  }
0xaa: {  	vm2 =	vmmov vm3;
	v10 =	vld [tilespmem:s20+$0x76A0];
	v9 =	vadd.s32 $0xFFFFFFFF, v6;
	v11 =	vmax.f32 v14, $1.000000000e+00;
	v12 =	vpop (erf);
	[tilespmem:s19+$0x11490] =	vst v4  }
0xab: {  	vm1 =	vmmov vm5;
	v14 =	vld [tilespmem:s20+$0x76A1];
	vm3 =	vgt.s32 v9, $0x1;
	v11 =	vmul.f32 v12, v11;
	[tilespmem:s19+$0x114A0] =	vst v5;
	s19 =	smov.u32 s18;
	s18 =	smov.u32 s20  }
0xac: {  	v4 =	vsub.s32 v13, v17;
	v12 =	vld [tilespmem:s18+$0xC580];
	v5 =	vnsel vm3, $0x1, v9;
	vm3 =	vgt.s32 v0, $0x1;
	v0 =	vmovc v6  }
.Ltmp1:
0xad: {  	v13 =	vadd.s32 $0xFFFFFFFF, v4;
	v6 =	vld [tilespmem:s18+$0xC590];
	v15 =	vcvt.s32.f32 v5;
	v17 =	vnsel vm3, $0x0, v11;
	v9 =	vpop (erf);
	(pc) =	sbr.rel @p0 .LBB2_4-.Ltmp1, $4  }
0xae: {  	vm3 =	vgt.s32 v13, $0x1;
	v5 =	vsub.s32 v8, v7;
	v7 =	vld [tilespmem:s18+$0xC5A0];
	v9 =	vmul.f32 v9, v2;
	[tilespmem:s19+$0x114B0] =	vst v17  }
0xaf: {  	v2 =	vnsel vm3, $0x1, v13;
	v16 =	vadd.s32 $0xFFFFFFFF, v5;
	(erf) = vrcp.f32 v15;
	v11 =	vpop (erf)  }
0xb0: {  	s20 =	sshra.s32 s21, $0x2;
	v13 =	vcvt.s32.f32 v2;
	vm3 =	vgt.s32 v16, $0x1;
	v8 =	vsub.s32 v14, v10  }
0xb1: {  	s21 =	sadd.s32 $0x100, s21;
	v10 =	vld [tilespmem:s20+$0x76B0];
	v2 =	vmax.f32 v12, $1.000000000e+00;
	v15 =	vnsel vm3, $0x1, v16;
	v14 =	vadd.s32 $0xFFFFFFFF, v8;
	v12 =	vpop (erf)  }
0xb2: {  	v16 =	vld [tilespmem:s20+$0x76B1]  }
0xb3: {  	v17 =	vld [tilespmem:s18+$0xC5B0]  }
0xb4: {  	v18 =	vld [tilespmem:s20+$0x7680]  }
0xb5: {  	v19 =	vld [tilespmem:s20+$0x7681];
	v3 =	vmul.f32 v11, v3  }
0xb6: {  	v20 =	vld [tilespmem:s20+$0x7690];
	v9 =	vnsel vm2, $0x0, v9;
	vm2 =	vgt.s32 v14, $0x1;
	(erf) = vrcp.f32 v13  }
0xb7: {  	v11 =	vld [tilespmem:s20+$0x7691];
	[tilespmem:s19+$0x11480] =	vst v9;
	v9 =	vnsel vm2, $0x1, v14;
	v14 =	vcvt.s32.f32 v15;
	v3 =	vnsel vm1, $0x0, v3  }
0xb8: {  	v1 =	vmul.f32 v12, v1;
	v15 =	vld [tilespmem:s20+$0x76A0];
	[tilespmem:s19+$0x11490] =	vst v3;
	v3 =	vcvt.s32.f32 v9  }
0xb9: {  	vm0 =	vmmov vm0;
	(erf) = vrcp.f32 v14;
	v9 =	vsub.s32 v16, v10;
	v10 =	vld [tilespmem:s20+$0x76A1]  }
0xba: {  	v1 =	vnsel vm0, $0x0, v1;
	(erf) = vrcp.f32 v3;
	v12 =	vmax.f32 v17, $1.000000000e+00;
	v13 =	vpop (erf)  }
0xbb: {  	v3 =	vadd.s32 $0xFFFFFFFF, v9;
	v12 =	vmul.f32 v13, v12;
	v13 =	vsub.s32 v19, v18  }
0xbc: {  	v11 =	vsub.s32 v11, v20;
	vm0 =	vgt.s32 v3, $0x1;
	v14 =	vadd.s32 $0xFFFFFFFF, v13  }
0xbd: {  	v16 =	vadd.s32 $0xFFFFFFFF, v11;
	v3 =	vnsel vm0, $0x1, v3;
	vm0 =	vgt.s32 v14, $0x1  }
0xbe: {  	v3 =	vcvt.s32.f32 v3;
	v10 =	vsub.s32 v10, v15;
	v14 =	vnsel vm0, $0x1, v14  }
0xbf: {  	[tilespmem:s19+$0x114A0] =	vst v1;
	vm0 =	vgt.s32 v16, $0x1;
	v15 =	vadd.s32 $0xFFFFFFFF, v10;
	v1 =	vcvt.s32.f32 v14  }
0xc0: {  	v14 =	vnsel vm0, $0x1, v16;
	(erf) = vrcp.f32 v3;
	vm0 =	vgt.s32 v15, $0x1  }
0xc1: {  	v16 =	vld [tilespmem:s20+$0xC580];
	v3 =	vcvt.s32.f32 v14;
	v14 =	vnsel vm0, $0x1, v15;
	vm0 =	vgt.s32 v0, $0x1  }
0xc2: {  	v0 =	vld [tilespmem:s20+$0xC590];
	v12 =	vnsel vm0, $0x0, v12  }
0xc3: {  	(erf) = vrcp.f32 v1;
	v1 =	vcvt.s32.f32 v14;
	v14 =	vld [tilespmem:s20+$0xC5A0];
	[tilespmem:s18+$0x114B0] =	vst v12  }
0xc4: {  	(erf) = vrcp.f32 v3;
	vm0 =	vgt.s32 v4, $0x1;
	v4 =	vld [tilespmem:s20+$0xC5B0]  }
0xc5: {  	(erf) = vrcp.f32 v1  }
0xc6: {  	vm2 =	vgt.s32 v8, $0x1;
	v1 =	vmax.f32 v6, $1.000000000e+00;
	v6 =	vpop (erf)  }
0xc7: {  	vm1 =	vgt.s32 v5, $0x1;
	vm2 =	vmmov vm2;
	v2 =	vmul.f32 v6, v2;
	v6 =	vpop (erf)  }
0xc8: {  	vm1 =	vmmov vm1;
	vm4 =	vgt.s32 v11, $0x1;
	v3 =	vmax.f32 v7, $1.000000000e+00;
	v8 =	vpop (erf)  }
0xc9: {  	vm3 =	vgt.s32 v13, $0x1;
	v3 =	vmul.f32 v8, v3;
	v4 =	vmax.f32 v4, $1.000000000e+00  }
0xca: {  	vm0 =	vmmov vm0;
	v5 =	vmax.f32 v16, $1.000000000e+00;
	v1 =	vmul.f32 v6, v1  }
0xcb: {  	v0 =	vmax.f32 v0, $1.000000000e+00;
	v2 =	vnsel vm0, $0x0, v2;
	v6 =	vpop (erf);
	v3 =	vnsel vm2, $0x0, v3  }
0xcc: {  	v7 =	vmax.f32 v14, $1.000000000e+00;
	[tilespmem:s18+$0x11480] =	vst v2;
	v1 =	vnsel vm1, $0x0, v1;
	v2 =	vmul.f32 v6, v4;
	v4 =	vpop (erf)  }
0xcd: {  	vm0 =	vgt.s32 v10, $0x1;
	vm1 =	vgt.s32 v9, $0x1;
	[tilespmem:s18+$0x11490] =	vst v1;
	v1 =	vmul.f32 v4, v5;
	v4 =	vpop (erf)  }
0xce: {  	vm2 =	vmmov vm3;
	[tilespmem:s18+$0x114A0] =	vst v3;
	v2 =	vnsel vm1, $0x0, v2;
	v3 =	vpop (erf);
	v0 =	vmul.f32 v4, v0  }
0xcf: {  	vm1 =	vmmov vm4;
	[tilespmem:s20+$0x114B0] =	vst v2;
	v2 =	vmul.f32 v3, v7;
	v1 =	vnsel vm2, $0x0, v1  }
0xd0: {  	vm0 =	vmmov vm0;
	[tilespmem:s20+$0x11480] =	vst v1;
	v0 =	vnsel vm1, $0x0, v0  }
0xd1: {  	v1 =	vnsel vm0, $0x0, v2;
	[tilespmem:s20+$0x11490] =	vst v0  }
0xd2: {  	s0 =	rddreg [dreg:$0xc];
	s8 =	simm.s32 $0x11480;
	[tilespmem:s20+$0x114A0] =	vst v1  }
0xd3: {  	[spmem:s0] =	stream.linear.scatter [tilespmem:s8], [sflag:$0x9], $0x1F40, $0x38;
	[tilespmem:$0x1B980] =	vst v63  }
0xd4: {  	_ =	swait.ge [sflag:s30], $0x1F40  }
0xd5: {  	[sflag:s30] =	ssyncset.done $0x0  }
0xd6: {  	s22 =	simm.s32 $0x0;
	s23 =	rddreg [dreg:$0xd];
	[sflag:s30] =	ssyncadd.s32 $0xFFFFE0C0  }
0xd7: {  	[tilespmem:s29], [sflag:$0x9] =	stream.linear.gather [hbm4b:s23+s22], $0x1F50, $0x38;
	[tilespmem:$0x1B980] =	vst v63  }
0xd8: {  	_ =	swait.ge [sflag:s30], $0x1F50  }
0xd9: {  	[sflag:s30] =	ssyncset.done $0x0  }
0xda: {  	s9 =	simm.s32 $0xC580;
	s31 =	rddreg [dreg:$0xe];
	[sflag:s30] =	ssyncadd.s32 $0xFFFFE0B0  }
0xdb: {  	[tilespmem:s9], [sflag:$0x9] =	stream.linear.gather [hbm4b:s31+s22], $0x1F40, $0x38;
	[tilespmem:$0x1B980] =	vst v63  }
0xdc: {  	_ =	swait.ge [sflag:s30], $0x1F40  }
0xdd: {  	[sflag:s30] =	ssyncset.done $0x0  }
0xde: {  	s19 =	simm.s32 $0x0;
	[sflag:s30] =	ssyncadd.s32 $0xFFFFE0C0  }
0xdf: {  	v0 =	vld [tilespmem:s19+$0x76B0]  }
0xe0: {  	v1 =	vld [tilespmem:s19+$0x76B1]  }
0xe1: {  	v2 =	vld [tilespmem:s19+$0x7680]  }
0xe2: {  	v3 =	vld [tilespmem:s19+$0x7681]  }
0xe3: {  	v4 =	vld [tilespmem:s19+$0x7690]  }
0xe4: {  	v5 =	vld [tilespmem:s19+$0x7691]  }
0xe5: {  	v7 =	vld [tilespmem:s19+$0x76A1];
	v6 =	vsub.s32 v1, v0  }
0xe6: {  	v0 =	vld [tilespmem:s19+$0x76A0];
	v1 =	vadd.s32 $0xFFFFFFFF, v6  }
0xe7: {  	v8 =	vld [tilespmem:s19+$0xC580];
	v2 =	vsub.s32 v3, v2;
	vm0 =	vgt.s32 v1, $0x1  }
0xe8: {  	s18 =	simm.s32 $0x40;
	v9 =	vld [tilespmem:s19+$0xC590];
	v3 =	vadd.s32 $0xFFFFFFFF, v2;
	v1 =	vnsel vm0, $0x1, v1  }
0xe9: {  	v11 =	vld [tilespmem:s18+$0x76B1];
	v4 =	vsub.s32 v5, v4;
	vm0 =	vgt.s32 v3, $0x1;
	v1 =	vcvt.s32.f32 v1  }
0xea: {  	v12 =	vld [tilespmem:s18+$0x7680];
	v5 =	vadd.s32 $0xFFFFFFFF, v4;
	v3 =	vnsel vm0, $0x1, v3  }
0xeb: {  	v14 =	vld [tilespmem:s18+$0x76A0];
	v3 =	vcvt.s32.f32 v3;
	v0 =	vsub.s32 v7, v0;
	(erf) = vrcp.f32 v1  }
0xec: {  	vm1 =	vgt.s32 v2, $0x1;
	v2 =	vld [tilespmem:s18+$0x7690];
	vm0 =	vgt.s32 v5, $0x1;
	v10 =	vadd.s32 $0xFFFFFFFF, v0  }
0xed: {  	v7 =	vld [tilespmem:s18+$0x76B0];
	v5 =	vnsel vm0, $0x1, v5;
	vm0 =	vgt.s32 v10, $0x1;
	(erf) = vrcp.f32 v3  }
0xee: {  	v1 =	vld [tilespmem:s19+$0xC5A0];
	v5 =	vcvt.s32.f32 v5;
	v3 =	vnsel vm0, $0x1, v10  }
0xef: {  	v10 =	vld [tilespmem:s19+$0xC5B0];
	v13 =	vcvt.s32.f32 v3  }
0xf0: {  	v8 =	vmax.f32 v8, $1.000000000e+00;
	(erf) = vrcp.f32 v5;
	v5 =	vld [tilespmem:s18+$0x7681]  }
0xf1: {  	vm3 =	vgt.s32 v4, $0x1;
	v3 =	vmax.f32 v9, $1.000000000e+00;
	v9 =	vld [tilespmem:s18+$0x7691];
	(erf) = vrcp.f32 v13  }
0xf2: {  	v15 =	vld [tilespmem:s18+$0x76A1];
	vm2 =	vmmov vm1;
	vm0 =	vgt.s32 v0, $0x1;
	v0 =	vsub.s32 v11, v7  }
0xf3: {  	vm1 =	vmmov vm3;
	vm3 =	vgt.s32 v6, $0x1;
	v7 =	vadd.s32 $0xFFFFFFFF, v0  }
0xf4: {  	v1 =	vmax.f32 v1, $1.000000000e+00;
	vm15 =	vgt.s32 v7, $0x1;
	v4 =	vmax.f32 v10, $1.000000000e+00;
	v10 =	vpop (erf)  }
0xf5: {  	v10 =	vmul.f32 v10, v4;
	v4 =	vsub.s32 v5, v12;
	v12 =	vld [tilespmem:s18+$0xC580];
	v5 =	vnsel vm15, $0x1, v7  }
0xf6: {  	v7 =	vpop (erf);
	v11 =	vadd.s32 $0xFFFFFFFF, v4;
	v13 =	vcvt.s32.f32 v5;
	v5 =	vsub.s32 v9, v2  }
0xf7: {  	v6 =	vld [tilespmem:s18+$0xC590];
	v9 =	vmul.f32 v7, v8;
	v8 =	vsub.s32 v15, v14;
	v10 =	vnsel vm3, $0x0, v10  }
0xf8: {  	v7 =	vld [tilespmem:s18+$0xC5A0];
	vm3 =	vgt.s32 v11, $0x1;
	v16 =	vadd.s32 $0xFFFFFFFF, v5;
	v14 =	vadd.s32 $0xFFFFFFFF, v8  }
0xf9: {  	s20 =	simm.s32 $0x80;
	v2 =	vnsel vm3, $0x1, v11;
	(erf) = vrcp.f32 v13;
	[tilespmem:s19+$0x114B0] =	vst v10;
	vm3 =	vgt.s32 v16, $0x1;
	v11 =	vpop (erf)  }
0xfa: {  	s21 =	simm.s32 $0x300;
	v13 =	vcvt.s32.f32 v2;
	v10 =	vld [tilespmem:s20+$0x76B0];
	v15 =	vnsel vm3, $0x1, v16;
	v2 =	vmax.f32 v12, $1.000000000e+00;
	v12 =	vpop (erf)  }
.LBB2_6:
0xfb: {  	v15 =	vcvt.s32.f32 v15  }
0xfc: {  	p0 =	sne.s32 s21, $0x7C00;
	v16 =	vld [tilespmem:s20+$0x76B1];
	vm3 =	vgt.s32 v14, $0x1;
	(erf) = vrcp.f32 v13;
	vm4 =	vmmov vm0  }
0xfd: {  	v6 =	vmax.f32 v6, $1.000000000e+00;
	v13 =	vnsel vm3, $0x1, v14;
	v7 =	vmax.f32 v7, $1.000000000e+00;
	v14 =	vld [tilespmem:s18+$0xC5B0]  }
0xfe: {  	vm3 =	vgt.s32 v4, $0x1;
	v17 =	vld [tilespmem:s20+$0x7680];
	v4 =	vcvt.s32.f32 v13;
	(erf) = vrcp.f32 v15  }
0xff: {  	vm5 =	vgt.s32 v5, $0x1;
	v5 =	vmul.f32 v11, v3;
	v11 =	vmul.f32 v12, v1;
	v3 =	vmovc v6;
	v1 =	vmovc v7;
	v13 =	vld [tilespmem:s20+$0x7681]  }
0x100: {  	vm0 =	vgt.s32 v8, $0x1;
	v7 =	vld [tilespmem:s20+$0x7690];
	(erf) = vrcp.f32 v4;
	v4 =	vnsel vm2, $0x0, v9  }
0x101: {  	v8 =	vld [tilespmem:s20+$0x7691];
	v6 =	vsub.s32 v16, v10;
	[tilespmem:s19+$0x11480] =	vst v4;
	v4 =	vnsel vm1, $0x0, v5;
	v5 =	vnsel vm4, $0x0, v11  }
0x102: {  	vm2 =	vmmov vm3;
	v10 =	vld [tilespmem:s20+$0x76A0];
	v9 =	vadd.s32 $0xFFFFFFFF, v6;
	v11 =	vmax.f32 v14, $1.000000000e+00;
	v12 =	vpop (erf);
	[tilespmem:s19+$0x11490] =	vst v4  }
0x103: {  	vm1 =	vmmov vm5;
	v14 =	vld [tilespmem:s20+$0x76A1];
	vm3 =	vgt.s32 v9, $0x1;
	v11 =	vmul.f32 v12, v11;
	[tilespmem:s19+$0x114A0] =	vst v5;
	s19 =	smov.u32 s18;
	s18 =	smov.u32 s20  }
0x104: {  	v4 =	vsub.s32 v13, v17;
	v12 =	vld [tilespmem:s18+$0xC580];
	v5 =	vnsel vm3, $0x1, v9;
	vm3 =	vgt.s32 v0, $0x1;
	v0 =	vmovc v6  }
.Ltmp2:
0x105: {  	v13 =	vadd.s32 $0xFFFFFFFF, v4;
	v6 =	vld [tilespmem:s18+$0xC590];
	v15 =	vcvt.s32.f32 v5;
	v17 =	vnsel vm3, $0x0, v11;
	v9 =	vpop (erf);
	(pc) =	sbr.rel @p0 .LBB2_6-.Ltmp2, $4  }
0x106: {  	vm3 =	vgt.s32 v13, $0x1;
	v5 =	vsub.s32 v8, v7;
	v7 =	vld [tilespmem:s18+$0xC5A0];
	v9 =	vmul.f32 v9, v2;
	[tilespmem:s19+$0x114B0] =	vst v17  }
0x107: {  	v2 =	vnsel vm3, $0x1, v13;
	v16 =	vadd.s32 $0xFFFFFFFF, v5;
	(erf) = vrcp.f32 v15;
	v11 =	vpop (erf)  }
0x108: {  	s20 =	sshra.s32 s21, $0x2;
	v13 =	vcvt.s32.f32 v2;
	vm3 =	vgt.s32 v16, $0x1;
	v8 =	vsub.s32 v14, v10  }
0x109: {  	s21 =	sadd.s32 $0x100, s21;
	v10 =	vld [tilespmem:s20+$0x76B0];
	v2 =	vmax.f32 v12, $1.000000000e+00;
	v15 =	vnsel vm3, $0x1, v16;
	v14 =	vadd.s32 $0xFFFFFFFF, v8;
	v12 =	vpop (erf)  }
0x10a: {  	v16 =	vld [tilespmem:s20+$0x76B1]  }
0x10b: {  	v17 =	vld [tilespmem:s18+$0xC5B0]  }
0x10c: {  	v18 =	vld [tilespmem:s20+$0x7680]  }
0x10d: {  	v19 =	vld [tilespmem:s20+$0x7681];
	v3 =	vmul.f32 v11, v3  }
0x10e: {  	v20 =	vld [tilespmem:s20+$0x7690];
	v9 =	vnsel vm2, $0x0, v9;
	vm2 =	vgt.s32 v14, $0x1;
	(erf) = vrcp.f32 v13  }
0x10f: {  	v11 =	vld [tilespmem:s20+$0x7691];
	[tilespmem:s19+$0x11480] =	vst v9;
	v9 =	vnsel vm2, $0x1, v14;
	v14 =	vcvt.s32.f32 v15;
	v3 =	vnsel vm1, $0x0, v3  }
0x110: {  	v1 =	vmul.f32 v12, v1;
	v15 =	vld [tilespmem:s20+$0x76A0];
	[tilespmem:s19+$0x11490] =	vst v3;
	v3 =	vcvt.s32.f32 v9  }
0x111: {  	vm0 =	vmmov vm0;
	(erf) = vrcp.f32 v14;
	v9 =	vsub.s32 v16, v10;
	v10 =	vld [tilespmem:s20+$0x76A1]  }
0x112: {  	v1 =	vnsel vm0, $0x0, v1;
	(erf) = vrcp.f32 v3;
	v12 =	vmax.f32 v17, $1.000000000e+00;
	v13 =	vpop (erf)  }
0x113: {  	v3 =	vadd.s32 $0xFFFFFFFF, v9;
	v12 =	vmul.f32 v13, v12;
	v13 =	vsub.s32 v19, v18  }
0x114: {  	v11 =	vsub.s32 v11, v20;
	vm0 =	vgt.s32 v3, $0x1;
	v14 =	vadd.s32 $0xFFFFFFFF, v13  }
0x115: {  	v16 =	vadd.s32 $0xFFFFFFFF, v11;
	v3 =	vnsel vm0, $0x1, v3;
	vm0 =	vgt.s32 v14, $0x1  }
0x116: {  	v3 =	vcvt.s32.f32 v3;
	v10 =	vsub.s32 v10, v15;
	v14 =	vnsel vm0, $0x1, v14  }
0x117: {  	[tilespmem:s19+$0x114A0] =	vst v1;
	vm0 =	vgt.s32 v16, $0x1;
	v15 =	vadd.s32 $0xFFFFFFFF, v10;
	v1 =	vcvt.s32.f32 v14  }
0x118: {  	v14 =	vnsel vm0, $0x1, v16;
	(erf) = vrcp.f32 v3;
	vm0 =	vgt.s32 v15, $0x1  }
0x119: {  	v16 =	vld [tilespmem:s20+$0xC580];
	v3 =	vcvt.s32.f32 v14;
	v14 =	vnsel vm0, $0x1, v15;
	vm0 =	vgt.s32 v0, $0x1  }
0x11a: {  	v0 =	vld [tilespmem:s20+$0xC590];
	v12 =	vnsel vm0, $0x0, v12  }
0x11b: {  	(erf) = vrcp.f32 v1;
	v1 =	vcvt.s32.f32 v14;
	v14 =	vld [tilespmem:s20+$0xC5A0];
	[tilespmem:s18+$0x114B0] =	vst v12  }
0x11c: {  	(erf) = vrcp.f32 v3;
	vm0 =	vgt.s32 v4, $0x1;
	v4 =	vld [tilespmem:s20+$0xC5B0]  }
0x11d: {  	(erf) = vrcp.f32 v1  }
0x11e: {  	vm2 =	vgt.s32 v8, $0x1;
	v1 =	vmax.f32 v6, $1.000000000e+00;
	v6 =	vpop (erf)  }
0x11f: {  	vm1 =	vgt.s32 v5, $0x1;
	vm2 =	vmmov vm2;
	v2 =	vmul.f32 v6, v2;
	v6 =	vpop (erf)  }
0x120: {  	vm1 =	vmmov vm1;
	vm4 =	vgt.s32 v11, $0x1;
	v3 =	vmax.f32 v7, $1.000000000e+00;
	v8 =	vpop (erf)  }
0x121: {  	vm3 =	vgt.s32 v13, $0x1;
	v3 =	vmul.f32 v8, v3;
	v4 =	vmax.f32 v4, $1.000000000e+00  }
0x122: {  	vm0 =	vmmov vm0;
	v5 =	vmax.f32 v16, $1.000000000e+00;
	v1 =	vmul.f32 v6, v1  }
0x123: {  	v0 =	vmax.f32 v0, $1.000000000e+00;
	v2 =	vnsel vm0, $0x0, v2;
	v6 =	vpop (erf);
	v3 =	vnsel vm2, $0x0, v3  }
0x124: {  	v7 =	vmax.f32 v14, $1.000000000e+00;
	[tilespmem:s18+$0x11480] =	vst v2;
	v1 =	vnsel vm1, $0x0, v1;
	v2 =	vmul.f32 v6, v4;
	v4 =	vpop (erf)  }
0x125: {  	vm0 =	vgt.s32 v10, $0x1;
	vm1 =	vgt.s32 v9, $0x1;
	[tilespmem:s18+$0x11490] =	vst v1;
	v1 =	vmul.f32 v4, v5;
	v4 =	vpop (erf)  }
0x126: {  	vm2 =	vmmov vm3;
	[tilespmem:s18+$0x114A0] =	vst v3;
	v2 =	vnsel vm1, $0x0, v2;
	v3 =	vpop (erf);
	v0 =	vmul.f32 v4, v0  }
0x127: {  	vm1 =	vmmov vm4;
	[tilespmem:s20+$0x114B0] =	vst v2;
	v2 =	vmul.f32 v3, v7;
	v1 =	vnsel vm2, $0x0, v1  }
0x128: {  	vm0 =	vmmov vm0;
	[tilespmem:s20+$0x11480] =	vst v1;
	v0 =	vnsel vm1, $0x0, v0  }
0x129: {  	v1 =	vnsel vm0, $0x0, v2;
	[tilespmem:s20+$0x11490] =	vst v0  }
0x12a: {  	s0 =	rddreg [dreg:$0xf];
	s8 =	simm.s32 $0x11480;
	[tilespmem:s20+$0x114A0] =	vst v1  }
0x12b: {  	[spmem:s0] =	stream.linear.scatter [tilespmem:s8], [sflag:$0x9], $0x1F40, $0x38;
	[tilespmem:$0x1B980] =	vst v63  }
0x12c: {  	_ =	swait.ge [sflag:s30], $0x1F40  }
0x12d: {  	[sflag:s30] =	ssyncset.done $0x0  }
0x12e: {  	s22 =	simm.s32 $0x0;
	s23 =	rddreg [dreg:$0x10];
	[sflag:s30] =	ssyncadd.s32 $0xFFFFE0C0  }
0x12f: {  	[tilespmem:s29], [sflag:$0x9] =	stream.linear.gather [hbm4b:s23+s22], $0x1F50, $0x38;
	[tilespmem:$0x1B980] =	vst v63  }
0x130: {  	_ =	swait.ge [sflag:s30], $0x1F50  }
0x131: {  	[sflag:s30] =	ssyncset.done $0x0  }
0x132: {  	s9 =	simm.s32 $0xC580;
	s31 =	rddreg [dreg:$0x11];
	[sflag:s30] =	ssyncadd.s32 $0xFFFFE0B0  }
0x133: {  	[tilespmem:s9], [sflag:$0x9] =	stream.linear.gather [hbm4b:s31+s22], $0x1F40, $0x38;
	[tilespmem:$0x1B980] =	vst v63  }
0x134: {  	_ =	swait.ge [sflag:s30], $0x1F40  }
0x135: {  	[sflag:s30] =	ssyncset.done $0x0  }
0x136: {  	s19 =	simm.s32 $0x0;
	[sflag:s30] =	ssyncadd.s32 $0xFFFFE0C0  }
0x137: {  	v0 =	vld [tilespmem:s19+$0x76B0]  }
0x138: {  	v1 =	vld [tilespmem:s19+$0x76B1]  }
0x139: {  	v2 =	vld [tilespmem:s19+$0x7680]  }
0x13a: {  	v3 =	vld [tilespmem:s19+$0x7681]  }
0x13b: {  	v4 =	vld [tilespmem:s19+$0x7690]  }
0x13c: {  	v5 =	vld [tilespmem:s19+$0x7691]  }
0x13d: {  	v7 =	vld [tilespmem:s19+$0x76A1];
	v6 =	vsub.s32 v1, v0  }
0x13e: {  	v0 =	vld [tilespmem:s19+$0x76A0];
	v1 =	vadd.s32 $0xFFFFFFFF, v6  }
0x13f: {  	v8 =	vld [tilespmem:s19+$0xC580];
	v2 =	vsub.s32 v3, v2;
	vm0 =	vgt.s32 v1, $0x1  }
0x140: {  	s18 =	simm.s32 $0x40;
	v9 =	vld [tilespmem:s19+$0xC590];
	v3 =	vadd.s32 $0xFFFFFFFF, v2;
	v1 =	vnsel vm0, $0x1, v1  }
0x141: {  	v11 =	vld [tilespmem:s18+$0x76B1];
	v4 =	vsub.s32 v5, v4;
	vm0 =	vgt.s32 v3, $0x1;
	v1 =	vcvt.s32.f32 v1  }
0x142: {  	v12 =	vld [tilespmem:s18+$0x7680];
	v5 =	vadd.s32 $0xFFFFFFFF, v4;
	v3 =	vnsel vm0, $0x1, v3  }
0x143: {  	v14 =	vld [tilespmem:s18+$0x76A0];
	v3 =	vcvt.s32.f32 v3;
	v0 =	vsub.s32 v7, v0;
	(erf) = vrcp.f32 v1  }
0x144: {  	vm1 =	vgt.s32 v2, $0x1;
	v2 =	vld [tilespmem:s18+$0x7690];
	vm0 =	vgt.s32 v5, $0x1;
	v10 =	vadd.s32 $0xFFFFFFFF, v0  }
0x145: {  	v7 =	vld [tilespmem:s18+$0x76B0];
	v5 =	vnsel vm0, $0x1, v5;
	vm0 =	vgt.s32 v10, $0x1;
	(erf) = vrcp.f32 v3  }
0x146: {  	v1 =	vld [tilespmem:s19+$0xC5A0];
	v5 =	vcvt.s32.f32 v5;
	v3 =	vnsel vm0, $0x1, v10  }
0x147: {  	v10 =	vld [tilespmem:s19+$0xC5B0];
	v13 =	vcvt.s32.f32 v3  }
0x148: {  	v8 =	vmax.f32 v8, $1.000000000e+00;
	(erf) = vrcp.f32 v5;
	v5 =	vld [tilespmem:s18+$0x7681]  }
0x149: {  	vm3 =	vgt.s32 v4, $0x1;
	v3 =	vmax.f32 v9, $1.000000000e+00;
	v9 =	vld [tilespmem:s18+$0x7691];
	(erf) = vrcp.f32 v13  }
0x14a: {  	v15 =	vld [tilespmem:s18+$0x76A1];
	vm2 =	vmmov vm1;
	vm0 =	vgt.s32 v0, $0x1;
	v0 =	vsub.s32 v11, v7  }
0x14b: {  	vm1 =	vmmov vm3;
	vm3 =	vgt.s32 v6, $0x1;
	v7 =	vadd.s32 $0xFFFFFFFF, v0  }
0x14c: {  	v1 =	vmax.f32 v1, $1.000000000e+00;
	vm15 =	vgt.s32 v7, $0x1;
	v4 =	vmax.f32 v10, $1.000000000e+00;
	v10 =	vpop (erf)  }
0x14d: {  	v10 =	vmul.f32 v10, v4;
	v4 =	vsub.s32 v5, v12;
	v12 =	vld [tilespmem:s18+$0xC580];
	v5 =	vnsel vm15, $0x1, v7  }
0x14e: {  	v7 =	vpop (erf);
	v11 =	vadd.s32 $0xFFFFFFFF, v4;
	v13 =	vcvt.s32.f32 v5;
	v5 =	vsub.s32 v9, v2  }
0x14f: {  	v6 =	vld [tilespmem:s18+$0xC590];
	v9 =	vmul.f32 v7, v8;
	v8 =	vsub.s32 v15, v14;
	v10 =	vnsel vm3, $0x0, v10  }
0x150: {  	v7 =	vld [tilespmem:s18+$0xC5A0];
	vm3 =	vgt.s32 v11, $0x1;
	v16 =	vadd.s32 $0xFFFFFFFF, v5;
	v14 =	vadd.s32 $0xFFFFFFFF, v8  }
0x151: {  	s20 =	simm.s32 $0x80;
	v2 =	vnsel vm3, $0x1, v11;
	(erf) = vrcp.f32 v13;
	[tilespmem:s19+$0x114B0] =	vst v10;
	vm3 =	vgt.s32 v16, $0x1;
	v11 =	vpop (erf)  }
0x152: {  	s21 =	simm.s32 $0x300;
	v13 =	vcvt.s32.f32 v2;
	v10 =	vld [tilespmem:s20+$0x76B0];
	v15 =	vnsel vm3, $0x1, v16;
	v2 =	vmax.f32 v12, $1.000000000e+00;
	v12 =	vpop (erf)  }
.LBB2_8:
0x153: {  	v15 =	vcvt.s32.f32 v15  }
0x154: {  	p0 =	sne.s32 s21, $0x7C00;
	v16 =	vld [tilespmem:s20+$0x76B1];
	vm3 =	vgt.s32 v14, $0x1;
	(erf) = vrcp.f32 v13;
	vm4 =	vmmov vm0  }
0x155: {  	v6 =	vmax.f32 v6, $1.000000000e+00;
	v13 =	vnsel vm3, $0x1, v14;
	v7 =	vmax.f32 v7, $1.000000000e+00;
	v14 =	vld [tilespmem:s18+$0xC5B0]  }
0x156: {  	vm3 =	vgt.s32 v4, $0x1;
	v17 =	vld [tilespmem:s20+$0x7680];
	v4 =	vcvt.s32.f32 v13;
	(erf) = vrcp.f32 v15  }
0x157: {  	vm5 =	vgt.s32 v5, $0x1;
	v5 =	vmul.f32 v11, v3;
	v11 =	vmul.f32 v12, v1;
	v3 =	vmovc v6;
	v1 =	vmovc v7;
	v13 =	vld [tilespmem:s20+$0x7681]  }
0x158: {  	vm0 =	vgt.s32 v8, $0x1;
	v7 =	vld [tilespmem:s20+$0x7690];
	(erf) = vrcp.f32 v4;
	v4 =	vnsel vm2, $0x0, v9  }
0x159: {  	v8 =	vld [tilespmem:s20+$0x7691];
	v6 =	vsub.s32 v16, v10;
	[tilespmem:s19+$0x11480] =	vst v4;
	v4 =	vnsel vm1, $0x0, v5;
	v5 =	vnsel vm4, $0x0, v11  }
0x15a: {  	vm2 =	vmmov vm3;
	v10 =	vld [tilespmem:s20+$0x76A0];
	v9 =	vadd.s32 $0xFFFFFFFF, v6;
	v11 =	vmax.f32 v14, $1.000000000e+00;
	v12 =	vpop (erf);
	[tilespmem:s19+$0x11490] =	vst v4  }
0x15b: {  	vm1 =	vmmov vm5;
	v14 =	vld [tilespmem:s20+$0x76A1];
	vm3 =	vgt.s32 v9, $0x1;
	v11 =	vmul.f32 v12, v11;
	[tilespmem:s19+$0x114A0] =	vst v5;
	s19 =	smov.u32 s18;
	s18 =	smov.u32 s20  }
0x15c: {  	v4 =	vsub.s32 v13, v17;
	v12 =	vld [tilespmem:s18+$0xC580];
	v5 =	vnsel vm3, $0x1, v9;
	vm3 =	vgt.s32 v0, $0x1;
	v0 =	vmovc v6  }
.Ltmp3:
0x15d: {  	v13 =	vadd.s32 $0xFFFFFFFF, v4;
	v6 =	vld [tilespmem:s18+$0xC590];
	v15 =	vcvt.s32.f32 v5;
	v17 =	vnsel vm3, $0x0, v11;
	v9 =	vpop (erf);
	(pc) =	sbr.rel @p0 .LBB2_8-.Ltmp3, $4  }
0x15e: {  	vm3 =	vgt.s32 v13, $0x1;
	v5 =	vsub.s32 v8, v7;
	v7 =	vld [tilespmem:s18+$0xC5A0];
	v9 =	vmul.f32 v9, v2;
	[tilespmem:s19+$0x114B0] =	vst v17  }
0x15f: {  	v2 =	vnsel vm3, $0x1, v13;
	v16 =	vadd.s32 $0xFFFFFFFF, v5;
	(erf) = vrcp.f32 v15;
	v11 =	vpop (erf)  }
0x160: {  	s20 =	sshra.s32 s21, $0x2;
	v13 =	vcvt.s32.f32 v2;
	vm3 =	vgt.s32 v16, $0x1;
	v8 =	vsub.s32 v14, v10  }
0x161: {  	s21 =	sadd.s32 $0x100, s21;
	v10 =	vld [tilespmem:s20+$0x76B0];
	v2 =	vmax.f32 v12, $1.000000000e+00;
	v15 =	vnsel vm3, $0x1, v16;
	v14 =	vadd.s32 $0xFFFFFFFF, v8;
	v12 =	vpop (erf)  }
0x162: {  	v16 =	vld [tilespmem:s20+$0x76B1]  }
0x163: {  	v17 =	vld [tilespmem:s18+$0xC5B0]  }
0x164: {  	v18 =	vld [tilespmem:s20+$0x7680]  }
0x165: {  	v19 =	vld [tilespmem:s20+$0x7681]  }
0x166: {  	v20 =	vld [tilespmem:s20+$0x7690];
	v3 =	vmul.f32 v11, v3  }
0x167: {  	v9 =	vnsel vm2, $0x0, v9;
	v27 =	vld [tilespmem:s20+$0x7691];
	vm15 =	vgt.s32 v14, $0x1;
	v29 =	vcvt.s32.f32 v15  }
0x168: {  	(erf) = vrcp.f32 v13;
	[tilespmem:s19+$0x11480] =	vst v9;
	v28 =	vnsel vm15, $0x1, v14;
	v3 =	vnsel vm1, $0x0, v3  }
0x169: {  	v1 =	vmul.f32 v12, v1;
	v30 =	vld [tilespmem:s20+$0x76A0];
	v31 =	vcvt.s32.f32 v28;
	[tilespmem:s19+$0x11490] =	vst v3  }
0x16a: {  	vm0 =	vmmov vm0;
	(erf) = vrcp.f32 v29;
	v33 =	vld [tilespmem:s20+$0x76A1]  }
0x16b: {  	v1 =	vnsel vm0, $0x0, v1;
	(erf) = vrcp.f32 v31;
	v32 =	vsub.s32 v16, v10  }
0x16c: {  	v35 =	vmax.f32 v17, $1.000000000e+00;
	v37 =	vsub.s32 v19, v18;
	v11 =	vsub.s32 v27, v20  }
0x16d: {  	v34 =	vadd.s32 $0xFFFFFFFF, v32;
	v36 =	vpop (erf);
	v38 =	vadd.s32 $0xFFFFFFFF, v37;
	v39 =	vadd.s32 $0xFFFFFFFF, v11  }
0x16e: {  	vm4 =	vgt.s32 v34, $0x1;
	v12 =	vmul.f32 v36, v35;
	vm5 =	vgt.s32 v38, $0x1  }
0x16f: {  	vm6 =	vgt.s32 v39, $0x1;
	v3 =	vnsel vm4, $0x1, v34;
	v10 =	vsub.s32 v33, v30  }
0x170: {  	v14 =	vnsel vm5, $0x1, v38;
	v3 =	vcvt.s32.f32 v3;
	v15 =	vadd.s32 $0xFFFFFFFF, v10  }
0x171: {  	v41 =	vnsel vm6, $0x1, v39;
	v40 =	vcvt.s32.f32 v14;
	vm7 =	vgt.s32 v15, $0x1  }
0x172: {  	[tilespmem:s19+$0x114A0] =	vst v1;
	v43 =	vcvt.s32.f32 v41;
	(erf) = vrcp.f32 v3;
	v44 =	vnsel vm7, $0x1, v15  }
0x173: {  	vm8 =	vgt.s32 v0, $0x1;
	v42 =	vld [tilespmem:s20+$0xC580];
	(erf) = vrcp.f32 v40;
	v46 =	vcvt.s32.f32 v44  }
0x174: {  	v45 =	vld [tilespmem:s20+$0xC590];
	v12 =	vnsel vm8, $0x0, v12;
	(erf) = vrcp.f32 v43  }
0x175: {  	v47 =	vld [tilespmem:s20+$0xC5A0];
	[tilespmem:s18+$0x114B0] =	vst v12;
	(erf) = vrcp.f32 v46  }
0x176: {  	v48 =	vmax.f32 v6, $1.000000000e+00;
	vm9 =	vgt.s32 v4, $0x1;
	vm11 =	vgt.s32 v8, $0x1;
	v50 =	vld [tilespmem:s20+$0xC5B0]  }
0x177: {  	vm10 =	vgt.s32 v5, $0x1;
	v49 =	vmax.f32 v7, $1.000000000e+00;
	vm2 =	vmmov vm11  }
0x178: {  	vm0 =	vmmov vm9;
	vm1 =	vmmov vm10;
	vm3 =	vgt.s32 v37, $0x1;
	v51 =	vpop (erf)  }
0x179: {  	vm13 =	vgt.s32 v32, $0x1;
	vm4 =	vgt.s32 v11, $0x1;
	v2 =	vmul.f32 v51, v2;
	v53 =	vpop (erf)  }
0x17a: {  	vm14 =	vmmov vm3;
	vm15 =	vmmov vm4;
	v1 =	vmul.f32 v53, v48;
	v55 =	vpop (erf)  }
0x17b: {  	v2 =	vnsel vm0, $0x0, v2;
	v3 =	vmul.f32 v55, v49;
	v4 =	vmax.f32 v50, $1.000000000e+00;
	v56 =	vpop (erf)  }
0x17c: {  	v52 =	vmax.f32 v42, $1.000000000e+00;
	[tilespmem:s18+$0x11480] =	vst v2;
	v1 =	vnsel vm1, $0x0, v1;
	v57 =	vmul.f32 v56, v4;
	v58 =	vpop (erf)  }
0x17d: {  	v0 =	vmax.f32 v45, $1.000000000e+00;
	[tilespmem:s18+$0x11490] =	vst v1;
	v3 =	vnsel vm2, $0x0, v3;
	v59 =	vmul.f32 v58, v52;
	v60 =	vpop (erf)  }
0x17e: {  	v54 =	vmax.f32 v47, $1.000000000e+00;
	[tilespmem:s18+$0x114A0] =	vst v3;
	v2 =	vnsel vm13, $0x0, v57;
	v0 =	vmul.f32 v60, v0;
	v61 =	vpop (erf)  }
0x17f: {  	vm12 =	vgt.s32 v10, $0x1;
	[tilespmem:s20+$0x114B0] =	vst v2;
	v1 =	vnsel vm14, $0x0, v59;
	v62 =	vmul.f32 v61, v54  }
0x180: {  	vm0 =	vmmov vm12;
	[tilespmem:s20+$0x11480] =	vst v1;
	v0 =	vnsel vm15, $0x0, v0  }
0x181: {  	[tilespmem:s20+$0x11490] =	vst v0;
	v63 =	vnsel vm0, $0x0, v62  }
0x182: {  	s0 =	rddreg [dreg:$0x12];
	s8 =	simm.s32 $0x11480;
	[tilespmem:s20+$0x114A0] =	vst v63  }
0x183: {  	[spmem:s0] =	stream.linear.scatter [tilespmem:s8], [sflag:$0x9], $0x1F40, $0x38;
	[tilespmem:$0x1B980] =	vst v63  }
0x184: {  	_ =	swait.ge [sflag:s30], $0x1F40  }
0x185: {  	[sflag:s30] =	ssyncset.done $0x0  }
0x186: {  	[sflag:s30] =	ssyncadd.s32 $0xFFFFE0C0  }
0x187: {  	s18 =	simm.s32 $0x0;
	s8 =	simm.f32 $0.0e+00;
	[bflag:$0x0] =	sbarrier.arrive $0xFFFF  }
.LBB2_10:
0x188: {  	_ =	swait.ge [sflag:s3], $0x2710  }
0x189: {  	[sflag:s3] =	ssyncset.done $0x0  }
0x18a: {  	s0 =	simm.s32 $0x9E00;
	s16 =	smul.u32 $0x4E20, s18;
	[sflag:s3] =	ssyncadd.s32 $0xFFFFD8F0  }
0x18b: {  	[tilespmem:s0], [sflag:$0x5] =	stream.indirect.gather [spmem:s4], $0x1, s28, s26, $0xb8;
	[tilespmem:$0x1B980] =	vst v63  }
0x18c: {  	p0 =	seq.s32 s18, $0x4;
	s20 =	sadd.s32 s6, s16;
	_ =	swait.ge [sflag:s10], $0x2710  }
0x18d: {  	s16 =	sshrl.u32 @!p0 s20, $0x3;
	[sflag:s10] =	ssyncset.done $0x0  }
0x18e: {  	s16 =	sadd.s32 @!p0 s1, s16;
	[sflag:s10] =	ssyncadd.s32 $0xFFFFD8F0  }
0x18f: {  	[tilespmem:s29], [sflag:$0x4] =	stream.indirect.gather [hbm4b:s2+s26], $0x1, s24, s26, $0xb8;
	[tilespmem:$0x1B980] =	vst v63  }
0x190: {  	s17 =	simm.s32 @!p0 $0x0;
	s16 =	sadd.s32 @!p0 $0x9C4, s16  }
0x191: {  	[tilespmem:s17], [sflag:$0x1] =	stream.linear.gather @!p0 [hbm4b:s16+s17], $0x2710, $0x38;
	[tilespmem:$0x1B980] =	vst v63  }
0x192: {  	_ =	swait.ge [sflag:s11], $0x2710  }
0x193: {  	p0 =	seq.s32 s18, $0x0;
	[sflag:s11] =	ssyncset.done $0x0  }
0x194: {  	s16 =	simm.s32 @!p0 $0x7;
	[sflag:s11] =	ssyncadd.s32 $0xFFFFD8F0  }
0x195: {  	_ =	swait.ge @!p0 [sflag:s16], $0x2710  }
0x196: {  	[sflag:s16] =	ssyncset.done @!p0 $0x0  }
0x197: {  	s23 =	simm.s32 $0x0;
	[sflag:s16] =	ssyncadd.s32 @!p0 $0xFFFFD8F0  }
0x198: {  	v0 =	vld [tilespmem:s23+$0x9E00];
	_ =	sdelay $0x2  }
0x199: {  	v1 =	vld [tilespmem:s23+$0x9E20]  }
0x19a: {  	v2 =	vld [tilespmem:s23+$0x9E10]  }
0x19b: {  	(xrf2) =	vadd.scan.msk.f32 $0xffff, v0;
	_ =	sdelay $0x1  }
0x19c: {  	v3 =	vld [tilespmem:s23+$0x9E30]  }
0x19d: {  	(xrf2) =	vadd.scan.msk.f32 $0xffff, v1  }
0x19e: {  	(xrf2) =	vadd.scan.msk.f32 $0xffff, v2  }
0x19f: {  	v4 =	vld [tilespmem:s23+$0x9E40];
	_ =	sdelay $0x1  }
0x1a0: {  	(xrf2) =	vadd.scan.msk.f32 $0xffff, v3  }
0x1a1: {  	s21 =	simm.s32 $0x50  }
0x1a2: {  	v8 =	vld [tilespmem:s21+$0x9E00]  }
0x1a3: {  	v9 =	vld [tilespmem:s21+$0x9E20];
	v5, _, _ =	vpop (xrf2);
	(xrf2) =	vadd.scan.msk.f32 $0xffff, v4  }
0x1a4: {  	(v2sf) =	vpush v5, $0xF;
	_ =	sdelay $0x1  }
0x1a5: {  	v6, _, _ =	vpop (xrf2)  }
0x1a6: {  	v10 =	vld [tilespmem:s21+$0x9E10];
	(xrf2) =	vadd.scan.msk.f32 $0xffff, v8;
	v7, _, _ =	vpop (xrf2)  }
0x1a7: {  	(xrf2) =	vadd.scan.msk.f32 $0xffff, v9;
	(v2sf) =	vpush v7, $0xF  }
0x1a8: {  	v12 =	vld [tilespmem:s21+$0x9E30]  }
0x1a9: {  	v11, _, _ =	vpop (xrf2);
	(v2sf) =	vpush v6, $0xF  }
0x1aa: {  	(v2sf) =	vpush v11, $0xF  }
0x1ab: {  	(xrf2) =	vadd.scan.msk.f32 $0xffff, v10  }
0x1ac: {  	v13 =	vsub.f32 v5, v0;
	v0 =	vld [tilespmem:s21+$0x9E40];
	v14, _, _ =	vpop (xrf2)  }
0x1ad: {  	(xrf2) =	vadd.scan.msk.f32 $0xffff, v12;
	(v2sf) =	vpush v14, $0xF  }
0x1ae: {  	s22 =	simm.s32 $0xA0  }
0x1af: {  	v15 =	vsub.f32 v6, v1;
	v6 =	vld [tilespmem:s22+$0x9E00]  }
0x1b0: {  	v1, _, _ =	vpop (xrf2)  }
0x1b1: {  	v5 =	vsub.f32 v11, v3;
	v11, _, _ =	vpop (xrf2);
	(xrf2) =	vadd.scan.msk.f32 $0xffff, v0  }
0x1b2: {  	v3 =	vld [tilespmem:s22+$0x9E20];
	s12 =	spop (v2sf);
	(v2sf) =	vpush v1, $0xF;
	_ =	sdelay $0x1  }
0x1b3: {  	v16 =	vsub.f32 v7, v2;
	v2 =	vld [tilespmem:s22+$0x9E10];
	v13 =	vadd.f32 s8, v13;
	(xrf2) =	vadd.scan.msk.f32 $0xffff, v6  }
0x1b4: {  	v7 =	vsub.f32 v14, v4;
	v4 =	vsub.f32 v1, v8;
	v14, _, _ =	vpop (xrf2);
	s17 =	sadd.f32 s12, s8  }
0x1b5: {  	v8 =	vsub.f32 v11, v9;
	(v2sf) =	vpush v14, $0xF;
	s19 =	spop (v2sf)  }
0x1b6: {  	v63, _, _ =	vpop (xrf2);
	(xrf2) =	vadd.scan.msk.f32 $0xffff, v3;
	v10 =	vsub.f32 v14, v10;
	v1 =	vld [tilespmem:s22+$0x9E30];
	[tilespmem:s23+$0xED00] =	vst v13;
	v13 =	vadd.f32 s17, v16;
	s16 =	sadd.f32 s19, s17  }
0x1b7: {  	v12 =	vsub.f32 v63, v12;
	v9 =	vld [tilespmem:s22+$0x9E40];
	s8 =	simm.s32 $0x3C0;
	(v2sf) =	vpush v11, $0xF;
	s31 =	spop (v2sf)  }
0x1b8: {  	(xrf2) =	vadd.scan.msk.f32 $0xffff, v2;
	s19 =	sadd.s32 $0x2710, s20;
	(v2sf) =	vpush v63, $0xF;
	s17 =	spop (v2sf);
	[tilespmem:s23+$0xED10] =	vst v13;
	v11 =	vadd.f32 s16, v15;
	s16 =	sadd.f32 s31, s16  }
.LBB2_11:
0x1b9: {  	p1 =	sne.s32 s8, $0x9B00  }
0x1ba: {  	v13, _, _ =	vpop (xrf2);
	s17 =	sadd.f32 s17, s16;
	s9 =	smov.u32 s8;
	s8 =	sadd.s32 $0x140, s8  }
0x1bb: {  	v14 =	vadd.f32 s16, v5;
	(v2sf) =	vpush v13, $0xF;
	s16 =	spop (v2sf);
	v5 =	vmov v12  }
0x1bc: {  	s9 =	sshra.s32 s9, $0x2;
	(xrf2) =	vadd.scan.msk.f32 $0xffff, v1;
	[tilespmem:s23+$0xED20] =	vst v11;
	v11 =	vadd.f32 s17, v7;
	v7 =	vsub.f32 v13, v0;
	s16 =	sadd.f32 s16, s17;
	v0 =	vmovc v9  }
0x1bd: {  	v12 =	vld [tilespmem:s9+$0x9E00];
	v9, _, _ =	vpop (xrf2);
	[tilespmem:s23+$0xED30] =	vst v14  }
0x1be: {  	v13 =	vld [tilespmem:s9+$0x9E10];
	v14 =	vadd.f32 s16, v4;
	v4 =	vsub.f32 v9, v6;
	[tilespmem:s23+$0xED40] =	vst v11;
	s23 =	smov.u32 s21;
	s21 =	smov.u32 s22;
	s22 =	smov.u32 s9  }
0x1bf: {  	v11 =	vld [tilespmem:s22+$0x9E20];
	(xrf2) =	vadd.scan.msk.f32 $0xffff, v0  }
0x1c0: {  	v15 =	vld [tilespmem:s22+$0x9E30];
	v16, _, _ =	vpop (xrf2);
	(v2sf) =	vpush v9, $0xF;
	[tilespmem:s23+$0xED00] =	vst v14;
	s9 =	spop (v2sf)  }
0x1c1: {  	v9 =	vld [tilespmem:s22+$0x9E40];
	v14 =	vsub.f32 v16, v3  }
0x1c2: {  	s9 =	sadd.f32 s9, s16;
	(xrf2) =	vadd.scan.msk.f32 $0xffff, v12;
	v6 =	vmov v12  }
0x1c3: {  	v12, _, _ =	vpop (xrf2)  }
.Ltmp4:
0x1c4: {  	v17 =	vadd.f32 s9, v10;
	(v2sf) =	vpush v12, $0xF;
	s16 =	spop (v2sf);
	v3 =	vmov v11;
	(pc) =	sbr.rel @p1 .LBB2_11-.Ltmp4, $4  }
0x1c5: {  	v10 =	vsub.f32 v12, v2;
	v2 =	vmov v13;
	(xrf2) =	vadd.scan.msk.f32 $0xffff, v3;
	s9 =	sadd.f32 s16, s9  }
0x1c6: {  	v12, _, _ =	vpop (xrf2);
	(v2sf) =	vpush v16, $0xF;
	[tilespmem:s23+$0xED10] =	vst v17;
	s16 =	spop (v2sf)  }
0x1c7: {  	(v2sf) =	vpush v12, $0xF;
	v11 =	vadd.f32 s9, v8;
	s16 =	sadd.f32 s16, s9;
	s17 =	spop (v2sf);
	v8 =	vmov v14  }
0x1c8: {  	v12 =	vsub.f32 v12, v1;
	v1 =	vmov v15;
	(xrf2) =	vadd.scan.msk.f32 $0xffff, v2  }
0x1c9: {  	_ =	sdelay $0x2  }
0x1ca: {  	(xrf2) =	vadd.scan.msk.f32 $0xffff, v1;
	_ =	sdelay $0x1  }
0x1cb: {  	v13, _, _ =	vpop (xrf2)  }
0x1cc: {  	(v2sf) =	vpush v13, $0xF  }
0x1cd: {  	v14, _, _ =	vpop (xrf2)  }
0x1ce: {  	(v2sf) =	vpush v14, $0xF;
	v15, _, _ =	vpop (xrf2)  }
0x1cf: {  	v16, _, _ =	vpop (xrf2)  }
0x1d0: {  	s8 =	sadd.f32 s17, s16;
	(xrf2) =	vadd.scan.msk.f32 $0xffff, v9;
	(v2sf) =	vpush v16, $0xF  }
0x1d1: {  	s9 =	spop (v2sf)  }
0x1d2: {  	s9 =	sadd.f32 s9, s8;
	(v2sf) =	vpush v15, $0xF  }
0x1d3: {  	s12 =	spop (v2sf);
	v17, _, _ =	vpop (xrf2)  }
0x1d4: {  	s17 =	sadd.f32 s12, s9;
	(v2sf) =	vpush v17, $0xF  }
0x1d5: {  	s12 =	spop (v2sf)  }
0x1d6: {  	s12 =	sadd.f32 s12, s17  }
0x1d7: {  	s31 =	spop (v2sf)  }
0x1d8: {  	s31 =	sadd.f32 s31, s12  }
0x1d9: {  	s0 =	spop (v2sf)  }
0x1da: {  	v18, _, _ =	vpop (xrf2);
	s0 =	sadd.f32 s0, s31  }
0x1db: {  	v5 =	vadd.f32 s16, v5;
	(v2sf) =	vpush v18, $0xF;
	s16 =	spop (v2sf)  }
0x1dc: {  	[tilespmem:s23+$0xED20] =	vst v11;
	v7 =	vadd.f32 s8, v7;
	s8 =	sadd.f32 s16, s0  }
0x1dd: {  	[tilespmem:s23+$0xED30] =	vst v5;
	v4 =	vadd.f32 s9, v4;
	s16 =	spop (v2sf)  }
0x1de: {  	[tilespmem:s23+$0xED40] =	vst v7;
	v55 =	vadd.f32 s17, v10;
	s9 =	sadd.f32 s16, s8  }
0x1df: {  	v0 =	vsub.f32 v13, v0;
	[tilespmem:s21+$0xED00] =	vst v4;
	v56 =	vadd.f32 s12, v8;
	s23 =	spop (v2sf)  }
0x1e0: {  	v6 =	vsub.f32 v14, v6;
	[tilespmem:s21+$0xED10] =	vst v55;
	v57 =	vadd.f32 s31, v12;
	s12 =	sadd.f32 s23, s9  }
0x1e1: {  	v2 =	vsub.f32 v16, v2;
	[tilespmem:s21+$0xED20] =	vst v56;
	v0 =	vadd.f32 s0, v0;
	s16 =	spop (v2sf)  }
0x1e2: {  	v3 =	vsub.f32 v15, v3;
	[tilespmem:s21+$0xED30] =	vst v57;
	v58 =	vadd.f32 s8, v6;
	s0 =	sadd.f32 s16, s12  }
0x1e3: {  	v59 =	vsub.f32 v17, v1;
	[tilespmem:s21+$0xED40] =	vst v0;
	v60 =	vadd.f32 s9, v2;
	s17 =	spop (v2sf)  }
0x1e4: {  	v61 =	vsub.f32 v18, v9;
	[tilespmem:s22+$0xED00] =	vst v58;
	v3 =	vadd.f32 s12, v3;
	s8 =	sadd.f32 s17, s0  }
0x1e5: {  	[tilespmem:s22+$0xED10] =	vst v60;
	v62 =	vadd.f32 s0, v59  }
0x1e6: {  	[tilespmem:s22+$0xED20] =	vst v3;
	v63 =	vadd.f32 s8, v61  }
0x1e7: {  	s16 =	sshrl.u32 s20, $0x3;
	[tilespmem:s22+$0xED30] =	vst v62  }
0x1e8: {  	p1 =	sne.s32 s18, $0x4;
	s23 =	simm.s32 $0xED00;
	[tilespmem:s22+$0xED40] =	vst v63;
	s22 =	sadd.s32 s7, s16  }
0x1e9: {  	[hbm4b:s22+s5] =	stream.linear.scatter [tilespmem:s23], [sflag:$0x7], $0x2710, $0x38;
	[tilespmem:$0x1B980] =	vst v63  }
.Ltmp5:
0x1ea: {  	s21 =	spop (v2sf);
	(pc) =	sbr.rel @p1 .LBB2_14-.Ltmp5, $4  }
0x1eb: {  	_ =	swait.ge [sflag:s13], $0x2710  }
0x1ec: {  	[sflag:s13] =	ssyncset.done $0x0  }
0x1ed: {  	s31 =	simm.s32 $0xC580;
	s8 =	sadd.f32 s21, s8;
	[sflag:s13] =	ssyncadd.s32 $0xFFFFD8F0  }
0x1ee: {  	[tilespmem:s31], [sflag:$0x6] =	stream.indirect.gather [spmem:s4], $0x1, s29, s26, $0xb8;
	[tilespmem:$0x1B980] =	vst v63  }
.Ltmp6:
0x1ef: {  	(pc) =	sbr.rel .LBB2_15-.Ltmp6, $4  }
0x1f0: {  	_ = 	snop  }
0x1f1: {  	_ =	swait.ge [sflag:s14], $0x2710  }
0x1f2: {  	[sflag:s14] =	ssyncset.done $0x0  }
0x1f3: {  	[sflag:s14] =	ssyncadd.s32 $0xFFFFD8F0  }
.LBB2_14:
0x1f4: {  	s0 =	sadd.s32 s1, s16  }
0x1f5: {  	s0 =	sadd.s32 $0xEA6, s0  }
0x1f6: {  	[tilespmem:s24], [sflag:$0x2] =	stream.linear.gather [hbm4b:s0+s5], $0x2710, $0x38;
	[tilespmem:$0x1B980] =	vst v63  }
0x1f7: {  	_ =	swait.ge [sflag:s25], $0x2710  }
0x1f8: {  	[sflag:s25] =	ssyncset.done $0x0  }
.Ltmp7:
0x1f9: {  	[sflag:s25] =	ssyncadd.s32 $0xFFFFD8F0;
	(pc) =	sbr.rel @p0 .LBB2_16-.Ltmp7, $4  }
0x1fa: {  	[tilespmem:s28], [sflag:$0x3] =	stream.indirect.gather [hbm4b:s2+s26], $0x1, s5, s26, $0xb8;
	[tilespmem:$0x1B980] =	vst v63  }
0x1fb: {  	_ =	swait.ge [sflag:s14], $0x2710  }
0x1fc: {  	[sflag:s14] =	ssyncset.done $0x0  }
0x1fd: {  	[sflag:s14] =	ssyncadd.s32 $0xFFFFD8F0  }
.LBB2_15:
0x1fe: {  	_ =	swait.ge [sflag:s15], $0x2710  }
0x1ff: {  	[sflag:s15] =	ssyncset.done $0x0  }
0x200: {  	[sflag:s15] =	ssyncadd.s32 $0xFFFFD8F0  }
.LBB2_16:
0x201: {  	s22 =	simm.s32 $0x0  }
0x202: {  	v0 =	vld [tilespmem:s22+$0xC580];
	_ =	sdelay $0x2  }
0x203: {  	v1 =	vld [tilespmem:s22+$0xC5A0]  }
0x204: {  	v2 =	vld [tilespmem:s22+$0xC590]  }
0x205: {  	(xrf2) =	vadd.scan.msk.f32 $0xffff, v0;
	_ =	sdelay $0x1  }
0x206: {  	v3 =	vld [tilespmem:s22+$0xC5B0]  }
0x207: {  	(xrf2) =	vadd.scan.msk.f32 $0xffff, v1  }
0x208: {  	(xrf2) =	vadd.scan.msk.f32 $0xffff, v2  }
0x209: {  	v4 =	vld [tilespmem:s22+$0xC5C0];
	_ =	sdelay $0x1  }
0x20a: {  	(xrf2) =	vadd.scan.msk.f32 $0xffff, v3  }
0x20b: {  	s20 =	simm.s32 $0x50  }
0x20c: {  	v8 =	vld [tilespmem:s20+$0xC580]  }
0x20d: {  	v9 =	vld [tilespmem:s20+$0xC5A0];
	v5, _, _ =	vpop (xrf2);
	(xrf2) =	vadd.scan.msk.f32 $0xffff, v4  }
0x20e: {  	(v2sf) =	vpush v5, $0xF;
	_ =	sdelay $0x1  }
0x20f: {  	v6, _, _ =	vpop (xrf2)  }
0x210: {  	v10 =	vld [tilespmem:s20+$0xC590];
	(xrf2) =	vadd.scan.msk.f32 $0xffff, v8;
	v7, _, _ =	vpop (xrf2)  }
0x211: {  	(xrf2) =	vadd.scan.msk.f32 $0xffff, v9;
	(v2sf) =	vpush v7, $0xF  }
0x212: {  	v12 =	vld [tilespmem:s20+$0xC5B0]  }
0x213: {  	v11, _, _ =	vpop (xrf2);
	(v2sf) =	vpush v6, $0xF  }
0x214: {  	(v2sf) =	vpush v11, $0xF  }
0x215: {  	(xrf2) =	vadd.scan.msk.f32 $0xffff, v10  }
0x216: {  	v13 =	vsub.f32 v5, v0;
	v0 =	vld [tilespmem:s20+$0xC5C0];
	v14, _, _ =	vpop (xrf2)  }
0x217: {  	(xrf2) =	vadd.scan.msk.f32 $0xffff, v12;
	(v2sf) =	vpush v14, $0xF  }
0x218: {  	s21 =	simm.s32 $0xA0  }
0x219: {  	v5 =	vld [tilespmem:s21+$0xC580]  }
0x21a: {  	v15 =	vsub.f32 v6, v1;
	v1, _, _ =	vpop (xrf2)  }
0x21b: {  	v6 =	vsub.f32 v11, v3;
	v11, _, _ =	vpop (xrf2);
	(xrf2) =	vadd.scan.msk.f32 $0xffff, v0  }
0x21c: {  	v3 =	vld [tilespmem:s21+$0xC5A0];
	s0 =	spop (v2sf);
	(v2sf) =	vpush v1, $0xF;
	_ =	sdelay $0x1  }
0x21d: {  	v16 =	vsub.f32 v7, v2;
	v2 =	vld [tilespmem:s21+$0xC590];
	v13 =	vadd.f32 s8, v13;
	(xrf2) =	vadd.scan.msk.f32 $0xffff, v5  }
0x21e: {  	v7 =	vsub.f32 v14, v4;
	v4 =	vsub.f32 v1, v8;
	v14, _, _ =	vpop (xrf2);
	s0 =	sadd.f32 s0, s8  }
0x21f: {  	v8 =	vsub.f32 v11, v9;
	(v2sf) =	vpush v14, $0xF;
	s31 =	spop (v2sf)  }
0x220: {  	v63, _, _ =	vpop (xrf2);
	(xrf2) =	vadd.scan.msk.f32 $0xffff, v3;
	v10 =	vsub.f32 v14, v10;
	v1 =	vld [tilespmem:s21+$0xC5B0];
	[tilespmem:s22+$0x11480] =	vst v13;
	v13 =	vadd.f32 s0, v16;
	s0 =	sadd.f32 s31, s0  }
0x221: {  	v12 =	vsub.f32 v63, v12;
	v9 =	vld [tilespmem:s21+$0xC5C0];
	(v2sf) =	vpush v11, $0xF;
	s9 =	spop (v2sf)  }
0x222: {  	(xrf2) =	vadd.scan.msk.f32 $0xffff, v2;
	s8 =	simm.s32 $0x3C0;
	(v2sf) =	vpush v63, $0xF;
	s17 =	spop (v2sf);
	[tilespmem:s22+$0x11490] =	vst v13;
	v11 =	vadd.f32 s0, v15;
	s16 =	sadd.f32 s9, s0  }
.LBB2_17:
0x223: {  	p0 =	sne.s32 s8, $0x9B00  }
0x224: {  	v13, _, _ =	vpop (xrf2);
	s0 =	sadd.f32 s17, s16;
	s9 =	smov.u32 s8;
	s8 =	sadd.s32 $0x140, s8  }
0x225: {  	v14 =	vadd.f32 s16, v6;
	(v2sf) =	vpush v13, $0xF;
	s12 =	spop (v2sf);
	v6 =	vmov v12  }
0x226: {  	s9 =	sshra.s32 s9, $0x2;
	(xrf2) =	vadd.scan.msk.f32 $0xffff, v1;
	[tilespmem:s22+$0x114A0] =	vst v11;
	v11 =	vadd.f32 s0, v7;
	v7 =	vsub.f32 v13, v0;
	s0 =	sadd.f32 s12, s0;
	v0 =	vmovc v9  }
0x227: {  	v12 =	vld [tilespmem:s9+$0xC580];
	v9, _, _ =	vpop (xrf2);
	[tilespmem:s22+$0x114B0] =	vst v14  }
0x228: {  	v13 =	vld [tilespmem:s9+$0xC590];
	v14 =	vadd.f32 s0, v4;
	v4 =	vsub.f32 v9, v5;
	[tilespmem:s22+$0x114C0] =	vst v11;
	s22 =	smov.u32 s20;
	s20 =	smov.u32 s21;
	s21 =	smov.u32 s9  }
0x229: {  	v11 =	vld [tilespmem:s21+$0xC5A0];
	(xrf2) =	vadd.scan.msk.f32 $0xffff, v0  }
0x22a: {  	v15 =	vld [tilespmem:s21+$0xC5B0];
	v16, _, _ =	vpop (xrf2);
	(v2sf) =	vpush v9, $0xF;
	[tilespmem:s22+$0x11480] =	vst v14;
	s9 =	spop (v2sf)  }
0x22b: {  	v9 =	vld [tilespmem:s21+$0xC5C0];
	v14 =	vsub.f32 v16, v3  }
0x22c: {  	s0 =	sadd.f32 s9, s0;
	(xrf2) =	vadd.scan.msk.f32 $0xffff, v12;
	v5 =	vmov v12  }
0x22d: {  	v12, _, _ =	vpop (xrf2)  }
.Ltmp8:
0x22e: {  	v17 =	vadd.f32 s0, v10;
	(v2sf) =	vpush v12, $0xF;
	s9 =	spop (v2sf);
	v3 =	vmov v11;
	(pc) =	sbr.rel @p0 .LBB2_17-.Ltmp8, $4  }
0x22f: {  	v10 =	vsub.f32 v12, v2;
	v2 =	vmov v13;
	(xrf2) =	vadd.scan.msk.f32 $0xffff, v3;
	s0 =	sadd.f32 s9, s0  }
0x230: {  	v12, _, _ =	vpop (xrf2);
	(v2sf) =	vpush v16, $0xF;
	[tilespmem:s22+$0x11490] =	vst v17;
	s9 =	spop (v2sf)  }
0x231: {  	(v2sf) =	vpush v12, $0xF;
	v11 =	vadd.f32 s0, v8;
	s16 =	sadd.f32 s9, s0;
	s17 =	spop (v2sf);
	v8 =	vmov v14  }
0x232: {  	v12 =	vsub.f32 v12, v1;
	v1 =	vmov v15;
	(xrf2) =	vadd.scan.msk.f32 $0xffff, v2  }
0x233: {  	_ =	sdelay $0x2  }
0x234: {  	(xrf2) =	vadd.scan.msk.f32 $0xffff, v1;
	_ =	sdelay $0x1  }
0x235: {  	v13, _, _ =	vpop (xrf2)  }
0x236: {  	(v2sf) =	vpush v13, $0xF  }
0x237: {  	v14, _, _ =	vpop (xrf2);
	(xrf2) =	vadd.scan.msk.f32 $0xffff, v9  }
0x238: {  	(v2sf) =	vpush v14, $0xF;
	v15, _, _ =	vpop (xrf2)  }
0x239: {  	v16, _, _ =	vpop (xrf2)  }
0x23a: {  	s0 =	sadd.f32 s17, s16;
	(v2sf) =	vpush v16, $0xF  }
0x23b: {  	s8 =	spop (v2sf)  }
0x23c: {  	s8 =	sadd.f32 s8, s0;
	(v2sf) =	vpush v15, $0xF  }
0x23d: {  	s9 =	spop (v2sf);
	v17, _, _ =	vpop (xrf2)  }
0x23e: {  	s9 =	sadd.f32 s9, s8;
	(v2sf) =	vpush v17, $0xF  }
0x23f: {  	s12 =	spop (v2sf)  }
0x240: {  	s12 =	sadd.f32 s12, s9  }
0x241: {  	s23 =	spop (v2sf);
	v18, _, _ =	vpop (xrf2)  }
0x242: {  	s17 =	sadd.f32 s23, s12;
	(v2sf) =	vpush v18, $0xF  }
0x243: {  	s23 =	spop (v2sf)  }
0x244: {  	s23 =	sadd.f32 s23, s17  }
0x245: {  	v6 =	vadd.f32 s16, v6;
	s31 =	spop (v2sf)  }
0x246: {  	[tilespmem:s22+$0x114A0] =	vst v11;
	v7 =	vadd.f32 s0, v7;
	s0 =	sadd.f32 s31, s23  }
0x247: {  	[tilespmem:s22+$0x114B0] =	vst v6;
	v4 =	vadd.f32 s8, v4;
	s31 =	spop (v2sf)  }
0x248: {  	[tilespmem:s22+$0x114C0] =	vst v7;
	v55 =	vadd.f32 s9, v10;
	s8 =	sadd.f32 s31, s0  }
0x249: {  	v0 =	vsub.f32 v13, v0;
	[tilespmem:s20+$0x11480] =	vst v4;
	v56 =	vadd.f32 s12, v8;
	s12 =	spop (v2sf)  }
0x24a: {  	v5 =	vsub.f32 v14, v5;
	[tilespmem:s20+$0x11490] =	vst v55;
	v57 =	vadd.f32 s17, v12;
	s9 =	sadd.f32 s12, s8  }
0x24b: {  	v2 =	vsub.f32 v16, v2;
	[tilespmem:s20+$0x114A0] =	vst v56;
	v0 =	vadd.f32 s23, v0;
	s16 =	spop (v2sf)  }
0x24c: {  	v3 =	vsub.f32 v15, v3;
	[tilespmem:s20+$0x114B0] =	vst v57;
	v58 =	vadd.f32 s0, v5;
	s17 =	sadd.f32 s16, s9  }
0x24d: {  	s18 =	sadd.s32 $0x1, s18;
	v59 =	vsub.f32 v17, v1;
	[tilespmem:s20+$0x114C0] =	vst v0;
	v60 =	vadd.f32 s8, v2;
	s20 =	spop (v2sf)  }
0x24e: {  	p0 =	sne.s32 s18, $0x5;
	v61 =	vsub.f32 v18, v9;
	[tilespmem:s21+$0x11480] =	vst v58;
	v3 =	vadd.f32 s9, v3;
	s8 =	sadd.f32 s20, s17  }
.Ltmp9:
0x24f: {  	[tilespmem:s21+$0x11490] =	vst v60;
	v62 =	vadd.f32 s17, v59;
	(pc) =	sbr.rel @p0 .LBB2_10-.Ltmp9, $4  }
0x250: {  	[tilespmem:s21+$0x114A0] =	vst v3;
	v63 =	vadd.f32 s8, v61  }
0x251: {  	s22 =	sshrl.u32 s19, $0x3;
	s31 =	spop (v2sf);
	[tilespmem:s21+$0x114B0] =	vst v62  }
0x252: {  	s23 =	simm.s32 $0x11480;
	s0 =	sadd.s32 s7, s22;
	s8 =	sadd.f32 s31, s8;
	[tilespmem:s21+$0x114C0] =	vst v63  }
0x253: {  	[hbm4b:s0+s5] =	stream.linear.scatter [tilespmem:s23], [sflag:$0x8], $0x2710, $0x38;
	[tilespmem:$0x1B980] =	vst v63  }
0x254: {  	s0 =	simm.s32 $0x7  }
0x255: {  	_ =	swait.ge [sflag:s0], $0x2710  }
0x256: {  	v0 =	vmov s8;
	[sflag:s0] =	ssyncset.done $0x0  }
0x257: {  	v0 =	vadd.f32 $0.0e+00, v0;
	[sflag:s0] =	ssyncadd.s32 $0xFFFFD8F0  }
0x258: {  	_ =	swait.ge [sflag:s15], $0x2710  }
0x259: {  	v0 =	vbroadcast v0, $0x0;
	[sflag:s15] =	ssyncset.done $0x0  }
0x25a: {  	[sflag:s15] =	ssyncadd.s32 $0xFFFFD8F0  }
0x25b: {  	s22 =	simm.s32 $0x13C00;
	s21 =	rddreg [dreg:$0x13];
	[tilespmem:$0x13C00] =	vst v0  }
0x25c: {  	[hbm4b:s21+s5] =	stream.linear.scatter [tilespmem:s22], [sflag:$0x9], $0x80, $0x38;
	[tilespmem:$0x1B980] =	vst v63  }
0x25d: {  	_ =	swait.ge [sflag:s30], $0x80  }
0x25e: {  	s23 =	rddreg [dreg:$0x15]  }
0x25f: {  	s31 =	rddreg [dreg:$0x14];
	s8 =	sadd.s32 $0x1, s23  }
0x260: {  	p0 =	sne.s32 s8, s31  }
.Ltmp10:
0x261: {  	_ = 	snop;
	(pc) =	sbr.rel @p0 .LBB2_1-.Ltmp10, $3  }
0x262: {  	_ =	sdelay $0x1  }
0x263: {  	[sflag:s30] =	ssyncset.done $0x0  }
0x264: {  	[sflag:s30] =	ssyncadd.s32 $0xFFFFFF80  }
0x265: {  	_ =	sfence.sel $0x180000  }
0x266: {  	[bflag:$0x0] =	sbarrier.arrive $0xFFFF  }
0x267: {  	_ =	strace $0x90000047  }
0x268: {  	s0 =	stileid.u32;
	[bflag:$0x2] =	sbarrier.arrive $0xFFFF  }
0x269: {  	p0 =	sne.s32 s0, $0x0;
	s0 =	rddreg [dreg:$0x4]  }
0x26a: {  	s0 =	sadd.s32 @!p0 $0x100000, s0  }
0x26b: {  	[sflag:s0] =	ssyncadd.tile.s32 @!p0 $0x1;
	_ =	shalt  }
.Lfunc_end2:
_tile_overlayer_lowered:
.L_overlay_start_2:
0x26c: {  	(tag) =	ssettag $0x2  }
0x26d: {  	s0 =	rddreg [dreg:$0x0];
	s2 =	stileid.u32  }
0x26e: {  	s1 =	rddreg [dreg:$0x1];
	p0 =	sne.s32 s2, $0x0  }
0x26f: {  	s3 =	rddreg [dreg:$0x2];
	[bflag:$0x3] =	sbarrier.arrive $0xFFFF;
	s2 =	simm.s32 @!p0 $0x1C09  }
0x270: {  	[timem:s3], [sflag:s2] =	dma.local @!p0 [hbm:s0], s1  }
0x271: {  	s0 =	simm.s32 @!p0 $0x9  }
0x272: {  	_ =	swait.ge @!p0 [sflag:s0], s1  }
0x273: {  	s1 =	ssub.s32 @!p0 $0x0, s1;
	[sflag:s0] =	ssyncset.done @!p0 $0x0  }
0x274: {  	[sflag:s0] =	ssyncadd.s32 @!p0 s1  }
0x275: {  	[bflag:$0x3] =	sbarrier.arrive $0xFFFF  }
0x276: {  	_ =	shalt  }

// kernel: kernel.7.cloned.1.call-start
scs
__scs_entry_jumppad:
0x0: {  	(pc) =	sbr.rel $0x88, $3  }
0x1: {  	(tag) =	ssettag $0x0;
	lr =	simm.s32 $0x1  }
0x2: {  	[smem:$0x3F9C] =	sst lr;
	_ =	strace $0xD0000000  }
0x3: {  	_ = 	snop  }
0x4: {  	_ = 	snop  }
0x5: {  	_ = 	snop  }
0x6: {  	_ = 	snop  }
0x7: {  	_ = 	snop  }
__scs_overlays_trampoline_lowered:
0x8: {  	[smem:$0x3FAB] =	sst s0  }
0x9: {  	[smem:$0x3FAC] =	sst s1  }
0xa: {  	[smem:$0x3FAD] =	sst s2  }
0xb: {  	[smem:$0x3FAE] =	sst s3  }
0xc: {  	[smem:$0x3FAF] =	sst s4  }
0xd: {  	[smem:$0x3FB0] =	sst s5  }
0xe: {  	[smem:$0x3FB1] =	sst s6  }
0xf: {  	[smem:$0x3FB2] =	sst s7  }
0x10: {  	[smem:$0x3FB3] =	sst s8  }
0x11: {  	[smem:$0x3FB4] =	sst s9;
	s0 =	simm.s32 @!p0 $0x0  }
0x12: {  	s1 =	sld [smem:$0x3F9A];
	s0 =	simm.s32 @p0 $0x1  }
0x13: {  	[smem:$0x3FB5] =	sst s0;
	s0 =	simm.s32 @!p1 $0x0  }
0x14: {  	s2 =	sld [smem:$0x3F99];
	s0 =	simm.s32 @p1 $0x1  }
0x15: {  	[smem:$0x3FB6] =	sst s0;
	s0 =	simm.s32 @!p2 $0x0  }
0x16: {  	s3 =	sld [smem:$0x3FDB];
	s0 =	simm.s32 @p2 $0x1  }
0x17: {  	s4 =	simm.s32 $0x1BF5;
	[smem:$0x3FB8] =	sst s0  }
0x18: {  	s0 =	sld [smem:$0x3F9B];
	_ =	swait.ge [sflag:s4], $0x0  }
0x19: {  	s7 =	sld [smem:$0x3F9C]  }
0x1a: {  	s8 =	sadd.s32 $0xFFFFE003, lr  }
0x1b: {  	s9 =	sadd.s32 $0xFFFFFEF7, lr;
	s5 =	simm.s32 $0xFFFFFFFF;
	p2 =	slt.u32 s8, $0xFFFFF086  }
0x1c: {  	p1 =	slt.u32 s9, $0xF7A;
	s5 =	simm.s32 @!p2 $0x0  }
0x1d: {  	s5 =	simm.s32 @p1 $0x1;
	p0 =	seq.s32 s7, s2  }
0x1e: {  	s7 =	smul.u32 @!p0 $0xF7A, s2;
	p2 =	seq.s32 @!p0 s5, $0x0  }
0x1f: {  	s9 =	smul.u32 $0xF7A, s1;
	s8 =	simm.s32 @!p0 $0x1BF5;
	p2 =	por !p2, p0  }
0x20: {  	[sflag:s8] =	ssyncset.s32 @!p0 $0xFFFFF086;
	s6 =	sadd.s32 @!p0 s3, s7;
	s7 =	simm.s32 @!p0 $0x108  }
0x21: {  	s3 =	sadd.s32 s3, s9;
	s6 =	sadd.s32 @!p0 $0x88, s6;
	s7 =	simm.s32 @p2 $0x1082  }
0x22: {  	[simem:s7], [sflag:s8] =	dma.local @!p0 [hbm:s6], $0xF7A  }
0x23: {  	s9 =	sor.u32 $0xD0000000, s2;
	s6 =	simm.s32 $0x108;
	_ =	swait.ge @!p0 [sflag:s8], $0x0  }
0x24: {  	s3 =	sadd.s32 $0x88, s3;
	s6 =	simm.s32 @!p1 $0x1082;
	[sflag:s4] =	ssyncset.s32 $0xFFFFF086  }
0x25: {  	[simem:s6], [sflag:s4] =	dma.local [hbm:s3], $0xF7A  }
0x26: {  	[smem:$0x3F9C] =	sst s1;
	(tag) =	ssettag s2;
	_ =	strace s9  }
0x27: {  	s1 =	sld [smem:$0x3FAC]  }
0x28: {  	s2 =	sld [smem:$0x3FAD]  }
0x29: {  	s4 =	sld [smem:$0x3FAF]  }
0x2a: {  	p0 =	seq.s32 s5, $0x0;
	s5 =	sld [smem:$0x3FB0]  }
0x2b: {  	s6 =	sld [smem:$0x3FB1]  }
0x2c: {  	s7 =	sld [smem:$0x3FB2]  }
0x2d: {  	s3 =	simm.s32 $0x108;
	s8 =	sld [smem:$0x3FB3]  }
0x2e: {  	s3 =	simm.s32 @!p0 $0x1082;
	s9 =	sld [smem:$0x3FB4]  }
0x2f: {  	lr =	sadd.s32 s0, s3;
	s0 =	sld [smem:$0x3FAB]  }
0x30: {  	s3 =	sld [smem:$0x3FAE]  }
0x31: {  	[smem:$0x3FB7] =	sst s10  }
0x32: {  	s10 =	sld [smem:$0x3FB5];
	_ =	sdelay $0x3  }
0x33: {  	p0 =	seq.s32 s10, $0x1;
	s10 =	sld [smem:$0x3FB7];
	_ =	sdelay $0x3  }
0x34: {  	[smem:$0x3FB7] =	sst s10  }
0x35: {  	s10 =	sld [smem:$0x3FB6];
	_ =	sdelay $0x3  }
0x36: {  	p1 =	seq.s32 s10, $0x1;
	s10 =	sld [smem:$0x3FB7];
	_ =	sdelay $0x3  }
0x37: {  	[smem:$0x3FB7] =	sst s10  }
0x38: {  	s10 =	sld [smem:$0x3FB8]  }
0x39: {  	_ = 	snop;
	(pc) =	sbr.ind lr, $3  }
0x3a: {  	_ = 	snop  }
0x3b: {  	_ = 	snop  }
0x3c: {  	p2 =	seq.s32 s10, $0x1;
	s10 =	sld [smem:$0x3FB7]  }
0x3d: {  	_ =	shalt  }
0x3e: {  	_ =	shalt  }
0x3f: {  	_ =	shalt  }
0x40: {  	_ =	shalt  }
0x41: {  	_ =	shalt  }
0x42: {  	_ =	shalt  }
0x43: {  	_ =	shalt  }
0x44: {  	_ =	shalt  }
0x45: {  	_ =	shalt  }
0x46: {  	_ =	shalt  }
0x47: {  	_ =	shalt  }
0x48: {  	_ =	shalt  }
0x49: {  	_ =	shalt  }
0x4a: {  	_ =	shalt  }
0x4b: {  	_ =	shalt  }
0x4c: {  	_ =	shalt  }
0x4d: {  	_ =	shalt  }
0x4e: {  	_ =	shalt  }
0x4f: {  	_ =	shalt  }
0x50: {  	_ =	shalt  }
0x51: {  	_ =	shalt  }
0x52: {  	_ =	shalt  }
0x53: {  	_ =	shalt  }
0x54: {  	_ =	shalt  }
0x55: {  	_ =	shalt  }
0x56: {  	_ =	shalt  }
0x57: {  	_ =	shalt  }
0x58: {  	_ =	shalt  }
0x59: {  	_ =	shalt  }
0x5a: {  	_ =	shalt  }
0x5b: {  	_ =	shalt  }
0x5c: {  	_ =	shalt  }
0x5d: {  	_ =	shalt  }
0x5e: {  	_ =	shalt  }
0x5f: {  	_ =	shalt  }
0x60: {  	_ =	shalt  }
0x61: {  	_ =	shalt  }
0x62: {  	_ =	shalt  }
0x63: {  	_ =	shalt  }
0x64: {  	_ =	shalt  }
0x65: {  	_ =	shalt  }
0x66: {  	_ =	shalt  }
0x67: {  	_ =	shalt  }
0x68: {  	_ =	shalt  }
0x69: {  	_ =	shalt  }
0x6a: {  	_ =	shalt  }
0x6b: {  	_ =	shalt  }
0x6c: {  	_ =	shalt  }
0x6d: {  	_ =	shalt  }
0x6e: {  	_ =	shalt  }
0x6f: {  	_ =	shalt  }
0x70: {  	_ =	shalt  }
0x71: {  	_ =	shalt  }
0x72: {  	_ =	shalt  }
0x73: {  	_ =	shalt  }
0x74: {  	_ =	shalt  }
0x75: {  	_ =	shalt  }
0x76: {  	_ =	shalt  }
0x77: {  	_ =	shalt  }
0x78: {  	_ =	shalt  }
0x79: {  	_ =	shalt  }
0x7a: {  	_ =	shalt  }
0x7b: {  	_ =	shalt  }
0x7c: {  	_ =	shalt  }
0x7d: {  	_ =	shalt  }
0x7e: {  	_ =	shalt  }
0x7f: {  	_ =	shalt  }
0x80: {  	_ =	shalt  }
0x81: {  	_ =	shalt  }
0x82: {  	_ =	shalt  }
0x83: {  	_ =	shalt  }
0x84: {  	_ =	shalt  }
0x85: {  	_ =	shalt  }
0x86: {  	_ =	shalt  }
0x87: {  	_ =	shalt  }
.Lfunc_end0:
.L_simem_size_0:
called_computation.1_lowered:
.L_overlay_start_0:
0x88: {  	s2 =	sld [smem:$0x3FD9]  }
0x89: {  	s3 =	sld [smem:$0x3FFE];
	_ =	sdelay $0x1  }
0x8a: {  	s1 =	srdreg.scid  }
0x8b: {  	s0 =	sand.u32 $0x1, s1  }
0x8c: {  	s17 =	sshll.u32 s0, $0xA;
	s2 =	sadd.s32 s3, s2  }
0x8d: {  	s2 =	sadd.s32 s2, s17  }
0x8e: {  	[smem:$0x3FC3] =	sst s2  }
0x8f: {  	_ = 	snop  }
0x90: {  	s2 =	sld [smem:$0x3FD0];
	(tm) =	ssettm $0x1  }
0x91: {  	s18 =	sld [smem:$0x3FFB];
	_ =	sdelay $0x3  }
0x92: {  	_ =	strace s18  }
0x93: {  	s3 =	sld [smem:$0x3FFC];
	_ =	sdelay $0x3  }
0x94: {  	_ =	strace s3  }
0x95: {  	s3 =	sld [smem:$0x3FFD];
	_ =	sdelay $0x3  }
0x96: {  	_ =	strace s3  }
0x97: {  	_ =	strace $0x8FFFFFFF  }
0x98: {  	s19 =	sld [smem:$0x3FDB];
	_ =	sdelay $0x1  }
0x99: {  	s4 =	simm.s32 $_scs_section_size  }
0x9a: {  	s5 =	simm.s32 $_size__tile_overlayer_lowered;
	s6 =	simm.s32 $_tile_overlayer_lowered  }
0x9b: {  	s22 =	simm.s32 $0x1BFF;
	s21 =	sshll.u32 s6, $0x1;
	s3 =	sadd.s32 s4, s19  }
0x9c: {  	s7 =	simm.s32 $0x0;
	s20 =	sshll.u32 s5, $0x1;
	s5 =	sadd.s32 s21, s3  }
0x9d: {  	[timem:s7], [sflag:s22] =	dma.local [hbm:s5], s20  }
0x9e: {  	_ =	swait.ge [sflag:s22], s20  }
0x9f: {  	s4 =	ssub.s32 $0x0, s20;
	[sflag:s22] =	ssyncset.done $0x0  }
0xa0: {  	[sflag:s22] =	ssyncadd.s32 s4;
	_ =	sdelay $0x1  }
0xa1: {  	s23 =	simm.s32 $0x1B8B  }
0xa2: {  	_ =	swait.ge [sflag:s23], $0x1  }
0xa3: {  	[sflag:s23] =	ssyncset.done $0x0  }
0xa4: {  	s25 =	simm.s32 $0x1B8E;
	s24 =	sld [smem:$0x3FFE];
	[sflag:s23] =	ssyncadd.s32 $0xFFFFFFFF  }
0xa5: {  	s26 =	simm.s32 $execute0_lowered;
	[smem:$0x3FD2] =	sst s25  }
0xa6: {  	s5 =	sshll.u32 s26, $0x1;
	_ =	strace $0x80000049;
	[dreg:$0x1] =	wrdreg $0xFFFFFFFF  }
0xa7: {  	s28 =	simm.s32 $_size_execute0_lowered;
	s3 =	sadd.s32 s3, s5;
	[dreg:$0x0] =	wrdreg $0x0  }
0xa8: {  	s5 =	sshll.u32 s28, $0x1;
	[dreg:$0x2] =	wrdreg s3  }
0xa9: {  	[dreg:$0x3] =	wrdreg s5  }
0xaa: {  	[dreg:$0x4] =	wrdreg $0xC0  }
0xab: {  	_ =	task [dreg:s7], $0x5FFFF  }
0xac: {  	[dreg:$0x1] =	wrdreg $0xFFFFFFFF  }
0xad: {  	[dreg:$0x0] =	wrdreg $0x60  }
0xae: {  	[dreg:$0x2] =	wrdreg s2  }
0xaf: {  	[dreg:$0x3] =	wrdreg s24  }
0xb0: {  	[dreg:$0x4] =	wrdreg $0x9  }
0xb1: {  	_ =	task.clear_ibuf [dreg:s7], $0x5FFFF;
	_ =	strace $0x90000049  }
0xb2: {  	s29 =	simm.s32 $0x9;
	_ =	strace $0x8000004B  }
0xb3: {  	_ =	swait.ge [sflag:s29], $0x1  }
0xb4: {  	[sflag:s29] =	ssyncadd.s32 $0xFFFFFFFF  }
0xb5: {  	_ =	strace $0x9000004B  }
0xb6: {  	_ =	sfence  }
0xb7: {  	s30 =	sld [smem:$0x0];
	_ =	sdelay $0x2  }
0xb8: {  	s31 =	sshll.u32 s1, $0xD;
	s1 =	sshrl.u32 s1, $0x2  }
0xb9: {  	s3 =	sand.u32 $0x4000, s31;
	s1 =	sadd.s32 s1, s30  }
0xba: {  	s0 =	sor.u32 s3, s0;
	s1 =	sshll.u32 s1, $0x11  }
0xbb: {  	s0 =	sor.u32 s1, s0  }
0xbc: {  	s0 =	sadd.s32 $0x8F2B, s0  }
0xbd: {  	[sflag:s0] =	ssyncadd.remote.s32 $0x1  }
0xbe: {  	_ =	sfence.sel $0xFFFF  }
0xbf: {  	[dreg:$0x0] =	wrdreg $0xFFFFFFFF;
	(pc) =	sbr.abs _section_cstart, $3  }
0xc0: {  	[dreg:$0x1] =	wrdreg $0xFFFFFFFF  }
0xc1: {  	_ =	task.clear_ibuf [dreg:s7], $0x2FFFF;
	_ =	strace $0x9FFFFFFF  }
0xc2: {  	(tm) =	ssettm $0x7FFFFFFF  }
0xc3: {  	_ =	shalt  }
tec
execute0_lowered:
.L_overlay_start_1:
0x0: {  	(tag) =	ssettag $0x1  }
0x1: {  	s0 =	rddreg [dreg:$0x0]  }
0x2: {  	s1 =	srdreg.scid;
	s5 =	stileid.u32  }
0x3: {  	s2 =	rddreg [dreg:$0x1];
	s7 =	simm.s32 $0x0;
	s1 =	sand.u32 $0x1, s1  }
0x4: {  	s3 =	sshll.u32 s5, $0x1;
	s5 =	sshrl.u32 s5, $0x2;
	[smem:$0x7FF] =	sst s7  }
0x5: {  	s8 =	sadd.s32 $0x20600, s2;
	s26 =	sadd.s32 $0x82200, s2;
	s4 =	sor.u32 s1, s3  }
0x6: {  	v0 =	vlaneseq.u32;
	v3 =	vimm.s32 $0xECA86420;
	s5 =	smul.u32 $0x6400, s5;
	_ =	strace $0x8000004A;
	[dreg:$0x4] =	wrdreg s8  }
0x7: {  	vm0 =	vcmask $0xB08;
	vm1 =	vcmask $0x1310;
	vm2 =	vcmask $0x1B18;
	s25 =	ssub.s32 $0x2, s1;
	s1 =	smul.u32 $0x3, s1;
	s6 =	sshll.u32 s4, $0x7  }
0x8: {  	vm4 =	vcmask $0x300;
	vm5 =	vcmask $0x2320;
	vm6 =	vcmask $0x2B28;
	[dreg:$0x5] =	wrdreg s26;
	s4 =	smul.u32 $0xC35, s4;
	s6 =	sand.u32 $0x380, s6  }
0x9: {  	vm7 =	vcmask $0x3330;
	vm8 =	vcmask $0x3B38;
	vm9 =	vmmov $0xff;
	s28 =	sshrl.u32 s25, $0x1;
	s1 =	ssub.s32 s3, s1;
	s5 =	sor.u32 s5, s6  }
0xa: {  	vm10 =	vcmask $0x704;
	vm11 =	vcmask $0xF0C;
	v2 =	vmov s4;
	s4 =	sshrl.u32 s4, $0x3;
	s30 =	sand.u32 $0x7, s1;
	s5 =	sshrl.u32 s5, $0x3  }
0xb: {  	vm14 =	vcmask $0x1714;
	vm15 =	vcmask $0x1F1C;
	vm3 =	vcmask $0x2724;
	s0 =	sadd.s32 s0, s4;
	[dreg:$0x3] =	wrdreg s30;
	s2 =	sadd.s32 s5, s2  }
0xc: {  	vm12 =	vcmask $0x2F2C;
	v1 =	vmul.u32 $0x80, v0;
	v5 =	vunpack.c.l.s4.s8 v3;
	s5 =	ssub.s32 s25, s28;
	[dreg:$0x6] =	wrdreg s0;
	s29 =	sadd.s32 $0x1000, s2  }
0xd: {  	vm13 =	vcmask $0x3734;
	v7 =	vimm.s32 $0x0;
	v4 =	vadd.s32 $0x1, v0;
	s3 =	simm.s32 $0xC80;
	s31 =	smax.u32 s5, $0x1;
	[dreg:$0x7] =	wrdreg s29  }
0xe: {  	v6 =	vmul.u32 $0x2, v0;
	v3 =	vor.u32 $0x800, v1;
	v5 =	vunpack.c.0.s8.s32 v5;
	s1 =	simm.s32 $0x2;
	s2 =	simm.s32 $0x0;
	[dreg:$0x8] =	wrdreg s31  }
.LBB2_1:
0xf: {  	[dreg:$0x9] =	wrdreg s2  }
0x10: {  	s0 =	rddreg [dreg:$0x6]  }
0x11: {  	[tilespmem:s7], [sflag:$0x2] =	stream.linear.gather [hbm4b:s0+s7], $0xC48, $0x38;
	[tilespmem:$0x3600] =	vst v63  }
0x12: {  	_ =	swait.ge [sflag:s1], $0xC48  }
0x13: {  	s26 =	simm.s32 $0xC48;
	[sflag:s1] =	ssyncset.done $0x0  }
0x14: {  	s28 =	simm.s32 $0x1;
	s25 =	rddreg [dreg:$0x4];
	[sflag:s1] =	ssyncadd.s32 $0xFFFFF3B8  }
0x15: {  	[tilespmem:s3], [sflag:$0x1] =	stream.indirect.gather [hbm4b:s25+s26], $0x1, s7, s26, $0xb8;
	[tilespmem:$0x3600] =	vst v63  }
0x16: {  	_ =	swait.ge [sflag:s28], $0xC48  }
0x17: {  	[sflag:s28] =	ssyncset.done $0x0  }
0x18: {  	s30 =	simm.s32 $0x1900;
	s29 =	rddreg [dreg:$0x5];
	[sflag:s28] =	ssyncadd.s32 $0xFFFFF3B8  }
0x19: {  	[tilespmem:s30], [sflag:$0x2] =	stream.linear.gather [hbm4b:s29+s7], $0x1000, $0x38;
	[tilespmem:$0x3600] =	vst v63  }
0x1a: {  	_ =	swait.ge [sflag:s1], $0x1000  }
0x1b: {  	[sflag:s1] =	ssyncset.done $0x0  }
0x1c: {  	[sflag:s1] =	ssyncadd.s32 $0xFFFFF000  }
0x1d: {  	v8 =	vld.idx.msk [tilespmem:v1+s30+$0x0], $0xffff  }
0x1e: {  	v9 =	vld.idx.msk [tilespmem:v3+s30+$0x0], $0xffff;
	_ =	sdelay $0x3  }
0x1f: {  	(xrf2) =	vadd.scan.msk.f32 $0xffff, v8  }
0x20: {  	(xrf2) =	vadd.scan.msk.f32 $0xffff, v9;
	_ =	sdelay $0x8  }
0x21: {  	v10, _, _ =	vpop (xrf2)  }
0x22: {  	v11, _, _ =	vpop (xrf2)  }
0x23: {  	v63 =	vbroadcast v10, $0xF;
	v9 =	vsub.f32 v11, v9  }
0x24: {  	v8 =	vsub.f32 v10, v8  }
0x25: {  	v9 =	vadd.f32 v9, v63  }
0x26: {  	s31 =	simm.s32 $0x29A0;
	[tilespmem:$0x2900] =	vst v8  }
0x27: {  	[dreg:$0xa] =	wrdreg s31;
	s1 =	simm.s32 $0x0;
	[tilespmem:$0x2910] =	vst v9  }
.LBB2_2:
0x28: {  	s0 =	rddreg [dreg:$0x3]  }
0x29: {  	s3 =	sadd.s32 s1, s0  }
0x2a: {  	v8 =	vadd.s32 s3, v0;
	_ =	sdelay $0x4  }
0x2b: {  	v9 =	vld.idx.msk [tilespmem:v8+s7+$0x0], $0xffff;
	_ =	sdelay $0x4  }
0x2c: {  	(v2sf) =	vpush v9, $0xD;
	_ =	sdelay $0x1  }
0x2d: {  	(v2sf) =	vpush v9, $0xC;
	_ =	sdelay $0x1  }
0x2e: {  	(v2sf) =	vpush v9, $0xE;
	_ =	sdelay $0x1  }
0x2f: {  	(v2sf) =	vpush v9, $0xF;
	_ =	sdelay $0x1  }
0x30: {  	(v2sf) =	vpush v9, $0x9;
	_ =	sdelay $0x1  }
0x31: {  	(v2sf) =	vpush v9, $0x8;
	_ =	sdelay $0x1  }
0x32: {  	(v2sf) =	vpush v9, $0xA;
	_ =	sdelay $0x1  }
0x33: {  	(v2sf) =	vpush v9, $0xB  }
0x34: {  	s28 =	spop (v2sf)  }
0x35: {  	[dreg:$0xb] =	wrdreg s1;
	(v2sf) =	vpush v9, $0x0;
	s9 =	smulhi.u32 $0x14F8B589, s28;
	s1 =	sshra.s32 s28, $0x1F  }
0x36: {  	s2 =	spop (v2sf);
	s7 =	smul.u32 $0x14F8B589, s1  }
0x37: {  	(v2sf) =	vpush v9, $0x1;
	s10 =	smulhi.u32 $0x14F8B589, s2;
	s2 =	sshra.s32 s2, $0x1F  }
0x38: {  	s29 =	spop (v2sf);
	(v2sf) =	vpush v9, $0x2;
	s12 =	smul.u32 $0x14F8B589, s2  }
0x39: {  	s14 =	smulhi.u32 $0x14F8B589, s29;
	s2 =	sshra.s32 s29, $0x1F  }
0x3a: {  	s30 =	spop (v2sf);
	(v2sf) =	vpush v9, $0x3;
	s0 =	smul.u32 $0x14F8B589, s2  }
0x3b: {  	v10 =	vadd.s32 s3, v4;
	s19 =	smulhi.u32 $0x14F8B589, s30;
	s2 =	sshra.s32 s30, $0x1F  }
0x3c: {  	s31 =	spop (v2sf);
	(v2sf) =	vpush v9, $0x4;
	s15 =	smul.u32 $0x14F8B589, s2  }
0x3d: {  	[dreg:$0xc] =	wrdreg s3;
	s20 =	smulhi.u32 $0x14F8B589, s31;
	s2 =	sshra.s32 s31, $0x1F  }
0x3e: {  	s1 =	spop (v2sf);
	(v2sf) =	vpush v9, $0x5;
	s21 =	smul.u32 $0x14F8B589, s2  }
0x3f: {  	s3 =	simm.s32 $0x0;
	s22 =	smulhi.u32 $0x14F8B589, s1;
	s2 =	sshra.s32 s1, $0x1F  }
0x40: {  	v11 =	vld.idx.msk [tilespmem:v10+s3+$0x0], $0xffff;
	s4 =	spop (v2sf);
	(v2sf) =	vpush v9, $0x6;
	s13 =	smul.u32 $0x14F8B589, s2  }
0x41: {  	s24 =	smulhi.u32 $0x14F8B589, s4;
	s2 =	sshra.s32 s4, $0x1F  }
0x42: {  	s5 =	spop (v2sf);
	(v2sf) =	vpush v9, $0x7;
	s16 =	smul.u32 $0x14F8B589, s2  }
0x43: {  	s31 =	smulhi.u32 $0x14F8B589, s5;
	s2 =	sshra.s32 s5, $0x1F  }
0x44: {  	s7 =	sadd.s32 s7, s9;
	s18 =	smul.u32 $0x14F8B589, s2;
	s6 =	spop (v2sf)  }
0x45: {  	[smem:$0x7CB] =	sst s7;
	(v2sf) =	vpush v11, $0xD;
	s8 =	smulhi.u32 $0x14F8B589, s6;
	s2 =	sshra.s32 s6, $0x1F  }
0x46: {  	s11 =	spop (v2sf);
	s17 =	smul.u32 $0x14F8B589, s2  }
0x47: {  	(v2sf) =	vpush v11, $0xC;
	s23 =	smulhi.u32 $0x14F8B589, s11;
	s2 =	sshra.s32 s11, $0x1F;
	s25 =	spop (v2sf)  }
0x48: {  	(v2sf) =	vpush v11, $0xE;
	[smem:$0x7BF] =	sst s8;
	s8 =	smul.u32 $0x14F8B589, s2  }
0x49: {  	s11 =	smulhi.u32 $0x14F8B589, s25;
	s2 =	sshra.s32 s25, $0x1F;
	s26 =	spop (v2sf)  }
0x4a: {  	(v2sf) =	vpush v11, $0xF;
	[smem:$0x7C0] =	sst s23;
	s1 =	smul.u32 $0x14F8B589, s2  }
0x4b: {  	s28 =	smulhi.u32 $0x14F8B589, s26;
	s2 =	sshra.s32 s26, $0x1F;
	s29 =	spop (v2sf)  }
0x4c: {  	s7 =	sld [smem:$0x7BF];
	s6 =	smul.u32 $0x14F8B589, s2  }
0x4d: {  	s30 =	smulhi.u32 $0x14F8B589, s29;
	s2 =	sshra.s32 s29, $0x1F;
	s4 =	spop (v2sf)  }
0x4e: {  	(v2sf) =	vpush v11, $0x9;
	[smem:$0x7C1] =	sst s28;
	s5 =	smul.u32 $0x14F8B589, s2  }
0x4f: {  	s23 =	smulhi.u32 $0x14F8B589, s4;
	s2 =	sshra.s32 s4, $0x1F;
	s25 =	spop (v2sf)  }
0x50: {  	(v2sf) =	vpush v11, $0x8;
	[smem:$0x7C2] =	sst s30;
	s3 =	smul.u32 $0x14F8B589, s2  }
0x51: {  	s4 =	smulhi.u32 $0x14F8B589, s25;
	s2 =	sshra.s32 s25, $0x1F;
	s26 =	spop (v2sf)  }
0x52: {  	(v2sf) =	vpush v11, $0xA;
	[smem:$0x7C3] =	sst s23;
	s28 =	smul.u32 $0x14F8B589, s2  }
0x53: {  	s29 =	smulhi.u32 $0x14F8B589, s26;
	s2 =	sshra.s32 s26, $0x1F;
	[smem:$0x7C4] =	sst s4  }
0x54: {  	s21 =	sadd.s32 s21, s20;
	s4 =	smul.u32 $0x14F8B589, s2;
	s30 =	spop (v2sf)  }
0x55: {  	[smem:$0x7C5] =	sst s29;
	s23 =	smulhi.u32 $0x14F8B589, s30;
	s2 =	sshra.s32 s30, $0x1F  }
0x56: {  	(v2sf) =	vpush v11, $0xB;
	s26 =	sadd.s32 s0, s14;
	s9 =	spop (v2sf);
	s2 =	smul.u32 $0x14F8B589, s2  }
0x57: {  	s29 =	sadd.s32 s12, s10;
	s10 =	smulhi.u32 $0x14F8B589, s9;
	s14 =	spop (v2sf)  }
0x58: {  	[smem:$0x7C6] =	sst s23;
	s23 =	sadd.s32 s15, s19;
	s15 =	smulhi.u32 $0x14F8B589, s14  }
0x59: {  	(v2sf) =	vpush v11, $0x0;
	s19 =	sshra.s32 s14, $0x1F;
	s20 =	spop (v2sf);
	[smem:$0x7C7] =	sst s2  }
0x5a: {  	[smem:$0x7C8] =	sst s10;
	s2 =	sshra.s32 s9, $0x1F;
	s25 =	smul.u32 $0x14F8B589, s19  }
0x5b: {  	s30 =	smulhi.u32 $0x14F8B589, s20;
	s0 =	sshra.s32 s20, $0x1F;
	s10 =	sld [smem:$0x7C0]  }
0x5c: {  	s20 =	sadd.s32 s18, s31;
	s31 =	sld [smem:$0x7C1];
	s12 =	smul.u32 $0x14F8B589, s2  }
0x5d: {  	s19 =	sadd.s32 s13, s22;
	s22 =	smul.u32 $0x14F8B589, s0;
	s2 =	spop (v2sf)  }
0x5e: {  	s16 =	sadd.s32 s16, s24;
	[smem:$0x7CA] =	sst s15;
	s24 =	smulhi.u32 $0x14F8B589, s2  }
0x5f: {  	s0 =	sshra.s32 s2, $0x1F;
	s9 =	spop (v2sf);
	s2 =	sld [smem:$0x7C2]  }
0x60: {  	[smem:$0x7C9] =	sst s12;
	s18 =	smul.u32 $0x14F8B589, s0  }
0x61: {  	s15 =	smulhi.u32 $0x14F8B589, s9;
	s0 =	sshra.s32 s9, $0x1F;
	s12 =	spop (v2sf)  }
0x62: {  	s6 =	sadd.s32 s6, s31;
	s31 =	sld [smem:$0x7C3];
	s13 =	smul.u32 $0x14F8B589, s0  }
0x63: {  	s8 =	sadd.s32 s8, s10;
	s14 =	smulhi.u32 $0x14F8B589, s12;
	s0 =	sshra.s32 s12, $0x1F  }
0x64: {  	s9 =	sadd.s32 s5, s2;
	s10 =	smul.u32 $0x14F8B589, s0;
	s2 =	sld [smem:$0x7C4]  }
0x65: {  	(v2sf) =	vpush v11, $0x1;
	s5 =	spop (v2sf);
	s12 =	sadd.s32 s3, s31;
	s31 =	sld [smem:$0x7C5]  }
0x66: {  	s17 =	sadd.s32 s17, s7;
	s7 =	smulhi.u32 $0x14F8B589, s5;
	s0 =	sshra.s32 s5, $0x1F  }
0x67: {  	(v2sf) =	vpush v11, $0x2;
	s18 =	sadd.s32 s18, s24;
	s5 =	smul.u32 $0x14F8B589, s0;
	s28 =	sadd.s32 s28, s2  }
0x68: {  	s2 =	sld [smem:$0x7C6];
	s31 =	sadd.s32 s4, s31;
	s3 =	spop (v2sf)  }
0x69: {  	s4 =	smulhi.u32 $0x14F8B589, s3;
	s0 =	sshra.s32 s3, $0x1F;
	s3 =	sld [smem:$0x7C7]  }
0x6a: {  	[dreg:$0x1e] =	wrdreg s18;
	s13 =	sadd.s32 s13, s15  }
0x6b: {  	[smem:$0x7CC] =	sst s13  }
0x6c: {  	s11 =	sadd.s32 s1, s11;
	s1 =	sadd.s32 s3, s2;
	s2 =	sld [smem:$0x7C9]  }
0x6d: {  	[dreg:$0x11] =	wrdreg s1  }
0x6e: {  	s10 =	sadd.s32 s10, s14;
	s1 =	sld [smem:$0x7C8]  }
0x6f: {  	s22 =	sadd.s32 s22, s30;
	[smem:$0x7CD] =	sst s10  }
0x70: {  	s24 =	sshra.s32 s26, $0xD;
	s5 =	sadd.s32 s5, s7;
	s7 =	sld [smem:$0x7CB]  }
0x71: {  	(v2sf) =	vpush v11, $0x3;
	s18 =	sshra.s32 s23, $0xD;
	[dreg:$0x18] =	wrdreg s5;
	s1 =	sadd.s32 s2, s1  }
0x72: {  	s15 =	sshrl.u32 s20, $0x1F;
	s20 =	sshra.s32 s20, $0xD;
	[dreg:$0xe] =	wrdreg s1  }
0x73: {  	s13 =	sshra.s32 s19, $0xD;
	s10 =	sshra.s32 s31, $0x1F;
	s1 =	sld [smem:$0x7CA]  }
0x74: {  	(v2sf) =	vpush v11, $0x4;
	s5 =	sshrl.u32 s17, $0x1F;
	s3 =	smul.u32 $0x14F8B589, s0;
	s0 =	spop (v2sf)  }
0x75: {  	v12 =	vmov s10;
	s10 =	sshra.s32 s17, $0x1F;
	v14 =	vmov s5;
	s5 =	sshrl.u32 s11, $0x1F;
	s2 =	smulhi.u32 $0x14F8B589, s0  }
0x76: {  	(v2sf) =	vpush v11, $0x5;
	s0 =	sshra.s32 s0, $0x1F;
	s1 =	sadd.s32 s25, s1;
	s25 =	spop (v2sf)  }
0x77: {  	(v2sf) =	vpush v11, $0x6;
	s14 =	sadd.s32 s3, s4;
	[dreg:$0x15] =	wrdreg s1;
	s1 =	smul.u32 $0x14F8B589, s0  }
0x78: {  	(v2sf) =	vpush v11, $0x7;
	s3 =	sshrl.u32 s29, $0x1F;
	s0 =	smulhi.u32 $0x14F8B589, s25;
	s25 =	sshra.s32 s25, $0x1F  }
0x79: {  	s4 =	sshra.s32 s7, $0xD;
	v13 =	vmov s3;
	s3 =	sshra.s32 s8, $0x1F;
	s25 =	smul.u32 $0x14F8B589, s25  }
0x7a: {  	s30 =	sadd.s32 s1, s2;
	s2 =	sshrl.u32 s7, $0x1F;
	s1 =	sshra.s32 s29, $0xD  }
0x7b: {  	s29 =	sshrl.u32 s26, $0x1F;
	s26 =	sshrl.u32 s23, $0x1F;
	s23 =	sshrl.u32 s21, $0x1F  }
0x7c: {  	s7 =	sshra.s32 s21, $0xD;
	s21 =	sshrl.u32 s19, $0x1F;
	s19 =	sshrl.u32 s16, $0x1F  }
0x7d: {  	v17 =	vmov s13;
	s16 =	sshra.s32 s16, $0xD;
	s25 =	sadd.s32 s25, s0;
	s0 =	sshra.s32 s17, $0xD  }
0x7e: {  	v14 =	vnsel vm4, $0x0, v14;
	s17 =	sshrl.u32 s8, $0x1F;
	v13 =	vsel vm0, s2, v13;
	s2 =	sshrl.u32 s6, $0x1F;
	v15 =	vmov s21;
	s21 =	sshra.s32 s12, $0xD  }
0x7f: {  	v16 =	vmov s1;
	s1 =	sshra.s32 s28, $0x1F;
	v17 =	vsel vm0, s7, v17;
	v12 =	vsel vm4, s0, v12;
	s0 =	sshra.s32 s8, $0xD;
	s8 =	sshra.s32 s11, $0xD  }
0x80: {  	v13 =	vsel vm1, s29, v13;
	s29 =	spop (v2sf);
	v15 =	vsel vm0, s23, v15;
	v16 =	vsel vm0, s4, v16;
	s4 =	sshra.s32 s31, $0xD;
	s23 =	rddreg [dreg:$0xe]  }
0x81: {  	v14 =	vsel vm0, s17, v14;
	v17 =	vsel vm1, s16, v17;
	s16 =	rddreg [dreg:$0x18];
	s7 =	sshrl.u32 s25, $0x1F;
	v12 =	vsel vm10, s10, v12;
	s10 =	sshra.s32 s6, $0xD  }
0x82: {  	s6 =	sshra.s32 s6, $0x1F;
	v13 =	vsel vm2, s26, v13;
	v14 =	vsel vm1, s5, v14;
	s5 =	sshra.s32 s9, $0x1F;
	s26 =	sshrl.u32 s12, $0x1F  }
0x83: {  	s12 =	sshra.s32 s12, $0x1F;
	s17 =	spop (v2sf);
	v15 =	vsel vm1, s19, v15;
	v16 =	vsel vm1, s24, v16;
	s19 =	rddreg [dreg:$0x15];
	v12 =	vsel vm0, s0, v12  }
0x84: {  	s24 =	rddreg [dreg:$0x1e];
	v17 =	vsel vm2, s20, v17;
	s20 =	sshra.s32 s14, $0xD;
	v14 =	vsel vm2, s2, v14;
	v12 =	vsel vm11, s3, v12;
	s3 =	sshrl.u32 s9, $0x1F  }
0x85: {  	s0 =	sshra.s32 s11, $0x1F;
	s11 =	sshra.s32 s9, $0xD;
	v12 =	vsel vm1, s8, v12;
	v14 =	vsel vm5, s3, v14;
	s3 =	spop (v2sf)  }
0x86: {  	v15 =	vsel vm2, s15, v15;
	s15 =	sshra.s32 s28, $0xD;
	s9 =	sshrl.u32 s28, $0x1F;
	v12 =	vsel vm14, s0, v12;
	s2 =	spop (v2sf)  }
0x87: {  	v14 =	vsel vm6, s26, v14;
	v12 =	vsel vm2, s10, v12;
	s10 =	smulhi.u32 $0x14F8B589, s29;
	s29 =	sshra.s32 s29, $0x1F;
	s26 =	spop (v2sf)  }
0x88: {  	v16 =	vsel vm2, s18, v16;
	s28 =	sshrl.u32 s23, $0x1F;
	v12 =	vsel vm15, s6, v12;
	s6 =	smul.u32 $0x14F8B589, s29;
	s29 =	sshra.s32 s26, $0x1F  }
0x89: {  	s18 =	sld [smem:$0x7CD];
	v13 =	vcombine.low v15, v13;
	v18 =	vmov s28;
	s28 =	sshra.s32 s14, $0x1F;
	v12 =	vsel vm5, s11, v12;
	s8 =	smul.u32 $0x14F8B589, s29  }
0x8a: {  	v16 =	vcombine.low v17, v16;
	v14 =	vsel vm7, s9, v14;
	s9 =	sshrl.u32 s24, $0x1F;
	s11 =	sshrl.u32 s31, $0x1F;
	v12 =	vsel vm3, s5, v12;
	s5 =	smulhi.u32 $0x14F8B589, s26  }
0x8b: {  	v13 =	vperm.xlane v13, v5;
	s29 =	sshrl.u32 s19, $0x1F;
	s31 =	sshrl.u32 s14, $0x1F;
	s26 =	sld [smem:$0x7CC]  }
0x8c: {  	v16 =	vperm.xlane v16, v5;
	v14 =	vsel vm8, s11, v14;
	s6 =	sadd.s32 s6, s10;
	v12 =	vsel vm6, s21, v12;
	s21 =	rddreg [dreg:$0x11];
	s0 =	sadd.s32 s8, s5  }
0x8d: {  	v25 =	vmov s31;
	v14 =	vperm.xlane v14, v6;
	s31 =	sshrl.u32 s6, $0x1F;
	s11 =	sshrl.u32 s21, $0x1F;
	v12 =	vsel vm12, s12, v12;
	s10 =	sshra.s32 s0, $0x1F  }
0x8e: {  	s12 =	sshrl.u32 s22, $0x1F;
	s8 =	smulhi.u32 $0x14F8B589, s17;
	s17 =	sshra.s32 s17, $0x1F;
	v12 =	vsel vm7, s15, v12;
	v23 =	vsel vm0, s11, v18;
	v24 =	vmov s10  }
0x8f: {  	s5 =	smulhi.u32 $0x14F8B589, s3;
	s3 =	sshra.s32 s3, $0x1F;
	s13 =	sshrl.u32 s26, $0x1F;
	v18 =	vnsel vm4, $0x0, v25;
	v13 =	vsel vm9, v14, v13;
	v17 =	vsel vm4, s20, v24  }
0x90: {  	s15 =	sshrl.u32 s18, $0x1F;
	s3 =	smul.u32 $0x14F8B589, s3;
	v12 =	vsel vm13, s1, v12;
	v15 =	vsel vm1, s29, v23;
	s29 =	sshra.s32 s30, $0xD;
	v17 =	vsel vm10, s28, v17  }
0x91: {  	s1 =	sshrl.u32 s16, $0x1F;
	s10 =	smul.u32 $0x14F8B589, s17;
	s17 =	sshra.s32 s30, $0x1F;
	v19 =	vmov s13;
	v12 =	vsel vm8, s4, v12;
	v17 =	vsel vm0, s29, v17  }
0x92: {  	s4 =	sshrl.u32 s30, $0x1F;
	v15 =	vsel vm2, s12, v15;
	s20 =	smulhi.u32 $0x14F8B589, s2;
	v19 =	vsel vm0, s9, v19;
	s28 =	sshra.s32 s25, $0xD;
	v17 =	vsel vm11, s17, v17  }
0x93: {  	s2 =	sshra.s32 s2, $0x1F;
	s30 =	sshra.s32 s25, $0x1F;
	s3 =	sadd.s32 s3, s5;
	v12 =	vperm.xlane v12, v6;
	v18 =	vsel vm0, s4, v18;
	v17 =	vsel vm1, s28, v17  }
0x94: {  	v19 =	vsel vm1, s15, v19;
	s15 =	sshra.s32 s23, $0xD;
	v18 =	vsel vm1, s7, v18;
	s29 =	sadd.s32 s10, s8;
	s10 =	sshra.s32 s6, $0xD;
	v17 =	vsel vm14, s30, v17  }
0x95: {  	s12 =	sshra.s32 s6, $0x1F;
	s2 =	smul.u32 $0x14F8B589, s2;
	s11 =	sshrl.u32 s3, $0x1F;
	v19 =	vsel vm2, s1, v19;
	v26 =	vmov s15;
	v17 =	vsel vm2, s10, v17  }
0x96: {  	s23 =	sshra.s32 s21, $0xD;
	v18 =	vsel vm2, s31, v18;
	s31 =	sshrl.u32 s29, $0x1F;
	s14 =	sshra.s32 s29, $0xD;
	v15 =	vcombine.low v19, v15;
	v17 =	vsel vm15, s12, v17  }
0x97: {  	s2 =	sadd.s32 s2, s20;
	s17 =	sshra.s32 s26, $0xD;
	s20 =	sshra.s32 s29, $0x1F;
	v19 =	vsel vm0, s23, v26;
	v18 =	vsel vm5, s31, v18;
	v17 =	vsel vm5, s14, v17  }
0x98: {  	s25 =	sshra.s32 s24, $0xD;
	s26 =	sshra.s32 s3, $0xD;
	v20 =	vmov s17;
	s28 =	sshra.s32 s19, $0xD;
	v18 =	vsel vm6, s11, v18;
	v17 =	vsel vm3, s20, v17  }
0x99: {  	s29 =	sshra.s32 s18, $0xD;
	s3 =	sshra.s32 s3, $0x1F;
	s13 =	sshrl.u32 s2, $0x1F;
	v20 =	vsel vm0, s25, v20;
	v19 =	vsel vm1, s28, v19;
	v17 =	vsel vm6, s26, v17  }
0x9a: {  	s31 =	sshra.s32 s16, $0xD;
	s5 =	sshra.s32 s2, $0xD;
	s30 =	sshra.s32 s22, $0xD;
	v18 =	vsel vm7, s13, v18;
	v20 =	vsel vm1, s29, v20;
	v17 =	vsel vm12, s3, v17  }
0x9b: {  	s6 =	sshrl.u32 s0, $0x1F;
	s7 =	sshra.s32 s2, $0x1F;
	v19 =	vsel vm2, s30, v19;
	v20 =	vsel vm2, s31, v20;
	v17 =	vsel vm7, s5, v17  }
0x9c: {  	s0 =	sshra.s32 s0, $0xD;
	v18 =	vsel vm8, s6, v18;
	v19 =	vcombine.low v20, v19;
	v17 =	vsel vm13, s7, v17  }
0x9d: {  	v15 =	vperm.xlane v15, v5;
	v18 =	vperm.xlane v18, v6;
	v17 =	vsel vm8, s0, v17  }
0x9e: {  	v12 =	vsel vm9, v12, v16;
	v19 =	vperm.xlane v19, v5;
	v17 =	vperm.xlane v17, v6  }
0x9f: {  	v12 =	vadd.s32 v13, v12  }
0xa0: {  	v29 =	vmul.u32 $0xFFFE7960, v12;
	v27 =	vsel vm9, v18, v15;
	v28 =	vsel vm9, v17, v19  }
0xa1: {  	v30 =	vsub.s32 $0x0, v9;
	v13 =	vadd.s32 v27, v28  }
0xa2: {  	v32 =	vsub.s32 $0x0, v11;
	vm10 =	vne.s32 v29, v30;
	v31 =	vmul.u32 $0xFFFE7960, v13  }
0xa3: {  	vm13 =	vmmov vm3;
	vm3 =	vmmov vm9;
	vm9 =	vlt.s32 v9, $0x1  }
0xa4: {  	vm9 =	vmand vm9, vm10;
	vm10 =	vlt.s32 v11, $0x1;
	vm11 =	vne.s32 v31, v32  }
0xa5: {  	v33 =	vsel vm9, $0xFFFFFFFF, v7;
	vm9 =	vmand vm10, vm11  }
0xa6: {  	v9 =	vadd.s32 v33, v12;
	v34 =	vsel vm9, $0xFFFFFFFF, v7  }
0xa7: {  	v11 =	vadd.s32 v34, v13  }
0xa8: {  	s9 =	simm.s32 $0xC80  }
0xa9: {  	v10 =	vld.idx.msk [tilespmem:v10+s9+$0x0], $0xffff;
	s8 =	simm.s32 $0xC80  }
0xaa: {  	v8 =	vld.idx.msk [tilespmem:v8+s8+$0x0], $0xffff;
	s10 =	simm.s32 $0x2900  }
0xab: {  	s11 =	simm.s32 $0x2900;
	v9 =	vld.idx.msk [tilespmem:v9+s10+$0x0], $0xffff  }
0xac: {  	v11 =	vld.idx.msk [tilespmem:v11+s11+$0x0], $0xffff;
	_ =	sdelay $0x2  }
0xad: {  	s13 =	rddreg [dreg:$0xc]  }
0xae: {  	s12 =	rddreg [dreg:$0xb]  }
0xaf: {  	v35 =	vor.u32 s12, v0;
	v10 =	vsub.f32 v10, v8;
	s14 =	sadd.s32 $0x10, s13;
	v9 =	vsub.f32 v11, v9  }
0xb0: {  	v36 =	vadd.s32 v2, v35;
	v8 =	vadd.s32 s14, v0  }
0xb1: {  	vm10 =	vlt.u32 v36, $0x15F90;
	vm9 =	vlt.u32 v35, $0xC35;
	v9 =	vadd.f32 v9, v10  }
0xb2: {  	vm9 =	vmand vm9, vm10  }
0xb3: {  	s15 =	rddreg [dreg:$0xa];
	v9 =	vnsel vm9, $0x0, v9  }
0xb4: {  	s16 =	simm.s32 $0x0;
	[tilespmem:s15+$0xFFFFFFE0] =	vst v9  }
0xb5: {  	v9 =	vld.idx.msk [tilespmem:v8+s16+$0x0], $0xffff;
	_ =	sdelay $0x4  }
0xb6: {  	(v2sf) =	vpush v9, $0xD;
	_ =	sdelay $0x1  }
0xb7: {  	(v2sf) =	vpush v9, $0xC;
	_ =	sdelay $0x1  }
0xb8: {  	(v2sf) =	vpush v9, $0xE;
	_ =	sdelay $0x1  }
0xb9: {  	(v2sf) =	vpush v9, $0xF;
	_ =	sdelay $0x1  }
0xba: {  	(v2sf) =	vpush v9, $0x9;
	_ =	sdelay $0x1  }
0xbb: {  	(v2sf) =	vpush v9, $0x8;
	_ =	sdelay $0x1  }
0xbc: {  	(v2sf) =	vpush v9, $0xA;
	_ =	sdelay $0x1  }
0xbd: {  	(v2sf) =	vpush v9, $0xB  }
0xbe: {  	s17 =	spop (v2sf)  }
0xbf: {  	(v2sf) =	vpush v9, $0x0;
	s9 =	smulhi.u32 $0x14F8B589, s17;
	s1 =	sshra.s32 s17, $0x1F  }
0xc0: {  	s18 =	spop (v2sf);
	s13 =	smul.u32 $0x14F8B589, s1  }
0xc1: {  	[dreg:$0xa] =	wrdreg s15;
	(v2sf) =	vpush v9, $0x1;
	s12 =	smulhi.u32 $0x14F8B589, s18;
	s4 =	sshra.s32 s18, $0x1F  }
0xc2: {  	s19 =	spop (v2sf);
	s15 =	smul.u32 $0x14F8B589, s4  }
0xc3: {  	(v2sf) =	vpush v9, $0x2;
	s4 =	smulhi.u32 $0x14F8B589, s19;
	s6 =	sshra.s32 s19, $0x1F  }
0xc4: {  	s20 =	spop (v2sf);
	s0 =	smul.u32 $0x14F8B589, s6  }
0xc5: {  	v37 =	vadd.s32 s14, v4;
	(v2sf) =	vpush v9, $0x3;
	s14 =	smulhi.u32 $0x14F8B589, s20;
	s21 =	sshra.s32 s20, $0x1F  }
0xc6: {  	s22 =	spop (v2sf);
	s17 =	smul.u32 $0x14F8B589, s21  }
0xc7: {  	(v2sf) =	vpush v9, $0x4;
	s7 =	smulhi.u32 $0x14F8B589, s22;
	s2 =	sshra.s32 s22, $0x1F  }
0xc8: {  	s23 =	spop (v2sf);
	(v2sf) =	vpush v9, $0x5;
	s20 =	smul.u32 $0x14F8B589, s2  }
0xc9: {  	s24 =	simm.s32 $0x0;
	s21 =	smulhi.u32 $0x14F8B589, s23;
	s2 =	sshra.s32 s23, $0x1F  }
0xca: {  	v38 =	vld.idx.msk [tilespmem:v37+s24+$0x0], $0xffff;
	s25 =	spop (v2sf);
	(v2sf) =	vpush v9, $0x6;
	s16 =	smul.u32 $0x14F8B589, s2  }
0xcb: {  	s22 =	smulhi.u32 $0x14F8B589, s25;
	s2 =	sshra.s32 s25, $0x1F  }
0xcc: {  	s26 =	spop (v2sf);
	(v2sf) =	vpush v9, $0x7;
	s19 =	smul.u32 $0x14F8B589, s2  }
0xcd: {  	s28 =	smulhi.u32 $0x14F8B589, s26;
	s2 =	sshra.s32 s26, $0x1F  }
0xce: {  	s9 =	sadd.s32 s13, s9;
	s18 =	smul.u32 $0x14F8B589, s2;
	s29 =	spop (v2sf)  }
0xcf: {  	[smem:$0x7DB] =	sst s9;
	(v2sf) =	vpush v38, $0xD;
	s30 =	smulhi.u32 $0x14F8B589, s29;
	s2 =	sshra.s32 s29, $0x1F  }
0xd0: {  	s31 =	spop (v2sf);
	s10 =	smul.u32 $0x14F8B589, s2  }
0xd1: {  	[smem:$0x7CE] =	sst s28;
	(v2sf) =	vpush v38, $0xC;
	s3 =	smulhi.u32 $0x14F8B589, s31;
	s2 =	sshra.s32 s31, $0x1F  }
0xd2: {  	s5 =	spop (v2sf);
	s8 =	smul.u32 $0x14F8B589, s2  }
0xd3: {  	(v2sf) =	vpush v38, $0xE;
	[smem:$0x7CF] =	sst s30;
	s11 =	smulhi.u32 $0x14F8B589, s5;
	s2 =	sshra.s32 s5, $0x1F  }
0xd4: {  	s6 =	spop (v2sf);
	s1 =	smul.u32 $0x14F8B589, s2  }
0xd5: {  	[smem:$0x7D0] =	sst s3;
	s23 =	smulhi.u32 $0x14F8B589, s6;
	s2 =	sshra.s32 s6, $0x1F  }
0xd6: {  	(v2sf) =	vpush v38, $0xF;
	s24 =	spop (v2sf);
	s6 =	smul.u32 $0x14F8B589, s2  }
0xd7: {  	s25 =	smulhi.u32 $0x14F8B589, s24;
	s2 =	sshra.s32 s24, $0x1F;
	s26 =	spop (v2sf)  }
0xd8: {  	(v2sf) =	vpush v38, $0x9;
	[smem:$0x7D1] =	sst s23;
	s5 =	smul.u32 $0x14F8B589, s2  }
0xd9: {  	s28 =	smulhi.u32 $0x14F8B589, s26;
	s2 =	sshra.s32 s26, $0x1F;
	s29 =	spop (v2sf)  }
0xda: {  	(v2sf) =	vpush v38, $0x8;
	[smem:$0x7D2] =	sst s25;
	s3 =	smul.u32 $0x14F8B589, s2  }
0xdb: {  	s30 =	smulhi.u32 $0x14F8B589, s29;
	s2 =	sshra.s32 s29, $0x1F;
	s31 =	spop (v2sf)  }
0xdc: {  	(v2sf) =	vpush v38, $0xA;
	[smem:$0x7D3] =	sst s28;
	s28 =	smul.u32 $0x14F8B589, s2  }
0xdd: {  	s24 =	smulhi.u32 $0x14F8B589, s31;
	s2 =	sshra.s32 s31, $0x1F;
	[smem:$0x7D4] =	sst s30  }
0xde: {  	s29 =	smul.u32 $0x14F8B589, s2;
	s25 =	spop (v2sf)  }
0xdf: {  	(v2sf) =	vpush v38, $0xB;
	[smem:$0x7D5] =	sst s24;
	s26 =	smulhi.u32 $0x14F8B589, s25;
	s2 =	sshra.s32 s25, $0x1F  }
0xe0: {  	s23 =	sadd.s32 s17, s14;
	s30 =	spop (v2sf);
	s2 =	smul.u32 $0x14F8B589, s2  }
0xe1: {  	s25 =	sadd.s32 s0, s4;
	s4 =	sld [smem:$0x7CF];
	s31 =	smulhi.u32 $0x14F8B589, s30  }
0xe2: {  	[smem:$0x7D6] =	sst s26;
	s26 =	sadd.s32 s15, s12;
	s12 =	spop (v2sf)  }
0xe3: {  	[smem:$0x7D7] =	sst s2;
	s2 =	sshra.s32 s30, $0x1F;
	s13 =	smulhi.u32 $0x14F8B589, s12  }
0xe4: {  	(v2sf) =	vpush v38, $0x0;
	[smem:$0x7D8] =	sst s31;
	s14 =	sshra.s32 s12, $0x1F;
	s9 =	smul.u32 $0x14F8B589, s2  }
0xe5: {  	s20 =	sadd.s32 s20, s7;
	s15 =	spop (v2sf);
	s24 =	smul.u32 $0x14F8B589, s14  }
0xe6: {  	s17 =	sadd.s32 s16, s21;
	s31 =	sld [smem:$0x7CE];
	s30 =	smulhi.u32 $0x14F8B589, s15  }
0xe7: {  	s0 =	sshra.s32 s15, $0x1F;
	s16 =	spop (v2sf);
	s2 =	sld [smem:$0x7D2]  }
0xe8: {  	s19 =	sadd.s32 s19, s22;
	[smem:$0x7DA] =	sst s13;
	s21 =	smul.u32 $0x14F8B589, s0  }
0xe9: {  	s22 =	smulhi.u32 $0x14F8B589, s16;
	s0 =	sshra.s32 s16, $0x1F;
	s7 =	spop (v2sf)  }
0xea: {  	s10 =	sadd.s32 s10, s4;
	[smem:$0x7D9] =	sst s9;
	s16 =	smul.u32 $0x14F8B589, s0  }
0xeb: {  	s15 =	smulhi.u32 $0x14F8B589, s7;
	s0 =	sshra.s32 s7, $0x1F;
	s12 =	spop (v2sf)  }
0xec: {  	s18 =	sadd.s32 s18, s31;
	s31 =	sld [smem:$0x7D1];
	s13 =	smul.u32 $0x14F8B589, s0  }
0xed: {  	(v2sf) =	vpush v38, $0x1;
	s9 =	sld [smem:$0x7D0];
	s14 =	smulhi.u32 $0x14F8B589, s12;
	s0 =	sshra.s32 s12, $0x1F  }
0xee: {  	s7 =	sadd.s32 s5, s2;
	s4 =	spop (v2sf);
	s12 =	sld [smem:$0x7D3]  }
0xef: {  	s21 =	sadd.s32 s21, s30;
	s6 =	sadd.s32 s6, s31;
	s31 =	sld [smem:$0x7D4]  }
0xf0: {  	s5 =	smulhi.u32 $0x14F8B589, s4;
	[dreg:$0x1c] =	wrdreg s21;
	s16 =	sadd.s32 s16, s22  }
0xf1: {  	(v2sf) =	vpush v38, $0x2;
	s8 =	sadd.s32 s8, s9;
	s9 =	smul.u32 $0x14F8B589, s0;
	[dreg:$0x1f] =	wrdreg s16  }
0xf2: {  	s0 =	sshra.s32 s4, $0x1F;
	s28 =	sadd.s32 s28, s31;
	s31 =	sld [smem:$0x7D5]  }
0xf3: {  	s12 =	sadd.s32 s3, s12;
	s4 =	smul.u32 $0x14F8B589, s0;
	s2 =	spop (v2sf)  }
0xf4: {  	s3 =	smulhi.u32 $0x14F8B589, s2;
	s0 =	sshra.s32 s2, $0x1F;
	s2 =	sld [smem:$0x7D6]  }
0xf5: {  	s4 =	sadd.s32 s4, s5;
	s29 =	sadd.s32 s29, s31;
	s31 =	sld [smem:$0x7D7]  }
0xf6: {  	(v2sf) =	vpush v38, $0x3;
	[dreg:$0x19] =	wrdreg s4  }
0xf7: {  	s4 =	sld [smem:$0x7DB]  }
0xf8: {  	s11 =	sadd.s32 s1, s11;
	s1 =	sadd.s32 s31, s2;
	s31 =	sld [smem:$0x7D9]  }
0xf9: {  	s13 =	sadd.s32 s13, s15;
	s16 =	sshra.s32 s19, $0xD;
	[dreg:$0x12] =	wrdreg s1  }
0xfa: {  	s15 =	sshra.s32 s18, $0xD;
	s2 =	smul.u32 $0x14F8B589, s0;
	s1 =	sld [smem:$0x7D8]  }
0xfb: {  	[smem:$0x7DC] =	sst s13;
	s13 =	sshra.s32 s4, $0xD;
	s5 =	sshra.s32 s29, $0x1F  }
0xfc: {  	v39 =	vmov s5;
	s5 =	sshra.s32 s10, $0x1F;
	s0 =	spop (v2sf);
	s22 =	sadd.s32 s2, s3  }
0xfd: {  	s3 =	sshrl.u32 s26, $0x1F;
	s1 =	sadd.s32 s31, s1;
	s31 =	sld [smem:$0x7DA]  }
0xfe: {  	s2 =	sshrl.u32 s4, $0x1F;
	s4 =	sshra.s32 s20, $0xD;
	v40 =	vmov s3;
	s3 =	sshra.s32 s8, $0x1F  }
0xff: {  	[dreg:$0xf] =	wrdreg s1;
	s1 =	smulhi.u32 $0x14F8B589, s0;
	s0 =	sshra.s32 s0, $0x1F  }
0x100: {  	(v2sf) =	vpush v38, $0x4;
	s0 =	smul.u32 $0x14F8B589, s0;
	s24 =	sadd.s32 s24, s31;
	s31 =	spop (v2sf)  }
0x101: {  	(v2sf) =	vpush v38, $0x5;
	[dreg:$0x16] =	wrdreg s24;
	s21 =	smulhi.u32 $0x14F8B589, s31;
	s24 =	sshra.s32 s31, $0x1F  }
0x102: {  	(v2sf) =	vpush v38, $0x6;
	s30 =	sadd.s32 s0, s1;
	s1 =	sshra.s32 s26, $0xD;
	s26 =	sshrl.u32 s25, $0x1F  }
0x103: {  	(v2sf) =	vpush v38, $0x7;
	s0 =	sshra.s32 s10, $0xD;
	s31 =	smul.u32 $0x14F8B589, s24;
	s24 =	sadd.s32 s9, s14  }
0x104: {  	vm9 =	vcmask $0x704;
	v13 =	vsel vm0, s2, v40;
	s14 =	sshra.s32 s25, $0xD;
	s25 =	sshrl.u32 s23, $0x1F;
	v12 =	vsel vm4, s0, v39;
	s0 =	sshra.s32 s8, $0xD  }
0x105: {  	v13 =	vsel vm1, s26, v13;
	s26 =	spop (v2sf);
	v43 =	vmov s1;
	s1 =	sshra.s32 s28, $0x1F;
	v12 =	vsel vm9, s5, v12;
	s5 =	sshrl.u32 s11, $0x1F  }
0x106: {  	v13 =	vsel vm2, s25, v13;
	s25 =	sshrl.u32 s12, $0x1F;
	s9 =	sadd.s32 s31, s21;
	s21 =	sshra.s32 s23, $0xD  }
0x107: {  	s23 =	sshrl.u32 s20, $0x1F;
	s20 =	sshrl.u32 s17, $0x1F;
	s17 =	sshra.s32 s17, $0xD  }
0x108: {  	s31 =	sshrl.u32 s19, $0x1F;
	s19 =	sshrl.u32 s18, $0x1F;
	s18 =	sshrl.u32 s10, $0x1F  }
0x109: {  	vm9 =	vcmask $0xF0C;
	v16 =	vsel vm0, s13, v43;
	s10 =	sshrl.u32 s8, $0x1F;
	s8 =	sshra.s32 s11, $0xD;
	v12 =	vsel vm0, s0, v12;
	s0 =	sshra.s32 s11, $0x1F  }
0x10a: {  	s11 =	sshra.s32 s6, $0xD;
	v16 =	vsel vm1, s14, v16;
	v41 =	vmov s18;
	s18 =	sshrl.u32 s6, $0x1F;
	v12 =	vsel vm9, s3, v12;
	s6 =	sshra.s32 s6, $0x1F  }
0x10b: {  	s3 =	sshrl.u32 s7, $0x1F;
	v42 =	vmov s20;
	s20 =	sshrl.u32 s28, $0x1F;
	v44 =	vmov s17;
	s17 =	rddreg [dreg:$0x1c];
	v16 =	vsel vm2, s21, v16  }
0x10c: {  	s21 =	smov.u32 s24;
	v14 =	vnsel vm4, $0x0, v41;
	v12 =	vsel vm1, s8, v12;
	v15 =	vsel vm0, s23, v42;
	s8 =	sshra.s32 s26, $0x1F;
	s23 =	sshrl.u32 s29, $0x1F  }
0x10d: {  	v17 =	vsel vm0, s4, v44;
	s13 =	sshrl.u32 s17, $0x1F;
	s4 =	sshrl.u32 s22, $0x1F;
	v14 =	vsel vm0, s10, v14;
	s10 =	sshra.s32 s7, $0xD  }
0x10e: {  	v12 =	vsel vm14, s0, v12;
	s0 =	sshra.s32 s12, $0xD;
	v17 =	vsel vm1, s16, v17;
	s16 =	sshrl.u32 s24, $0x1F;
	s24 =	rddreg [dreg:$0x19];
	v14 =	vsel vm1, s5, v14  }
0x10f: {  	s12 =	sshra.s32 s12, $0x1F;
	v15 =	vsel vm1, s31, v15;
	v12 =	vsel vm2, s11, v12;
	s11 =	smulhi.u32 $0x14F8B589, s26;
	v14 =	vsel vm2, s18, v14;
	s18 =	spop (v2sf)  }
0x110: {  	s5 =	sshra.s32 s7, $0x1F;
	v15 =	vsel vm2, s19, v15;
	s19 =	rddreg [dreg:$0x16];
	v12 =	vsel vm15, s6, v12;
	v14 =	vsel vm5, s3, v14;
	s3 =	spop (v2sf)  }
0x111: {  	s6 =	smul.u32 $0x14F8B589, s8;
	v12 =	vsel vm5, s10, v12;
	s10 =	sshra.s32 s29, $0xD;
	s2 =	spop (v2sf)  }
0x112: {  	v48 =	vmov s4;
	v14 =	vsel vm6, s25, v14;
	s25 =	sshra.s32 s28, $0xD;
	s4 =	smulhi.u32 $0x14F8B589, s3;
	s26 =	spop (v2sf)  }
0x113: {  	vm9 =	vcmask $0x3734;
	v17 =	vsel vm2, s15, v17;
	v12 =	vsel vm13, s5, v12;
	s6 =	sadd.s32 s6, s11;
	s5 =	smulhi.u32 $0x14F8B589, s26;
	s31 =	sshra.s32 s26, $0x1F  }
0x114: {  	v13 =	vcombine.low v15, v13;
	s3 =	sshra.s32 s3, $0x1F;
	v14 =	vsel vm7, s20, v14;
	v12 =	vsel vm6, s0, v12;
	s20 =	rddreg [dreg:$0x12];
	s7 =	smul.u32 $0x14F8B589, s31  }
0x115: {  	v16 =	vcombine.low v17, v16;
	s3 =	smul.u32 $0x14F8B589, s3;
	v14 =	vsel vm8, s23, v14;
	s28 =	sshrl.u32 s20, $0x1F;
	v12 =	vsel vm12, s12, v12;
	s23 =	rddreg [dreg:$0xf]  }
0x116: {  	v18 =	vnsel vm4, $0x0, v48;
	v13 =	vperm.xlane v13, v5;
	s26 =	sld [smem:$0x7DC];
	s29 =	sshrl.u32 s23, $0x1F;
	v12 =	vsel vm7, s25, v12;
	s0 =	sadd.s32 s7, s5  }
0x117: {  	v16 =	vperm.xlane v16, v5;
	s31 =	sshrl.u32 s19, $0x1F;
	s25 =	rddreg [dreg:$0x1f];
	v14 =	vperm.xlane v14, v6;
	v12 =	vsel vm9, s1, v12;
	s15 =	sshra.s32 s0, $0x1F  }
0x118: {  	s3 =	sadd.s32 s3, s4;
	s8 =	sshrl.u32 s25, $0x1F;
	v45 =	vmov s29;
	s29 =	sshra.s32 s22, $0xD;
	vm9 =	vcmask $0x704;
	v47 =	vmov s15  }
0x119: {  	s1 =	sshrl.u32 s24, $0x1F;
	v12 =	vsel vm8, s10, v12;
	v46 =	vsel vm0, s28, v45;
	s5 =	sshrl.u32 s30, $0x1F;
	s15 =	sshra.s32 s22, $0x1F;
	v17 =	vsel vm4, s29, v47  }
0x11a: {  	s10 =	smulhi.u32 $0x14F8B589, s18;
	s28 =	sshra.s32 s18, $0x1F;
	s18 =	sshra.s32 s30, $0xD;
	v15 =	vsel vm1, s31, v46;
	v12 =	vperm.xlane v12, v6;
	v17 =	vsel vm9, s15, v17  }
0x11b: {  	s14 =	sshrl.u32 s26, $0x1F;
	s11 =	smul.u32 $0x14F8B589, s28;
	s28 =	sshra.s32 s30, $0x1F;
	v18 =	vsel vm0, s5, v18;
	vm9 =	vcmask $0xF0C;
	v17 =	vsel vm0, s18, v17  }
0x11c: {  	s12 =	sshrl.u32 s3, $0x1F;
	s31 =	sshrl.u32 s9, $0x1F;
	s30 =	sshra.s32 s9, $0xD;
	v49 =	vmov s14;
	v15 =	vsel vm2, s13, v15;
	v17 =	vsel vm9, s28, v17  }
0x11d: {  	s9 =	sshra.s32 s9, $0x1F;
	s22 =	sshrl.u32 s6, $0x1F;
	v18 =	vsel vm1, s31, v18;
	v19 =	vsel vm0, s8, v49;
	s13 =	sshra.s32 s6, $0x1F;
	v17 =	vsel vm1, s30, v17  }
0x11e: {  	s31 =	sadd.s32 s11, s10;
	v18 =	vsel vm2, s22, v18;
	s11 =	sshra.s32 s6, $0xD;
	v19 =	vsel vm1, s16, v19;
	s16 =	sshra.s32 s23, $0xD;
	v17 =	vsel vm14, s9, v17  }
0x11f: {  	s29 =	smulhi.u32 $0x14F8B589, s2;
	s2 =	sshra.s32 s2, $0x1F;
	s10 =	sshrl.u32 s31, $0x1F;
	v19 =	vsel vm2, s1, v19;
	v50 =	vmov s16;
	v17 =	vsel vm2, s11, v17  }
0x120: {  	s23 =	sshra.s32 s20, $0xD;
	s2 =	smul.u32 $0x14F8B589, s2;
	s15 =	sshra.s32 s31, $0xD;
	v18 =	vsel vm5, s10, v18;
	v15 =	vcombine.low v19, v15;
	v17 =	vsel vm15, s13, v17  }
0x121: {  	s25 =	sshra.s32 s25, $0xD;
	s22 =	sshra.s32 s31, $0x1F;
	s18 =	sshra.s32 s26, $0xD;
	v19 =	vsel vm0, s23, v50;
	v18 =	vsel vm6, s12, v18;
	v17 =	vsel vm5, s15, v17  }
0x122: {  	s26 =	sshra.s32 s3, $0xD;
	s2 =	sadd.s32 s2, s29;
	v51 =	vmov s18;
	s28 =	sshra.s32 s19, $0xD;
	vm9 =	vcmask $0x3734;
	v17 =	vsel vm13, s22, v17  }
0x123: {  	s3 =	sshra.s32 s3, $0x1F;
	s29 =	sshra.s32 s21, $0xD;
	s14 =	sshrl.u32 s2, $0x1F;
	v20 =	vsel vm0, s25, v51;
	v19 =	vsel vm1, s28, v19;
	v17 =	vsel vm6, s26, v17  }
0x124: {  	s31 =	sshra.s32 s24, $0xD;
	s30 =	sshra.s32 s17, $0xD;
	s5 =	sshra.s32 s2, $0xD;
	v18 =	vsel vm7, s14, v18;
	v20 =	vsel vm1, s29, v20;
	v17 =	vsel vm12, s3, v17  }
0x125: {  	s6 =	sshrl.u32 s0, $0x1F;
	s7 =	sshra.s32 s2, $0x1F;
	v19 =	vsel vm2, s30, v19;
	v20 =	vsel vm2, s31, v20;
	v17 =	vsel vm7, s5, v17  }
0x126: {  	s0 =	sshra.s32 s0, $0xD;
	v18 =	vsel vm8, s6, v18;
	v19 =	vcombine.low v20, v19;
	v17 =	vsel vm9, s7, v17  }
0x127: {  	v15 =	vperm.xlane v15, v5;
	v18 =	vperm.xlane v18, v6;
	v17 =	vsel vm8, s0, v17  }
0x128: {  	v19 =	vperm.xlane v19, v5;
	v17 =	vperm.xlane v17, v6  }
0x129: {  	v13 =	vsel vm3, v14, v13;
	v12 =	vsel vm3, v12, v16  }
0x12a: {  	v12 =	vadd.s32 v13, v12;
	v52 =	vsel vm3, v18, v15;
	v53 =	vsel vm3, v17, v19  }
0x12b: {  	v54 =	vmul.u32 $0xFFFE7960, v12;
	v13 =	vadd.s32 v52, v53  }
0x12c: {  	v55 =	vsub.s32 $0x0, v9;
	v56 =	vmul.u32 $0xFFFE7960, v13  }
0x12d: {  	v57 =	vsub.s32 $0x0, v38;
	vm10 =	vne.s32 v54, v55;
	vm9 =	vlt.s32 v9, $0x1  }
0x12e: {  	vm9 =	vmand vm9, vm10;
	vm10 =	vlt.s32 v38, $0x1;
	vm11 =	vne.s32 v56, v57  }
0x12f: {  	v58 =	vsel vm9, $0xFFFFFFFF, v7;
	vm9 =	vmand vm10, vm11  }
0x130: {  	v9 =	vadd.s32 v58, v12;
	v59 =	vsel vm9, $0xFFFFFFFF, v7  }
0x131: {  	v11 =	vadd.s32 v59, v13  }
0x132: {  	s8 =	simm.s32 $0xC80  }
0x133: {  	v8 =	vld.idx.msk [tilespmem:v8+s8+$0x0], $0xffff;
	s9 =	simm.s32 $0xC80  }
0x134: {  	s10 =	simm.s32 $0x2900;
	v10 =	vld.idx.msk [tilespmem:v37+s9+$0x0], $0xffff  }
0x135: {  	s11 =	simm.s32 $0x2900;
	v9 =	vld.idx.msk [tilespmem:v9+s10+$0x0], $0xffff  }
0x136: {  	v11 =	vld.idx.msk [tilespmem:v11+s11+$0x0], $0xffff;
	_ =	sdelay $0x2  }
0x137: {  	s12 =	rddreg [dreg:$0xb]  }
0x138: {  	s13 =	rddreg [dreg:$0xc];
	s0 =	sadd.s32 $0x10, s12  }
0x139: {  	s14 =	sadd.s32 $0x20, s13;
	v10 =	vsub.f32 v10, v8;
	v60 =	vor.u32 s0, v0;
	v9 =	vsub.f32 v11, v9  }
0x13a: {  	v8 =	vadd.s32 s14, v0;
	v61 =	vadd.s32 v2, v60  }
0x13b: {  	vm10 =	vlt.u32 v61, $0x15F90;
	vm9 =	vlt.u32 v60, $0xC35;
	v9 =	vadd.f32 v9, v10  }
0x13c: {  	vm9 =	vmand vm9, vm10  }
0x13d: {  	s15 =	rddreg [dreg:$0xa];
	v9 =	vnsel vm9, $0x0, v9  }
0x13e: {  	s16 =	simm.s32 $0x0;
	[tilespmem:s15+$0xFFFFFFF0] =	vst v9  }
0x13f: {  	v9 =	vld.idx.msk [tilespmem:v8+s16+$0x0], $0xffff;
	_ =	sdelay $0x4  }
0x140: {  	(v2sf) =	vpush v9, $0xD;
	_ =	sdelay $0x1  }
0x141: {  	(v2sf) =	vpush v9, $0xC;
	_ =	sdelay $0x1  }
0x142: {  	(v2sf) =	vpush v9, $0xE;
	_ =	sdelay $0x1  }
0x143: {  	(v2sf) =	vpush v9, $0xF;
	_ =	sdelay $0x1  }
0x144: {  	(v2sf) =	vpush v9, $0x9;
	_ =	sdelay $0x1  }
0x145: {  	(v2sf) =	vpush v9, $0x8;
	_ =	sdelay $0x1  }
0x146: {  	(v2sf) =	vpush v9, $0xA;
	_ =	sdelay $0x1  }
0x147: {  	(v2sf) =	vpush v9, $0xB  }
0x148: {  	s17 =	spop (v2sf)  }
0x149: {  	(v2sf) =	vpush v9, $0x0;
	s9 =	smulhi.u32 $0x14F8B589, s17;
	s1 =	sshra.s32 s17, $0x1F  }
0x14a: {  	s18 =	spop (v2sf);
	s13 =	smul.u32 $0x14F8B589, s1  }
0x14b: {  	(v2sf) =	vpush v9, $0x1;
	s12 =	smulhi.u32 $0x14F8B589, s18;
	s4 =	sshra.s32 s18, $0x1F  }
0x14c: {  	s19 =	spop (v2sf);
	s15 =	smul.u32 $0x14F8B589, s4  }
0x14d: {  	(v2sf) =	vpush v9, $0x2;
	s4 =	smulhi.u32 $0x14F8B589, s19;
	s6 =	sshra.s32 s19, $0x1F  }
0x14e: {  	s20 =	spop (v2sf);
	s0 =	smul.u32 $0x14F8B589, s6  }
0x14f: {  	v62 =	vadd.s32 s14, v4;
	(v2sf) =	vpush v9, $0x3;
	s14 =	smulhi.u32 $0x14F8B589, s20;
	s21 =	sshra.s32 s20, $0x1F  }
0x150: {  	s22 =	spop (v2sf);
	s17 =	smul.u32 $0x14F8B589, s21  }
0x151: {  	(v2sf) =	vpush v9, $0x4;
	s7 =	smulhi.u32 $0x14F8B589, s22;
	s2 =	sshra.s32 s22, $0x1F  }
0x152: {  	s23 =	spop (v2sf);
	(v2sf) =	vpush v9, $0x5;
	s20 =	smul.u32 $0x14F8B589, s2  }
0x153: {  	s24 =	simm.s32 $0x0;
	s21 =	smulhi.u32 $0x14F8B589, s23;
	s2 =	sshra.s32 s23, $0x1F  }
0x154: {  	v63 =	vld.idx.msk [tilespmem:v62+s24+$0x0], $0xffff;
	s25 =	spop (v2sf);
	(v2sf) =	vpush v9, $0x6;
	s16 =	smul.u32 $0x14F8B589, s2  }
0x155: {  	s22 =	smulhi.u32 $0x14F8B589, s25;
	s2 =	sshra.s32 s25, $0x1F  }
0x156: {  	s26 =	spop (v2sf);
	(v2sf) =	vpush v9, $0x7;
	s19 =	smul.u32 $0x14F8B589, s2  }
0x157: {  	s28 =	smulhi.u32 $0x14F8B589, s26;
	s2 =	sshra.s32 s26, $0x1F  }
0x158: {  	s9 =	sadd.s32 s13, s9;
	s18 =	smul.u32 $0x14F8B589, s2;
	s29 =	spop (v2sf)  }
0x159: {  	[smem:$0x7EA] =	sst s9;
	(v2sf) =	vpush v63, $0xD;
	s30 =	smulhi.u32 $0x14F8B589, s29;
	s2 =	sshra.s32 s29, $0x1F  }
0x15a: {  	s31 =	spop (v2sf);
	s10 =	smul.u32 $0x14F8B589, s2  }
0x15b: {  	[smem:$0x7DD] =	sst s28;
	(v2sf) =	vpush v63, $0xC;
	s3 =	smulhi.u32 $0x14F8B589, s31;
	s2 =	sshra.s32 s31, $0x1F  }
0x15c: {  	s5 =	spop (v2sf);
	s8 =	smul.u32 $0x14F8B589, s2  }
0x15d: {  	(v2sf) =	vpush v63, $0xE;
	[smem:$0x7DE] =	sst s30;
	s11 =	smulhi.u32 $0x14F8B589, s5;
	s2 =	sshra.s32 s5, $0x1F  }
0x15e: {  	s6 =	spop (v2sf);
	s1 =	smul.u32 $0x14F8B589, s2  }
0x15f: {  	[smem:$0x7DF] =	sst s3;
	s23 =	smulhi.u32 $0x14F8B589, s6;
	s2 =	sshra.s32 s6, $0x1F  }
0x160: {  	(v2sf) =	vpush v63, $0xF;
	s24 =	spop (v2sf);
	s6 =	smul.u32 $0x14F8B589, s2  }
0x161: {  	s25 =	smulhi.u32 $0x14F8B589, s24;
	s2 =	sshra.s32 s24, $0x1F;
	s26 =	spop (v2sf)  }
0x162: {  	(v2sf) =	vpush v63, $0x9;
	[smem:$0x7E0] =	sst s23;
	s5 =	smul.u32 $0x14F8B589, s2  }
0x163: {  	s28 =	smulhi.u32 $0x14F8B589, s26;
	s2 =	sshra.s32 s26, $0x1F;
	s29 =	spop (v2sf)  }
0x164: {  	(v2sf) =	vpush v63, $0x8;
	[smem:$0x7E1] =	sst s25;
	s3 =	smul.u32 $0x14F8B589, s2  }
0x165: {  	s30 =	smulhi.u32 $0x14F8B589, s29;
	s2 =	sshra.s32 s29, $0x1F;
	s31 =	spop (v2sf)  }
0x166: {  	(v2sf) =	vpush v63, $0xA;
	[smem:$0x7E2] =	sst s28;
	s28 =	smul.u32 $0x14F8B589, s2  }
0x167: {  	s24 =	smulhi.u32 $0x14F8B589, s31;
	s2 =	sshra.s32 s31, $0x1F;
	[smem:$0x7E3] =	sst s30  }
0x168: {  	s29 =	smul.u32 $0x14F8B589, s2;
	s25 =	spop (v2sf)  }
0x169: {  	(v2sf) =	vpush v63, $0xB;
	[smem:$0x7E4] =	sst s24;
	s26 =	smulhi.u32 $0x14F8B589, s25;
	s2 =	sshra.s32 s25, $0x1F  }
0x16a: {  	s23 =	sadd.s32 s17, s14;
	s30 =	spop (v2sf);
	s2 =	smul.u32 $0x14F8B589, s2  }
0x16b: {  	s25 =	sadd.s32 s0, s4;
	s4 =	sld [smem:$0x7DE];
	s31 =	smulhi.u32 $0x14F8B589, s30  }
0x16c: {  	[smem:$0x7E5] =	sst s26;
	s26 =	sadd.s32 s15, s12;
	s12 =	spop (v2sf)  }
0x16d: {  	[smem:$0x7E6] =	sst s2;
	s2 =	sshra.s32 s30, $0x1F;
	s13 =	smulhi.u32 $0x14F8B589, s12  }
0x16e: {  	(v2sf) =	vpush v63, $0x0;
	[smem:$0x7E7] =	sst s31;
	s14 =	sshra.s32 s12, $0x1F;
	s9 =	smul.u32 $0x14F8B589, s2  }
0x16f: {  	s20 =	sadd.s32 s20, s7;
	s15 =	spop (v2sf);
	s24 =	smul.u32 $0x14F8B589, s14  }
0x170: {  	s17 =	sadd.s32 s16, s21;
	s31 =	sld [smem:$0x7DD];
	s30 =	smulhi.u32 $0x14F8B589, s15  }
0x171: {  	s0 =	sshra.s32 s15, $0x1F;
	s16 =	spop (v2sf);
	s2 =	sld [smem:$0x7E1]  }
0x172: {  	s19 =	sadd.s32 s19, s22;
	[smem:$0x7E9] =	sst s13;
	s21 =	smul.u32 $0x14F8B589, s0  }
0x173: {  	s22 =	smulhi.u32 $0x14F8B589, s16;
	s0 =	sshra.s32 s16, $0x1F;
	s7 =	spop (v2sf)  }
0x174: {  	s10 =	sadd.s32 s10, s4;
	[smem:$0x7E8] =	sst s9;
	s16 =	smul.u32 $0x14F8B589, s0  }
0x175: {  	s15 =	smulhi.u32 $0x14F8B589, s7;
	s0 =	sshra.s32 s7, $0x1F;
	s12 =	spop (v2sf)  }
0x176: {  	s18 =	sadd.s32 s18, s31;
	s31 =	sld [smem:$0x7E0];
	s13 =	smul.u32 $0x14F8B589, s0  }
0x177: {  	s9 =	sld [smem:$0x7DF];
	s14 =	smulhi.u32 $0x14F8B589, s12;
	s0 =	sshra.s32 s12, $0x1F  }
0x178: {  	(v2sf) =	vpush v63, $0x1;
	s7 =	sadd.s32 s5, s2;
	s4 =	spop (v2sf);
	s12 =	sld [smem:$0x7E2]  }
0x179: {  	s21 =	sadd.s32 s21, s30;
	s6 =	sadd.s32 s6, s31;
	s31 =	sld [smem:$0x7E3]  }
0x17a: {  	s5 =	smulhi.u32 $0x14F8B589, s4;
	[dreg:$0x1d] =	wrdreg s21;
	s16 =	sadd.s32 s16, s22  }
0x17b: {  	s8 =	sadd.s32 s8, s9;
	s9 =	smul.u32 $0x14F8B589, s0;
	[smem:$0x7EB] =	sst s16  }
0x17c: {  	(v2sf) =	vpush v63, $0x2;
	s0 =	sshra.s32 s4, $0x1F;
	s28 =	sadd.s32 s28, s31;
	s31 =	sld [smem:$0x7E4]  }
0x17d: {  	s12 =	sadd.s32 s3, s12;
	s4 =	smul.u32 $0x14F8B589, s0;
	s2 =	spop (v2sf)  }
0x17e: {  	s3 =	smulhi.u32 $0x14F8B589, s2;
	s0 =	sshra.s32 s2, $0x1F;
	s2 =	sld [smem:$0x7E5]  }
0x17f: {  	s4 =	sadd.s32 s4, s5;
	s29 =	sadd.s32 s29, s31;
	s31 =	sld [smem:$0x7E6]  }
0x180: {  	(v2sf) =	vpush v63, $0x3;
	[dreg:$0x1a] =	wrdreg s4  }
0x181: {  	s4 =	sld [smem:$0x7EA]  }
0x182: {  	s11 =	sadd.s32 s1, s11;
	s1 =	sadd.s32 s31, s2;
	s31 =	sld [smem:$0x7E8]  }
0x183: {  	[dreg:$0x13] =	wrdreg s1  }
0x184: {  	s13 =	sadd.s32 s13, s15;
	s16 =	sshra.s32 s19, $0xD;
	s1 =	sld [smem:$0x7E7]  }
0x185: {  	s15 =	sshra.s32 s18, $0xD;
	[smem:$0x7EC] =	sst s13;
	s5 =	sshra.s32 s29, $0x1F  }
0x186: {  	s13 =	sshra.s32 s4, $0xD;
	v17 =	vmov s5;
	s5 =	sshra.s32 s10, $0x1F;
	s2 =	smul.u32 $0x14F8B589, s0  }
0x187: {  	s0 =	spop (v2sf);
	s1 =	sadd.s32 s31, s1;
	s31 =	sld [smem:$0x7E9]  }
0x188: {  	s22 =	sadd.s32 s2, s3;
	s2 =	sshrl.u32 s4, $0x1F;
	s3 =	sshrl.u32 s26, $0x1F  }
0x189: {  	[dreg:$0x10] =	wrdreg s1;
	s1 =	smulhi.u32 $0x14F8B589, s0;
	s0 =	sshra.s32 s0, $0x1F  }
0x18a: {  	s4 =	sshra.s32 s20, $0xD;
	s0 =	smul.u32 $0x14F8B589, s0;
	s24 =	sadd.s32 s24, s31  }
0x18b: {  	(v2sf) =	vpush v63, $0x4;
	v18 =	vmov s3;
	s3 =	sshra.s32 s8, $0x1F;
	s31 =	spop (v2sf);
	[dreg:$0x17] =	wrdreg s24  }
0x18c: {  	(v2sf) =	vpush v63, $0x5;
	s21 =	smulhi.u32 $0x14F8B589, s31;
	s24 =	sshra.s32 s31, $0x1F;
	s30 =	sadd.s32 s0, s1  }
0x18d: {  	(v2sf) =	vpush v63, $0x6;
	s1 =	sshra.s32 s26, $0xD;
	s26 =	sshrl.u32 s25, $0x1F;
	s0 =	sshra.s32 s10, $0xD  }
0x18e: {  	(v2sf) =	vpush v63, $0x7;
	v13 =	vsel vm0, s2, v18;
	s31 =	smul.u32 $0x14F8B589, s24;
	s24 =	sadd.s32 s9, s14;
	s14 =	sshra.s32 s25, $0xD  }
0x18f: {  	vm9 =	vcmask $0x704;
	s25 =	sshrl.u32 s23, $0x1F;
	v12 =	vsel vm4, s0, v17;
	s0 =	sshra.s32 s8, $0xD;
	v13 =	vsel vm1, s26, v13;
	s26 =	spop (v2sf)  }
0x190: {  	v21 =	vmov s1;
	s1 =	sshra.s32 s28, $0x1F;
	v12 =	vsel vm9, s5, v12;
	s5 =	sshrl.u32 s11, $0x1F;
	v13 =	vsel vm2, s25, v13;
	s25 =	sshrl.u32 s12, $0x1F  }
0x191: {  	s9 =	sadd.s32 s31, s21;
	s21 =	sshra.s32 s23, $0xD;
	s23 =	sshrl.u32 s20, $0x1F  }
0x192: {  	s20 =	sshrl.u32 s17, $0x1F;
	s17 =	sshra.s32 s17, $0xD;
	s31 =	sshrl.u32 s19, $0x1F  }
0x193: {  	v16 =	vsel vm0, s13, v21;
	s19 =	sshrl.u32 s18, $0x1F;
	s18 =	sshrl.u32 s10, $0x1F;
	s10 =	sshrl.u32 s8, $0x1F  }
0x194: {  	vm9 =	vcmask $0xF0C;
	s8 =	sshra.s32 s11, $0xD;
	v12 =	vsel vm0, s0, v12;
	s0 =	sshra.s32 s11, $0x1F;
	s11 =	sshra.s32 s6, $0xD;
	v16 =	vsel vm1, s14, v16  }
0x195: {  	v19 =	vmov s18;
	s18 =	sshrl.u32 s6, $0x1F;
	v12 =	vsel vm9, s3, v12;
	s6 =	sshra.s32 s6, $0x1F;
	s3 =	sshrl.u32 s7, $0x1F;
	v20 =	vmov s20  }
0x196: {  	s20 =	sshrl.u32 s28, $0x1F;
	v22 =	vmov s17;
	s17 =	rddreg [dreg:$0x1d];
	v16 =	vsel vm2, s21, v16;
	s21 =	smov.u32 s24;
	v14 =	vnsel vm4, $0x0, v19  }
0x197: {  	v12 =	vsel vm1, s8, v12;
	v15 =	vsel vm0, s23, v20;
	s8 =	sshra.s32 s26, $0x1F;
	s23 =	sshrl.u32 s29, $0x1F;
	v17 =	vsel vm0, s4, v22;
	s13 =	sshrl.u32 s17, $0x1F  }
0x198: {  	v14 =	vsel vm0, s10, v14;
	s10 =	sshra.s32 s7, $0xD;
	v12 =	vsel vm14, s0, v12;
	s0 =	sshra.s32 s12, $0xD;
	s12 =	sshra.s32 s12, $0x1F;
	v15 =	vsel vm1, s31, v15  }
0x199: {  	v17 =	vsel vm1, s16, v17;
	s16 =	sshrl.u32 s24, $0x1F;
	s24 =	rddreg [dreg:$0x1a];
	v14 =	vsel vm1, s5, v14;
	v12 =	vsel vm2, s11, v12;
	s11 =	smulhi.u32 $0x14F8B589, s26  }
0x19a: {  	s5 =	sshra.s32 s7, $0x1F;
	v15 =	vsel vm2, s19, v15;
	s19 =	rddreg [dreg:$0x17];
	v14 =	vsel vm2, s18, v14;
	s18 =	spop (v2sf)  }
0x19b: {  	v17 =	vsel vm2, s15, v17;
	s15 =	sshra.s32 s22, $0x1F;
	v12 =	vsel vm15, s6, v12;
	s6 =	smul.u32 $0x14F8B589, s8;
	v14 =	vsel vm5, s3, v14;
	s3 =	spop (v2sf)  }
0x19c: {  	s8 =	sshra.s32 s28, $0xD;
	s31 =	sshrl.u32 s19, $0x1F;
	v14 =	vsel vm6, s25, v14;
	s2 =	spop (v2sf)  }
0x19d: {  	v12 =	vsel vm5, s10, v12;
	s10 =	sshra.s32 s29, $0xD;
	v14 =	vsel vm7, s20, v14;
	s25 =	spop (v2sf);
	s20 =	rddreg [dreg:$0x13]  }
0x19e: {  	v13 =	vcombine.low v15, v13;
	v12 =	vsel vm13, s5, v12;
	v14 =	vsel vm8, s23, v14;
	s5 =	smulhi.u32 $0x14F8B589, s25;
	s26 =	sshra.s32 s25, $0x1F;
	s23 =	rddreg [dreg:$0x10]  }
0x19f: {  	v16 =	vcombine.low v17, v16;
	s6 =	sadd.s32 s6, s11;
	v12 =	vsel vm6, s0, v12;
	s25 =	sld [smem:$0x7EB];
	s28 =	smul.u32 $0x14F8B589, s26  }
0x1a0: {  	vm9 =	vcmask $0x3734;
	v13 =	vperm.xlane v13, v5;
	s7 =	sshrl.u32 s20, $0x1F;
	v12 =	vsel vm12, s12, v12;
	s12 =	sshra.s32 s22, $0xD;
	s29 =	sshrl.u32 s23, $0x1F  }
0x1a1: {  	v16 =	vperm.xlane v16, v5;
	v12 =	vsel vm7, s8, v12;
	s26 =	sld [smem:$0x7EC];
	v14 =	vperm.xlane v14, v6;
	s23 =	sshra.s32 s23, $0xD;
	s0 =	sadd.s32 s28, s5  }
0x1a2: {  	v12 =	vsel vm9, s1, v12;
	v23 =	vmov s29;
	s1 =	sshrl.u32 s24, $0x1F;
	vm9 =	vcmask $0x704;
	s8 =	sshrl.u32 s25, $0x1F;
	s29 =	sshra.s32 s0, $0x1F  }
0x1a3: {  	s28 =	sshrl.u32 s22, $0x1F;
	v12 =	vsel vm8, s10, v12;
	v24 =	vsel vm0, s7, v23;
	s5 =	sshrl.u32 s30, $0x1F;
	s10 =	smulhi.u32 $0x14F8B589, s18;
	v25 =	vmov s29  }
0x1a4: {  	v28 =	vmov s23;
	s7 =	sshrl.u32 s9, $0x1F;
	v15 =	vsel vm1, s31, v24;
	s31 =	sshra.s32 s18, $0x1F;
	s18 =	smulhi.u32 $0x14F8B589, s3;
	v17 =	vsel vm4, s12, v25  }
0x1a5: {  	s22 =	sshra.s32 s30, $0xD;
	v26 =	vmov s28;
	s3 =	sshra.s32 s3, $0x1F;
	v12 =	vperm.xlane v12, v6;
	s11 =	smul.u32 $0x14F8B589, s31;
	v17 =	vsel vm9, s15, v17  }
0x1a6: {  	s14 =	sshrl.u32 s26, $0x1F;
	v18 =	vnsel vm4, $0x0, v26;
	s3 =	smul.u32 $0x14F8B589, s3;
	s29 =	sshra.s32 s30, $0x1F;
	vm9 =	vcmask $0xF0C;
	v17 =	vsel vm0, s22, v17  }
0x1a7: {  	v15 =	vsel vm2, s13, v15;
	s30 =	smulhi.u32 $0x14F8B589, s2;
	s2 =	sshra.s32 s2, $0x1F;
	s31 =	sshra.s32 s9, $0xD;
	v27 =	vmov s14;
	v17 =	vsel vm9, s29, v17  }
0x1a8: {  	s28 =	sshrl.u32 s6, $0x1F;
	s9 =	sshra.s32 s9, $0x1F;
	v18 =	vsel vm0, s5, v18;
	s2 =	smul.u32 $0x14F8B589, s2;
	v19 =	vsel vm0, s8, v27;
	v17 =	vsel vm1, s31, v17  }
0x1a9: {  	s14 =	sshra.s32 s6, $0xD;
	v18 =	vsel vm1, s7, v18;
	s11 =	sadd.s32 s11, s10;
	s3 =	sadd.s32 s3, s18;
	v19 =	vsel vm1, s16, v19;
	v17 =	vsel vm14, s9, v17  }
0x1aa: {  	s16 =	sshra.s32 s6, $0x1F;
	v18 =	vsel vm2, s28, v18;
	s13 =	sshrl.u32 s11, $0x1F;
	s2 =	sadd.s32 s2, s30;
	v19 =	vsel vm2, s1, v19;
	v17 =	vsel vm2, s14, v17  }
0x1ab: {  	s22 =	sshra.s32 s11, $0xD;
	s28 =	sshra.s32 s26, $0xD;
	s30 =	sshra.s32 s20, $0xD;
	v18 =	vsel vm5, s13, v18;
	v15 =	vcombine.low v19, v15;
	v17 =	vsel vm15, s16, v17  }
0x1ac: {  	s15 =	sshrl.u32 s3, $0x1F;
	s29 =	sshra.s32 s11, $0x1F;
	v29 =	vmov s28;
	v19 =	vsel vm0, s30, v28;
	v17 =	vsel vm5, s22, v17  }
0x1ad: {  	s7 =	sshra.s32 s19, $0xD;
	s5 =	sshra.s32 s3, $0xD;
	vm9 =	vcmask $0x3734;
	v18 =	vsel vm6, s15, v18;
	s31 =	sshra.s32 s25, $0xD;
	v17 =	vsel vm13, s29, v17  }
0x1ae: {  	s8 =	sshra.s32 s21, $0xD;
	s3 =	sshra.s32 s3, $0x1F;
	s18 =	sshrl.u32 s2, $0x1F;
	v19 =	vsel vm1, s7, v19;
	v20 =	vsel vm0, s31, v29;
	v17 =	vsel vm6, s5, v17  }
0x1af: {  	s10 =	sshra.s32 s24, $0xD;
	s11 =	sshra.s32 s2, $0xD;
	v18 =	vsel vm7, s18, v18;
	s9 =	sshra.s32 s17, $0xD;
	v20 =	vsel vm1, s8, v20;
	v17 =	vsel vm12, s3, v17  }
0x1b0: {  	s12 =	sshrl.u32 s0, $0x1F;
	s13 =	sshra.s32 s2, $0x1F;
	v19 =	vsel vm2, s9, v19;
	v20 =	vsel vm2, s10, v20;
	v17 =	vsel vm7, s11, v17  }
0x1b1: {  	s0 =	sshra.s32 s0, $0xD;
	v18 =	vsel vm8, s12, v18;
	v19 =	vcombine.low v20, v19;
	v17 =	vsel vm9, s13, v17  }
0x1b2: {  	v15 =	vperm.xlane v15, v5;
	v18 =	vperm.xlane v18, v6;
	v17 =	vsel vm8, s0, v17  }
0x1b3: {  	v19 =	vperm.xlane v19, v5;
	v17 =	vperm.xlane v17, v6  }
0x1b4: {  	v13 =	vsel vm3, v14, v13;
	v12 =	vsel vm3, v12, v16  }
0x1b5: {  	v12 =	vadd.s32 v13, v12;
	v30 =	vsel vm3, v18, v15;
	v31 =	vsel vm3, v17, v19  }
0x1b6: {  	v32 =	vmul.u32 $0xFFFE7960, v12;
	v13 =	vadd.s32 v30, v31  }
0x1b7: {  	v33 =	vsub.s32 $0x0, v9;
	v34 =	vmul.u32 $0xFFFE7960, v13  }
0x1b8: {  	v35 =	vsub.s32 $0x0, v63;
	vm10 =	vne.s32 v32, v33;
	vm9 =	vlt.s32 v9, $0x1  }
0x1b9: {  	vm9 =	vmand vm9, vm10;
	vm10 =	vlt.s32 v63, $0x1;
	vm11 =	vne.s32 v34, v35  }
0x1ba: {  	v36 =	vsel vm9, $0xFFFFFFFF, v7;
	vm9 =	vmand vm10, vm11  }
0x1bb: {  	v9 =	vadd.s32 v36, v12;
	v37 =	vsel vm9, $0xFFFFFFFF, v7  }
0x1bc: {  	v11 =	vadd.s32 v37, v13  }
0x1bd: {  	s15 =	simm.s32 $0xC80  }
0x1be: {  	v10 =	vld.idx.msk [tilespmem:v62+s15+$0x0], $0xffff;
	s14 =	simm.s32 $0xC80  }
0x1bf: {  	v8 =	vld.idx.msk [tilespmem:v8+s14+$0x0], $0xffff;
	s16 =	simm.s32 $0x2900  }
0x1c0: {  	s17 =	simm.s32 $0x2900;
	v9 =	vld.idx.msk [tilespmem:v9+s16+$0x0], $0xffff  }
0x1c1: {  	v11 =	vld.idx.msk [tilespmem:v11+s17+$0x0], $0xffff;
	_ =	sdelay $0x2  }
0x1c2: {  	s18 =	rddreg [dreg:$0xb]  }
0x1c3: {  	s19 =	rddreg [dreg:$0xc];
	s0 =	sadd.s32 $0x20, s18  }
0x1c4: {  	s20 =	sadd.s32 $0x30, s19;
	v10 =	vsub.f32 v10, v8;
	v38 =	vor.u32 s0, v0;
	v9 =	vsub.f32 v11, v9  }
0x1c5: {  	v8 =	vadd.s32 s20, v0;
	v39 =	vadd.s32 v2, v38  }
0x1c6: {  	vm10 =	vlt.u32 v39, $0x15F90;
	vm9 =	vlt.u32 v38, $0xC35;
	v9 =	vadd.f32 v9, v10  }
0x1c7: {  	vm9 =	vmand vm9, vm10  }
0x1c8: {  	s21 =	rddreg [dreg:$0xa];
	v9 =	vnsel vm9, $0x0, v9  }
0x1c9: {  	s22 =	simm.s32 $0x0;
	[tilespmem:s21+$0x0] =	vst v9  }
0x1ca: {  	v9 =	vld.idx.msk [tilespmem:v8+s22+$0x0], $0xffff;
	_ =	sdelay $0x4  }
0x1cb: {  	(v2sf) =	vpush v9, $0xD;
	_ =	sdelay $0x1  }
0x1cc: {  	(v2sf) =	vpush v9, $0xC;
	_ =	sdelay $0x1  }
0x1cd: {  	(v2sf) =	vpush v9, $0xE;
	_ =	sdelay $0x1  }
0x1ce: {  	(v2sf) =	vpush v9, $0xF;
	_ =	sdelay $0x1  }
0x1cf: {  	(v2sf) =	vpush v9, $0x9;
	_ =	sdelay $0x1  }
0x1d0: {  	(v2sf) =	vpush v9, $0x8;
	_ =	sdelay $0x1  }
0x1d1: {  	(v2sf) =	vpush v9, $0xA;
	_ =	sdelay $0x1  }
0x1d2: {  	(v2sf) =	vpush v9, $0xB  }
0x1d3: {  	s23 =	spop (v2sf)  }
0x1d4: {  	s10 =	smulhi.u32 $0x14F8B589, s23;
	s1 =	sshra.s32 s23, $0x1F  }
0x1d5: {  	(v2sf) =	vpush v9, $0x0;
	s24 =	spop (v2sf);
	s12 =	smul.u32 $0x14F8B589, s1  }
0x1d6: {  	s1 =	smulhi.u32 $0x14F8B589, s24;
	s4 =	sshra.s32 s24, $0x1F  }
0x1d7: {  	(v2sf) =	vpush v9, $0x1;
	s25 =	spop (v2sf);
	s5 =	smul.u32 $0x14F8B589, s4  }
0x1d8: {  	(v2sf) =	vpush v9, $0x2;
	s14 =	smulhi.u32 $0x14F8B589, s25;
	s6 =	sshra.s32 s25, $0x1F  }
0x1d9: {  	s26 =	spop (v2sf);
	s18 =	smul.u32 $0x14F8B589, s6  }
0x1da: {  	(v2sf) =	vpush v9, $0x3;
	s17 =	smulhi.u32 $0x14F8B589, s26;
	s28 =	sshra.s32 s26, $0x1F  }
0x1db: {  	s29 =	spop (v2sf);
	s13 =	smul.u32 $0x14F8B589, s28  }
0x1dc: {  	v40 =	vadd.s32 s20, v4;
	(v2sf) =	vpush v9, $0x4;
	s19 =	smulhi.u32 $0x14F8B589, s29;
	s2 =	sshra.s32 s29, $0x1F  }
0x1dd: {  	s30 =	spop (v2sf);
	s15 =	smul.u32 $0x14F8B589, s2  }
0x1de: {  	s16 =	smulhi.u32 $0x14F8B589, s30;
	s2 =	sshra.s32 s30, $0x1F  }
0x1df: {  	(v2sf) =	vpush v9, $0x5;
	s3 =	spop (v2sf);
	s11 =	smul.u32 $0x14F8B589, s2  }
0x1e0: {  	s31 =	simm.s32 $0x0;
	s21 =	smulhi.u32 $0x14F8B589, s3;
	s2 =	sshra.s32 s3, $0x1F  }
0x1e1: {  	v41 =	vld.idx.msk [tilespmem:v40+s31+$0x0], $0xffff;
	(v2sf) =	vpush v9, $0x6;
	s4 =	spop (v2sf);
	s8 =	smul.u32 $0x14F8B589, s2  }
0x1e2: {  	s6 =	smulhi.u32 $0x14F8B589, s4;
	s2 =	sshra.s32 s4, $0x1F  }
0x1e3: {  	(v2sf) =	vpush v9, $0x7;
	s9 =	smul.u32 $0x14F8B589, s2  }
0x1e4: {  	s16 =	sadd.s32 s11, s16;
	[smem:$0x7ED] =	sst s6;
	s7 =	spop (v2sf)  }
0x1e5: {  	s11 =	sld [smem:$0x7ED];
	s20 =	smulhi.u32 $0x14F8B589, s7;
	s2 =	sshra.s32 s7, $0x1F  }
0x1e6: {  	(v2sf) =	vpush v41, $0xD;
	s22 =	spop (v2sf);
	s7 =	smul.u32 $0x14F8B589, s2  }
0x1e7: {  	s23 =	smulhi.u32 $0x14F8B589, s22;
	s2 =	sshra.s32 s22, $0x1F;
	s24 =	spop (v2sf)  }
0x1e8: {  	(v2sf) =	vpush v41, $0xC;
	[smem:$0x7EE] =	sst s20;
	s6 =	smul.u32 $0x14F8B589, s2  }
0x1e9: {  	s25 =	smulhi.u32 $0x14F8B589, s24;
	s2 =	sshra.s32 s24, $0x1F;
	s26 =	spop (v2sf)  }
0x1ea: {  	(v2sf) =	vpush v41, $0xE;
	[smem:$0x7EF] =	sst s23;
	s4 =	smul.u32 $0x14F8B589, s2  }
0x1eb: {  	(v2sf) =	vpush v41, $0xF;
	s28 =	smulhi.u32 $0x14F8B589, s26;
	s2 =	sshra.s32 s26, $0x1F;
	s29 =	spop (v2sf)  }
0x1ec: {  	s15 =	sadd.s32 s15, s19;
	s19 =	sld [smem:$0x7EE];
	s3 =	smul.u32 $0x14F8B589, s2  }
0x1ed: {  	(v2sf) =	vpush v41, $0x9;
	[smem:$0x7F0] =	sst s25;
	s30 =	smulhi.u32 $0x14F8B589, s29;
	s2 =	sshra.s32 s29, $0x1F  }
0x1ee: {  	s18 =	sadd.s32 s18, s14;
	s31 =	spop (v2sf);
	s20 =	smul.u32 $0x14F8B589, s2  }
0x1ef: {  	s14 =	sadd.s32 s9, s11;
	(v2sf) =	vpush v41, $0x8;
	[smem:$0x7F1] =	sst s28;
	s22 =	smulhi.u32 $0x14F8B589, s31  }
0x1f0: {  	s2 =	sshra.s32 s31, $0x1F;
	s23 =	spop (v2sf);
	s9 =	sld [smem:$0x7F0]  }
0x1f1: {  	(v2sf) =	vpush v41, $0xA;
	[smem:$0x7F2] =	sst s30;
	s29 =	smul.u32 $0x14F8B589, s2  }
0x1f2: {  	s24 =	smulhi.u32 $0x14F8B589, s23;
	s2 =	sshra.s32 s23, $0x1F;
	s26 =	spop (v2sf)  }
0x1f3: {  	[smem:$0x7F3] =	sst s22;
	s25 =	smul.u32 $0x14F8B589, s2  }
0x1f4: {  	s28 =	smulhi.u32 $0x14F8B589, s26;
	s2 =	sshra.s32 s26, $0x1F;
	[smem:$0x7F4] =	sst s24  }
0x1f5: {  	s31 =	smul.u32 $0x14F8B589, s2;
	s30 =	spop (v2sf)  }
0x1f6: {  	[smem:$0x7F5] =	sst s25;
	s22 =	smulhi.u32 $0x14F8B589, s30;
	s2 =	sshra.s32 s30, $0x1F  }
0x1f7: {  	s17 =	sadd.s32 s13, s17;
	s23 =	spop (v2sf);
	s30 =	smul.u32 $0x14F8B589, s2  }
0x1f8: {  	s7 =	sadd.s32 s7, s19;
	[smem:$0x7F6] =	sst s28;
	s25 =	smulhi.u32 $0x14F8B589, s23  }
0x1f9: {  	s26 =	spop (v2sf);
	[smem:$0x7F7] =	sst s22;
	s22 =	sadd.s32 s5, s1  }
0x1fa: {  	s28 =	smulhi.u32 $0x14F8B589, s26;
	s0 =	sshra.s32 s26, $0x1F;
	s5 =	spop (v2sf)  }
0x1fb: {  	(v2sf) =	vpush v41, $0xB;
	[smem:$0x7F8] =	sst s25;
	s26 =	smul.u32 $0x14F8B589, s0;
	s0 =	sshra.s32 s5, $0x1F  }
0x1fc: {  	s24 =	sadd.s32 s12, s10;
	s10 =	spop (v2sf);
	s25 =	smul.u32 $0x14F8B589, s0  }
0x1fd: {  	s2 =	sshra.s32 s23, $0x1F;
	s23 =	smulhi.u32 $0x14F8B589, s10;
	s0 =	sshra.s32 s10, $0x1F  }
0x1fe: {  	s12 =	sadd.s32 s8, s21;
	s13 =	spop (v2sf);
	s21 =	smul.u32 $0x14F8B589, s0  }
0x1ff: {  	s10 =	sld [smem:$0x7F1];
	s19 =	smulhi.u32 $0x14F8B589, s13;
	s0 =	sshra.s32 s13, $0x1F  }
0x200: {  	s8 =	spop (v2sf);
	s13 =	smul.u32 $0x14F8B589, s0  }
0x201: {  	(v2sf) =	vpush v41, $0x0;
	s11 =	smulhi.u32 $0x14F8B589, s8  }
0x202: {  	s0 =	sshra.s32 s8, $0x1F;
	s8 =	sadd.s32 s3, s10;
	s3 =	sld [smem:$0x7F3]  }
0x203: {  	s4 =	sadd.s32 s4, s9;
	s9 =	sld [smem:$0x7F2]  }
0x204: {  	(v2sf) =	vpush v41, $0x1;
	s1 =	smul.u32 $0x14F8B589, s2;
	s2 =	sld [smem:$0x7F4]  }
0x205: {  	s29 =	sadd.s32 s29, s3;
	s3 =	sld [smem:$0x7F5]  }
0x206: {  	(v2sf) =	vpush v41, $0x2;
	[smem:$0x7F9] =	sst s28  }
0x207: {  	s28 =	smulhi.u32 $0x14F8B589, s5;
	s5 =	sld [smem:$0x7EF]  }
0x208: {  	s20 =	sadd.s32 s20, s9;
	s2 =	sadd.s32 s3, s2  }
0x209: {  	s25 =	sadd.s32 s25, s28;
	s10 =	smul.u32 $0x14F8B589, s0;
	[smem:$0x7FA] =	sst s2  }
0x20a: {  	s6 =	sadd.s32 s6, s5;
	s5 =	spop (v2sf);
	s2 =	sld [smem:$0x7F6]  }
0x20b: {  	s21 =	sadd.s32 s21, s23;
	s9 =	smulhi.u32 $0x14F8B589, s5;
	s0 =	sshra.s32 s5, $0x1F  }
0x20c: {  	s28 =	sshra.s32 s17, $0xD;
	[smem:$0x7FD] =	sst s21;
	s5 =	smul.u32 $0x14F8B589, s0  }
0x20d: {  	s23 =	sadd.s32 s13, s19;
	s2 =	sadd.s32 s31, s2;
	s31 =	sld [smem:$0x7F7]  }
0x20e: {  	s13 =	sshrl.u32 s22, $0x1F;
	s22 =	sshra.s32 s22, $0xD;
	s5 =	sadd.s32 s5, s9  }
0x20f: {  	s10 =	sadd.s32 s10, s11;
	s11 =	sshra.s32 s12, $0xD;
	[dreg:$0x14] =	wrdreg s5  }
0x210: {  	s0 =	spop (v2sf);
	s31 =	sadd.s32 s30, s31;
	s30 =	sld [smem:$0x7F8]  }
0x211: {  	s3 =	smulhi.u32 $0x14F8B589, s0;
	s0 =	sshra.s32 s0, $0x1F;
	[dreg:$0xd] =	wrdreg s2  }
0x212: {  	v42 =	vmov s13;
	s13 =	sshra.s32 s14, $0xD;
	(v2sf) =	vpush v41, $0x3;
	s2 =	smul.u32 $0x14F8B589, s0;
	[smem:$0x7FB] =	sst s31  }
0x213: {  	s0 =	spop (v2sf);
	s1 =	sadd.s32 s1, s30;
	s30 =	sld [smem:$0x7F9]  }
0x214: {  	(v2sf) =	vpush v41, $0x4;
	s31 =	smulhi.u32 $0x14F8B589, s0;
	s0 =	sshra.s32 s0, $0x1F;
	[smem:$0x7FC] =	sst s1  }
0x215: {  	s5 =	sshrl.u32 s24, $0x1F;
	s1 =	smul.u32 $0x14F8B589, s0;
	s0 =	spop (v2sf);
	(v2sf) =	vpush v41, $0x5  }
0x216: {  	[dreg:$0x1b] =	wrdreg s10;
	s9 =	sshra.s32 s15, $0xD;
	v12 =	vsel vm0, s5, v42;
	s5 =	sshrl.u32 s6, $0x1F  }
0x217: {  	s19 =	sadd.s32 s2, s3;
	s2 =	sshra.s32 s24, $0xD;
	s24 =	sshrl.u32 s18, $0x1F;
	(v2sf) =	vpush v41, $0x6  }
0x218: {  	v46 =	vmov s22;
	s30 =	sadd.s32 s26, s30;
	s26 =	smulhi.u32 $0x14F8B589, s0;
	s0 =	sshra.s32 s0, $0x1F;
	(v2sf) =	vpush v41, $0x7  }
0x219: {  	s18 =	sshra.s32 s18, $0xD;
	v12 =	vsel vm1, s24, v12;
	s24 =	sshra.s32 s4, $0xD;
	v16 =	vsel vm0, s2, v46;
	s0 =	smul.u32 $0x14F8B589, s0  }
0x21a: {  	v16 =	vsel vm1, s18, v16;
	s18 =	sshra.s32 s29, $0xD;
	s21 =	sadd.s32 s1, s31;
	s31 =	sshra.s32 s16, $0xD  }
0x21b: {  	s1 =	sshra.s32 s6, $0xD;
	s10 =	sadd.s32 s0, s26;
	s0 =	sshrl.u32 s7, $0x1F  }
0x21c: {  	s6 =	sshra.s32 s6, $0x1F;
	s26 =	sshrl.u32 s17, $0x1F;
	s17 =	sshrl.u32 s15, $0x1F;
	v43 =	vmov s0  }
0x21d: {  	v47 =	vmov s31;
	s15 =	sshrl.u32 s16, $0x1F;
	s16 =	sshrl.u32 s12, $0x1F;
	s12 =	sshrl.u32 s14, $0x1F;
	v13 =	vnsel vm4, $0x0, v43  }
0x21e: {  	vm9 =	vcmask $0x704;
	v17 =	vsel vm0, s9, v47;
	s14 =	sshra.s32 s7, $0xD;
	s7 =	sshra.s32 s7, $0x1F;
	s0 =	sshrl.u32 s4, $0x1F;
	v13 =	vsel vm0, s5, v13  }
0x21f: {  	v12 =	vsel vm2, s26, v12;
	s26 =	sshra.s32 s4, $0x1F;
	s4 =	sshrl.u32 s8, $0x1F;
	v44 =	vmov s15;
	v13 =	vsel vm1, s0, v13;
	s0 =	rddreg [dreg:$0xd]  }
0x220: {  	v17 =	vsel vm1, s11, v17;
	s11 =	sld [smem:$0x7FD];
	s15 =	sshrl.u32 s20, $0x1F;
	v14 =	vsel vm0, s17, v44;
	s5 =	sshra.s32 s0, $0x1F;
	v13 =	vsel vm2, s4, v13  }
0x221: {  	s17 =	sshrl.u32 s29, $0x1F;
	v14 =	vsel vm1, s16, v14;
	s4 =	spop (v2sf);
	v45 =	vmov s5;
	s5 =	sshra.s32 s8, $0xD;
	v13 =	vsel vm5, s15, v13  }
0x222: {  	v14 =	vsel vm2, s12, v14;
	s12 =	sshra.s32 s4, $0x1F;
	v15 =	vsel vm4, s14, v45;
	v13 =	vsel vm6, s17, v13;
	s14 =	sld [smem:$0x7FA];
	s17 =	smulhi.u32 $0x14F8B589, s4  }
0x223: {  	s8 =	sshra.s32 s8, $0x1F;
	s3 =	spop (v2sf);
	s12 =	smul.u32 $0x14F8B589, s12;
	v15 =	vsel vm9, s7, v15  }
0x224: {  	s4 =	sshra.s32 s20, $0x1F;
	s7 =	sshrl.u32 s0, $0x1F;
	vm9 =	vcmask $0xF0C;
	v15 =	vsel vm0, s1, v15;
	s16 =	spop (v2sf)  }
0x225: {  	s15 =	sshrl.u32 s14, $0x1F;
	v15 =	vsel vm9, s6, v15;
	s6 =	sshra.s32 s20, $0xD;
	s20 =	sshra.s32 s29, $0x1F  }
0x226: {  	v16 =	vsel vm2, s28, v16;
	v17 =	vsel vm2, s13, v17;
	s29 =	sshrl.u32 s23, $0x1F;
	s2 =	sshra.s32 s14, $0xD;
	v13 =	vsel vm7, s15, v13;
	s15 =	spop (v2sf)  }
0x227: {  	v16 =	vcombine.low v17, v16;
	v15 =	vsel vm1, s24, v15;
	v49 =	vmov s29;
	s29 =	sshra.s32 s23, $0xD;
	s23 =	sshrl.u32 s10, $0x1F;
	s22 =	spop (v2sf)  }
0x228: {  	v12 =	vcombine.low v14, v12;
	v13 =	vsel vm8, s7, v13;
	v15 =	vsel vm14, s26, v15;
	s26 =	sld [smem:$0x7FC];
	s1 =	smulhi.u32 $0x14F8B589, s22;
	s7 =	sshra.s32 s22, $0x1F  }
0x229: {  	v15 =	vsel vm2, s5, v15;
	s22 =	sld [smem:$0x7FB];
	s5 =	sshra.s32 s30, $0xD;
	s9 =	smul.u32 $0x14F8B589, s7  }
0x22a: {  	v16 =	vperm.xlane v16, v5;
	v12 =	vperm.xlane v12, v5;
	vm9 =	vcmask $0x704;
	s7 =	sadd.s32 s12, s17;
	s12 =	sshrl.u32 s11, $0x1F;
	s17 =	sshrl.u32 s25, $0x1F  }
0x22b: {  	v22 =	vmov s29;
	v15 =	vsel vm15, s8, v15;
	s28 =	sshrl.u32 s26, $0x1F;
	s31 =	sshra.s32 s26, $0xD;
	v19 =	vsel vm0, s12, v49;
	s12 =	rddreg [dreg:$0x14]  }
0x22c: {  	v13 =	vperm.xlane v13, v6;
	s26 =	sshra.s32 s25, $0xD;
	v15 =	vsel vm5, s6, v15;
	s24 =	sshrl.u32 s22, $0x1F;
	v48 =	vmov s28;
	s0 =	sadd.s32 s9, s1  }
0x22d: {  	s9 =	sshrl.u32 s30, $0x1F;
	v50 =	vmov s31;
	s13 =	sshra.s32 s22, $0xD;
	v15 =	vsel vm13, s4, v15;
	v18 =	vsel vm0, s24, v48;
	s28 =	sshra.s32 s0, $0x1F  }
0x22e: {  	s25 =	sshra.s32 s21, $0x1F;
	s22 =	rddreg [dreg:$0x1b];
	s30 =	sshra.s32 s19, $0xD;
	v20 =	vsel vm0, s13, v50;
	v18 =	vsel vm1, s9, v18;
	v21 =	vmov s28  }
0x22f: {  	s29 =	sshrl.u32 s7, $0x1F;
	s31 =	sshrl.u32 s22, $0x1F;
	v15 =	vsel vm6, s18, v15;
	v18 =	vsel vm2, s17, v18;
	v51 =	vsel vm4, s30, v21;
	s17 =	sshra.s32 s19, $0x1F  }
0x230: {  	s13 =	sshra.s32 s11, $0xD;
	s11 =	sshra.s32 s22, $0xD;
	s22 =	sshra.s32 s21, $0xD;
	v19 =	vsel vm1, s31, v19;
	v20 =	vsel vm1, s5, v20;
	v14 =	vsel vm9, s17, v51  }
0x231: {  	s24 =	sshrl.u32 s12, $0x1F;
	s31 =	sshrl.u32 s19, $0x1F;
	v52 =	vsel vm0, s13, v22;
	s28 =	sshra.s32 s10, $0xD;
	vm9 =	vcmask $0xF0C;
	v14 =	vsel vm0, s22, v14  }
0x232: {  	s10 =	sshra.s32 s10, $0x1F;
	v15 =	vsel vm12, s20, v15;
	v19 =	vsel vm2, s24, v19;
	s24 =	smulhi.u32 $0x14F8B589, s3;
	s3 =	sshra.s32 s3, $0x1F;
	v14 =	vsel vm9, s25, v14  }
0x233: {  	s5 =	sshra.s32 s7, $0xD;
	s7 =	sshra.s32 s7, $0x1F;
	v20 =	vsel vm2, s26, v20;
	v17 =	vsel vm1, s11, v52;
	s3 =	smul.u32 $0x14F8B589, s3;
	v14 =	vsel vm1, s28, v14  }
0x234: {  	s19 =	sshrl.u32 s21, $0x1F;
	v53 =	vmov s31;
	s30 =	smulhi.u32 $0x14F8B589, s16;
	s31 =	sshra.s32 s16, $0x1F;
	v15 =	vsel vm7, s2, v15;
	v14 =	vsel vm14, s10, v14  }
0x235: {  	s26 =	sshra.s32 s12, $0xD;
	v18 =	vcombine.low v19, v18;
	v19 =	vnsel vm4, $0x0, v53;
	s9 =	smul.u32 $0x14F8B589, s31;
	s3 =	sadd.s32 s3, s24;
	v14 =	vsel vm2, s5, v14  }
0x236: {  	s12 =	sshra.s32 s15, $0x1F;
	v17 =	vsel vm2, s26, v17;
	v19 =	vsel vm0, s19, v19;
	s10 =	smulhi.u32 $0x14F8B589, s15;
	s15 =	sshra.s32 s3, $0xD;
	v14 =	vsel vm15, s7, v14  }
0x237: {  	s16 =	smul.u32 $0x14F8B589, s12;
	v17 =	vcombine.low v17, v20;
	v19 =	vsel vm1, s23, v19;
	s1 =	sadd.s32 s9, s30;
	s17 =	sshra.s32 s3, $0x1F;
	v14 =	vsel vm5, s15, v14  }
0x238: {  	s18 =	sshra.s32 s14, $0x1F;
	vm9 =	vcmask $0x3734;
	v18 =	vperm.xlane v18, v5;
	s19 =	sshra.s32 s1, $0xD;
	s20 =	sshrl.u32 s1, $0x1F;
	v14 =	vsel vm13, s17, v14  }
0x239: {  	v19 =	vsel vm2, s29, v19;
	s1 =	sshra.s32 s1, $0x1F;
	v15 =	vsel vm9, s18, v15;
	s3 =	sshrl.u32 s3, $0x1F;
	s21 =	sadd.s32 s16, s10;
	v14 =	vsel vm6, s19, v14  }
0x23a: {  	s22 =	rddreg [dreg:$0xd];
	vm9 =	vcmask $0x3734;
	v19 =	vsel vm5, s3, v19;
	s24 =	sshra.s32 s21, $0xD;
	v14 =	vsel vm12, s1, v14  }
0x23b: {  	s4 =	sshra.s32 s22, $0xD;
	v17 =	vperm.xlane v17, v5;
	v19 =	vsel vm6, s20, v19;
	s23 =	sshrl.u32 s21, $0x1F;
	s28 =	sshra.s32 s21, $0x1F;
	v14 =	vsel vm7, s24, v14  }
0x23c: {  	s26 =	sshrl.u32 s0, $0x1F;
	s0 =	sshra.s32 s0, $0xD;
	v15 =	vsel vm8, s4, v15;
	v19 =	vsel vm7, s23, v19;
	v14 =	vsel vm9, s28, v14  }
0x23d: {  	v15 =	vperm.xlane v15, v6;
	v19 =	vsel vm8, s26, v19;
	v14 =	vsel vm8, s0, v14  }
0x23e: {  	v19 =	vperm.xlane v19, v6;
	v14 =	vperm.xlane v14, v6  }
0x23f: {  	v12 =	vsel vm3, v13, v12;
	v54 =	vsel vm3, v15, v16  }
0x240: {  	v12 =	vadd.s32 v12, v54;
	v55 =	vsel vm3, v19, v18;
	v14 =	vsel vm3, v14, v17  }
0x241: {  	v56 =	vmul.u32 $0xFFFE7960, v12;
	v13 =	vadd.s32 v55, v14  }
0x242: {  	v57 =	vsub.s32 $0x0, v9;
	v58 =	vmul.u32 $0xFFFE7960, v13  }
0x243: {  	vm10 =	vlt.s32 v9, $0x1;
	v59 =	vsub.s32 $0x0, v41;
	vm9 =	vne.s32 v56, v57  }
0x244: {  	vm11 =	vlt.s32 v41, $0x1;
	vm9 =	vmand vm10, vm9;
	vm10 =	vne.s32 v58, v59  }
0x245: {  	v60 =	vsel vm9, $0xFFFFFFFF, v7;
	vm9 =	vmand vm11, vm10  }
0x246: {  	v9 =	vadd.s32 v60, v12;
	v61 =	vsel vm9, $0xFFFFFFFF, v7  }
0x247: {  	v11 =	vadd.s32 v61, v13  }
0x248: {  	s3 =	simm.s32 $0xC80  }
0x249: {  	v8 =	vld.idx.msk [tilespmem:v8+s3+$0x0], $0xffff  }
0x24a: {  	s25 =	simm.s32 $0x2900;
	v10 =	vld.idx.msk [tilespmem:v40+s3+$0x0], $0xffff  }
0x24b: {  	v9 =	vld.idx.msk [tilespmem:v9+s25+$0x0], $0xffff  }
0x24c: {  	v11 =	vld.idx.msk [tilespmem:v11+s25+$0x0], $0xffff;
	_ =	sdelay $0x2  }
0x24d: {  	s29 =	rddreg [dreg:$0xb]  }
0x24e: {  	s30 =	sadd.s32 $0x30, s29  }
0x24f: {  	p0 =	sne.s32 s29, $0xC00;
	v62 =	vor.u32 s30, v0;
	v8 =	vsub.f32 v10, v8;
	v9 =	vsub.f32 v11, v9  }
.Ltmp0:
0x250: {  	v63 =	vadd.s32 v2, v62;
	(pc) =	sbr.rel @p0 .LBB2_2-.Ltmp0, $4  }
0x251: {  	vm10 =	vlt.u32 v63, $0x15F90;
	vm9 =	vlt.u32 v62, $0xC35;
	v8 =	vadd.f32 v9, v8  }
0x252: {  	s31 =	rddreg [dreg:$0xa];
	vm9 =	vmand vm9, vm10  }
0x253: {  	s0 =	sadd.s32 $0x40, s31;
	vm11 =	vcmask $0xF0C;
	vm10 =	vcmask $0x704;
	v8 =	vnsel vm9, $0x0, v8  }
0x254: {  	s7 =	simm.s32 $0x0;
	s1 =	sadd.s32 $0x40, s29;
	[dreg:$0xa] =	wrdreg s0;
	vm9 =	vmmov vm3;
	vm3 =	vmmov vm13;
	vm13 =	vcmask $0x3734;
	[tilespmem:s31+$0x10] =	vst v8  }
0x255: {  	s0 =	rddreg [dreg:$0x7]  }
0x256: {  	s1 =	simm.s32 $0x80;
	s2 =	simm.s32 $0x400;
	s4 =	simm.s32 $0x2980  }
0x257: {  	[hbm4b:s0+s1] =	stream.strided.scatter [tilespmem:s4], [sflag:$0x2], $0xC80, s2, s1, $0x38;
	[tilespmem:$0x3600] =	vst v63  }
0x258: {  	s1 =	simm.s32 $0x2  }
0x259: {  	_ =	swait.ge [sflag:s1], $0xC80  }
0x25a: {  	s30 =	rddreg [dreg:$0x9]  }
0x25b: {  	s31 =	rddreg [dreg:$0x8];
	s2 =	sadd.s32 $0x1, s30  }
0x25c: {  	p0 =	sne.s32 s2, s31  }
.Ltmp1:
0x25d: {  	_ = 	snop;
	(pc) =	sbr.rel @p0 .LBB2_1-.Ltmp1, $3  }
0x25e: {  	_ =	sdelay $0x1  }
0x25f: {  	[sflag:s1] =	ssyncset.done $0x0  }
0x260: {  	[sflag:s1] =	ssyncadd.s32 $0xFFFFF380  }
0x261: {  	_ =	sfence.sel $0x180000  }
0x262: {  	[bflag:$0x0] =	sbarrier.arrive $0xFFFF  }
0x263: {  	_ =	strace $0x9000004A  }
0x264: {  	s0 =	stileid.u32;
	[bflag:$0x2] =	sbarrier.arrive $0xFFFF  }
0x265: {  	p0 =	sne.s32 s0, $0x0;
	s0 =	rddreg [dreg:$0x2]  }
0x266: {  	s0 =	sadd.s32 @!p0 $0x100000, s0  }
0x267: {  	[sflag:s0] =	ssyncadd.tile.s32 @!p0 $0x1;
	_ =	shalt  }
.Lfunc_end2:
_tile_overlayer_lowered:
.L_overlay_start_2:
0x268: {  	(tag) =	ssettag $0x2  }
0x269: {  	s0 =	rddreg [dreg:$0x0];
	s2 =	stileid.u32  }
0x26a: {  	s1 =	rddreg [dreg:$0x1];
	p0 =	sne.s32 s2, $0x0  }
0x26b: {  	s3 =	rddreg [dreg:$0x2];
	[bflag:$0x3] =	sbarrier.arrive $0xFFFF;
	s2 =	simm.s32 @!p0 $0x1C02  }
0x26c: {  	[timem:s3], [sflag:s2] =	dma.local @!p0 [hbm:s0], s1  }
0x26d: {  	s0 =	simm.s32 @!p0 $0x2  }
0x26e: {  	_ =	swait.ge @!p0 [sflag:s0], s1  }
0x26f: {  	s1 =	ssub.s32 @!p0 $0x0, s1;
	[sflag:s0] =	ssyncset.done @!p0 $0x0  }
0x270: {  	[sflag:s0] =	ssyncadd.s32 @!p0 s1  }
0x271: {  	[bflag:$0x3] =	sbarrier.arrive $0xFFFF  }
0x272: {  	_ =	shalt  }

</sc_bundles>
